<compile_context>
chip_gen: v7x
topology: tpu7x:2x2x1
jax: 0.10.2.dev20260603
libtpu: 0.0.44.dev20260713+nightly
codegen_flags: <defaults>
</compile_context>

<pallas_src>
import functools

import numpy as np
import jax
import jax.numpy as jnp
from jax import lax
from jax.experimental import pallas as pl
from jax.experimental.pallas import tpu as pltpu
from jax.experimental.pallas import tpu_sc as plsc

B = 16; W = 2048; F = 64; D = 128
HYPER_NUM = 3; HEADS = 2
POOL = [4, 4]
SEQ_LENS = [2048, 512, 128]
NUM_EDGES = [256, 64, 16]
NUM_EDGES_FUSED = 256
MA_K = 25

_BPP = 4
_NS = 16
_PMAX = 8192
_ACC = 2048 // _NS * 256

_GRAPHS = [
    (8192, 2048, 256, 8),
    (2048, 512, 64, 6),
    (512, 128, 16, 4),
    (8192, 2048, 256, 8),
]


def _pe_table_np(length, d):
    pos = np.arange(length)[:, None].astype(np.float32)
    div = np.exp(np.arange(0, d, 2).astype(np.float32) * (-np.log(10000.0) / d))
    pe = np.zeros((length, d), dtype=np.float32)
    pe[:, 0::2] = np.sin(pos * div)
    pe[:, 1::2] = np.cos(pos * div)
    return pe


def _pool_mat_np(lo, hi):
    k = hi // lo
    return np.kron(np.eye(lo, dtype=np.float32), np.full((1, k), 1.0 / k, np.float32))


def _sel_mat_np(lo, hi):
    k = hi // lo
    s = np.zeros((lo, hi), dtype=np.float32)
    s[np.arange(lo), np.arange(lo) * k] = 1.0
    return s


_PE = _pe_table_np(W, D)
_P1 = _pool_mat_np(SEQ_LENS[1], SEQ_LENS[0])
_P2 = _pool_mat_np(SEQ_LENS[2], SEQ_LENS[1])
_R4 = _P1.T * float(POOL[0])
_R16 = (_P2 @ _P1).T * float(POOL[0] * POOL[1])
_S1 = _sel_mat_np(SEQ_LENS[1], SEQ_LENS[0])
_S2 = _sel_mat_np(SEQ_LENS[2], SEQ_LENS[1])


def _movavg(m):
    L, d = m.shape
    pf = (MA_K - 1) // 2
    front = jnp.broadcast_to(m[0:1], (pf, d))
    back = jnp.broadcast_to(m[L - 1:L], (pf, d))
    mp = jnp.concatenate([front, m, back], axis=0)
    w2 = mp[:-1] + mp[1:]
    w4 = w2[:-2] + w2[2:]
    w8 = w4[:-4] + w4[4:]
    w16 = w8[:-8] + w8[8:]
    w24 = w16[:L + 1] + w8[16:16 + L + 1]
    w25 = w24[:L] + mp[24:24 + L]
    return w25 * (1.0 / MA_K)


def _fwd_body(x_ref,
              M0_ref, M1_ref, M2_ref, Mf_ref,
              P1_ref, P2_ref, R4_ref, R16_ref, S1_ref, S2_ref, pe_ref,
              Wb_ref, WeE_ref, WnE_ref, Wfus_ref, Wms_ref,
              WnD_ref, WeD_ref, Wd_ref,
              out_ref):
    f32 = jnp.float32
    dot = lambda a, b: jax.lax.dot(a, b, preferred_element_type=f32)
    dotT = lambda a, b: jax.lax.dot_general(
        a, b, (((0,), (0,)), ((), ())), preferred_element_type=f32)
    pe = pe_ref[...]

    for bb in range(_BPP):
        x = x_ref[bb]
        s0 = dot(x, Wb_ref[0])
        s1 = dot(dot(P1_ref[...], s0), Wb_ref[1])
        s2 = dot(dot(P2_ref[...], s1), Wb_ref[2])

        w1 = dot(S1_ref[...], x)
        w2 = dot(S2_ref[...], w1)
        seqs = [s0, s1, s2]
        wins = [x, w1, w2]
        Ms = [M0_ref, M1_ref, M2_ref]

        up = None
        for i in range(HYPER_NUM):
            L = SEQ_LENS[i]
            se = jnp.concatenate([seqs[i], wins[i]], axis=1) + pe[:L]
            M = Ms[i][...]
            ef = dotT(M, se)
            We_m = (WeE_ref[i, 0] + WeE_ref[i, 1]) * 0.5
            Wn_m = (WnE_ref[i, 0] + WnE_ref[i, 1]) * 0.5
            deg = jnp.clip(jnp.sum(M, axis=1, keepdims=True), 1.0, None)
            agg = dot(M, dot(ef, We_m)) / deg
            mh = agg + dot(se, Wn_m) + se
            tr = _movavg(mh)
            st = dot(se, Wfus_ref[i, 0]) + dot(mh - tr, Wfus_ref[i, 1]) \
                + dot(tr, Wfus_ref[i, 2])
            if i == 0:
                up = st
            elif i == 1:
                up = up + dot(R4_ref[...], st)
            else:
                up = up + dot(R16_ref[...], st)

        fl = dot(up, Wms_ref[...])

        Mf = Mf_ref[...]
        efd = dotT(Mf, x)
        tr1 = _movavg(x)
        inp = jnp.concatenate([x - tr1, fl], axis=1) + pe
        WeD_m = (WeD_ref[0] + WeD_ref[1]) * 0.5
        WnD_m = (WnD_ref[0] + WnD_ref[1]) * 0.5
        degf = jnp.clip(jnp.sum(Mf, axis=1, keepdims=True), 1.0, None)
        mhd = dot(Mf, dot(efd, WeD_m)) / degf + dot(inp, WnD_m)
        tr2 = _movavg(mhd)
        out = jax.nn.sigmoid(dot(x, Wd_ref[0]) + dot(mhd - tr2, Wd_ref[1])
                             + dot(tr1 + tr2, Wd_ref[2]))
        out_ref[bb] = out


def _const_spec(shape):
    return pl.BlockSpec(shape, lambda b: (0,) * len(shape))


def _forward_pallas(x, Ms, Mf,
                    Wb, WeE, WnE, Wfus, Wms, WnD, WeD, Wd,
                    interpret=False):
    batch3 = lambda s: pl.BlockSpec((_BPP,) + s, lambda b: (b, 0, 0))
    in_specs = [
        batch3((W, F)),
        _const_spec((W, NUM_EDGES[0])),
        _const_spec((SEQ_LENS[1], NUM_EDGES[1])),
        _const_spec((SEQ_LENS[2], NUM_EDGES[2])),
        _const_spec((W, NUM_EDGES_FUSED)),
        _const_spec(_P1.shape), _const_spec(_P2.shape),
        _const_spec(_R4.shape), _const_spec(_R16.shape),
        _const_spec(_S1.shape), _const_spec(_S2.shape),
        _const_spec(_PE.shape),
        _const_spec(Wb.shape), _const_spec(WeE.shape), _const_spec(WnE.shape),
        _const_spec(Wfus.shape), _const_spec(Wms.shape),
        _const_spec(WnD.shape), _const_spec(WeD.shape), _const_spec(Wd.shape),
    ]
    return pl.pallas_call(
        _fwd_body,
        grid=(B // _BPP,),
        in_specs=in_specs,
        out_specs=pl.BlockSpec((_BPP, W, F), lambda b: (b, 0, 0)),
        out_shape=jax.ShapeDtypeStruct((B, W, F), jnp.float32),
        interpret=interpret,
    )(x, Ms[0], Ms[1], Ms[2], Mf,
      jnp.asarray(_P1), jnp.asarray(_P2), jnp.asarray(_R4), jnp.asarray(_R16),
      jnp.asarray(_S1), jnp.asarray(_S2),
      jnp.asarray(_PE), Wb, WeE, WnE, Wfus, Wms, WnD, WeD, Wd)




def _densify_body(hg0, hg1, hg2, hgf,
                  out0, out1, out2, outf,
                  nv, ev, acc, s16):
    cid = lax.axis_index("c")
    sid = lax.axis_index("s")
    iota = lax.iota(jnp.int32, 16)
    z16 = jnp.zeros((16,), jnp.float32)

    def do_graph(hg, out, P, L, NE, shift):
        rows = L // _NS
        r0 = sid * rows
        nwords = rows * NE

        def zbody(i, carry):
            acc[pl.ds(i * 16, 16)] = z16
            return carry

        lax.fori_loop(0, nwords // 16, zbody, 0)
        pltpu.sync_copy(hg.at[0], nv.at[pl.ds(0, P)])
        pltpu.sync_copy(hg.at[1], ev.at[pl.ds(0, P)])

        def body(i, carry):
            n = nv[pl.ds(i * 16, 16)]
            e = ev[pl.ds(i * 16, 16)]
            lin = lax.shift_left(n, shift) + e
            srt = jnp.sort(lin)
            s16[...] = srt
            prev = plsc.load_gather(s16, [jnp.maximum(iota - 1, 0)])
            nxt = plsc.load_gather(s16, [jnp.minimum(iota + 1, 15)])
            is_first = (iota == 0) | (srt != prev)
            is_last = (iota == 15) | (srt != nxt)
            first_pos = plsc.cummax(jnp.where(is_first, iota, 0))
            cnt = (iota - first_pos + 1).astype(jnp.float32)
            node = lax.shift_right_logical(srt, shift)
            inrange = (node >= r0) & (node < r0 + rows)
            mask = is_last & inrange
            idx = jnp.where(mask, srt - r0 * NE, 0)
            plsc.addupdate_scatter(acc, [idx], cnt, mask=mask)
            return carry

        lax.fori_loop(0, P // 16, body, 0)
        pltpu.sync_copy(acc.at[pl.ds(0, nwords)],
                        out.at[pl.ds(r0 * NE, nwords)])

    @pl.when(cid == 0)
    def _():
        do_graph(hg0, out0, *_GRAPHS[0])
        do_graph(hg2, out2, *_GRAPHS[2])

    @pl.when(cid == 1)
    def _():
        do_graph(hgf, outf, *_GRAPHS[3])
        do_graph(hg1, out1, *_GRAPHS[1])


@functools.cache
def _densify_fn():
    mesh = plsc.VectorSubcoreMesh(core_axis_name="c", subcore_axis_name="s",
                                  num_cores=2)
    return functools.partial(
        pl.kernel, mesh=mesh,
        compiler_params=pltpu.CompilerParams(needs_layout_passes=False),
        out_type=[jax.ShapeDtypeStruct((L * NE,), jnp.float32)
                  for (_, L, NE, _) in _GRAPHS],
        scratch_types=[
            pltpu.VMEM((_PMAX,), jnp.int32),
            pltpu.VMEM((_PMAX,), jnp.int32),
            pltpu.VMEM((_ACC,), jnp.float32),
            pltpu.VMEM((16,), jnp.int32),
        ],
    )(_densify_body)


def _densify_all(hg0, hg1, hg2, fused_hg):
    f0, f1, f2, ff = _densify_fn()(hg0, hg1, hg2, fused_hg)
    m0 = f0.reshape(SEQ_LENS[0], NUM_EDGES[0])
    m1 = f1.reshape(SEQ_LENS[1], NUM_EDGES[1])
    m2 = f2.reshape(SEQ_LENS[2], NUM_EDGES[2])
    mf = ff.reshape(W, NUM_EDGES_FUSED)
    return m0, m1, m2, mf


def kernel(x, hg0, hg1, hg2, fused_hg, Wb, Wn_enc, We_enc, Wfus, Wms,
           Wn_dec, We_dec, Wfus_d):
    M0, M1, M2, Mf = _densify_all(hg0, hg1, hg2, fused_hg)
    return _forward_pallas(x, [M0, M1, M2], Mf,
                           Wb, We_enc, Wn_enc, Wfus, Wms,
                           Wn_dec, We_dec, Wfus_d)

# --- scband reference (transcript-rebuilt; emitter-appended) ---
"""Pipeline reference for scband-mshtrans-4681514353070 (READ-ONLY COPY).

The authoritative reference and input builder live on the scoring server;
editing this copy changes nothing except your own understanding.
"""

import jax, jax.numpy as jnp
import numpy as np

B = 16; W = 2048; F = 64; D = 128
HYPER_NUM = 3; HEADS = 2
POOL = [4, 4]
SEQ_LENS = [2048, 512, 128]
NUM_EDGES = [256, 64, 16]
E_COUNTS = [8192, 2048, 512]
NUM_EDGES_FUSED = 256; E_FUSED = 8192
MA_KERNEL = 25


def _pe_table(length, d):
    pos = np.arange(length)[:, None].astype(np.float32)
    div = np.exp(np.arange(0, d, 2).astype(np.float32) * (-np.log(10000.0) / d))
    pe = np.zeros((length, d), dtype=np.float32)
    pe[:, 0::2] = np.sin(pos * div)
    pe[:, 1::2] = np.cos(pos * div)
    return jnp.asarray(pe)


def pos_encode(x):
    return x + _pe_table(x.shape[1], x.shape[2])[None]


def moving_avg(x, k):
    pf = (k - 1) // 2
    pb = k - 1 - pf
    xp = jnp.concatenate([jnp.repeat(x[:, :1], pf, axis=1), x, jnp.repeat(x[:, -1:], pb, axis=1)], axis=1)
    c = jnp.cumsum(xp, axis=1)
    c = jnp.concatenate([jnp.zeros_like(c[:, :1]), c], axis=1)
    return (c[:, k:] - c[:, :-k]) / float(k)


def series_decomp(x):
    tr = moving_avg(x, MA_KERNEL)
    return x - tr, tr


def edge_features_mm(x, hg, num_edges):
    # x: [B, L, d] -> node_value [L, B, d]; sparse incidence matmul == segment_sum gather/scatter
    nv = jnp.transpose(x, (1, 0, 2))
    return jax.ops.segment_sum(nv[hg[0]], hg[1], num_segments=num_edges)


def hypergraph_conv(x, hg, ef, Wn, We, num_nodes):
    # gather edge features to incidences, scatter-add back to nodes with degree norm
    msg = jnp.einsum('ebd,do->ebo', ef, We)
    gathered = msg[hg[1]]
    deg = jax.ops.segment_sum(jnp.ones((hg.shape[1],), dtype=x.dtype), hg[0], num_segments=num_nodes)
    deg = jnp.clip(deg, 1.0, None)
    agg = jax.ops.segment_sum(gathered, hg[0], num_segments=num_nodes) / deg[:, None, None]
    proj = jnp.transpose(jnp.einsum('bld,do->blo', x, Wn), (1, 0, 2))
    return agg + proj  # [L, B, out]


def avg_pool_seq(x, k):
    b, l, d = x.shape
    return x.reshape(b, l // k, k, d).mean(axis=2)


def st_fuse(x, sea, tr, Wx, Ws, Wt):
    return x @ Wx + sea @ Ws + tr @ Wt


def _forward(x, Wb, Wn_enc, We_enc, Wfus, Wms, Wn_dec, We_dec, Wfus_d, hgs, fused_hg):
    # extract_tail_sequences
    window_ori = [x]
    for i in range(HYPER_NUM - 1):
        idx = jnp.array([j * (POOL[i] ** (i + 1)) for j in range(SEQ_LENS[i + 1])])
        window_ori.append(x[:, idx, :])
    # Bottleneck_Construct multi-scale pooling
    seq_enc = [x @ Wb[0]]
    for i in range(1, HYPER_NUM):
        seq_enc.append(avg_pool_seq(seq_enc[i - 1], POOL[i - 1]) @ Wb[i])
    st_list = []
    for i in range(HYPER_NUM):
        se = pos_encode(jnp.concatenate([seq_enc[i], window_ori[i]], axis=-1))
        ef = edge_features_mm(se, hgs[i], NUM_EDGES[i])
        outs = []
        for j in range(HEADS):
            o = hypergraph_conv(se, hgs[i], ef, Wn_enc[i, j], We_enc[i, j], SEQ_LENS[i])
            outs.append(jnp.transpose(o, (1, 0, 2)))
        mh = jnp.mean(jnp.stack(outs, axis=-1), axis=-1) + se
        sea, tr = series_decomp(mh)
        st_list.append(st_fuse(se, sea, tr, Wfus[i, 0], Wfus[i, 1], Wfus[i, 2]))
    # MSFusion: upsample each scale to W and fuse
    up = st_list[0]
    for i in range(1, HYPER_NUM):
        up = up + jnp.repeat(st_list[i], W // SEQ_LENS[i], axis=1)
    fused_logits = up @ Wms
    # decoder
    ef_d = edge_features_mm(x, fused_hg, NUM_EDGES_FUSED)
    sea1, tr1 = series_decomp(x)
    inp = pos_encode(jnp.concatenate([sea1, fused_logits], axis=-1))
    outs = []
    for j in range(HEADS):
        o = hypergraph_conv(inp, fused_hg, ef_d, Wn_dec[j], We_dec[j], W)
        outs.append(jnp.transpose(o, (1, 0, 2)))
    mh = jnp.mean(jnp.stack(outs, axis=-1), axis=-1)
    sea2, tr2 = series_decomp(mh)
    tr3 = tr1 + tr2
    return jax.nn.sigmoid(st_fuse(x, sea2, tr3, Wfus_d[0], Wfus_d[1], Wfus_d[2]))


def setup_inputs(seed: int = 0) -> dict:
    key = jax.random.key(seed)
    ks = jax.random.split(key, 16)
    x = jax.random.normal(ks[0], (B, W, F), dtype=jnp.float32)

    def make_hg(k, e, nn, ne):
        k1, k2 = jax.random.split(k)
        node = jax.random.randint(k1, (e,), 0, nn)
        edge = jax.random.randint(k2, (e,), 0, ne)
        return jnp.stack([node, edge]).astype(jnp.int32)

    hg0 = make_hg(ks[1], E_COUNTS[0], SEQ_LENS[0], NUM_EDGES[0])
    hg1 = make_hg(ks[2], E_COUNTS[1], SEQ_LENS[1], NUM_EDGES[1])
    hg2 = make_hg(ks[3], E_COUNTS[2], SEQ_LENS[2], NUM_EDGES[2])
    fused_hg = make_hg(ks[4], E_FUSED, W, NUM_EDGES_FUSED)
    s = 0.02
    Wb = jax.random.normal(ks[5], (HYPER_NUM, F, F), dtype=jnp.float32) * s
    Wn_enc = jax.random.normal(ks[6], (HYPER_NUM, HEADS, D, D), dtype=jnp.float32) * s
    We_enc = jax.random.normal(ks[7], (HYPER_NUM, HEADS, D, D), dtype=jnp.float32) * s
    Wfus = jax.random.normal(ks[8], (HYPER_NUM, 3, D, D), dtype=jnp.float32) * s
    Wms = jax.random.normal(ks[9], (D, F), dtype=jnp.float32) * s
    Wn_dec = jax.random.normal(ks[10], (HEADS, D, F), dtype=jnp.float32) * s
    We_dec = jax.random.normal(ks[11], (HEADS, F, F), dtype=jnp.float32) * s
    Wfus_d = jax.random.normal(ks[12], (3, F, F), dtype=jnp.float32) * s
    return {"x": x, "hg0": hg0, "hg1": hg1, "hg2": hg2, "fused_hg": fused_hg,
            "Wb": Wb, "Wn_enc": Wn_enc, "We_enc": We_enc, "Wfus": Wfus, "Wms": Wms,
            "Wn_dec": Wn_dec, "We_dec": We_dec, "Wfus_d": Wfus_d}


def reference(x, hg0, hg1, hg2, fused_hg, Wb, Wn_enc, We_enc, Wfus, Wms, Wn_dec, We_dec, Wfus_d):
    return _forward(x, Wb, Wn_enc, We_enc, Wfus, Wms, Wn_dec, We_dec, Wfus_d, [hg0, hg1, hg2], fused_hg)

if __name__ == "__main__":
    import jax
    _d = setup_inputs()
    print(jax.jit(kernel)(*tuple(_d.values())))

</pallas_src>

<mosaic_0001>
#map = affine_map<(d0, d1) -> (0, 0)>
#map1 = affine_map<(d0, d1) -> (0)>
module attributes {stable_mosaic.version = 14 : i64} {
  func.func @_densify_body(%arg0: i32, %arg1: i32, %arg2: memref<2x8192xi32, #tpu.memory_space<hbm>>, %arg3: memref<2x2048xi32, #tpu.memory_space<hbm>>, %arg4: memref<2x512xi32, #tpu.memory_space<hbm>>, %arg5: memref<2x8192xi32, #tpu.memory_space<hbm>>, %arg6: memref<524288xf32, #tpu.memory_space<hbm>>, %arg7: memref<32768xf32, #tpu.memory_space<hbm>>, %arg8: memref<2048xf32, #tpu.memory_space<hbm>>, %arg9: memref<524288xf32, #tpu.memory_space<hbm>>, %arg10: memref<8192xi32, #tpu.memory_space<vmem>>, %arg11: memref<8192xi32, #tpu.memory_space<vmem>>, %arg12: memref<32768xf32, #tpu.memory_space<vmem>>, %arg13: memref<16xi32, #tpu.memory_space<vmem>>) attributes {dimension_semantics = [#tpu.dimension_semantics<core_parallel>, #tpu.dimension_semantics<subcore_parallel>], iteration_bounds = array<i64: 2, 16>, scalar_prefetch = 0 : i64, scratch_operands = 4 : i64, tpu.core_type = #tpu.core_type<sc_vector_subcore>, window_params = [{transform_indices = #map}, {transform_indices = #map}, {transform_indices = #map}, {transform_indices = #map}, {transform_indices = #map1}, {transform_indices = #map1}, {transform_indices = #map1}, {transform_indices = #map1}]} {
    %iota3A = tpu.iota {dimensions = array<i32: 0>} : vector<16xi32>
    %broadcast_in_dim3A = arith.constant 0.000000e+00 : f32
    %broadcast_in_dim3A_0 = vector.broadcast %broadcast_in_dim3A : f32 to vector<16xf32>
    %eq3A = arith.constant 0 : i32
    %eq3A_1 = arith.cmpi eq, %arg0, %eq3A : i32
    %convert_element_type3A = arith.extui %eq3A_1 : i1 to i32
    %cond3A = arith.constant 0 : i32
    %cond3A_2 = arith.cmpi ne, %convert_element_type3A, %cond3A : i32
    scf.if %cond3A_2 {
      %mul3A = arith.constant 128 : i32
      %mul3A_8 = arith.muli %arg1, %mul3A : i32
      %scan3A = arith.constant 0 : i32
      %scan3A_9 = arith.constant 0 : i32
      %scan3A_10 = arith.constant 2048 : i32
      %scan3A_11 = arith.addi %scan3A_9, %scan3A_10 : i32
      %scan3A_12 = arith.constant 1 : i32
      scf.for %scan3A_41 = %scan3A_9 to %scan3A_11 step %scan3A_12  : i32 {
        %mul3A_42 = arith.constant 16 : i32
        %mul3A_43 = arith.muli %scan3A_41, %mul3A_42 : i32
        %swap3A = arith.index_cast %mul3A_43 : i32 to index
        %swap3A_44 = tpu.vector_load %arg12[%swap3A] {strides = array<i32>} : memref<32768xf32, #tpu.memory_space<vmem>>, vector<16xf32>,
        tpu.vector_store %arg12[%swap3A], %broadcast_in_dim3A_0 {strides = array<i32>} : memref<32768xf32, #tpu.memory_space<vmem>>, vector<16xf32>,
      }
      %scan3A_13 = arith.constant 2048 : i32
      %run_scoped3A = arith.constant 0 : i32
      "tpu.region"() ({
        %run_scoped3A_41 = tpu.sem_alloc : memref<!tpu.dma_semaphore, #tpu.memory_space<semaphore_mem>>
        %dma_start3A = arith.constant 0 : i32
        %dma_start3A_42 = tpu.memref_slice %arg10[%dma_start3A] : memref<8192xi32, #tpu.memory_space<vmem>> -> memref<8192xi32, #tpu.memory_space<vmem>>
        %dma_start3A_43 = arith.constant 0 : i32
        %dma_start3A_44 = tpu.memref_slice %arg2[%run_scoped3A, %dma_start3A_43] : memref<2x8192xi32, #tpu.memory_space<hbm>> -> memref<1x8192xi32, #tpu.memory_space<hbm>>
        %dma_start3A_45 = tpu.memref_squeeze %dma_start3A_44 : memref<1x8192xi32, #tpu.memory_space<hbm>> -> memref<8192xi32, #tpu.memory_space<hbm>>
        %dma_start3A_46 = arith.constant 0 : i32
        %dma_start3A_47 = tpu.memref_slice %arg10[%dma_start3A_46] : memref<8192xi32, #tpu.memory_space<vmem>> -> memref<8192xi32, #tpu.memory_space<vmem>>
        %dma_start3A_48 = arith.constant 0 : i32
        %dma_start3A_49 = tpu.memref_slice %arg2[%run_scoped3A, %dma_start3A_48] : memref<2x8192xi32, #tpu.memory_space<hbm>> -> memref<1x8192xi32, #tpu.memory_space<hbm>>
        %dma_start3A_50 = tpu.memref_squeeze %dma_start3A_49 : memref<1x8192xi32, #tpu.memory_space<hbm>> -> memref<8192xi32, #tpu.memory_space<hbm>>
        tpu.enqueue_dma source(%dma_start3A_50 : memref<8192xi32, #tpu.memory_space<hbm>>) target(%dma_start3A_47 : memref<8192xi32, #tpu.memory_space<vmem>>) target_semaphore(%run_scoped3A_41 : memref<!tpu.dma_semaphore, #tpu.memory_space<semaphore_mem>>)
        %dma_wait3A = arith.constant 0 : i32
        %dma_wait3A_51 = tpu.memref_slice %arg10[%dma_wait3A] : memref<8192xi32, #tpu.memory_space<vmem>> -> memref<8192xi32, #tpu.memory_space<vmem>>
        %dma_wait3A_52 = arith.constant 0 : i32
        %dma_wait3A_53 = tpu.memref_slice %arg2[%run_scoped3A, %dma_wait3A_52] : memref<2x8192xi32, #tpu.memory_space<hbm>> -> memref<1x8192xi32, #tpu.memory_space<hbm>>
        %dma_wait3A_54 = tpu.memref_squeeze %dma_wait3A_53 : memref<1x8192xi32, #tpu.memory_space<hbm>> -> memref<8192xi32, #tpu.memory_space<hbm>>
        %dma_wait3A_55 = arith.constant 0 : i32
        %dma_wait3A_56 = tpu.memref_slice %arg10[%dma_wait3A_55] : memref<8192xi32, #tpu.memory_space<vmem>> -> memref<8192xi32, #tpu.memory_space<vmem>>
        %dma_wait3A_57 = arith.constant 0 : i32
        %dma_wait3A_58 = tpu.memref_slice %arg2[%run_scoped3A, %dma_wait3A_57] : memref<2x8192xi32, #tpu.memory_space<hbm>> -> memref<1x8192xi32, #tpu.memory_space<hbm>>
        %dma_wait3A_59 = tpu.memref_squeeze %dma_wait3A_58 : memref<1x8192xi32, #tpu.memory_space<hbm>> -> memref<8192xi32, #tpu.memory_space<hbm>>
        tpu.wait_dma2 semaphore(%run_scoped3A_41 : memref<!tpu.dma_semaphore, #tpu.memory_space<semaphore_mem>>) src(%dma_wait3A_59 : memref<8192xi32, #tpu.memory_space<hbm>>) dst(%dma_wait3A_56 : memref<8192xi32, #tpu.memory_space<vmem>>)
        tpu.yield
      }) : () -> ()
      %run_scoped3A_14 = arith.constant 1 : i32
      "tpu.region"() ({
        %run_scoped3A_41 = tpu.sem_alloc : memref<!tpu.dma_semaphore, #tpu.memory_space<semaphore_mem>>
        %dma_start3A = arith.constant 0 : i32
        %dma_start3A_42 = tpu.memref_slice %arg11[%dma_start3A] : memref<8192xi32, #tpu.memory_space<vmem>> -> memref<8192xi32, #tpu.memory_space<vmem>>
        %dma_start3A_43 = arith.constant 0 : i32
        %dma_start3A_44 = tpu.memref_slice %arg2[%run_scoped3A_14, %dma_start3A_43] : memref<2x8192xi32, #tpu.memory_space<hbm>> -> memref<1x8192xi32, #tpu.memory_space<hbm>>
        %dma_start3A_45 = tpu.memref_squeeze %dma_start3A_44 : memref<1x8192xi32, #tpu.memory_space<hbm>> -> memref<8192xi32, #tpu.memory_space<hbm>>
        %dma_start3A_46 = arith.constant 0 : i32
        %dma_start3A_47 = tpu.memref_slice %arg11[%dma_start3A_46] : memref<8192xi32, #tpu.memory_space<vmem>> -> memref<8192xi32, #tpu.memory_space<vmem>>
        %dma_start3A_48 = arith.constant 0 : i32
        %dma_start3A_49 = tpu.memref_slice %arg2[%run_scoped3A_14, %dma_start3A_48] : memref<2x8192xi32, #tpu.memory_space<hbm>> -> memref<1x8192xi32, #tpu.memory_space<hbm>>
        %dma_start3A_50 = tpu.memref_squeeze %dma_start3A_49 : memref<1x8192xi32, #tpu.memory_space<hbm>> -> memref<8192xi32, #tpu.memory_space<hbm>>
        tpu.enqueue_dma source(%dma_start3A_50 : memref<8192xi32, #tpu.memory_space<hbm>>) target(%dma_start3A_47 : memref<8192xi32, #tpu.memory_space<vmem>>) target_semaphore(%run_scoped3A_41 : memref<!tpu.dma_semaphore, #tpu.memory_space<semaphore_mem>>)
        %dma_wait3A = arith.constant 0 : i32
        %dma_wait3A_51 = tpu.memref_slice %arg11[%dma_wait3A] : memref<8192xi32, #tpu.memory_space<vmem>> -> memref<8192xi32, #tpu.memory_space<vmem>>
        %dma_wait3A_52 = arith.constant 0 : i32
        %dma_wait3A_53 = tpu.memref_slice %arg2[%run_scoped3A_14, %dma_wait3A_52] : memref<2x8192xi32, #tpu.memory_space<hbm>> -> memref<1x8192xi32, #tpu.memory_space<hbm>>
        %dma_wait3A_54 = tpu.memref_squeeze %dma_wait3A_53 : memref<1x8192xi32, #tpu.memory_space<hbm>> -> memref<8192xi32, #tpu.memory_space<hbm>>
        %dma_wait3A_55 = arith.constant 0 : i32
        %dma_wait3A_56 = tpu.memref_slice %arg11[%dma_wait3A_55] : memref<8192xi32, #tpu.memory_space<vmem>> -> memref<8192xi32, #tpu.memory_space<vmem>>
        %dma_wait3A_57 = arith.constant 0 : i32
        %dma_wait3A_58 = tpu.memref_slice %arg2[%run_scoped3A_14, %dma_wait3A_57] : memref<2x8192xi32, #tpu.memory_space<hbm>> -> memref<1x8192xi32, #tpu.memory_space<hbm>>
        %dma_wait3A_59 = tpu.memref_squeeze %dma_wait3A_58 : memref<1x8192xi32, #tpu.memory_space<hbm>> -> memref<8192xi32, #tpu.memory_space<hbm>>
        tpu.wait_dma2 semaphore(%run_scoped3A_41 : memref<!tpu.dma_semaphore, #tpu.memory_space<semaphore_mem>>) src(%dma_wait3A_59 : memref<8192xi32, #tpu.memory_space<hbm>>) dst(%dma_wait3A_56 : memref<8192xi32, #tpu.memory_space<vmem>>)
        tpu.yield
      }) : () -> ()
      %scan3A_15 = arith.constant 0 : i32
      %scan3A_16 = arith.constant 0 : i32
      %scan3A_17 = arith.constant 512 : i32
      %scan3A_18 = arith.addi %scan3A_16, %scan3A_17 : i32
      %scan3A_19 = arith.constant 1 : i32
      scf.for %scan3A_41 = %scan3A_16 to %scan3A_18 step %scan3A_19  : i32 {
        %mul3A_42 = arith.constant 16 : i32
        %mul3A_43 = arith.muli %scan3A_41, %mul3A_42 : i32
        %get3A = arith.index_cast %mul3A_43 : i32 to index
        %get3A_44 = tpu.vector_load %arg10[%get3A] {strides = array<i32>} : memref<8192xi32, #tpu.memory_space<vmem>>, vector<16xi32>,
        %mul3A_45 = arith.constant 16 : i32
        %mul3A_46 = arith.muli %scan3A_41, %mul3A_45 : i32
        %get3A_47 = arith.index_cast %mul3A_46 : i32 to index
        %get3A_48 = tpu.vector_load %arg11[%get3A_47] {strides = array<i32>} : memref<8192xi32, #tpu.memory_space<vmem>>, vector<16xi32>,
        %shift_left3A = arith.constant 8 : i32
        %shift_left3A_49 = vector.broadcast %shift_left3A : i32 to vector<16xi32>
        %shift_left3A_50 = arith.shli %get3A_44, %shift_left3A_49 : vector<16xi32>
        %add3A = arith.addi %shift_left3A_50, %get3A_48 : vector<16xi32>
        %sort3A = arith.constant dense<true> : vector<16xi1>
        %sort3A_51, %sort3A_52, %sort3A_53 = tpu.sort %add3A, %add3A masked %sort3A : (vector<16xi32>, vector<16xi32>, vector<16xi1>) -> (vector<16xi1>, vector<16xi32>, vector<16xi32>)
        %swap3A = arith.constant 0 : index
        %swap3A_54 = tpu.vector_load %arg13[%swap3A] {strides = array<i32>} : memref<16xi32, #tpu.memory_space<vmem>>, vector<16xi32>,
        tpu.vector_store %arg13[%swap3A], %sort3A_52 {strides = array<i32>} : memref<16xi32, #tpu.memory_space<vmem>>, vector<16xi32>,
        %sub3A = arith.constant 1 : i32
        %sub3A_55 = vector.broadcast %sub3A : i32 to vector<16xi32>
        %sub3A_56 = arith.subi %iota3A, %sub3A_55 : vector<16xi32>
        %max3A = arith.constant 0 : i32
        %max3A_57 = vector.broadcast %max3A : i32 to vector<16xi32>
        %max3A_58 = arith.maxsi %sub3A_56, %max3A_57 : vector<16xi32>
        %gather3A = tpu.vector_load_idx %arg13[%max3A_58] : memref<16xi32, #tpu.memory_space<vmem>>[vector<16xi32>], vector<16xi32>,
        %add3A_59 = arith.constant 1 : i32
        %add3A_60 = vector.broadcast %add3A_59 : i32 to vector<16xi32>
        %add3A_61 = arith.addi %iota3A, %add3A_60 : vector<16xi32>
        %min3A = arith.constant 15 : i32
        %min3A_62 = vector.broadcast %min3A : i32 to vector<16xi32>
        %min3A_63 = arith.minsi %add3A_61, %min3A_62 : vector<16xi32>
        %gather3A_64 = tpu.vector_load_idx %arg13[%min3A_63] : memref<16xi32, #tpu.memory_space<vmem>>[vector<16xi32>], vector<16xi32>,
        %eq3A_65 = arith.constant 0 : i32
        %eq3A_66 = vector.broadcast %eq3A_65 : i32 to vector<16xi32>
        %eq3A_67 = arith.cmpi eq, %iota3A, %eq3A_66 : vector<16xi32>
        %ne3A = arith.cmpi ne, %sort3A_52, %gather3A : vector<16xi32>
        %or3A = arith.ori %eq3A_67, %ne3A : vector<16xi1>
        %eq3A_68 = arith.constant 15 : i32
        %eq3A_69 = vector.broadcast %eq3A_68 : i32 to vector<16xi32>
        %eq3A_70 = arith.cmpi eq, %iota3A, %eq3A_69 : vector<16xi32>
        %ne3A_71 = arith.cmpi ne, %sort3A_52, %gather3A_64 : vector<16xi32>
        %or3A_72 = arith.ori %eq3A_70, %ne3A_71 : vector<16xi1>
        %jit3A = arith.constant 0 : i32
        %broadcast_in_dim3A_73 = vector.broadcast %jit3A : i32 to vector<16xi32>
        %select_n3A = arith.select %or3A, %iota3A, %broadcast_in_dim3A_73 : vector<16xi1>, vector<16xi32>
        %broadcast_in_dim3A_74 = arith.constant true
        %broadcast_in_dim3A_75 = vector.broadcast %broadcast_in_dim3A_74 : i1 to vector<16xi1>
        %masked_cummax3A = arith.constant -2147483648 : i32
        %masked_cummax3A_76 = vector.broadcast %masked_cummax3A : i32 to vector<16xi32>
        %masked_cummax3A_77 = arith.xori %select_n3A, %masked_cummax3A_76 : vector<16xi32>
        %masked_cummax3A_78 = tpu.scan <max>, %masked_cummax3A_77 masked %broadcast_in_dim3A_75 : vector<16xi32>, vector<16xi1> -> vector<16xi32>
        %masked_cummax3A_79 = arith.xori %masked_cummax3A_78, %masked_cummax3A_76 : vector<16xi32>
        %sub3A_80 = arith.subi %iota3A, %masked_cummax3A_79 : vector<16xi32>
        %add3A_81 = arith.constant 1 : i32
        %add3A_82 = vector.broadcast %add3A_81 : i32 to vector<16xi32>
        %add3A_83 = arith.addi %sub3A_80, %add3A_82 : vector<16xi32>
        %convert_element_type3A_84 = arith.sitofp %add3A_83 : vector<16xi32> to vector<16xf32>
        %shift_right_logical3A = arith.constant 8 : i32
        %shift_right_logical3A_85 = vector.broadcast %shift_right_logical3A : i32 to vector<16xi32>
        %shift_right_logical3A_86 = arith.shrui %sort3A_52, %shift_right_logical3A_85 : vector<16xi32>
        %ge3A = vector.broadcast %mul3A_8 : i32 to vector<16xi32>
        %ge3A_87 = arith.cmpi sge, %shift_right_logical3A_86, %ge3A : vector<16xi32>
        %add3A_88 = arith.constant 128 : i32
        %add3A_89 = arith.addi %mul3A_8, %add3A_88 : i32
        %lt3A = vector.broadcast %add3A_89 : i32 to vector<16xi32>
        %lt3A_90 = arith.cmpi slt, %shift_right_logical3A_86, %lt3A : vector<16xi32>
        %and3A = arith.andi %ge3A_87, %lt3A_90 : vector<16xi1>
        %and3A_91 = arith.andi %or3A_72, %and3A : vector<16xi1>
        %mul3A_92 = arith.constant 256 : i32
        %mul3A_93 = arith.muli %mul3A_8, %mul3A_92 : i32
        %sub3A_94 = vector.broadcast %mul3A_93 : i32 to vector<16xi32>
        %sub3A_95 = arith.subi %sort3A_52, %sub3A_94 : vector<16xi32>
        %jit3A_96 = arith.constant 0 : i32
        %broadcast_in_dim3A_97 = vector.broadcast %jit3A_96 : i32 to vector<16xi32>
        %select_n3A_98 = arith.select %and3A_91, %sub3A_95, %broadcast_in_dim3A_97 : vector<16xi1>, vector<16xi32>
        tpu.vector_store_idx %arg12[%select_n3A_98], %convert_element_type3A_84 masked %and3A_91 {add = true} : memref<32768xf32, #tpu.memory_space<vmem>>[vector<16xi32>], vector<16xf32>, vector<16xi1>
      }
      %scan3A_20 = arith.constant 512 : i32
      %mul3A_21 = arith.constant 256 : i32
      %mul3A_22 = arith.muli %mul3A_8, %mul3A_21 : i32
      "tpu.region"() ({
        %run_scoped3A_41 = tpu.sem_alloc : memref<!tpu.dma_semaphore, #tpu.memory_space<semaphore_mem>>
        %dma_start3A = arith.constant 0 : i32
        %dma_start3A_42 = tpu.memref_slice %arg12[%dma_start3A] : memref<32768xf32, #tpu.memory_space<vmem>> -> memref<32768xf32, #tpu.memory_space<vmem>>
        %dma_start3A_43 = tpu.memref_slice %arg6[%mul3A_22] : memref<524288xf32, #tpu.memory_space<hbm>> -> memref<32768xf32, #tpu.memory_space<hbm>>
        %dma_start3A_44 = tpu.memref_slice %arg6[%mul3A_22] : memref<524288xf32, #tpu.memory_space<hbm>> -> memref<32768xf32, #tpu.memory_space<hbm>>
        %dma_start3A_45 = arith.constant 0 : i32
        %dma_start3A_46 = tpu.memref_slice %arg12[%dma_start3A_45] : memref<32768xf32, #tpu.memory_space<vmem>> -> memref<32768xf32, #tpu.memory_space<vmem>>
        tpu.enqueue_dma source(%dma_start3A_46 : memref<32768xf32, #tpu.memory_space<vmem>>) target(%dma_start3A_44 : memref<32768xf32, #tpu.memory_space<hbm>>) target_semaphore(%run_scoped3A_41 : memref<!tpu.dma_semaphore, #tpu.memory_space<semaphore_mem>>)
        %dma_wait3A = arith.constant 0 : i32
        %dma_wait3A_47 = tpu.memref_slice %arg12[%dma_wait3A] : memref<32768xf32, #tpu.memory_space<vmem>> -> memref<32768xf32, #tpu.memory_space<vmem>>
        %dma_wait3A_48 = tpu.memref_slice %arg6[%mul3A_22] : memref<524288xf32, #tpu.memory_space<hbm>> -> memref<32768xf32, #tpu.memory_space<hbm>>
        %dma_wait3A_49 = tpu.memref_slice %arg6[%mul3A_22] : memref<524288xf32, #tpu.memory_space<hbm>> -> memref<32768xf32, #tpu.memory_space<hbm>>
        %dma_wait3A_50 = arith.constant 0 : i32
        %dma_wait3A_51 = tpu.memref_slice %arg12[%dma_wait3A_50] : memref<32768xf32, #tpu.memory_space<vmem>> -> memref<32768xf32, #tpu.memory_space<vmem>>
        tpu.wait_dma2 semaphore(%run_scoped3A_41 : memref<!tpu.dma_semaphore, #tpu.memory_space<semaphore_mem>>) src(%dma_wait3A_51 : memref<32768xf32, #tpu.memory_space<vmem>>) dst(%dma_wait3A_49 : memref<32768xf32, #tpu.memory_space<hbm>>)
        tpu.yield
      }) : () -> ()
      %mul3A_23 = arith.constant 8 : i32
      %mul3A_24 = arith.muli %arg1, %mul3A_23 : i32
      %scan3A_25 = arith.constant 0 : i32
      %scan3A_26 = arith.constant 0 : i32
      %scan3A_27 = arith.constant 8 : i32
      %scan3A_28 = arith.addi %scan3A_26, %scan3A_27 : i32
      %scan3A_29 = arith.constant 1 : i32
      scf.for %scan3A_41 = %scan3A_26 to %scan3A_28 step %scan3A_29  : i32 {
        %mul3A_42 = arith.constant 16 : i32
        %mul3A_43 = arith.muli %scan3A_41, %mul3A_42 : i32
        %swap3A = arith.index_cast %mul3A_43 : i32 to index
        %swap3A_44 = tpu.vector_load %arg12[%swap3A] {strides = array<i32>} : memref<32768xf32, #tpu.memory_space<vmem>>, vector<16xf32>,
        tpu.vector_store %arg12[%swap3A], %broadcast_in_dim3A_0 {strides = array<i32>} : memref<32768xf32, #tpu.memory_space<vmem>>, vector<16xf32>,
      }
      %scan3A_30 = arith.constant 8 : i32
      %run_scoped3A_31 = arith.constant 0 : i32
      "tpu.region"() ({
        %run_scoped3A_41 = tpu.sem_alloc : memref<!tpu.dma_semaphore, #tpu.memory_space<semaphore_mem>>
        %dma_start3A = arith.constant 0 : i32
        %dma_start3A_42 = tpu.memref_slice %arg10[%dma_start3A] : memref<8192xi32, #tpu.memory_space<vmem>> -> memref<512xi32, #tpu.memory_space<vmem>>
        %dma_start3A_43 = arith.constant 0 : i32
        %dma_start3A_44 = tpu.memref_slice %arg4[%run_scoped3A_31, %dma_start3A_43] : memref<2x512xi32, #tpu.memory_space<hbm>> -> memref<1x512xi32, #tpu.memory_space<hbm>>
        %dma_start3A_45 = tpu.memref_squeeze %dma_start3A_44 : memref<1x512xi32, #tpu.memory_space<hbm>> -> memref<512xi32, #tpu.memory_space<hbm>>
        %dma_start3A_46 = arith.constant 0 : i32
        %dma_start3A_47 = tpu.memref_slice %arg10[%dma_start3A_46] : memref<8192xi32, #tpu.memory_space<vmem>> -> memref<512xi32, #tpu.memory_space<vmem>>
        %dma_start3A_48 = arith.constant 0 : i32
        %dma_start3A_49 = tpu.memref_slice %arg4[%run_scoped3A_31, %dma_start3A_48] : memref<2x512xi32, #tpu.memory_space<hbm>> -> memref<1x512xi32, #tpu.memory_space<hbm>>
        %dma_start3A_50 = tpu.memref_squeeze %dma_start3A_49 : memref<1x512xi32, #tpu.memory_space<hbm>> -> memref<512xi32, #tpu.memory_space<hbm>>
        tpu.enqueue_dma source(%dma_start3A_50 : memref<512xi32, #tpu.memory_space<hbm>>) target(%dma_start3A_47 : memref<512xi32, #tpu.memory_space<vmem>>) target_semaphore(%run_scoped3A_41 : memref<!tpu.dma_semaphore, #tpu.memory_space<semaphore_mem>>)
        %dma_wait3A = arith.constant 0 : i32
        %dma_wait3A_51 = tpu.memref_slice %arg10[%dma_wait3A] : memref<8192xi32, #tpu.memory_space<vmem>> -> memref<512xi32, #tpu.memory_space<vmem>>
        %dma_wait3A_52 = arith.constant 0 : i32
        %dma_wait3A_53 = tpu.memref_slice %arg4[%run_scoped3A_31, %dma_wait3A_52] : memref<2x512xi32, #tpu.memory_space<hbm>> -> memref<1x512xi32, #tpu.memory_space<hbm>>
        %dma_wait3A_54 = tpu.memref_squeeze %dma_wait3A_53 : memref<1x512xi32, #tpu.memory_space<hbm>> -> memref<512xi32, #tpu.memory_space<hbm>>
        %dma_wait3A_55 = arith.constant 0 : i32
        %dma_wait3A_56 = tpu.memref_slice %arg10[%dma_wait3A_55] : memref<8192xi32, #tpu.memory_space<vmem>> -> memref<512xi32, #tpu.memory_space<vmem>>
        %dma_wait3A_57 = arith.constant 0 : i32
        %dma_wait3A_58 = tpu.memref_slice %arg4[%run_scoped3A_31, %dma_wait3A_57] : memref<2x512xi32, #tpu.memory_space<hbm>> -> memref<1x512xi32, #tpu.memory_space<hbm>>
        %dma_wait3A_59 = tpu.memref_squeeze %dma_wait3A_58 : memref<1x512xi32, #tpu.memory_space<hbm>> -> memref<512xi32, #tpu.memory_space<hbm>>
        tpu.wait_dma2 semaphore(%run_scoped3A_41 : memref<!tpu.dma_semaphore, #tpu.memory_space<semaphore_mem>>) src(%dma_wait3A_59 : memref<512xi32, #tpu.memory_space<hbm>>) dst(%dma_wait3A_56 : memref<512xi32, #tpu.memory_space<vmem>>)
        tpu.yield
      }) : () -> ()
      %run_scoped3A_32 = arith.constant 1 : i32
      "tpu.region"() ({
        %run_scoped3A_41 = tpu.sem_alloc : memref<!tpu.dma_semaphore, #tpu.memory_space<semaphore_mem>>
        %dma_start3A = arith.constant 0 : i32
        %dma_start3A_42 = tpu.memref_slice %arg11[%dma_start3A] : memref<8192xi32, #tpu.memory_space<vmem>> -> memref<512xi32, #tpu.memory_space<vmem>>
        %dma_start3A_43 = arith.constant 0 : i32
        %dma_start3A_44 = tpu.memref_slice %arg4[%run_scoped3A_32, %dma_start3A_43] : memref<2x512xi32, #tpu.memory_space<hbm>> -> memref<1x512xi32, #tpu.memory_space<hbm>>
        %dma_start3A_45 = tpu.memref_squeeze %dma_start3A_44 : memref<1x512xi32, #tpu.memory_space<hbm>> -> memref<512xi32, #tpu.memory_space<hbm>>
        %dma_start3A_46 = arith.constant 0 : i32
        %dma_start3A_47 = tpu.memref_slice %arg11[%dma_start3A_46] : memref<8192xi32, #tpu.memory_space<vmem>> -> memref<512xi32, #tpu.memory_space<vmem>>
        %dma_start3A_48 = arith.constant 0 : i32
        %dma_start3A_49 = tpu.memref_slice %arg4[%run_scoped3A_32, %dma_start3A_48] : memref<2x512xi32, #tpu.memory_space<hbm>> -> memref<1x512xi32, #tpu.memory_space<hbm>>
        %dma_start3A_50 = tpu.memref_squeeze %dma_start3A_49 : memref<1x512xi32, #tpu.memory_space<hbm>> -> memref<512xi32, #tpu.memory_space<hbm>>
        tpu.enqueue_dma source(%dma_start3A_50 : memref<512xi32, #tpu.memory_space<hbm>>) target(%dma_start3A_47 : memref<512xi32, #tpu.memory_space<vmem>>) target_semaphore(%run_scoped3A_41 : memref<!tpu.dma_semaphore, #tpu.memory_space<semaphore_mem>>)
        %dma_wait3A = arith.constant 0 : i32
        %dma_wait3A_51 = tpu.memref_slice %arg11[%dma_wait3A] : memref<8192xi32, #tpu.memory_space<vmem>> -> memref<512xi32, #tpu.memory_space<vmem>>
        %dma_wait3A_52 = arith.constant 0 : i32
        %dma_wait3A_53 = tpu.memref_slice %arg4[%run_scoped3A_32, %dma_wait3A_52] : memref<2x512xi32, #tpu.memory_space<hbm>> -> memref<1x512xi32, #tpu.memory_space<hbm>>
        %dma_wait3A_54 = tpu.memref_squeeze %dma_wait3A_53 : memref<1x512xi32, #tpu.memory_space<hbm>> -> memref<512xi32, #tpu.memory_space<hbm>>
        %dma_wait3A_55 = arith.constant 0 : i32
        %dma_wait3A_56 = tpu.memref_slice %arg11[%dma_wait3A_55] : memref<8192xi32, #tpu.memory_space<vmem>> -> memref<512xi32, #tpu.memory_space<vmem>>
        %dma_wait3A_57 = arith.constant 0 : i32
        %dma_wait3A_58 = tpu.memref_slice %arg4[%run_scoped3A_32, %dma_wait3A_57] : memref<2x512xi32, #tpu.memory_space<hbm>> -> memref<1x512xi32, #tpu.memory_space<hbm>>
        %dma_wait3A_59 = tpu.memref_squeeze %dma_wait3A_58 : memref<1x512xi32, #tpu.memory_space<hbm>> -> memref<512xi32, #tpu.memory_space<hbm>>
        tpu.wait_dma2 semaphore(%run_scoped3A_41 : memref<!tpu.dma_semaphore, #tpu.memory_space<semaphore_mem>>) src(%dma_wait3A_59 : memref<512xi32, #tpu.memory_space<hbm>>) dst(%dma_wait3A_56 : memref<512xi32, #tpu.memory_space<vmem>>)
        tpu.yield
      }) : () -> ()
      %scan3A_33 = arith.constant 0 : i32
      %scan3A_34 = arith.constant 0 : i32
      %scan3A_35 = arith.constant 32 : i32
      %scan3A_36 = arith.addi %scan3A_34, %scan3A_35 : i32
      %scan3A_37 = arith.constant 1 : i32
      scf.for %scan3A_41 = %scan3A_34 to %scan3A_36 step %scan3A_37  : i32 {
        %mul3A_42 = arith.constant 16 : i32
        %mul3A_43 = arith.muli %scan3A_41, %mul3A_42 : i32
        %get3A = arith.index_cast %mul3A_43 : i32 to index
        %get3A_44 = tpu.vector_load %arg10[%get3A] {strides = array<i32>} : memref<8192xi32, #tpu.memory_space<vmem>>, vector<16xi32>,
        %mul3A_45 = arith.constant 16 : i32
        %mul3A_46 = arith.muli %scan3A_41, %mul3A_45 : i32
        %get3A_47 = arith.index_cast %mul3A_46 : i32 to index
        %get3A_48 = tpu.vector_load %arg11[%get3A_47] {strides = array<i32>} : memref<8192xi32, #tpu.memory_space<vmem>>, vector<16xi32>,
        %shift_left3A = arith.constant 4 : i32
        %shift_left3A_49 = vector.broadcast %shift_left3A : i32 to vector<16xi32>
        %shift_left3A_50 = arith.shli %get3A_44, %shift_left3A_49 : vector<16xi32>
        %add3A = arith.addi %shift_left3A_50, %get3A_48 : vector<16xi32>
        %sort3A = arith.constant dense<true> : vector<16xi1>
        %sort3A_51, %sort3A_52, %sort3A_53 = tpu.sort %add3A, %add3A masked %sort3A : (vector<16xi32>, vector<16xi32>, vector<16xi1>) -> (vector<16xi1>, vector<16xi32>, vector<16xi32>)
        %swap3A = arith.constant 0 : index
        %swap3A_54 = tpu.vector_load %arg13[%swap3A] {strides = array<i32>} : memref<16xi32, #tpu.memory_space<vmem>>, vector<16xi32>,
        tpu.vector_store %arg13[%swap3A], %sort3A_52 {strides = array<i32>} : memref<16xi32, #tpu.memory_space<vmem>>, vector<16xi32>,
        %sub3A = arith.constant 1 : i32
        %sub3A_55 = vector.broadcast %sub3A : i32 to vector<16xi32>
        %sub3A_56 = arith.subi %iota3A, %sub3A_55 : vector<16xi32>
        %max3A = arith.constant 0 : i32
        %max3A_57 = vector.broadcast %max3A : i32 to vector<16xi32>
        %max3A_58 = arith.maxsi %sub3A_56, %max3A_57 : vector<16xi32>
        %gather3A = tpu.vector_load_idx %arg13[%max3A_58] : memref<16xi32, #tpu.memory_space<vmem>>[vector<16xi32>], vector<16xi32>,
        %add3A_59 = arith.constant 1 : i32
        %add3A_60 = vector.broadcast %add3A_59 : i32 to vector<16xi32>
        %add3A_61 = arith.addi %iota3A, %add3A_60 : vector<16xi32>
        %min3A = arith.constant 15 : i32
        %min3A_62 = vector.broadcast %min3A : i32 to vector<16xi32>
        %min3A_63 = arith.minsi %add3A_61, %min3A_62 : vector<16xi32>
        %gather3A_64 = tpu.vector_load_idx %arg13[%min3A_63] : memref<16xi32, #tpu.memory_space<vmem>>[vector<16xi32>], vector<16xi32>,
        %eq3A_65 = arith.constant 0 : i32
        %eq3A_66 = vector.broadcast %eq3A_65 : i32 to vector<16xi32>
        %eq3A_67 = arith.cmpi eq, %iota3A, %eq3A_66 : vector<16xi32>
        %ne3A = arith.cmpi ne, %sort3A_52, %gather3A : vector<16xi32>
        %or3A = arith.ori %eq3A_67, %ne3A : vector<16xi1>
        %eq3A_68 = arith.constant 15 : i32
        %eq3A_69 = vector.broadcast %eq3A_68 : i32 to vector<16xi32>
        %eq3A_70 = arith.cmpi eq, %iota3A, %eq3A_69 : vector<16xi32>
        %ne3A_71 = arith.cmpi ne, %sort3A_52, %gather3A_64 : vector<16xi32>
        %or3A_72 = arith.ori %eq3A_70, %ne3A_71 : vector<16xi1>
        %jit3A = arith.constant 0 : i32
        %broadcast_in_dim3A_73 = vector.broadcast %jit3A : i32 to vector<16xi32>
        %select_n3A = arith.select %or3A, %iota3A, %broadcast_in_dim3A_73 : vector<16xi1>, vector<16xi32>
        %broadcast_in_dim3A_74 = arith.constant true
        %broadcast_in_dim3A_75 = vector.broadcast %broadcast_in_dim3A_74 : i1 to vector<16xi1>
        %masked_cummax3A = arith.constant -2147483648 : i32
        %masked_cummax3A_76 = vector.broadcast %masked_cummax3A : i32 to vector<16xi32>
        %masked_cummax3A_77 = arith.xori %select_n3A, %masked_cummax3A_76 : vector<16xi32>
        %masked_cummax3A_78 = tpu.scan <max>, %masked_cummax3A_77 masked %broadcast_in_dim3A_75 : vector<16xi32>, vector<16xi1> -> vector<16xi32>
        %masked_cummax3A_79 = arith.xori %masked_cummax3A_78, %masked_cummax3A_76 : vector<16xi32>
        %sub3A_80 = arith.subi %iota3A, %masked_cummax3A_79 : vector<16xi32>
        %add3A_81 = arith.constant 1 : i32
        %add3A_82 = vector.broadcast %add3A_81 : i32 to vector<16xi32>
        %add3A_83 = arith.addi %sub3A_80, %add3A_82 : vector<16xi32>
        %convert_element_type3A_84 = arith.sitofp %add3A_83 : vector<16xi32> to vector<16xf32>
        %shift_right_logical3A = arith.constant 4 : i32
        %shift_right_logical3A_85 = vector.broadcast %shift_right_logical3A : i32 to vector<16xi32>
        %shift_right_logical3A_86 = arith.shrui %sort3A_52, %shift_right_logical3A_85 : vector<16xi32>
        %ge3A = vector.broadcast %mul3A_24 : i32 to vector<16xi32>
        %ge3A_87 = arith.cmpi sge, %shift_right_logical3A_86, %ge3A : vector<16xi32>
        %add3A_88 = arith.constant 8 : i32
        %add3A_89 = arith.addi %mul3A_24, %add3A_88 : i32
        %lt3A = vector.broadcast %add3A_89 : i32 to vector<16xi32>
        %lt3A_90 = arith.cmpi slt, %shift_right_logical3A_86, %lt3A : vector<16xi32>
        %and3A = arith.andi %ge3A_87, %lt3A_90 : vector<16xi1>
        %and3A_91 = arith.andi %or3A_72, %and3A : vector<16xi1>
        %mul3A_92 = arith.constant 16 : i32
        %mul3A_93 = arith.muli %mul3A_24, %mul3A_92 : i32
        %sub3A_94 = vector.broadcast %mul3A_93 : i32 to vector<16xi32>
        %sub3A_95 = arith.subi %sort3A_52, %sub3A_94 : vector<16xi32>
        %jit3A_96 = arith.constant 0 : i32
        %broadcast_in_dim3A_97 = vector.broadcast %jit3A_96 : i32 to vector<16xi32>
        %select_n3A_98 = arith.select %and3A_91, %sub3A_95, %broadcast_in_dim3A_97 : vector<16xi1>, vector<16xi32>
        tpu.vector_store_idx %arg12[%select_n3A_98], %convert_element_type3A_84 masked %and3A_91 {add = true} : memref<32768xf32, #tpu.memory_space<vmem>>[vector<16xi32>], vector<16xf32>, vector<16xi1>
      }
      %scan3A_38 = arith.constant 32 : i32
      %mul3A_39 = arith.constant 16 : i32
      %mul3A_40 = arith.muli %mul3A_24, %mul3A_39 : i32
      "tpu.region"() ({
        %run_scoped3A_41 = tpu.sem_alloc : memref<!tpu.dma_semaphore, #tpu.memory_space<semaphore_mem>>
        %dma_start3A = arith.constant 0 : i32
        %dma_start3A_42 = tpu.memref_slice %arg12[%dma_start3A] : memref<32768xf32, #tpu.memory_space<vmem>> -> memref<128xf32, #tpu.memory_space<vmem>>
        %dma_start3A_43 = tpu.memref_slice %arg8[%mul3A_40] : memref<2048xf32, #tpu.memory_space<hbm>> -> memref<128xf32, #tpu.memory_space<hbm>>
        %dma_start3A_44 = tpu.memref_slice %arg8[%mul3A_40] : memref<2048xf32, #tpu.memory_space<hbm>> -> memref<128xf32, #tpu.memory_space<hbm>>
        %dma_start3A_45 = arith.constant 0 : i32
        %dma_start3A_46 = tpu.memref_slice %arg12[%dma_start3A_45] : memref<32768xf32, #tpu.memory_space<vmem>> -> memref<128xf32, #tpu.memory_space<vmem>>
        tpu.enqueue_dma source(%dma_start3A_46 : memref<128xf32, #tpu.memory_space<vmem>>) target(%dma_start3A_44 : memref<128xf32, #tpu.memory_space<hbm>>) target_semaphore(%run_scoped3A_41 : memref<!tpu.dma_semaphore, #tpu.memory_space<semaphore_mem>>)
        %dma_wait3A = arith.constant 0 : i32
        %dma_wait3A_47 = tpu.memref_slice %arg12[%dma_wait3A] : memref<32768xf32, #tpu.memory_space<vmem>> -> memref<128xf32, #tpu.memory_space<vmem>>
        %dma_wait3A_48 = tpu.memref_slice %arg8[%mul3A_40] : memref<2048xf32, #tpu.memory_space<hbm>> -> memref<128xf32, #tpu.memory_space<hbm>>
        %dma_wait3A_49 = tpu.memref_slice %arg8[%mul3A_40] : memref<2048xf32, #tpu.memory_space<hbm>> -> memref<128xf32, #tpu.memory_space<hbm>>
        %dma_wait3A_50 = arith.constant 0 : i32
        %dma_wait3A_51 = tpu.memref_slice %arg12[%dma_wait3A_50] : memref<32768xf32, #tpu.memory_space<vmem>> -> memref<128xf32, #tpu.memory_space<vmem>>
        tpu.wait_dma2 semaphore(%run_scoped3A_41 : memref<!tpu.dma_semaphore, #tpu.memory_space<semaphore_mem>>) src(%dma_wait3A_51 : memref<128xf32, #tpu.memory_space<vmem>>) dst(%dma_wait3A_49 : memref<128xf32, #tpu.memory_space<hbm>>)
        tpu.yield
      }) : () -> ()
    } else {
    }
    %eq3A_3 = arith.constant 1 : i32
    %eq3A_4 = arith.cmpi eq, %arg0, %eq3A_3 : i32
    %convert_element_type3A_5 = arith.extui %eq3A_4 : i1 to i32
    %cond3A_6 = arith.constant 0 : i32
    %cond3A_7 = arith.cmpi ne, %convert_element_type3A_5, %cond3A_6 : i32
    scf.if %cond3A_7 {
      %mul3A = arith.constant 128 : i32
      %mul3A_8 = arith.muli %arg1, %mul3A : i32
      %scan3A = arith.constant 0 : i32
      %scan3A_9 = arith.constant 0 : i32
      %scan3A_10 = arith.constant 2048 : i32
      %scan3A_11 = arith.addi %scan3A_9, %scan3A_10 : i32
      %scan3A_12 = arith.constant 1 : i32
      scf.for %scan3A_41 = %scan3A_9 to %scan3A_11 step %scan3A_12  : i32 {
        %mul3A_42 = arith.constant 16 : i32
        %mul3A_43 = arith.muli %scan3A_41, %mul3A_42 : i32
        %swap3A = arith.index_cast %mul3A_43 : i32 to index
        %swap3A_44 = tpu.vector_load %arg12[%swap3A] {strides = array<i32>} : memref<32768xf32, #tpu.memory_space<vmem>>, vector<16xf32>,
        tpu.vector_store %arg12[%swap3A], %broadcast_in_dim3A_0 {strides = array<i32>} : memref<32768xf32, #tpu.memory_space<vmem>>, vector<16xf32>,
      }
      %scan3A_13 = arith.constant 2048 : i32
      %run_scoped3A = arith.constant 0 : i32
      "tpu.region"() ({
        %run_scoped3A_41 = tpu.sem_alloc : memref<!tpu.dma_semaphore, #tpu.memory_space<semaphore_mem>>
        %dma_start3A = arith.constant 0 : i32
        %dma_start3A_42 = tpu.memref_slice %arg10[%dma_start3A] : memref<8192xi32, #tpu.memory_space<vmem>> -> memref<8192xi32, #tpu.memory_space<vmem>>
        %dma_start3A_43 = arith.constant 0 : i32
        %dma_start3A_44 = tpu.memref_slice %arg5[%run_scoped3A, %dma_start3A_43] : memref<2x8192xi32, #tpu.memory_space<hbm>> -> memref<1x8192xi32, #tpu.memory_space<hbm>>
        %dma_start3A_45 = tpu.memref_squeeze %dma_start3A_44 : memref<1x8192xi32, #tpu.memory_space<hbm>> -> memref<8192xi32, #tpu.memory_space<hbm>>
        %dma_start3A_46 = arith.constant 0 : i32
        %dma_start3A_47 = tpu.memref_slice %arg10[%dma_start3A_46] : memref<8192xi32, #tpu.memory_space<vmem>> -> memref<8192xi32, #tpu.memory_space<vmem>>
        %dma_start3A_48 = arith.constant 0 : i32
        %dma_start3A_49 = tpu.memref_slice %arg5[%run_scoped3A, %dma_start3A_48] : memref<2x8192xi32, #tpu.memory_space<hbm>> -> memref<1x8192xi32, #tpu.memory_space<hbm>>
        %dma_start3A_50 = tpu.memref_squeeze %dma_start3A_49 : memref<1x8192xi32, #tpu.memory_space<hbm>> -> memref<8192xi32, #tpu.memory_space<hbm>>
        tpu.enqueue_dma source(%dma_start3A_50 : memref<8192xi32, #tpu.memory_space<hbm>>) target(%dma_start3A_47 : memref<8192xi32, #tpu.memory_space<vmem>>) target_semaphore(%run_scoped3A_41 : memref<!tpu.dma_semaphore, #tpu.memory_space<semaphore_mem>>)
        %dma_wait3A = arith.constant 0 : i32
        %dma_wait3A_51 = tpu.memref_slice %arg10[%dma_wait3A] : memref<8192xi32, #tpu.memory_space<vmem>> -> memref<8192xi32, #tpu.memory_space<vmem>>
        %dma_wait3A_52 = arith.constant 0 : i32
        %dma_wait3A_53 = tpu.memref_slice %arg5[%run_scoped3A, %dma_wait3A_52] : memref<2x8192xi32, #tpu.memory_space<hbm>> -> memref<1x8192xi32, #tpu.memory_space<hbm>>
        %dma_wait3A_54 = tpu.memref_squeeze %dma_wait3A_53 : memref<1x8192xi32, #tpu.memory_space<hbm>> -> memref<8192xi32, #tpu.memory_space<hbm>>
        %dma_wait3A_55 = arith.constant 0 : i32
        %dma_wait3A_56 = tpu.memref_slice %arg10[%dma_wait3A_55] : memref<8192xi32, #tpu.memory_space<vmem>> -> memref<8192xi32, #tpu.memory_space<vmem>>
        %dma_wait3A_57 = arith.constant 0 : i32
        %dma_wait3A_58 = tpu.memref_slice %arg5[%run_scoped3A, %dma_wait3A_57] : memref<2x8192xi32, #tpu.memory_space<hbm>> -> memref<1x8192xi32, #tpu.memory_space<hbm>>
        %dma_wait3A_59 = tpu.memref_squeeze %dma_wait3A_58 : memref<1x8192xi32, #tpu.memory_space<hbm>> -> memref<8192xi32, #tpu.memory_space<hbm>>
        tpu.wait_dma2 semaphore(%run_scoped3A_41 : memref<!tpu.dma_semaphore, #tpu.memory_space<semaphore_mem>>) src(%dma_wait3A_59 : memref<8192xi32, #tpu.memory_space<hbm>>) dst(%dma_wait3A_56 : memref<8192xi32, #tpu.memory_space<vmem>>)
        tpu.yield
      }) : () -> ()
      %run_scoped3A_14 = arith.constant 1 : i32
      "tpu.region"() ({
        %run_scoped3A_41 = tpu.sem_alloc : memref<!tpu.dma_semaphore, #tpu.memory_space<semaphore_mem>>
        %dma_start3A = arith.constant 0 : i32
        %dma_start3A_42 = tpu.memref_slice %arg11[%dma_start3A] : memref<8192xi32, #tpu.memory_space<vmem>> -> memref<8192xi32, #tpu.memory_space<vmem>>
        %dma_start3A_43 = arith.constant 0 : i32
        %dma_start3A_44 = tpu.memref_slice %arg5[%run_scoped3A_14, %dma_start3A_43] : memref<2x8192xi32, #tpu.memory_space<hbm>> -> memref<1x8192xi32, #tpu.memory_space<hbm>>
        %dma_start3A_45 = tpu.memref_squeeze %dma_start3A_44 : memref<1x8192xi32, #tpu.memory_space<hbm>> -> memref<8192xi32, #tpu.memory_space<hbm>>
        %dma_start3A_46 = arith.constant 0 : i32
        %dma_start3A_47 = tpu.memref_slice %arg11[%dma_start3A_46] : memref<8192xi32, #tpu.memory_space<vmem>> -> memref<8192xi32, #tpu.memory_space<vmem>>
        %dma_start3A_48 = arith.constant 0 : i32
        %dma_start3A_49 = tpu.memref_slice %arg5[%run_scoped3A_14, %dma_start3A_48] : memref<2x8192xi32, #tpu.memory_space<hbm>> -> memref<1x8192xi32, #tpu.memory_space<hbm>>
        %dma_start3A_50 = tpu.memref_squeeze %dma_start3A_49 : memref<1x8192xi32, #tpu.memory_space<hbm>> -> memref<8192xi32, #tpu.memory_space<hbm>>
        tpu.enqueue_dma source(%dma_start3A_50 : memref<8192xi32, #tpu.memory_space<hbm>>) target(%dma_start3A_47 : memref<8192xi32, #tpu.memory_space<vmem>>) target_semaphore(%run_scoped3A_41 : memref<!tpu.dma_semaphore, #tpu.memory_space<semaphore_mem>>)
        %dma_wait3A = arith.constant 0 : i32
        %dma_wait3A_51 = tpu.memref_slice %arg11[%dma_wait3A] : memref<8192xi32, #tpu.memory_space<vmem>> -> memref<8192xi32, #tpu.memory_space<vmem>>
        %dma_wait3A_52 = arith.constant 0 : i32
        %dma_wait3A_53 = tpu.memref_slice %arg5[%run_scoped3A_14, %dma_wait3A_52] : memref<2x8192xi32, #tpu.memory_space<hbm>> -> memref<1x8192xi32, #tpu.memory_space<hbm>>
        %dma_wait3A_54 = tpu.memref_squeeze %dma_wait3A_53 : memref<1x8192xi32, #tpu.memory_space<hbm>> -> memref<8192xi32, #tpu.memory_space<hbm>>
        %dma_wait3A_55 = arith.constant 0 : i32
        %dma_wait3A_56 = tpu.memref_slice %arg11[%dma_wait3A_55] : memref<8192xi32, #tpu.memory_space<vmem>> -> memref<8192xi32, #tpu.memory_space<vmem>>
        %dma_wait3A_57 = arith.constant 0 : i32
        %dma_wait3A_58 = tpu.memref_slice %arg5[%run_scoped3A_14, %dma_wait3A_57] : memref<2x8192xi32, #tpu.memory_space<hbm>> -> memref<1x8192xi32, #tpu.memory_space<hbm>>
        %dma_wait3A_59 = tpu.memref_squeeze %dma_wait3A_58 : memref<1x8192xi32, #tpu.memory_space<hbm>> -> memref<8192xi32, #tpu.memory_space<hbm>>
        tpu.wait_dma2 semaphore(%run_scoped3A_41 : memref<!tpu.dma_semaphore, #tpu.memory_space<semaphore_mem>>) src(%dma_wait3A_59 : memref<8192xi32, #tpu.memory_space<hbm>>) dst(%dma_wait3A_56 : memref<8192xi32, #tpu.memory_space<vmem>>)
        tpu.yield
      }) : () -> ()
      %scan3A_15 = arith.constant 0 : i32
      %scan3A_16 = arith.constant 0 : i32
      %scan3A_17 = arith.constant 512 : i32
      %scan3A_18 = arith.addi %scan3A_16, %scan3A_17 : i32
      %scan3A_19 = arith.constant 1 : i32
      scf.for %scan3A_41 = %scan3A_16 to %scan3A_18 step %scan3A_19  : i32 {
        %mul3A_42 = arith.constant 16 : i32
        %mul3A_43 = arith.muli %scan3A_41, %mul3A_42 : i32
        %get3A = arith.index_cast %mul3A_43 : i32 to index
        %get3A_44 = tpu.vector_load %arg10[%get3A] {strides = array<i32>} : memref<8192xi32, #tpu.memory_space<vmem>>, vector<16xi32>,
        %mul3A_45 = arith.constant 16 : i32
        %mul3A_46 = arith.muli %scan3A_41, %mul3A_45 : i32
        %get3A_47 = arith.index_cast %mul3A_46 : i32 to index
        %get3A_48 = tpu.vector_load %arg11[%get3A_47] {strides = array<i32>} : memref<8192xi32, #tpu.memory_space<vmem>>, vector<16xi32>,
        %shift_left3A = arith.constant 8 : i32
        %shift_left3A_49 = vector.broadcast %shift_left3A : i32 to vector<16xi32>
        %shift_left3A_50 = arith.shli %get3A_44, %shift_left3A_49 : vector<16xi32>
        %add3A = arith.addi %shift_left3A_50, %get3A_48 : vector<16xi32>
        %sort3A = arith.constant dense<true> : vector<16xi1>
        %sort3A_51, %sort3A_52, %sort3A_53 = tpu.sort %add3A, %add3A masked %sort3A : (vector<16xi32>, vector<16xi32>, vector<16xi1>) -> (vector<16xi1>, vector<16xi32>, vector<16xi32>)
        %swap3A = arith.constant 0 : index
        %swap3A_54 = tpu.vector_load %arg13[%swap3A] {strides = array<i32>} : memref<16xi32, #tpu.memory_space<vmem>>, vector<16xi32>,
        tpu.vector_store %arg13[%swap3A], %sort3A_52 {strides = array<i32>} : memref<16xi32, #tpu.memory_space<vmem>>, vector<16xi32>,
        %sub3A = arith.constant 1 : i32
        %sub3A_55 = vector.broadcast %sub3A : i32 to vector<16xi32>
        %sub3A_56 = arith.subi %iota3A, %sub3A_55 : vector<16xi32>
        %max3A = arith.constant 0 : i32
        %max3A_57 = vector.broadcast %max3A : i32 to vector<16xi32>
        %max3A_58 = arith.maxsi %sub3A_56, %max3A_57 : vector<16xi32>
        %gather3A = tpu.vector_load_idx %arg13[%max3A_58] : memref<16xi32, #tpu.memory_space<vmem>>[vector<16xi32>], vector<16xi32>,
        %add3A_59 = arith.constant 1 : i32
        %add3A_60 = vector.broadcast %add3A_59 : i32 to vector<16xi32>
        %add3A_61 = arith.addi %iota3A, %add3A_60 : vector<16xi32>
        %min3A = arith.constant 15 : i32
        %min3A_62 = vector.broadcast %min3A : i32 to vector<16xi32>
        %min3A_63 = arith.minsi %add3A_61, %min3A_62 : vector<16xi32>
        %gather3A_64 = tpu.vector_load_idx %arg13[%min3A_63] : memref<16xi32, #tpu.memory_space<vmem>>[vector<16xi32>], vector<16xi32>,
        %eq3A_65 = arith.constant 0 : i32
        %eq3A_66 = vector.broadcast %eq3A_65 : i32 to vector<16xi32>
        %eq3A_67 = arith.cmpi eq, %iota3A, %eq3A_66 : vector<16xi32>
        %ne3A = arith.cmpi ne, %sort3A_52, %gather3A : vector<16xi32>
        %or3A = arith.ori %eq3A_67, %ne3A : vector<16xi1>
        %eq3A_68 = arith.constant 15 : i32
        %eq3A_69 = vector.broadcast %eq3A_68 : i32 to vector<16xi32>
        %eq3A_70 = arith.cmpi eq, %iota3A, %eq3A_69 : vector<16xi32>
        %ne3A_71 = arith.cmpi ne, %sort3A_52, %gather3A_64 : vector<16xi32>
        %or3A_72 = arith.ori %eq3A_70, %ne3A_71 : vector<16xi1>
        %jit3A = arith.constant 0 : i32
        %broadcast_in_dim3A_73 = vector.broadcast %jit3A : i32 to vector<16xi32>
        %select_n3A = arith.select %or3A, %iota3A, %broadcast_in_dim3A_73 : vector<16xi1>, vector<16xi32>
        %broadcast_in_dim3A_74 = arith.constant true
        %broadcast_in_dim3A_75 = vector.broadcast %broadcast_in_dim3A_74 : i1 to vector<16xi1>
        %masked_cummax3A = arith.constant -2147483648 : i32
        %masked_cummax3A_76 = vector.broadcast %masked_cummax3A : i32 to vector<16xi32>
        %masked_cummax3A_77 = arith.xori %select_n3A, %masked_cummax3A_76 : vector<16xi32>
        %masked_cummax3A_78 = tpu.scan <max>, %masked_cummax3A_77 masked %broadcast_in_dim3A_75 : vector<16xi32>, vector<16xi1> -> vector<16xi32>
        %masked_cummax3A_79 = arith.xori %masked_cummax3A_78, %masked_cummax3A_76 : vector<16xi32>
        %sub3A_80 = arith.subi %iota3A, %masked_cummax3A_79 : vector<16xi32>
        %add3A_81 = arith.constant 1 : i32
        %add3A_82 = vector.broadcast %add3A_81 : i32 to vector<16xi32>
        %add3A_83 = arith.addi %sub3A_80, %add3A_82 : vector<16xi32>
        %convert_element_type3A_84 = arith.sitofp %add3A_83 : vector<16xi32> to vector<16xf32>
        %shift_right_logical3A = arith.constant 8 : i32
        %shift_right_logical3A_85 = vector.broadcast %shift_right_logical3A : i32 to vector<16xi32>
        %shift_right_logical3A_86 = arith.shrui %sort3A_52, %shift_right_logical3A_85 : vector<16xi32>
        %ge3A = vector.broadcast %mul3A_8 : i32 to vector<16xi32>
        %ge3A_87 = arith.cmpi sge, %shift_right_logical3A_86, %ge3A : vector<16xi32>
        %add3A_88 = arith.constant 128 : i32
        %add3A_89 = arith.addi %mul3A_8, %add3A_88 : i32
        %lt3A = vector.broadcast %add3A_89 : i32 to vector<16xi32>
        %lt3A_90 = arith.cmpi slt, %shift_right_logical3A_86, %lt3A : vector<16xi32>
        %and3A = arith.andi %ge3A_87, %lt3A_90 : vector<16xi1>
        %and3A_91 = arith.andi %or3A_72, %and3A : vector<16xi1>
        %mul3A_92 = arith.constant 256 : i32
        %mul3A_93 = arith.muli %mul3A_8, %mul3A_92 : i32
        %sub3A_94 = vector.broadcast %mul3A_93 : i32 to vector<16xi32>
        %sub3A_95 = arith.subi %sort3A_52, %sub3A_94 : vector<16xi32>
        %jit3A_96 = arith.constant 0 : i32
        %broadcast_in_dim3A_97 = vector.broadcast %jit3A_96 : i32 to vector<16xi32>
        %select_n3A_98 = arith.select %and3A_91, %sub3A_95, %broadcast_in_dim3A_97 : vector<16xi1>, vector<16xi32>
        tpu.vector_store_idx %arg12[%select_n3A_98], %convert_element_type3A_84 masked %and3A_91 {add = true} : memref<32768xf32, #tpu.memory_space<vmem>>[vector<16xi32>], vector<16xf32>, vector<16xi1>
      }
      %scan3A_20 = arith.constant 512 : i32
      %mul3A_21 = arith.constant 256 : i32
      %mul3A_22 = arith.muli %mul3A_8, %mul3A_21 : i32
      "tpu.region"() ({
        %run_scoped3A_41 = tpu.sem_alloc : memref<!tpu.dma_semaphore, #tpu.memory_space<semaphore_mem>>
        %dma_start3A = arith.constant 0 : i32
        %dma_start3A_42 = tpu.memref_slice %arg12[%dma_start3A] : memref<32768xf32, #tpu.memory_space<vmem>> -> memref<32768xf32, #tpu.memory_space<vmem>>
        %dma_start3A_43 = tpu.memref_slice %arg9[%mul3A_22] : memref<524288xf32, #tpu.memory_space<hbm>> -> memref<32768xf32, #tpu.memory_space<hbm>>
        %dma_start3A_44 = tpu.memref_slice %arg9[%mul3A_22] : memref<524288xf32, #tpu.memory_space<hbm>> -> memref<32768xf32, #tpu.memory_space<hbm>>
        %dma_start3A_45 = arith.constant 0 : i32
        %dma_start3A_46 = tpu.memref_slice %arg12[%dma_start3A_45] : memref<32768xf32, #tpu.memory_space<vmem>> -> memref<32768xf32, #tpu.memory_space<vmem>>
        tpu.enqueue_dma source(%dma_start3A_46 : memref<32768xf32, #tpu.memory_space<vmem>>) target(%dma_start3A_44 : memref<32768xf32, #tpu.memory_space<hbm>>) target_semaphore(%run_scoped3A_41 : memref<!tpu.dma_semaphore, #tpu.memory_space<semaphore_mem>>)
        %dma_wait3A = arith.constant 0 : i32
        %dma_wait3A_47 = tpu.memref_slice %arg12[%dma_wait3A] : memref<32768xf32, #tpu.memory_space<vmem>> -> memref<32768xf32, #tpu.memory_space<vmem>>
        %dma_wait3A_48 = tpu.memref_slice %arg9[%mul3A_22] : memref<524288xf32, #tpu.memory_space<hbm>> -> memref<32768xf32, #tpu.memory_space<hbm>>
        %dma_wait3A_49 = tpu.memref_slice %arg9[%mul3A_22] : memref<524288xf32, #tpu.memory_space<hbm>> -> memref<32768xf32, #tpu.memory_space<hbm>>
        %dma_wait3A_50 = arith.constant 0 : i32
        %dma_wait3A_51 = tpu.memref_slice %arg12[%dma_wait3A_50] : memref<32768xf32, #tpu.memory_space<vmem>> -> memref<32768xf32, #tpu.memory_space<vmem>>
        tpu.wait_dma2 semaphore(%run_scoped3A_41 : memref<!tpu.dma_semaphore, #tpu.memory_space<semaphore_mem>>) src(%dma_wait3A_51 : memref<32768xf32, #tpu.memory_space<vmem>>) dst(%dma_wait3A_49 : memref<32768xf32, #tpu.memory_space<hbm>>)
        tpu.yield
      }) : () -> ()
      %mul3A_23 = arith.constant 32 : i32
      %mul3A_24 = arith.muli %arg1, %mul3A_23 : i32
      %scan3A_25 = arith.constant 0 : i32
      %scan3A_26 = arith.constant 0 : i32
      %scan3A_27 = arith.constant 128 : i32
      %scan3A_28 = arith.addi %scan3A_26, %scan3A_27 : i32
      %scan3A_29 = arith.constant 1 : i32
      scf.for %scan3A_41 = %scan3A_26 to %scan3A_28 step %scan3A_29  : i32 {
        %mul3A_42 = arith.constant 16 : i32
        %mul3A_43 = arith.muli %scan3A_41, %mul3A_42 : i32
        %swap3A = arith.index_cast %mul3A_43 : i32 to index
        %swap3A_44 = tpu.vector_load %arg12[%swap3A] {strides = array<i32>} : memref<32768xf32, #tpu.memory_space<vmem>>, vector<16xf32>,
        tpu.vector_store %arg12[%swap3A], %broadcast_in_dim3A_0 {strides = array<i32>} : memref<32768xf32, #tpu.memory_space<vmem>>, vector<16xf32>,
      }
      %scan3A_30 = arith.constant 128 : i32
      %run_scoped3A_31 = arith.constant 0 : i32
      "tpu.region"() ({
        %run_scoped3A_41 = tpu.sem_alloc : memref<!tpu.dma_semaphore, #tpu.memory_space<semaphore_mem>>
        %dma_start3A = arith.constant 0 : i32
        %dma_start3A_42 = tpu.memref_slice %arg10[%dma_start3A] : memref<8192xi32, #tpu.memory_space<vmem>> -> memref<2048xi32, #tpu.memory_space<vmem>>
        %dma_start3A_43 = arith.constant 0 : i32
        %dma_start3A_44 = tpu.memref_slice %arg3[%run_scoped3A_31, %dma_start3A_43] : memref<2x2048xi32, #tpu.memory_space<hbm>> -> memref<1x2048xi32, #tpu.memory_space<hbm>>
        %dma_start3A_45 = tpu.memref_squeeze %dma_start3A_44 : memref<1x2048xi32, #tpu.memory_space<hbm>> -> memref<2048xi32, #tpu.memory_space<hbm>>
        %dma_start3A_46 = arith.constant 0 : i32
        %dma_start3A_47 = tpu.memref_slice %arg10[%dma_start3A_46] : memref<8192xi32, #tpu.memory_space<vmem>> -> memref<2048xi32, #tpu.memory_space<vmem>>
        %dma_start3A_48 = arith.constant 0 : i32
        %dma_start3A_49 = tpu.memref_slice %arg3[%run_scoped3A_31, %dma_start3A_48] : memref<2x2048xi32, #tpu.memory_space<hbm>> -> memref<1x2048xi32, #tpu.memory_space<hbm>>
        %dma_start3A_50 = tpu.memref_squeeze %dma_start3A_49 : memref<1x2048xi32, #tpu.memory_space<hbm>> -> memref<2048xi32, #tpu.memory_space<hbm>>
        tpu.enqueue_dma source(%dma_start3A_50 : memref<2048xi32, #tpu.memory_space<hbm>>) target(%dma_start3A_47 : memref<2048xi32, #tpu.memory_space<vmem>>) target_semaphore(%run_scoped3A_41 : memref<!tpu.dma_semaphore, #tpu.memory_space<semaphore_mem>>)
        %dma_wait3A = arith.constant 0 : i32
        %dma_wait3A_51 = tpu.memref_slice %arg10[%dma_wait3A] : memref<8192xi32, #tpu.memory_space<vmem>> -> memref<2048xi32, #tpu.memory_space<vmem>>
        %dma_wait3A_52 = arith.constant 0 : i32
        %dma_wait3A_53 = tpu.memref_slice %arg3[%run_scoped3A_31, %dma_wait3A_52] : memref<2x2048xi32, #tpu.memory_space<hbm>> -> memref<1x2048xi32, #tpu.memory_space<hbm>>
        %dma_wait3A_54 = tpu.memref_squeeze %dma_wait3A_53 : memref<1x2048xi32, #tpu.memory_space<hbm>> -> memref<2048xi32, #tpu.memory_space<hbm>>
        %dma_wait3A_55 = arith.constant 0 : i32
        %dma_wait3A_56 = tpu.memref_slice %arg10[%dma_wait3A_55] : memref<8192xi32, #tpu.memory_space<vmem>> -> memref<2048xi32, #tpu.memory_space<vmem>>
        %dma_wait3A_57 = arith.constant 0 : i32
        %dma_wait3A_58 = tpu.memref_slice %arg3[%run_scoped3A_31, %dma_wait3A_57] : memref<2x2048xi32, #tpu.memory_space<hbm>> -> memref<1x2048xi32, #tpu.memory_space<hbm>>
        %dma_wait3A_59 = tpu.memref_squeeze %dma_wait3A_58 : memref<1x2048xi32, #tpu.memory_space<hbm>> -> memref<2048xi32, #tpu.memory_space<hbm>>
        tpu.wait_dma2 semaphore(%run_scoped3A_41 : memref<!tpu.dma_semaphore, #tpu.memory_space<semaphore_mem>>) src(%dma_wait3A_59 : memref<2048xi32, #tpu.memory_space<hbm>>) dst(%dma_wait3A_56 : memref<2048xi32, #tpu.memory_space<vmem>>)
        tpu.yield
      }) : () -> ()
      %run_scoped3A_32 = arith.constant 1 : i32
      "tpu.region"() ({
        %run_scoped3A_41 = tpu.sem_alloc : memref<!tpu.dma_semaphore, #tpu.memory_space<semaphore_mem>>
        %dma_start3A = arith.constant 0 : i32
        %dma_start3A_42 = tpu.memref_slice %arg11[%dma_start3A] : memref<8192xi32, #tpu.memory_space<vmem>> -> memref<2048xi32, #tpu.memory_space<vmem>>
        %dma_start3A_43 = arith.constant 0 : i32
        %dma_start3A_44 = tpu.memref_slice %arg3[%run_scoped3A_32, %dma_start3A_43] : memref<2x2048xi32, #tpu.memory_space<hbm>> -> memref<1x2048xi32, #tpu.memory_space<hbm>>
        %dma_start3A_45 = tpu.memref_squeeze %dma_start3A_44 : memref<1x2048xi32, #tpu.memory_space<hbm>> -> memref<2048xi32, #tpu.memory_space<hbm>>
        %dma_start3A_46 = arith.constant 0 : i32
        %dma_start3A_47 = tpu.memref_slice %arg11[%dma_start3A_46] : memref<8192xi32, #tpu.memory_space<vmem>> -> memref<2048xi32, #tpu.memory_space<vmem>>
        %dma_start3A_48 = arith.constant 0 : i32
        %dma_start3A_49 = tpu.memref_slice %arg3[%run_scoped3A_32, %dma_start3A_48] : memref<2x2048xi32, #tpu.memory_space<hbm>> -> memref<1x2048xi32, #tpu.memory_space<hbm>>
        %dma_start3A_50 = tpu.memref_squeeze %dma_start3A_49 : memref<1x2048xi32, #tpu.memory_space<hbm>> -> memref<2048xi32, #tpu.memory_space<hbm>>
        tpu.enqueue_dma source(%dma_start3A_50 : memref<2048xi32, #tpu.memory_space<hbm>>) target(%dma_start3A_47 : memref<2048xi32, #tpu.memory_space<vmem>>) target_semaphore(%run_scoped3A_41 : memref<!tpu.dma_semaphore, #tpu.memory_space<semaphore_mem>>)
        %dma_wait3A = arith.constant 0 : i32
        %dma_wait3A_51 = tpu.memref_slice %arg11[%dma_wait3A] : memref<8192xi32, #tpu.memory_space<vmem>> -> memref<2048xi32, #tpu.memory_space<vmem>>
        %dma_wait3A_52 = arith.constant 0 : i32
        %dma_wait3A_53 = tpu.memref_slice %arg3[%run_scoped3A_32, %dma_wait3A_52] : memref<2x2048xi32, #tpu.memory_space<hbm>> -> memref<1x2048xi32, #tpu.memory_space<hbm>>
        %dma_wait3A_54 = tpu.memref_squeeze %dma_wait3A_53 : memref<1x2048xi32, #tpu.memory_space<hbm>> -> memref<2048xi32, #tpu.memory_space<hbm>>
        %dma_wait3A_55 = arith.constant 0 : i32
        %dma_wait3A_56 = tpu.memref_slice %arg11[%dma_wait3A_55] : memref<8192xi32, #tpu.memory_space<vmem>> -> memref<2048xi32, #tpu.memory_space<vmem>>
        %dma_wait3A_57 = arith.constant 0 : i32
        %dma_wait3A_58 = tpu.memref_slice %arg3[%run_scoped3A_32, %dma_wait3A_57] : memref<2x2048xi32, #tpu.memory_space<hbm>> -> memref<1x2048xi32, #tpu.memory_space<hbm>>
        %dma_wait3A_59 = tpu.memref_squeeze %dma_wait3A_58 : memref<1x2048xi32, #tpu.memory_space<hbm>> -> memref<2048xi32, #tpu.memory_space<hbm>>
        tpu.wait_dma2 semaphore(%run_scoped3A_41 : memref<!tpu.dma_semaphore, #tpu.memory_space<semaphore_mem>>) src(%dma_wait3A_59 : memref<2048xi32, #tpu.memory_space<hbm>>) dst(%dma_wait3A_56 : memref<2048xi32, #tpu.memory_space<vmem>>)
        tpu.yield
      }) : () -> ()
      %scan3A_33 = arith.constant 0 : i32
      %scan3A_34 = arith.constant 0 : i32
      %scan3A_35 = arith.constant 128 : i32
      %scan3A_36 = arith.addi %scan3A_34, %scan3A_35 : i32
      %scan3A_37 = arith.constant 1 : i32
      scf.for %scan3A_41 = %scan3A_34 to %scan3A_36 step %scan3A_37  : i32 {
        %mul3A_42 = arith.constant 16 : i32
        %mul3A_43 = arith.muli %scan3A_41, %mul3A_42 : i32
        %get3A = arith.index_cast %mul3A_43 : i32 to index
        %get3A_44 = tpu.vector_load %arg10[%get3A] {strides = array<i32>} : memref<8192xi32, #tpu.memory_space<vmem>>, vector<16xi32>,
        %mul3A_45 = arith.constant 16 : i32
        %mul3A_46 = arith.muli %scan3A_41, %mul3A_45 : i32
        %get3A_47 = arith.index_cast %mul3A_46 : i32 to index
        %get3A_48 = tpu.vector_load %arg11[%get3A_47] {strides = array<i32>} : memref<8192xi32, #tpu.memory_space<vmem>>, vector<16xi32>,
        %shift_left3A = arith.constant 6 : i32
        %shift_left3A_49 = vector.broadcast %shift_left3A : i32 to vector<16xi32>
        %shift_left3A_50 = arith.shli %get3A_44, %shift_left3A_49 : vector<16xi32>
        %add3A = arith.addi %shift_left3A_50, %get3A_48 : vector<16xi32>
        %sort3A = arith.constant dense<true> : vector<16xi1>
        %sort3A_51, %sort3A_52, %sort3A_53 = tpu.sort %add3A, %add3A masked %sort3A : (vector<16xi32>, vector<16xi32>, vector<16xi1>) -> (vector<16xi1>, vector<16xi32>, vector<16xi32>)
        %swap3A = arith.constant 0 : index
        %swap3A_54 = tpu.vector_load %arg13[%swap3A] {strides = array<i32>} : memref<16xi32, #tpu.memory_space<vmem>>, vector<16xi32>,
        tpu.vector_store %arg13[%swap3A], %sort3A_52 {strides = array<i32>} : memref<16xi32, #tpu.memory_space<vmem>>, vector<16xi32>,
        %sub3A = arith.constant 1 : i32
        %sub3A_55 = vector.broadcast %sub3A : i32 to vector<16xi32>
        %sub3A_56 = arith.subi %iota3A, %sub3A_55 : vector<16xi32>
        %max3A = arith.constant 0 : i32
        %max3A_57 = vector.broadcast %max3A : i32 to vector<16xi32>
        %max3A_58 = arith.maxsi %sub3A_56, %max3A_57 : vector<16xi32>
        %gather3A = tpu.vector_load_idx %arg13[%max3A_58] : memref<16xi32, #tpu.memory_space<vmem>>[vector<16xi32>], vector<16xi32>,
        %add3A_59 = arith.constant 1 : i32
        %add3A_60 = vector.broadcast %add3A_59 : i32 to vector<16xi32>
        %add3A_61 = arith.addi %iota3A, %add3A_60 : vector<16xi32>
        %min3A = arith.constant 15 : i32
        %min3A_62 = vector.broadcast %min3A : i32 to vector<16xi32>
        %min3A_63 = arith.minsi %add3A_61, %min3A_62 : vector<16xi32>
        %gather3A_64 = tpu.vector_load_idx %arg13[%min3A_63] : memref<16xi32, #tpu.memory_space<vmem>>[vector<16xi32>], vector<16xi32>,
        %eq3A_65 = arith.constant 0 : i32
        %eq3A_66 = vector.broadcast %eq3A_65 : i32 to vector<16xi32>
        %eq3A_67 = arith.cmpi eq, %iota3A, %eq3A_66 : vector<16xi32>
        %ne3A = arith.cmpi ne, %sort3A_52, %gather3A : vector<16xi32>
        %or3A = arith.ori %eq3A_67, %ne3A : vector<16xi1>
        %eq3A_68 = arith.constant 15 : i32
        %eq3A_69 = vector.broadcast %eq3A_68 : i32 to vector<16xi32>
        %eq3A_70 = arith.cmpi eq, %iota3A, %eq3A_69 : vector<16xi32>
        %ne3A_71 = arith.cmpi ne, %sort3A_52, %gather3A_64 : vector<16xi32>
        %or3A_72 = arith.ori %eq3A_70, %ne3A_71 : vector<16xi1>
        %jit3A = arith.constant 0 : i32
        %broadcast_in_dim3A_73 = vector.broadcast %jit3A : i32 to vector<16xi32>
        %select_n3A = arith.select %or3A, %iota3A, %broadcast_in_dim3A_73 : vector<16xi1>, vector<16xi32>
        %broadcast_in_dim3A_74 = arith.constant true
        %broadcast_in_dim3A_75 = vector.broadcast %broadcast_in_dim3A_74 : i1 to vector<16xi1>
        %masked_cummax3A = arith.constant -2147483648 : i32
        %masked_cummax3A_76 = vector.broadcast %masked_cummax3A : i32 to vector<16xi32>
        %masked_cummax3A_77 = arith.xori %select_n3A, %masked_cummax3A_76 : vector<16xi32>
        %masked_cummax3A_78 = tpu.scan <max>, %masked_cummax3A_77 masked %broadcast_in_dim3A_75 : vector<16xi32>, vector<16xi1> -> vector<16xi32>
        %masked_cummax3A_79 = arith.xori %masked_cummax3A_78, %masked_cummax3A_76 : vector<16xi32>
        %sub3A_80 = arith.subi %iota3A, %masked_cummax3A_79 : vector<16xi32>
        %add3A_81 = arith.constant 1 : i32
        %add3A_82 = vector.broadcast %add3A_81 : i32 to vector<16xi32>
        %add3A_83 = arith.addi %sub3A_80, %add3A_82 : vector<16xi32>
        %convert_element_type3A_84 = arith.sitofp %add3A_83 : vector<16xi32> to vector<16xf32>
        %shift_right_logical3A = arith.constant 6 : i32
        %shift_right_logical3A_85 = vector.broadcast %shift_right_logical3A : i32 to vector<16xi32>
        %shift_right_logical3A_86 = arith.shrui %sort3A_52, %shift_right_logical3A_85 : vector<16xi32>
        %ge3A = vector.broadcast %mul3A_24 : i32 to vector<16xi32>
        %ge3A_87 = arith.cmpi sge, %shift_right_logical3A_86, %ge3A : vector<16xi32>
        %add3A_88 = arith.constant 32 : i32
        %add3A_89 = arith.addi %mul3A_24, %add3A_88 : i32
        %lt3A = vector.broadcast %add3A_89 : i32 to vector<16xi32>
        %lt3A_90 = arith.cmpi slt, %shift_right_logical3A_86, %lt3A : vector<16xi32>
        %and3A = arith.andi %ge3A_87, %lt3A_90 : vector<16xi1>
        %and3A_91 = arith.andi %or3A_72, %and3A : vector<16xi1>
        %mul3A_92 = arith.constant 64 : i32
        %mul3A_93 = arith.muli %mul3A_24, %mul3A_92 : i32
        %sub3A_94 = vector.broadcast %mul3A_93 : i32 to vector<16xi32>
        %sub3A_95 = arith.subi %sort3A_52, %sub3A_94 : vector<16xi32>
        %jit3A_96 = arith.constant 0 : i32
        %broadcast_in_dim3A_97 = vector.broadcast %jit3A_96 : i32 to vector<16xi32>
        %select_n3A_98 = arith.select %and3A_91, %sub3A_95, %broadcast_in_dim3A_97 : vector<16xi1>, vector<16xi32>
        tpu.vector_store_idx %arg12[%select_n3A_98], %convert_element_type3A_84 masked %and3A_91 {add = true} : memref<32768xf32, #tpu.memory_space<vmem>>[vector<16xi32>], vector<16xf32>, vector<16xi1>
      }
      %scan3A_38 = arith.constant 128 : i32
      %mul3A_39 = arith.constant 64 : i32
      %mul3A_40 = arith.muli %mul3A_24, %mul3A_39 : i32
      "tpu.region"() ({
        %run_scoped3A_41 = tpu.sem_alloc : memref<!tpu.dma_semaphore, #tpu.memory_space<semaphore_mem>>
        %dma_start3A = arith.constant 0 : i32
        %dma_start3A_42 = tpu.memref_slice %arg12[%dma_start3A] : memref<32768xf32, #tpu.memory_space<vmem>> -> memref<2048xf32, #tpu.memory_space<vmem>>
        %dma_start3A_43 = tpu.memref_slice %arg7[%mul3A_40] : memref<32768xf32, #tpu.memory_space<hbm>> -> memref<2048xf32, #tpu.memory_space<hbm>>
        %dma_start3A_44 = tpu.memref_slice %arg7[%mul3A_40] : memref<32768xf32, #tpu.memory_space<hbm>> -> memref<2048xf32, #tpu.memory_space<hbm>>
        %dma_start3A_45 = arith.constant 0 : i32
        %dma_start3A_46 = tpu.memref_slice %arg12[%dma_start3A_45] : memref<32768xf32, #tpu.memory_space<vmem>> -> memref<2048xf32, #tpu.memory_space<vmem>>
        tpu.enqueue_dma source(%dma_start3A_46 : memref<2048xf32, #tpu.memory_space<vmem>>) target(%dma_start3A_44 : memref<2048xf32, #tpu.memory_space<hbm>>) target_semaphore(%run_scoped3A_41 : memref<!tpu.dma_semaphore, #tpu.memory_space<semaphore_mem>>)
        %dma_wait3A = arith.constant 0 : i32
        %dma_wait3A_47 = tpu.memref_slice %arg12[%dma_wait3A] : memref<32768xf32, #tpu.memory_space<vmem>> -> memref<2048xf32, #tpu.memory_space<vmem>>
        %dma_wait3A_48 = tpu.memref_slice %arg7[%mul3A_40] : memref<32768xf32, #tpu.memory_space<hbm>> -> memref<2048xf32, #tpu.memory_space<hbm>>
        %dma_wait3A_49 = tpu.memref_slice %arg7[%mul3A_40] : memref<32768xf32, #tpu.memory_space<hbm>> -> memref<2048xf32, #tpu.memory_space<hbm>>
        %dma_wait3A_50 = arith.constant 0 : i32
        %dma_wait3A_51 = tpu.memref_slice %arg12[%dma_wait3A_50] : memref<32768xf32, #tpu.memory_space<vmem>> -> memref<2048xf32, #tpu.memory_space<vmem>>
        tpu.wait_dma2 semaphore(%run_scoped3A_41 : memref<!tpu.dma_semaphore, #tpu.memory_space<semaphore_mem>>) src(%dma_wait3A_51 : memref<2048xf32, #tpu.memory_space<vmem>>) dst(%dma_wait3A_49 : memref<2048xf32, #tpu.memory_space<hbm>>)
        tpu.yield
      }) : () -> ()
    } else {
    }
    return
  }
}

module attributes {stable_mosaic.version = 14 : i64} {
  func.func @_fwd_body(%arg0: i32, %arg1: memref<4x2048x64xf32, #tpu.memory_space<vmem>>, %arg2: memref<2048x256xf32, #tpu.memory_space<vmem>>, %arg3: memref<512x64xf32, #tpu.memory_space<vmem>>, %arg4: memref<128x16xf32, #tpu.memory_space<vmem>>, %arg5: memref<2048x256xf32, #tpu.memory_space<vmem>>, %arg6: memref<512x2048xf32, #tpu.memory_space<vmem>>, %arg7: memref<128x512xf32, #tpu.memory_space<vmem>>, %arg8: memref<2048x512xf32, #tpu.memory_space<vmem>>, %arg9: memref<2048x128xf32, #tpu.memory_space<vmem>>, %arg10: memref<512x2048xf32, #tpu.memory_space<vmem>>, %arg11: memref<128x512xf32, #tpu.memory_space<vmem>>, %arg12: memref<2048x128xf32, #tpu.memory_space<vmem>>, %arg13: memref<3x64x64xf32, #tpu.memory_space<vmem>>, %arg14: memref<3x2x128x128xf32, #tpu.memory_space<vmem>>, %arg15: memref<3x2x128x128xf32, #tpu.memory_space<vmem>>, %arg16: memref<3x3x128x128xf32, #tpu.memory_space<vmem>>, %arg17: memref<128x64xf32, #tpu.memory_space<vmem>>, %arg18: memref<2x128x64xf32, #tpu.memory_space<vmem>>, %arg19: memref<2x64x64xf32, #tpu.memory_space<vmem>>, %arg20: memref<3x64x64xf32, #tpu.memory_space<vmem>>, %arg21: memref<4x2048x64xf32, #tpu.memory_space<vmem>>) attributes {dimension_semantics = [#tpu.dimension_semantics<arbitrary>], iteration_bounds = array<i64: 4>, scalar_prefetch = 0 : i64, scratch_operands = 0 : i64, tpu.core_type = #tpu.core_type<tc>, window_params = [{transform_indices = @transform_0, window_bounds = array<i64: 4, 2048, 64>}, {pipeline_mode = #tpu.pipeline_mode<synchronous>, transform_indices = @transform_1, window_bounds = array<i64: 2048, 256>}, {pipeline_mode = #tpu.pipeline_mode<synchronous>, transform_indices = @transform_2, window_bounds = array<i64: 512, 64>}, {pipeline_mode = #tpu.pipeline_mode<synchronous>, transform_indices = @transform_3, window_bounds = array<i64: 128, 16>}, {pipeline_mode = #tpu.pipeline_mode<synchronous>, transform_indices = @transform_4, window_bounds = array<i64: 2048, 256>}, {pipeline_mode = #tpu.pipeline_mode<synchronous>, transform_indices = @transform_5, window_bounds = array<i64: 512, 2048>}, {pipeline_mode = #tpu.pipeline_mode<synchronous>, transform_indices = @transform_6, window_bounds = array<i64: 128, 512>}, {pipeline_mode = #tpu.pipeline_mode<synchronous>, transform_indices = @transform_7, window_bounds = array<i64: 2048, 512>}, {pipeline_mode = #tpu.pipeline_mode<synchronous>, transform_indices = @transform_8, window_bounds = array<i64: 2048, 128>}, {pipeline_mode = #tpu.pipeline_mode<synchronous>, transform_indices = @transform_9, window_bounds = array<i64: 512, 2048>}, {pipeline_mode = #tpu.pipeline_mode<synchronous>, transform_indices = @transform_10, window_bounds = array<i64: 128, 512>}, {pipeline_mode = #tpu.pipeline_mode<synchronous>, transform_indices = @transform_11, window_bounds = array<i64: 2048, 128>}, {pipeline_mode = #tpu.pipeline_mode<synchronous>, transform_indices = @transform_12, window_bounds = array<i64: 3, 64, 64>}, {pipeline_mode = #tpu.pipeline_mode<synchronous>, transform_indices = @transform_13, window_bounds = array<i64: 3, 2, 128, 128>}, {pipeline_mode = #tpu.pipeline_mode<synchronous>, transform_indices = @transform_14, window_bounds = array<i64: 3, 2, 128, 128>}, {pipeline_mode = #tpu.pipeline_mode<synchronous>, transform_indices = @transform_15, window_bounds = array<i64: 3, 3, 128, 128>}, {pipeline_mode = #tpu.pipeline_mode<synchronous>, transform_indices = @transform_16, window_bounds = array<i64: 128, 64>}, {pipeline_mode = #tpu.pipeline_mode<synchronous>, transform_indices = @transform_17, window_bounds = array<i64: 2, 128, 64>}, {pipeline_mode = #tpu.pipeline_mode<synchronous>, transform_indices = @transform_18, window_bounds = array<i64: 2, 64, 64>}, {pipeline_mode = #tpu.pipeline_mode<synchronous>, transform_indices = @transform_19, window_bounds = array<i64: 3, 64, 64>}, {transform_indices = @transform_20, window_bounds = array<i64: 4, 2048, 64>}]} {
    %get3A = arith.constant 0 : index
    %get3A_0 = arith.constant 0 : index
    %get3A_1 = vector.load %arg12[%get3A, %get3A_0] : memref<2048x128xf32, #tpu.memory_space<vmem>>, vector<2048x128xf32>
    %get3A_2 = arith.constant 0 : index
    %get3A_3 = arith.constant 0 : index
    %get3A_4 = arith.constant 0 : index
    %get3A_5 = vector.load %arg1[%get3A_2, %get3A_3, %get3A_4] : memref<4x2048x64xf32, #tpu.memory_space<vmem>>, vector<1x2048x64xf32>
    %get3A_6 = vector.shape_cast %get3A_5 : vector<1x2048x64xf32> to vector<2048x64xf32>
    %get3A_7 = arith.constant 0 : index
    %get3A_8 = arith.constant 0 : index
    %get3A_9 = arith.constant 0 : index
    %get3A_10 = vector.load %arg13[%get3A_7, %get3A_8, %get3A_9] : memref<3x64x64xf32, #tpu.memory_space<vmem>>, vector<1x64x64xf32>
    %get3A_11 = vector.shape_cast %get3A_10 : vector<1x64x64xf32> to vector<64x64xf32>
    %dot_general3A = arith.constant dense<0.000000e+00> : vector<2048x64xf32>
    %dot_general3A_12 = tpu.matmul %get3A_6, %get3A_11, %dot_general3A {dimension_numbers = #tpu.dot_dimension_numbers<[1], [0], [0], [1], [0, 0, 1, 1], [], []>, transpose_lhs_hint = false} : vector<2048x64xf32>, vector<64x64xf32>, vector<2048x64xf32> -> vector<2048x64xf32>
    %get3A_13 = arith.constant 0 : index
    %get3A_14 = arith.constant 0 : index
    %get3A_15 = vector.load %arg6[%get3A_13, %get3A_14] : memref<512x2048xf32, #tpu.memory_space<vmem>>, vector<512x2048xf32>
    %dot_general3A_16 = arith.constant dense<0.000000e+00> : vector<512x64xf32>
    %dot_general3A_17 = tpu.matmul %get3A_15, %dot_general3A_12, %dot_general3A_16 {dimension_numbers = #tpu.dot_dimension_numbers<[1], [0], [0], [1], [0, 0, 1, 1], [], []>, transpose_lhs_hint = false} : vector<512x2048xf32>, vector<2048x64xf32>, vector<512x64xf32> -> vector<512x64xf32>
    %get3A_18 = arith.constant 1 : index
    %get3A_19 = arith.constant 0 : index
    %get3A_20 = arith.constant 0 : index
    %get3A_21 = vector.load %arg13[%get3A_18, %get3A_19, %get3A_20] : memref<3x64x64xf32, #tpu.memory_space<vmem>>, vector<1x64x64xf32>
    %get3A_22 = vector.shape_cast %get3A_21 : vector<1x64x64xf32> to vector<64x64xf32>
    %dot_general3A_23 = arith.constant dense<0.000000e+00> : vector<512x64xf32>
    %dot_general3A_24 = tpu.matmul %dot_general3A_17, %get3A_22, %dot_general3A_23 {dimension_numbers = #tpu.dot_dimension_numbers<[1], [0], [0], [1], [0, 0, 1, 1], [], []>, transpose_lhs_hint = false} : vector<512x64xf32>, vector<64x64xf32>, vector<512x64xf32> -> vector<512x64xf32>
    %get3A_25 = arith.constant 0 : index
    %get3A_26 = arith.constant 0 : index
    %get3A_27 = vector.load %arg7[%get3A_25, %get3A_26] : memref<128x512xf32, #tpu.memory_space<vmem>>, vector<128x512xf32>
    %dot_general3A_28 = arith.constant dense<0.000000e+00> : vector<128x64xf32>
    %dot_general3A_29 = tpu.matmul %get3A_27, %dot_general3A_24, %dot_general3A_28 {dimension_numbers = #tpu.dot_dimension_numbers<[1], [0], [0], [1], [0, 0, 1, 1], [], []>, transpose_lhs_hint = false} : vector<128x512xf32>, vector<512x64xf32>, vector<128x64xf32> -> vector<128x64xf32>
    %get3A_30 = arith.constant 2 : index
    %get3A_31 = arith.constant 0 : index
    %get3A_32 = arith.constant 0 : index
    %get3A_33 = vector.load %arg13[%get3A_30, %get3A_31, %get3A_32] : memref<3x64x64xf32, #tpu.memory_space<vmem>>, vector<1x64x64xf32>
    %get3A_34 = vector.shape_cast %get3A_33 : vector<1x64x64xf32> to vector<64x64xf32>
    %dot_general3A_35 = arith.constant dense<0.000000e+00> : vector<128x64xf32>
    %dot_general3A_36 = tpu.matmul %dot_general3A_29, %get3A_34, %dot_general3A_35 {dimension_numbers = #tpu.dot_dimension_numbers<[1], [0], [0], [1], [0, 0, 1, 1], [], []>, transpose_lhs_hint = false} : vector<128x64xf32>, vector<64x64xf32>, vector<128x64xf32> -> vector<128x64xf32>
    %get3A_37 = arith.constant 0 : index
    %get3A_38 = arith.constant 0 : index
    %get3A_39 = vector.load %arg10[%get3A_37, %get3A_38] : memref<512x2048xf32, #tpu.memory_space<vmem>>, vector<512x2048xf32>
    %dot_general3A_40 = arith.constant dense<0.000000e+00> : vector<512x64xf32>
    %dot_general3A_41 = tpu.matmul %get3A_39, %get3A_6, %dot_general3A_40 {dimension_numbers = #tpu.dot_dimension_numbers<[1], [0], [0], [1], [0, 0, 1, 1], [], []>, transpose_lhs_hint = false} : vector<512x2048xf32>, vector<2048x64xf32>, vector<512x64xf32> -> vector<512x64xf32>
    %get3A_42 = arith.constant 0 : index
    %get3A_43 = arith.constant 0 : index
    %get3A_44 = vector.load %arg11[%get3A_42, %get3A_43] : memref<128x512xf32, #tpu.memory_space<vmem>>, vector<128x512xf32>
    %dot_general3A_45 = arith.constant dense<0.000000e+00> : vector<128x64xf32>
    %dot_general3A_46 = tpu.matmul %get3A_44, %dot_general3A_41, %dot_general3A_45 {dimension_numbers = #tpu.dot_dimension_numbers<[1], [0], [0], [1], [0, 0, 1, 1], [], []>, transpose_lhs_hint = false} : vector<128x512xf32>, vector<512x64xf32>, vector<128x64xf32> -> vector<128x64xf32>
    %concatenate3A = tpu.concatenate %dot_general3A_12, %get3A_6 in 1 : vector<2048x64xf32>, vector<2048x64xf32> -> vector<2048x128xf32>
    %add3A = arith.addf %concatenate3A, %get3A_1 : vector<2048x128xf32>
    %get3A_47 = arith.constant 0 : index
    %get3A_48 = arith.constant 0 : index
    %get3A_49 = vector.load %arg2[%get3A_47, %get3A_48] : memref<2048x256xf32, #tpu.memory_space<vmem>>, vector<2048x256xf32>
    %dot_general3A_50 = arith.constant dense<0.000000e+00> : vector<256x128xf32>
    %dot_general3A_51 = tpu.matmul %get3A_49, %add3A, %dot_general3A_50 {dimension_numbers = #tpu.dot_dimension_numbers<[0], [0], [1], [1], [0, 1, 1, 1], [], []>, transpose_lhs_hint = false} : vector<2048x256xf32>, vector<2048x128xf32>, vector<256x128xf32> -> vector<256x128xf32>
    %get3A_52 = arith.constant 0 : index
    %get3A_53 = arith.constant 0 : index
    %get3A_54 = arith.constant 0 : index
    %get3A_55 = arith.constant 0 : index
    %get3A_56 = vector.load %arg14[%get3A_52, %get3A_53, %get3A_54, %get3A_55] : memref<3x2x128x128xf32, #tpu.memory_space<vmem>>, vector<1x1x128x128xf32>
    %get3A_57 = vector.shape_cast %get3A_56 : vector<1x1x128x128xf32> to vector<128x128xf32>
    %get3A_58 = arith.constant 0 : index
    %get3A_59 = arith.constant 1 : index
    %get3A_60 = arith.constant 0 : index
    %get3A_61 = arith.constant 0 : index
    %get3A_62 = vector.load %arg14[%get3A_58, %get3A_59, %get3A_60, %get3A_61] : memref<3x2x128x128xf32, #tpu.memory_space<vmem>>, vector<1x1x128x128xf32>
    %get3A_63 = vector.shape_cast %get3A_62 : vector<1x1x128x128xf32> to vector<128x128xf32>
    %add3A_64 = arith.addf %get3A_57, %get3A_63 : vector<128x128xf32>
    %mul3A = arith.constant 5.000000e-01 : f32
    %mul3A_65 = vector.broadcast %mul3A : f32 to vector<128x128xf32>
    %mul3A_66 = arith.mulf %add3A_64, %mul3A_65 : vector<128x128xf32>
    %get3A_67 = arith.constant 0 : index
    %get3A_68 = arith.constant 0 : index
    %get3A_69 = arith.constant 0 : index
    %get3A_70 = arith.constant 0 : index
    %get3A_71 = vector.load %arg15[%get3A_67, %get3A_68, %get3A_69, %get3A_70] : memref<3x2x128x128xf32, #tpu.memory_space<vmem>>, vector<1x1x128x128xf32>
    %get3A_72 = vector.shape_cast %get3A_71 : vector<1x1x128x128xf32> to vector<128x128xf32>
    %get3A_73 = arith.constant 0 : index
    %get3A_74 = arith.constant 1 : index
    %get3A_75 = arith.constant 0 : index
    %get3A_76 = arith.constant 0 : index
    %get3A_77 = vector.load %arg15[%get3A_73, %get3A_74, %get3A_75, %get3A_76] : memref<3x2x128x128xf32, #tpu.memory_space<vmem>>, vector<1x1x128x128xf32>
    %get3A_78 = vector.shape_cast %get3A_77 : vector<1x1x128x128xf32> to vector<128x128xf32>
    %add3A_79 = arith.addf %get3A_72, %get3A_78 : vector<128x128xf32>
    %mul3A_80 = arith.constant 5.000000e-01 : f32
    %mul3A_81 = vector.broadcast %mul3A_80 : f32 to vector<128x128xf32>
    %mul3A_82 = arith.mulf %add3A_79, %mul3A_81 : vector<128x128xf32>
    %reduce_sum3A = arith.constant dense<0.000000e+00> : vector<2048xf32>
    %reduce_sum3A_83 = vector.multi_reduction <add>, %get3A_49, %reduce_sum3A [1] : vector<2048x256xf32> to vector<2048xf32>
    %broadcast_in_dim3A = vector.shape_cast %reduce_sum3A_83 : vector<2048xf32> to vector<2048x1xf32>
    %jit3A = arith.constant 1.000000e+00 : f32
    %max3A = vector.broadcast %jit3A : f32 to vector<2048x1xf32>
    %max3A_84 = arith.maximumf %max3A, %broadcast_in_dim3A : vector<2048x1xf32>
    %dot_general3A_85 = arith.constant dense<0.000000e+00> : vector<256x128xf32>
    %dot_general3A_86 = tpu.matmul %dot_general3A_51, %mul3A_66, %dot_general3A_85 {dimension_numbers = #tpu.dot_dimension_numbers<[1], [0], [0], [1], [0, 0, 1, 1], [], []>, transpose_lhs_hint = false} : vector<256x128xf32>, vector<128x128xf32>, vector<256x128xf32> -> vector<256x128xf32>
    %dot_general3A_87 = arith.constant dense<0.000000e+00> : vector<2048x128xf32>
    %dot_general3A_88 = tpu.matmul %get3A_49, %dot_general3A_86, %dot_general3A_87 {dimension_numbers = #tpu.dot_dimension_numbers<[1], [0], [0], [1], [0, 0, 1, 1], [], []>, transpose_lhs_hint = false} : vector<2048x256xf32>, vector<256x128xf32>, vector<2048x128xf32> -> vector<2048x128xf32>
    %div3A = vector.broadcast %max3A_84 : vector<2048x1xf32> to vector<2048x128xf32>
    %div3A_89 = arith.divf %dot_general3A_88, %div3A : vector<2048x128xf32>
    %dot_general3A_90 = arith.constant dense<0.000000e+00> : vector<2048x128xf32>
    %dot_general3A_91 = tpu.matmul %add3A, %mul3A_82, %dot_general3A_90 {dimension_numbers = #tpu.dot_dimension_numbers<[1], [0], [0], [1], [0, 0, 1, 1], [], []>, transpose_lhs_hint = false} : vector<2048x128xf32>, vector<128x128xf32>, vector<2048x128xf32> -> vector<2048x128xf32>
    %add3A_92 = arith.addf %div3A_89, %dot_general3A_91 : vector<2048x128xf32>
    %add3A_93 = arith.addf %add3A_92, %add3A : vector<2048x128xf32>
    %slice3A = vector.extract_strided_slice %add3A_93 {offsets = [0, 0], sizes = [1, 128], strides = [1, 1]} : vector<2048x128xf32> to vector<1x128xf32>
    %broadcast_in_dim3A_94 = vector.shape_cast %slice3A : vector<1x128xf32> to vector<1x128xf32>
    %broadcast_in_dim3A_95 = vector.broadcast %broadcast_in_dim3A_94 : vector<1x128xf32> to vector<12x128xf32>
    %slice3A_96 = vector.extract_strided_slice %add3A_93 {offsets = [2047, 0], sizes = [1, 128], strides = [1, 1]} : vector<2048x128xf32> to vector<1x128xf32>
    %broadcast_in_dim3A_97 = vector.shape_cast %slice3A_96 : vector<1x128xf32> to vector<1x128xf32>
    %broadcast_in_dim3A_98 = vector.broadcast %broadcast_in_dim3A_97 : vector<1x128xf32> to vector<12x128xf32>
    %concatenate3A_99 = tpu.concatenate %broadcast_in_dim3A_95, %add3A_93, %broadcast_in_dim3A_98 in 0 : vector<12x128xf32>, vector<2048x128xf32>, vector<12x128xf32> -> vector<2072x128xf32>
    %slice3A_100 = vector.extract_strided_slice %concatenate3A_99 {offsets = [0, 0], sizes = [2071, 128], strides = [1, 1]} : vector<2072x128xf32> to vector<2071x128xf32>
    %slice3A_101 = vector.extract_strided_slice %concatenate3A_99 {offsets = [1, 0], sizes = [2071, 128], strides = [1, 1]} : vector<2072x128xf32> to vector<2071x128xf32>
    %add3A_102 = arith.addf %slice3A_100, %slice3A_101 : vector<2071x128xf32>
    %slice3A_103 = vector.extract_strided_slice %add3A_102 {offsets = [0, 0], sizes = [2069, 128], strides = [1, 1]} : vector<2071x128xf32> to vector<2069x128xf32>
    %slice3A_104 = vector.extract_strided_slice %add3A_102 {offsets = [2, 0], sizes = [2069, 128], strides = [1, 1]} : vector<2071x128xf32> to vector<2069x128xf32>
    %add3A_105 = arith.addf %slice3A_103, %slice3A_104 : vector<2069x128xf32>
    %slice3A_106 = vector.extract_strided_slice %add3A_105 {offsets = [0, 0], sizes = [2065, 128], strides = [1, 1]} : vector<2069x128xf32> to vector<2065x128xf32>
    %slice3A_107 = vector.extract_strided_slice %add3A_105 {offsets = [4, 0], sizes = [2065, 128], strides = [1, 1]} : vector<2069x128xf32> to vector<2065x128xf32>
    %add3A_108 = arith.addf %slice3A_106, %slice3A_107 : vector<2065x128xf32>
    %slice3A_109 = vector.extract_strided_slice %add3A_108 {offsets = [0, 0], sizes = [2057, 128], strides = [1, 1]} : vector<2065x128xf32> to vector<2057x128xf32>
    %slice3A_110 = vector.extract_strided_slice %add3A_108 {offsets = [8, 0], sizes = [2057, 128], strides = [1, 1]} : vector<2065x128xf32> to vector<2057x128xf32>
    %add3A_111 = arith.addf %slice3A_109, %slice3A_110 : vector<2057x128xf32>
    %slice3A_112 = vector.extract_strided_slice %add3A_111 {offsets = [0, 0], sizes = [2049, 128], strides = [1, 1]} : vector<2057x128xf32> to vector<2049x128xf32>
    %slice3A_113 = vector.extract_strided_slice %add3A_108 {offsets = [16, 0], sizes = [2049, 128], strides = [1, 1]} : vector<2065x128xf32> to vector<2049x128xf32>
    %add3A_114 = arith.addf %slice3A_112, %slice3A_113 : vector<2049x128xf32>
    %slice3A_115 = vector.extract_strided_slice %add3A_114 {offsets = [0, 0], sizes = [2048, 128], strides = [1, 1]} : vector<2049x128xf32> to vector<2048x128xf32>
    %slice3A_116 = vector.extract_strided_slice %concatenate3A_99 {offsets = [24, 0], sizes = [2048, 128], strides = [1, 1]} : vector<2072x128xf32> to vector<2048x128xf32>
    %add3A_117 = arith.addf %slice3A_115, %slice3A_116 : vector<2048x128xf32>
    %mul3A_118 = arith.constant 4.000000e-02 : f32
    %mul3A_119 = vector.broadcast %mul3A_118 : f32 to vector<2048x128xf32>
    %mul3A_120 = arith.mulf %add3A_117, %mul3A_119 : vector<2048x128xf32>
    %get3A_121 = arith.constant 0 : index
    %get3A_122 = arith.constant 0 : index
    %get3A_123 = arith.constant 0 : index
    %get3A_124 = arith.constant 0 : index
    %get3A_125 = vector.load %arg16[%get3A_121, %get3A_122, %get3A_123, %get3A_124] : memref<3x3x128x128xf32, #tpu.memory_space<vmem>>, vector<1x1x128x128xf32>
    %get3A_126 = vector.shape_cast %get3A_125 : vector<1x1x128x128xf32> to vector<128x128xf32>
    %dot_general3A_127 = arith.constant dense<0.000000e+00> : vector<2048x128xf32>
    %dot_general3A_128 = tpu.matmul %add3A, %get3A_126, %dot_general3A_127 {dimension_numbers = #tpu.dot_dimension_numbers<[1], [0], [0], [1], [0, 0, 1, 1], [], []>, transpose_lhs_hint = false} : vector<2048x128xf32>, vector<128x128xf32>, vector<2048x128xf32> -> vector<2048x128xf32>
    %sub3A = arith.subf %add3A_93, %mul3A_120 : vector<2048x128xf32>
    %get3A_129 = arith.constant 0 : index
    %get3A_130 = arith.constant 1 : index
    %get3A_131 = arith.constant 0 : index
    %get3A_132 = arith.constant 0 : index
    %get3A_133 = vector.load %arg16[%get3A_129, %get3A_130, %get3A_131, %get3A_132] : memref<3x3x128x128xf32, #tpu.memory_space<vmem>>, vector<1x1x128x128xf32>
    %get3A_134 = vector.shape_cast %get3A_133 : vector<1x1x128x128xf32> to vector<128x128xf32>
    %dot_general3A_135 = arith.constant dense<0.000000e+00> : vector<2048x128xf32>
    %dot_general3A_136 = tpu.matmul %sub3A, %get3A_134, %dot_general3A_135 {dimension_numbers = #tpu.dot_dimension_numbers<[1], [0], [0], [1], [0, 0, 1, 1], [], []>, transpose_lhs_hint = false} : vector<2048x128xf32>, vector<128x128xf32>, vector<2048x128xf32> -> vector<2048x128xf32>
    %add3A_137 = arith.addf %dot_general3A_128, %dot_general3A_136 : vector<2048x128xf32>
    %get3A_138 = arith.constant 0 : index
    %get3A_139 = arith.constant 2 : index
    %get3A_140 = arith.constant 0 : index
    %get3A_141 = arith.constant 0 : index
    %get3A_142 = vector.load %arg16[%get3A_138, %get3A_139, %get3A_140, %get3A_141] : memref<3x3x128x128xf32, #tpu.memory_space<vmem>>, vector<1x1x128x128xf32>
    %get3A_143 = vector.shape_cast %get3A_142 : vector<1x1x128x128xf32> to vector<128x128xf32>
    %dot_general3A_144 = arith.constant dense<0.000000e+00> : vector<2048x128xf32>
    %dot_general3A_145 = tpu.matmul %mul3A_120, %get3A_143, %dot_general3A_144 {dimension_numbers = #tpu.dot_dimension_numbers<[1], [0], [0], [1], [0, 0, 1, 1], [], []>, transpose_lhs_hint = false} : vector<2048x128xf32>, vector<128x128xf32>, vector<2048x128xf32> -> vector<2048x128xf32>
    %add3A_146 = arith.addf %add3A_137, %dot_general3A_145 : vector<2048x128xf32>
    %concatenate3A_147 = tpu.concatenate %dot_general3A_24, %dot_general3A_41 in 1 : vector<512x64xf32>, vector<512x64xf32> -> vector<512x128xf32>
    %slice3A_148 = vector.extract_strided_slice %get3A_1 {offsets = [0, 0], sizes = [512, 128], strides = [1, 1]} : vector<2048x128xf32> to vector<512x128xf32>
    %add3A_149 = arith.addf %concatenate3A_147, %slice3A_148 : vector<512x128xf32>
    %get3A_150 = arith.constant 0 : index
    %get3A_151 = arith.constant 0 : index
    %get3A_152 = vector.load %arg3[%get3A_150, %get3A_151] : memref<512x64xf32, #tpu.memory_space<vmem>>, vector<512x64xf32>
    %dot_general3A_153 = arith.constant dense<0.000000e+00> : vector<64x128xf32>
    %dot_general3A_154 = tpu.matmul %get3A_152, %add3A_149, %dot_general3A_153 {dimension_numbers = #tpu.dot_dimension_numbers<[0], [0], [1], [1], [0, 1, 1, 1], [], []>, transpose_lhs_hint = false} : vector<512x64xf32>, vector<512x128xf32>, vector<64x128xf32> -> vector<64x128xf32>
    %get3A_155 = arith.constant 1 : index
    %get3A_156 = arith.constant 0 : index
    %get3A_157 = arith.constant 0 : index
    %get3A_158 = arith.constant 0 : index
    %get3A_159 = vector.load %arg14[%get3A_155, %get3A_156, %get3A_157, %get3A_158] : memref<3x2x128x128xf32, #tpu.memory_space<vmem>>, vector<1x1x128x128xf32>
    %get3A_160 = vector.shape_cast %get3A_159 : vector<1x1x128x128xf32> to vector<128x128xf32>
    %get3A_161 = arith.constant 1 : index
    %get3A_162 = arith.constant 1 : index
    %get3A_163 = arith.constant 0 : index
    %get3A_164 = arith.constant 0 : index
    %get3A_165 = vector.load %arg14[%get3A_161, %get3A_162, %get3A_163, %get3A_164] : memref<3x2x128x128xf32, #tpu.memory_space<vmem>>, vector<1x1x128x128xf32>
    %get3A_166 = vector.shape_cast %get3A_165 : vector<1x1x128x128xf32> to vector<128x128xf32>
    %add3A_167 = arith.addf %get3A_160, %get3A_166 : vector<128x128xf32>
    %mul3A_168 = arith.constant 5.000000e-01 : f32
    %mul3A_169 = vector.broadcast %mul3A_168 : f32 to vector<128x128xf32>
    %mul3A_170 = arith.mulf %add3A_167, %mul3A_169 : vector<128x128xf32>
    %get3A_171 = arith.constant 1 : index
    %get3A_172 = arith.constant 0 : index
    %get3A_173 = arith.constant 0 : index
    %get3A_174 = arith.constant 0 : index
    %get3A_175 = vector.load %arg15[%get3A_171, %get3A_172, %get3A_173, %get3A_174] : memref<3x2x128x128xf32, #tpu.memory_space<vmem>>, vector<1x1x128x128xf32>
    %get3A_176 = vector.shape_cast %get3A_175 : vector<1x1x128x128xf32> to vector<128x128xf32>
    %get3A_177 = arith.constant 1 : index
    %get3A_178 = arith.constant 1 : index
    %get3A_179 = arith.constant 0 : index
    %get3A_180 = arith.constant 0 : index
    %get3A_181 = vector.load %arg15[%get3A_177, %get3A_178, %get3A_179, %get3A_180] : memref<3x2x128x128xf32, #tpu.memory_space<vmem>>, vector<1x1x128x128xf32>
    %get3A_182 = vector.shape_cast %get3A_181 : vector<1x1x128x128xf32> to vector<128x128xf32>
    %add3A_183 = arith.addf %get3A_176, %get3A_182 : vector<128x128xf32>
    %mul3A_184 = arith.constant 5.000000e-01 : f32
    %mul3A_185 = vector.broadcast %mul3A_184 : f32 to vector<128x128xf32>
    %mul3A_186 = arith.mulf %add3A_183, %mul3A_185 : vector<128x128xf32>
    %reduce_sum3A_187 = arith.constant dense<0.000000e+00> : vector<512xf32>
    %reduce_sum3A_188 = vector.multi_reduction <add>, %get3A_152, %reduce_sum3A_187 [1] : vector<512x64xf32> to vector<512xf32>
    %broadcast_in_dim3A_189 = vector.shape_cast %reduce_sum3A_188 : vector<512xf32> to vector<512x1xf32>
    %jit3A_190 = arith.constant 1.000000e+00 : f32
    %max3A_191 = vector.broadcast %jit3A_190 : f32 to vector<512x1xf32>
    %max3A_192 = arith.maximumf %max3A_191, %broadcast_in_dim3A_189 : vector<512x1xf32>
    %dot_general3A_193 = arith.constant dense<0.000000e+00> : vector<64x128xf32>
    %dot_general3A_194 = tpu.matmul %dot_general3A_154, %mul3A_170, %dot_general3A_193 {dimension_numbers = #tpu.dot_dimension_numbers<[1], [0], [0], [1], [0, 0, 1, 1], [], []>, transpose_lhs_hint = false} : vector<64x128xf32>, vector<128x128xf32>, vector<64x128xf32> -> vector<64x128xf32>
    %dot_general3A_195 = arith.constant dense<0.000000e+00> : vector<512x128xf32>
    %dot_general3A_196 = tpu.matmul %get3A_152, %dot_general3A_194, %dot_general3A_195 {dimension_numbers = #tpu.dot_dimension_numbers<[1], [0], [0], [1], [0, 0, 1, 1], [], []>, transpose_lhs_hint = false} : vector<512x64xf32>, vector<64x128xf32>, vector<512x128xf32> -> vector<512x128xf32>
    %div3A_197 = vector.broadcast %max3A_192 : vector<512x1xf32> to vector<512x128xf32>
    %div3A_198 = arith.divf %dot_general3A_196, %div3A_197 : vector<512x128xf32>
    %dot_general3A_199 = arith.constant dense<0.000000e+00> : vector<512x128xf32>
    %dot_general3A_200 = tpu.matmul %add3A_149, %mul3A_186, %dot_general3A_199 {dimension_numbers = #tpu.dot_dimension_numbers<[1], [0], [0], [1], [0, 0, 1, 1], [], []>, transpose_lhs_hint = false} : vector<512x128xf32>, vector<128x128xf32>, vector<512x128xf32> -> vector<512x128xf32>
    %add3A_201 = arith.addf %div3A_198, %dot_general3A_200 : vector<512x128xf32>
    %add3A_202 = arith.addf %add3A_201, %add3A_149 : vector<512x128xf32>
    %slice3A_203 = vector.extract_strided_slice %add3A_202 {offsets = [0, 0], sizes = [1, 128], strides = [1, 1]} : vector<512x128xf32> to vector<1x128xf32>
    %broadcast_in_dim3A_204 = vector.shape_cast %slice3A_203 : vector<1x128xf32> to vector<1x128xf32>
    %broadcast_in_dim3A_205 = vector.broadcast %broadcast_in_dim3A_204 : vector<1x128xf32> to vector<12x128xf32>
    %slice3A_206 = vector.extract_strided_slice %add3A_202 {offsets = [511, 0], sizes = [1, 128], strides = [1, 1]} : vector<512x128xf32> to vector<1x128xf32>
    %broadcast_in_dim3A_207 = vector.shape_cast %slice3A_206 : vector<1x128xf32> to vector<1x128xf32>
    %broadcast_in_dim3A_208 = vector.broadcast %broadcast_in_dim3A_207 : vector<1x128xf32> to vector<12x128xf32>
    %concatenate3A_209 = tpu.concatenate %broadcast_in_dim3A_205, %add3A_202, %broadcast_in_dim3A_208 in 0 : vector<12x128xf32>, vector<512x128xf32>, vector<12x128xf32> -> vector<536x128xf32>
    %slice3A_210 = vector.extract_strided_slice %concatenate3A_209 {offsets = [0, 0], sizes = [535, 128], strides = [1, 1]} : vector<536x128xf32> to vector<535x128xf32>
    %slice3A_211 = vector.extract_strided_slice %concatenate3A_209 {offsets = [1, 0], sizes = [535, 128], strides = [1, 1]} : vector<536x128xf32> to vector<535x128xf32>
    %add3A_212 = arith.addf %slice3A_210, %slice3A_211 : vector<535x128xf32>
    %slice3A_213 = vector.extract_strided_slice %add3A_212 {offsets = [0, 0], sizes = [533, 128], strides = [1, 1]} : vector<535x128xf32> to vector<533x128xf32>
    %slice3A_214 = vector.extract_strided_slice %add3A_212 {offsets = [2, 0], sizes = [533, 128], strides = [1, 1]} : vector<535x128xf32> to vector<533x128xf32>
    %add3A_215 = arith.addf %slice3A_213, %slice3A_214 : vector<533x128xf32>
    %slice3A_216 = vector.extract_strided_slice %add3A_215 {offsets = [0, 0], sizes = [529, 128], strides = [1, 1]} : vector<533x128xf32> to vector<529x128xf32>
    %slice3A_217 = vector.extract_strided_slice %add3A_215 {offsets = [4, 0], sizes = [529, 128], strides = [1, 1]} : vector<533x128xf32> to vector<529x128xf32>
    %add3A_218 = arith.addf %slice3A_216, %slice3A_217 : vector<529x128xf32>
    %slice3A_219 = vector.extract_strided_slice %add3A_218 {offsets = [0, 0], sizes = [521, 128], strides = [1, 1]} : vector<529x128xf32> to vector<521x128xf32>
    %slice3A_220 = vector.extract_strided_slice %add3A_218 {offsets = [8, 0], sizes = [521, 128], strides = [1, 1]} : vector<529x128xf32> to vector<521x128xf32>
    %add3A_221 = arith.addf %slice3A_219, %slice3A_220 : vector<521x128xf32>
    %slice3A_222 = vector.extract_strided_slice %add3A_221 {offsets = [0, 0], sizes = [513, 128], strides = [1, 1]} : vector<521x128xf32> to vector<513x128xf32>
    %slice3A_223 = vector.extract_strided_slice %add3A_218 {offsets = [16, 0], sizes = [513, 128], strides = [1, 1]} : vector<529x128xf32> to vector<513x128xf32>
    %add3A_224 = arith.addf %slice3A_222, %slice3A_223 : vector<513x128xf32>
    %slice3A_225 = vector.extract_strided_slice %add3A_224 {offsets = [0, 0], sizes = [512, 128], strides = [1, 1]} : vector<513x128xf32> to vector<512x128xf32>
    %slice3A_226 = vector.extract_strided_slice %concatenate3A_209 {offsets = [24, 0], sizes = [512, 128], strides = [1, 1]} : vector<536x128xf32> to vector<512x128xf32>
    %add3A_227 = arith.addf %slice3A_225, %slice3A_226 : vector<512x128xf32>
    %mul3A_228 = arith.constant 4.000000e-02 : f32
    %mul3A_229 = vector.broadcast %mul3A_228 : f32 to vector<512x128xf32>
    %mul3A_230 = arith.mulf %add3A_227, %mul3A_229 : vector<512x128xf32>
    %get3A_231 = arith.constant 1 : index
    %get3A_232 = arith.constant 0 : index
    %get3A_233 = arith.constant 0 : index
    %get3A_234 = arith.constant 0 : index
    %get3A_235 = vector.load %arg16[%get3A_231, %get3A_232, %get3A_233, %get3A_234] : memref<3x3x128x128xf32, #tpu.memory_space<vmem>>, vector<1x1x128x128xf32>
    %get3A_236 = vector.shape_cast %get3A_235 : vector<1x1x128x128xf32> to vector<128x128xf32>
    %dot_general3A_237 = arith.constant dense<0.000000e+00> : vector<512x128xf32>
    %dot_general3A_238 = tpu.matmul %add3A_149, %get3A_236, %dot_general3A_237 {dimension_numbers = #tpu.dot_dimension_numbers<[1], [0], [0], [1], [0, 0, 1, 1], [], []>, transpose_lhs_hint = false} : vector<512x128xf32>, vector<128x128xf32>, vector<512x128xf32> -> vector<512x128xf32>
    %sub3A_239 = arith.subf %add3A_202, %mul3A_230 : vector<512x128xf32>
    %get3A_240 = arith.constant 1 : index
    %get3A_241 = arith.constant 1 : index
    %get3A_242 = arith.constant 0 : index
    %get3A_243 = arith.constant 0 : index
    %get3A_244 = vector.load %arg16[%get3A_240, %get3A_241, %get3A_242, %get3A_243] : memref<3x3x128x128xf32, #tpu.memory_space<vmem>>, vector<1x1x128x128xf32>
    %get3A_245 = vector.shape_cast %get3A_244 : vector<1x1x128x128xf32> to vector<128x128xf32>
    %dot_general3A_246 = arith.constant dense<0.000000e+00> : vector<512x128xf32>
    %dot_general3A_247 = tpu.matmul %sub3A_239, %get3A_245, %dot_general3A_246 {dimension_numbers = #tpu.dot_dimension_numbers<[1], [0], [0], [1], [0, 0, 1, 1], [], []>, transpose_lhs_hint = false} : vector<512x128xf32>, vector<128x128xf32>, vector<512x128xf32> -> vector<512x128xf32>
    %add3A_248 = arith.addf %dot_general3A_238, %dot_general3A_247 : vector<512x128xf32>
    %get3A_249 = arith.constant 1 : index
    %get3A_250 = arith.constant 2 : index
    %get3A_251 = arith.constant 0 : index
    %get3A_252 = arith.constant 0 : index
    %get3A_253 = vector.load %arg16[%get3A_249, %get3A_250, %get3A_251, %get3A_252] : memref<3x3x128x128xf32, #tpu.memory_space<vmem>>, vector<1x1x128x128xf32>
    %get3A_254 = vector.shape_cast %get3A_253 : vector<1x1x128x128xf32> to vector<128x128xf32>
    %dot_general3A_255 = arith.constant dense<0.000000e+00> : vector<512x128xf32>
    %dot_general3A_256 = tpu.matmul %mul3A_230, %get3A_254, %dot_general3A_255 {dimension_numbers = #tpu.dot_dimension_numbers<[1], [0], [0], [1], [0, 0, 1, 1], [], []>, transpose_lhs_hint = false} : vector<512x128xf32>, vector<128x128xf32>, vector<512x128xf32> -> vector<512x128xf32>
    %add3A_257 = arith.addf %add3A_248, %dot_general3A_256 : vector<512x128xf32>
    %get3A_258 = arith.constant 0 : index
    %get3A_259 = arith.constant 0 : index
    %get3A_260 = vector.load %arg8[%get3A_258, %get3A_259] : memref<2048x512xf32, #tpu.memory_space<vmem>>, vector<2048x512xf32>
    %dot_general3A_261 = arith.constant dense<0.000000e+00> : vector<2048x128xf32>
    %dot_general3A_262 = tpu.matmul %get3A_260, %add3A_257, %dot_general3A_261 {dimension_numbers = #tpu.dot_dimension_numbers<[1], [0], [0], [1], [0, 0, 1, 1], [], []>, transpose_lhs_hint = false} : vector<2048x512xf32>, vector<512x128xf32>, vector<2048x128xf32> -> vector<2048x128xf32>
    %add3A_263 = arith.addf %add3A_146, %dot_general3A_262 : vector<2048x128xf32>
    %concatenate3A_264 = tpu.concatenate %dot_general3A_36, %dot_general3A_46 in 1 : vector<128x64xf32>, vector<128x64xf32> -> vector<128x128xf32>
    %slice3A_265 = vector.extract_strided_slice %get3A_1 {offsets = [0, 0], sizes = [128, 128], strides = [1, 1]} : vector<2048x128xf32> to vector<128x128xf32>
    %add3A_266 = arith.addf %concatenate3A_264, %slice3A_265 : vector<128x128xf32>
    %get3A_267 = arith.constant 0 : index
    %get3A_268 = arith.constant 0 : index
    %get3A_269 = vector.load %arg4[%get3A_267, %get3A_268] : memref<128x16xf32, #tpu.memory_space<vmem>>, vector<128x16xf32>
    %dot_general3A_270 = arith.constant dense<0.000000e+00> : vector<16x128xf32>
    %dot_general3A_271 = tpu.matmul %get3A_269, %add3A_266, %dot_general3A_270 {dimension_numbers = #tpu.dot_dimension_numbers<[0], [0], [1], [1], [0, 1, 1, 1], [], []>, transpose_lhs_hint = false} : vector<128x16xf32>, vector<128x128xf32>, vector<16x128xf32> -> vector<16x128xf32>
    %get3A_272 = arith.constant 2 : index
    %get3A_273 = arith.constant 0 : index
    %get3A_274 = arith.constant 0 : index
    %get3A_275 = arith.constant 0 : index
    %get3A_276 = vector.load %arg14[%get3A_272, %get3A_273, %get3A_274, %get3A_275] : memref<3x2x128x128xf32, #tpu.memory_space<vmem>>, vector<1x1x128x128xf32>
    %get3A_277 = vector.shape_cast %get3A_276 : vector<1x1x128x128xf32> to vector<128x128xf32>
    %get3A_278 = arith.constant 2 : index
    %get3A_279 = arith.constant 1 : index
    %get3A_280 = arith.constant 0 : index
    %get3A_281 = arith.constant 0 : index
    %get3A_282 = vector.load %arg14[%get3A_278, %get3A_279, %get3A_280, %get3A_281] : memref<3x2x128x128xf32, #tpu.memory_space<vmem>>, vector<1x1x128x128xf32>
    %get3A_283 = vector.shape_cast %get3A_282 : vector<1x1x128x128xf32> to vector<128x128xf32>
    %add3A_284 = arith.addf %get3A_277, %get3A_283 : vector<128x128xf32>
    %mul3A_285 = arith.constant 5.000000e-01 : f32
    %mul3A_286 = vector.broadcast %mul3A_285 : f32 to vector<128x128xf32>
    %mul3A_287 = arith.mulf %add3A_284, %mul3A_286 : vector<128x128xf32>
    %get3A_288 = arith.constant 2 : index
    %get3A_289 = arith.constant 0 : index
    %get3A_290 = arith.constant 0 : index
    %get3A_291 = arith.constant 0 : index
    %get3A_292 = vector.load %arg15[%get3A_288, %get3A_289, %get3A_290, %get3A_291] : memref<3x2x128x128xf32, #tpu.memory_space<vmem>>, vector<1x1x128x128xf32>
    %get3A_293 = vector.shape_cast %get3A_292 : vector<1x1x128x128xf32> to vector<128x128xf32>
    %get3A_294 = arith.constant 2 : index
    %get3A_295 = arith.constant 1 : index
    %get3A_296 = arith.constant 0 : index
    %get3A_297 = arith.constant 0 : index
    %get3A_298 = vector.load %arg15[%get3A_294, %get3A_295, %get3A_296, %get3A_297] : memref<3x2x128x128xf32, #tpu.memory_space<vmem>>, vector<1x1x128x128xf32>
    %get3A_299 = vector.shape_cast %get3A_298 : vector<1x1x128x128xf32> to vector<128x128xf32>
    %add3A_300 = arith.addf %get3A_293, %get3A_299 : vector<128x128xf32>
    %mul3A_301 = arith.constant 5.000000e-01 : f32
    %mul3A_302 = vector.broadcast %mul3A_301 : f32 to vector<128x128xf32>
    %mul3A_303 = arith.mulf %add3A_300, %mul3A_302 : vector<128x128xf32>
    %reduce_sum3A_304 = arith.constant dense<0.000000e+00> : vector<128xf32>
    %reduce_sum3A_305 = vector.multi_reduction <add>, %get3A_269, %reduce_sum3A_304 [1] : vector<128x16xf32> to vector<128xf32>
    %broadcast_in_dim3A_306 = vector.shape_cast %reduce_sum3A_305 : vector<128xf32> to vector<128x1xf32>
    %jit3A_307 = arith.constant 1.000000e+00 : f32
    %max3A_308 = vector.broadcast %jit3A_307 : f32 to vector<128x1xf32>
    %max3A_309 = arith.maximumf %max3A_308, %broadcast_in_dim3A_306 : vector<128x1xf32>
    %dot_general3A_310 = arith.constant dense<0.000000e+00> : vector<16x128xf32>
    %dot_general3A_311 = tpu.matmul %dot_general3A_271, %mul3A_287, %dot_general3A_310 {dimension_numbers = #tpu.dot_dimension_numbers<[1], [0], [0], [1], [0, 0, 1, 1], [], []>, transpose_lhs_hint = false} : vector<16x128xf32>, vector<128x128xf32>, vector<16x128xf32> -> vector<16x128xf32>
    %dot_general3A_312 = arith.constant dense<0.000000e+00> : vector<128x128xf32>
    %dot_general3A_313 = tpu.matmul %get3A_269, %dot_general3A_311, %dot_general3A_312 {dimension_numbers = #tpu.dot_dimension_numbers<[1], [0], [0], [1], [0, 0, 1, 1], [], []>, transpose_lhs_hint = false} : vector<128x16xf32>, vector<16x128xf32>, vector<128x128xf32> -> vector<128x128xf32>
    %div3A_314 = vector.broadcast %max3A_309 : vector<128x1xf32> to vector<128x128xf32>
    %div3A_315 = arith.divf %dot_general3A_313, %div3A_314 : vector<128x128xf32>
    %dot_general3A_316 = arith.constant dense<0.000000e+00> : vector<128x128xf32>
    %dot_general3A_317 = tpu.matmul %add3A_266, %mul3A_303, %dot_general3A_316 {dimension_numbers = #tpu.dot_dimension_numbers<[1], [0], [0], [1], [0, 0, 1, 1], [], []>, transpose_lhs_hint = false} : vector<128x128xf32>, vector<128x128xf32>, vector<128x128xf32> -> vector<128x128xf32>
    %add3A_318 = arith.addf %div3A_315, %dot_general3A_317 : vector<128x128xf32>
    %add3A_319 = arith.addf %add3A_318, %add3A_266 : vector<128x128xf32>
    %slice3A_320 = vector.extract_strided_slice %add3A_319 {offsets = [0, 0], sizes = [1, 128], strides = [1, 1]} : vector<128x128xf32> to vector<1x128xf32>
    %broadcast_in_dim3A_321 = vector.shape_cast %slice3A_320 : vector<1x128xf32> to vector<1x128xf32>
    %broadcast_in_dim3A_322 = vector.broadcast %broadcast_in_dim3A_321 : vector<1x128xf32> to vector<12x128xf32>
    %slice3A_323 = vector.extract_strided_slice %add3A_319 {offsets = [127, 0], sizes = [1, 128], strides = [1, 1]} : vector<128x128xf32> to vector<1x128xf32>
    %broadcast_in_dim3A_324 = vector.shape_cast %slice3A_323 : vector<1x128xf32> to vector<1x128xf32>
    %broadcast_in_dim3A_325 = vector.broadcast %broadcast_in_dim3A_324 : vector<1x128xf32> to vector<12x128xf32>
    %concatenate3A_326 = tpu.concatenate %broadcast_in_dim3A_322, %add3A_319, %broadcast_in_dim3A_325 in 0 : vector<12x128xf32>, vector<128x128xf32>, vector<12x128xf32> -> vector<152x128xf32>
    %slice3A_327 = vector.extract_strided_slice %concatenate3A_326 {offsets = [0, 0], sizes = [151, 128], strides = [1, 1]} : vector<152x128xf32> to vector<151x128xf32>
    %slice3A_328 = vector.extract_strided_slice %concatenate3A_326 {offsets = [1, 0], sizes = [151, 128], strides = [1, 1]} : vector<152x128xf32> to vector<151x128xf32>
    %add3A_329 = arith.addf %slice3A_327, %slice3A_328 : vector<151x128xf32>
    %slice3A_330 = vector.extract_strided_slice %add3A_329 {offsets = [0, 0], sizes = [149, 128], strides = [1, 1]} : vector<151x128xf32> to vector<149x128xf32>
    %slice3A_331 = vector.extract_strided_slice %add3A_329 {offsets = [2, 0], sizes = [149, 128], strides = [1, 1]} : vector<151x128xf32> to vector<149x128xf32>
    %add3A_332 = arith.addf %slice3A_330, %slice3A_331 : vector<149x128xf32>
    %slice3A_333 = vector.extract_strided_slice %add3A_332 {offsets = [0, 0], sizes = [145, 128], strides = [1, 1]} : vector<149x128xf32> to vector<145x128xf32>
    %slice3A_334 = vector.extract_strided_slice %add3A_332 {offsets = [4, 0], sizes = [145, 128], strides = [1, 1]} : vector<149x128xf32> to vector<145x128xf32>
    %add3A_335 = arith.addf %slice3A_333, %slice3A_334 : vector<145x128xf32>
    %slice3A_336 = vector.extract_strided_slice %add3A_335 {offsets = [0, 0], sizes = [137, 128], strides = [1, 1]} : vector<145x128xf32> to vector<137x128xf32>
    %slice3A_337 = vector.extract_strided_slice %add3A_335 {offsets = [8, 0], sizes = [137, 128], strides = [1, 1]} : vector<145x128xf32> to vector<137x128xf32>
    %add3A_338 = arith.addf %slice3A_336, %slice3A_337 : vector<137x128xf32>
    %slice3A_339 = vector.extract_strided_slice %add3A_338 {offsets = [0, 0], sizes = [129, 128], strides = [1, 1]} : vector<137x128xf32> to vector<129x128xf32>
    %slice3A_340 = vector.extract_strided_slice %add3A_335 {offsets = [16, 0], sizes = [129, 128], strides = [1, 1]} : vector<145x128xf32> to vector<129x128xf32>
    %add3A_341 = arith.addf %slice3A_339, %slice3A_340 : vector<129x128xf32>
    %slice3A_342 = vector.extract_strided_slice %add3A_341 {offsets = [0, 0], sizes = [128, 128], strides = [1, 1]} : vector<129x128xf32> to vector<128x128xf32>
    %slice3A_343 = vector.extract_strided_slice %concatenate3A_326 {offsets = [24, 0], sizes = [128, 128], strides = [1, 1]} : vector<152x128xf32> to vector<128x128xf32>
    %add3A_344 = arith.addf %slice3A_342, %slice3A_343 : vector<128x128xf32>
    %mul3A_345 = arith.constant 4.000000e-02 : f32
    %mul3A_346 = vector.broadcast %mul3A_345 : f32 to vector<128x128xf32>
    %mul3A_347 = arith.mulf %add3A_344, %mul3A_346 : vector<128x128xf32>
    %get3A_348 = arith.constant 2 : index
    %get3A_349 = arith.constant 0 : index
    %get3A_350 = arith.constant 0 : index
    %get3A_351 = arith.constant 0 : index
    %get3A_352 = vector.load %arg16[%get3A_348, %get3A_349, %get3A_350, %get3A_351] : memref<3x3x128x128xf32, #tpu.memory_space<vmem>>, vector<1x1x128x128xf32>
    %get3A_353 = vector.shape_cast %get3A_352 : vector<1x1x128x128xf32> to vector<128x128xf32>
    %dot_general3A_354 = arith.constant dense<0.000000e+00> : vector<128x128xf32>
    %dot_general3A_355 = tpu.matmul %add3A_266, %get3A_353, %dot_general3A_354 {dimension_numbers = #tpu.dot_dimension_numbers<[1], [0], [0], [1], [0, 0, 1, 1], [], []>, transpose_lhs_hint = false} : vector<128x128xf32>, vector<128x128xf32>, vector<128x128xf32> -> vector<128x128xf32>
    %sub3A_356 = arith.subf %add3A_319, %mul3A_347 : vector<128x128xf32>
    %get3A_357 = arith.constant 2 : index
    %get3A_358 = arith.constant 1 : index
    %get3A_359 = arith.constant 0 : index
    %get3A_360 = arith.constant 0 : index
    %get3A_361 = vector.load %arg16[%get3A_357, %get3A_358, %get3A_359, %get3A_360] : memref<3x3x128x128xf32, #tpu.memory_space<vmem>>, vector<1x1x128x128xf32>
    %get3A_362 = vector.shape_cast %get3A_361 : vector<1x1x128x128xf32> to vector<128x128xf32>
    %dot_general3A_363 = arith.constant dense<0.000000e+00> : vector<128x128xf32>
    %dot_general3A_364 = tpu.matmul %sub3A_356, %get3A_362, %dot_general3A_363 {dimension_numbers = #tpu.dot_dimension_numbers<[1], [0], [0], [1], [0, 0, 1, 1], [], []>, transpose_lhs_hint = false} : vector<128x128xf32>, vector<128x128xf32>, vector<128x128xf32> -> vector<128x128xf32>
    %add3A_365 = arith.addf %dot_general3A_355, %dot_general3A_364 : vector<128x128xf32>
    %get3A_366 = arith.constant 2 : index
    %get3A_367 = arith.constant 2 : index
    %get3A_368 = arith.constant 0 : index
    %get3A_369 = arith.constant 0 : index
    %get3A_370 = vector.load %arg16[%get3A_366, %get3A_367, %get3A_368, %get3A_369] : memref<3x3x128x128xf32, #tpu.memory_space<vmem>>, vector<1x1x128x128xf32>
    %get3A_371 = vector.shape_cast %get3A_370 : vector<1x1x128x128xf32> to vector<128x128xf32>
    %dot_general3A_372 = arith.constant dense<0.000000e+00> : vector<128x128xf32>
    %dot_general3A_373 = tpu.matmul %mul3A_347, %get3A_371, %dot_general3A_372 {dimension_numbers = #tpu.dot_dimension_numbers<[1], [0], [0], [1], [0, 0, 1, 1], [], []>, transpose_lhs_hint = false} : vector<128x128xf32>, vector<128x128xf32>, vector<128x128xf32> -> vector<128x128xf32>
    %add3A_374 = arith.addf %add3A_365, %dot_general3A_373 : vector<128x128xf32>
    %get3A_375 = arith.constant 0 : index
    %get3A_376 = arith.constant 0 : index
    %get3A_377 = vector.load %arg9[%get3A_375, %get3A_376] : memref<2048x128xf32, #tpu.memory_space<vmem>>, vector<2048x128xf32>
    %dot_general3A_378 = arith.constant dense<0.000000e+00> : vector<2048x128xf32>
    %dot_general3A_379 = tpu.matmul %get3A_377, %add3A_374, %dot_general3A_378 {dimension_numbers = #tpu.dot_dimension_numbers<[1], [0], [0], [1], [0, 0, 1, 1], [], []>, transpose_lhs_hint = false} : vector<2048x128xf32>, vector<128x128xf32>, vector<2048x128xf32> -> vector<2048x128xf32>
    %add3A_380 = arith.addf %add3A_263, %dot_general3A_379 : vector<2048x128xf32>
    %get3A_381 = arith.constant 0 : index
    %get3A_382 = arith.constant 0 : index
    %get3A_383 = vector.load %arg17[%get3A_381, %get3A_382] : memref<128x64xf32, #tpu.memory_space<vmem>>, vector<128x64xf32>
    %dot_general3A_384 = arith.constant dense<0.000000e+00> : vector<2048x64xf32>
    %dot_general3A_385 = tpu.matmul %add3A_380, %get3A_383, %dot_general3A_384 {dimension_numbers = #tpu.dot_dimension_numbers<[1], [0], [0], [1], [0, 0, 1, 1], [], []>, transpose_lhs_hint = false} : vector<2048x128xf32>, vector<128x64xf32>, vector<2048x64xf32> -> vector<2048x64xf32>
    %get3A_386 = arith.constant 0 : index
    %get3A_387 = arith.constant 0 : index
    %get3A_388 = vector.load %arg5[%get3A_386, %get3A_387] : memref<2048x256xf32, #tpu.memory_space<vmem>>, vector<2048x256xf32>
    %dot_general3A_389 = arith.constant dense<0.000000e+00> : vector<256x64xf32>
    %dot_general3A_390 = tpu.matmul %get3A_388, %get3A_6, %dot_general3A_389 {dimension_numbers = #tpu.dot_dimension_numbers<[0], [0], [1], [1], [0, 1, 1, 1], [], []>, transpose_lhs_hint = false} : vector<2048x256xf32>, vector<2048x64xf32>, vector<256x64xf32> -> vector<256x64xf32>
    %slice3A_391 = vector.extract_strided_slice %get3A_6 {offsets = [0, 0], sizes = [1, 64], strides = [1, 1]} : vector<2048x64xf32> to vector<1x64xf32>
    %broadcast_in_dim3A_392 = vector.shape_cast %slice3A_391 : vector<1x64xf32> to vector<1x64xf32>
    %broadcast_in_dim3A_393 = vector.broadcast %broadcast_in_dim3A_392 : vector<1x64xf32> to vector<12x64xf32>
    %slice3A_394 = vector.extract_strided_slice %get3A_6 {offsets = [2047, 0], sizes = [1, 64], strides = [1, 1]} : vector<2048x64xf32> to vector<1x64xf32>
    %broadcast_in_dim3A_395 = vector.shape_cast %slice3A_394 : vector<1x64xf32> to vector<1x64xf32>
    %broadcast_in_dim3A_396 = vector.broadcast %broadcast_in_dim3A_395 : vector<1x64xf32> to vector<12x64xf32>
    %concatenate3A_397 = tpu.concatenate %broadcast_in_dim3A_393, %get3A_6, %broadcast_in_dim3A_396 in 0 : vector<12x64xf32>, vector<2048x64xf32>, vector<12x64xf32> -> vector<2072x64xf32>
    %slice3A_398 = vector.extract_strided_slice %concatenate3A_397 {offsets = [0, 0], sizes = [2071, 64], strides = [1, 1]} : vector<2072x64xf32> to vector<2071x64xf32>
    %slice3A_399 = vector.extract_strided_slice %concatenate3A_397 {offsets = [1, 0], sizes = [2071, 64], strides = [1, 1]} : vector<2072x64xf32> to vector<2071x64xf32>
    %add3A_400 = arith.addf %slice3A_398, %slice3A_399 : vector<2071x64xf32>
    %slice3A_401 = vector.extract_strided_slice %add3A_400 {offsets = [0, 0], sizes = [2069, 64], strides = [1, 1]} : vector<2071x64xf32> to vector<2069x64xf32>
    %slice3A_402 = vector.extract_strided_slice %add3A_400 {offsets = [2, 0], sizes = [2069, 64], strides = [1, 1]} : vector<2071x64xf32> to vector<2069x64xf32>
    %add3A_403 = arith.addf %slice3A_401, %slice3A_402 : vector<2069x64xf32>
    %slice3A_404 = vector.extract_strided_slice %add3A_403 {offsets = [0, 0], sizes = [2065, 64], strides = [1, 1]} : vector<2069x64xf32> to vector<2065x64xf32>
    %slice3A_405 = vector.extract_strided_slice %add3A_403 {offsets = [4, 0], sizes = [2065, 64], strides = [1, 1]} : vector<2069x64xf32> to vector<2065x64xf32>
    %add3A_406 = arith.addf %slice3A_404, %slice3A_405 : vector<2065x64xf32>
    %slice3A_407 = vector.extract_strided_slice %add3A_406 {offsets = [0, 0], sizes = [2057, 64], strides = [1, 1]} : vector<2065x64xf32> to vector<2057x64xf32>
    %slice3A_408 = vector.extract_strided_slice %add3A_406 {offsets = [8, 0], sizes = [2057, 64], strides = [1, 1]} : vector<2065x64xf32> to vector<2057x64xf32>
    %add3A_409 = arith.addf %slice3A_407, %slice3A_408 : vector<2057x64xf32>
    %slice3A_410 = vector.extract_strided_slice %add3A_409 {offsets = [0, 0], sizes = [2049, 64], strides = [1, 1]} : vector<2057x64xf32> to vector<2049x64xf32>
    %slice3A_411 = vector.extract_strided_slice %add3A_406 {offsets = [16, 0], sizes = [2049, 64], strides = [1, 1]} : vector<2065x64xf32> to vector<2049x64xf32>
    %add3A_412 = arith.addf %slice3A_410, %slice3A_411 : vector<2049x64xf32>
    %slice3A_413 = vector.extract_strided_slice %add3A_412 {offsets = [0, 0], sizes = [2048, 64], strides = [1, 1]} : vector<2049x64xf32> to vector<2048x64xf32>
    %slice3A_414 = vector.extract_strided_slice %concatenate3A_397 {offsets = [24, 0], sizes = [2048, 64], strides = [1, 1]} : vector<2072x64xf32> to vector<2048x64xf32>
    %add3A_415 = arith.addf %slice3A_413, %slice3A_414 : vector<2048x64xf32>
    %mul3A_416 = arith.constant 4.000000e-02 : f32
    %mul3A_417 = vector.broadcast %mul3A_416 : f32 to vector<2048x64xf32>
    %mul3A_418 = arith.mulf %add3A_415, %mul3A_417 : vector<2048x64xf32>
    %sub3A_419 = arith.subf %get3A_6, %mul3A_418 : vector<2048x64xf32>
    %concatenate3A_420 = tpu.concatenate %sub3A_419, %dot_general3A_385 in 1 : vector<2048x64xf32>, vector<2048x64xf32> -> vector<2048x128xf32>
    %add3A_421 = arith.addf %concatenate3A_420, %get3A_1 : vector<2048x128xf32>
    %get3A_422 = arith.constant 0 : index
    %get3A_423 = arith.constant 0 : index
    %get3A_424 = arith.constant 0 : index
    %get3A_425 = vector.load %arg19[%get3A_422, %get3A_423, %get3A_424] : memref<2x64x64xf32, #tpu.memory_space<vmem>>, vector<1x64x64xf32>
    %get3A_426 = vector.shape_cast %get3A_425 : vector<1x64x64xf32> to vector<64x64xf32>
    %get3A_427 = arith.constant 1 : index
    %get3A_428 = arith.constant 0 : index
    %get3A_429 = arith.constant 0 : index
    %get3A_430 = vector.load %arg19[%get3A_427, %get3A_428, %get3A_429] : memref<2x64x64xf32, #tpu.memory_space<vmem>>, vector<1x64x64xf32>
    %get3A_431 = vector.shape_cast %get3A_430 : vector<1x64x64xf32> to vector<64x64xf32>
    %add3A_432 = arith.addf %get3A_426, %get3A_431 : vector<64x64xf32>
    %mul3A_433 = arith.constant 5.000000e-01 : f32
    %mul3A_434 = vector.broadcast %mul3A_433 : f32 to vector<64x64xf32>
    %mul3A_435 = arith.mulf %add3A_432, %mul3A_434 : vector<64x64xf32>
    %get3A_436 = arith.constant 0 : index
    %get3A_437 = arith.constant 0 : index
    %get3A_438 = arith.constant 0 : index
    %get3A_439 = vector.load %arg18[%get3A_436, %get3A_437, %get3A_438] : memref<2x128x64xf32, #tpu.memory_space<vmem>>, vector<1x128x64xf32>
    %get3A_440 = vector.shape_cast %get3A_439 : vector<1x128x64xf32> to vector<128x64xf32>
    %get3A_441 = arith.constant 1 : index
    %get3A_442 = arith.constant 0 : index
    %get3A_443 = arith.constant 0 : index
    %get3A_444 = vector.load %arg18[%get3A_441, %get3A_442, %get3A_443] : memref<2x128x64xf32, #tpu.memory_space<vmem>>, vector<1x128x64xf32>
    %get3A_445 = vector.shape_cast %get3A_444 : vector<1x128x64xf32> to vector<128x64xf32>
    %add3A_446 = arith.addf %get3A_440, %get3A_445 : vector<128x64xf32>
    %mul3A_447 = arith.constant 5.000000e-01 : f32
    %mul3A_448 = vector.broadcast %mul3A_447 : f32 to vector<128x64xf32>
    %mul3A_449 = arith.mulf %add3A_446, %mul3A_448 : vector<128x64xf32>
    %reduce_sum3A_450 = arith.constant dense<0.000000e+00> : vector<2048xf32>
    %reduce_sum3A_451 = vector.multi_reduction <add>, %get3A_388, %reduce_sum3A_450 [1] : vector<2048x256xf32> to vector<2048xf32>
    %broadcast_in_dim3A_452 = vector.shape_cast %reduce_sum3A_451 : vector<2048xf32> to vector<2048x1xf32>
    %jit3A_453 = arith.constant 1.000000e+00 : f32
    %max3A_454 = vector.broadcast %jit3A_453 : f32 to vector<2048x1xf32>
    %max3A_455 = arith.maximumf %max3A_454, %broadcast_in_dim3A_452 : vector<2048x1xf32>
    %dot_general3A_456 = arith.constant dense<0.000000e+00> : vector<256x64xf32>
    %dot_general3A_457 = tpu.matmul %dot_general3A_390, %mul3A_435, %dot_general3A_456 {dimension_numbers = #tpu.dot_dimension_numbers<[1], [0], [0], [1], [0, 0, 1, 1], [], []>, transpose_lhs_hint = false} : vector<256x64xf32>, vector<64x64xf32>, vector<256x64xf32> -> vector<256x64xf32>
    %dot_general3A_458 = arith.constant dense<0.000000e+00> : vector<2048x64xf32>
    %dot_general3A_459 = tpu.matmul %get3A_388, %dot_general3A_457, %dot_general3A_458 {dimension_numbers = #tpu.dot_dimension_numbers<[1], [0], [0], [1], [0, 0, 1, 1], [], []>, transpose_lhs_hint = false} : vector<2048x256xf32>, vector<256x64xf32>, vector<2048x64xf32> -> vector<2048x64xf32>
    %div3A_460 = vector.broadcast %max3A_455 : vector<2048x1xf32> to vector<2048x64xf32>
    %div3A_461 = arith.divf %dot_general3A_459, %div3A_460 : vector<2048x64xf32>
    %dot_general3A_462 = arith.constant dense<0.000000e+00> : vector<2048x64xf32>
    %dot_general3A_463 = tpu.matmul %add3A_421, %mul3A_449, %dot_general3A_462 {dimension_numbers = #tpu.dot_dimension_numbers<[1], [0], [0], [1], [0, 0, 1, 1], [], []>, transpose_lhs_hint = false} : vector<2048x128xf32>, vector<128x64xf32>, vector<2048x64xf32> -> vector<2048x64xf32>
    %add3A_464 = arith.addf %div3A_461, %dot_general3A_463 : vector<2048x64xf32>
    %slice3A_465 = vector.extract_strided_slice %add3A_464 {offsets = [0, 0], sizes = [1, 64], strides = [1, 1]} : vector<2048x64xf32> to vector<1x64xf32>
    %broadcast_in_dim3A_466 = vector.shape_cast %slice3A_465 : vector<1x64xf32> to vector<1x64xf32>
    %broadcast_in_dim3A_467 = vector.broadcast %broadcast_in_dim3A_466 : vector<1x64xf32> to vector<12x64xf32>
    %slice3A_468 = vector.extract_strided_slice %add3A_464 {offsets = [2047, 0], sizes = [1, 64], strides = [1, 1]} : vector<2048x64xf32> to vector<1x64xf32>
    %broadcast_in_dim3A_469 = vector.shape_cast %slice3A_468 : vector<1x64xf32> to vector<1x64xf32>
    %broadcast_in_dim3A_470 = vector.broadcast %broadcast_in_dim3A_469 : vector<1x64xf32> to vector<12x64xf32>
    %concatenate3A_471 = tpu.concatenate %broadcast_in_dim3A_467, %add3A_464, %broadcast_in_dim3A_470 in 0 : vector<12x64xf32>, vector<2048x64xf32>, vector<12x64xf32> -> vector<2072x64xf32>
    %slice3A_472 = vector.extract_strided_slice %concatenate3A_471 {offsets = [0, 0], sizes = [2071, 64], strides = [1, 1]} : vector<2072x64xf32> to vector<2071x64xf32>
    %slice3A_473 = vector.extract_strided_slice %concatenate3A_471 {offsets = [1, 0], sizes = [2071, 64], strides = [1, 1]} : vector<2072x64xf32> to vector<2071x64xf32>
    %add3A_474 = arith.addf %slice3A_472, %slice3A_473 : vector<2071x64xf32>
    %slice3A_475 = vector.extract_strided_slice %add3A_474 {offsets = [0, 0], sizes = [2069, 64], strides = [1, 1]} : vector<2071x64xf32> to vector<2069x64xf32>
    %slice3A_476 = vector.extract_strided_slice %add3A_474 {offsets = [2, 0], sizes = [2069, 64], strides = [1, 1]} : vector<2071x64xf32> to vector<2069x64xf32>
    %add3A_477 = arith.addf %slice3A_475, %slice3A_476 : vector<2069x64xf32>
    %slice3A_478 = vector.extract_strided_slice %add3A_477 {offsets = [0, 0], sizes = [2065, 64], strides = [1, 1]} : vector<2069x64xf32> to vector<2065x64xf32>
    %slice3A_479 = vector.extract_strided_slice %add3A_477 {offsets = [4, 0], sizes = [2065, 64], strides = [1, 1]} : vector<2069x64xf32> to vector<2065x64xf32>
    %add3A_480 = arith.addf %slice3A_478, %slice3A_479 : vector<2065x64xf32>
    %slice3A_481 = vector.extract_strided_slice %add3A_480 {offsets = [0, 0], sizes = [2057, 64], strides = [1, 1]} : vector<2065x64xf32> to vector<2057x64xf32>
    %slice3A_482 = vector.extract_strided_slice %add3A_480 {offsets = [8, 0], sizes = [2057, 64], strides = [1, 1]} : vector<2065x64xf32> to vector<2057x64xf32>
    %add3A_483 = arith.addf %slice3A_481, %slice3A_482 : vector<2057x64xf32>
    %slice3A_484 = vector.extract_strided_slice %add3A_483 {offsets = [0, 0], sizes = [2049, 64], strides = [1, 1]} : vector<2057x64xf32> to vector<2049x64xf32>
    %slice3A_485 = vector.extract_strided_slice %add3A_480 {offsets = [16, 0], sizes = [2049, 64], strides = [1, 1]} : vector<2065x64xf32> to vector<2049x64xf32>
    %add3A_486 = arith.addf %slice3A_484, %slice3A_485 : vector<2049x64xf32>
    %slice3A_487 = vector.extract_strided_slice %add3A_486 {offsets = [0, 0], sizes = [2048, 64], strides = [1, 1]} : vector<2049x64xf32> to vector<2048x64xf32>
    %slice3A_488 = vector.extract_strided_slice %concatenate3A_471 {offsets = [24, 0], sizes = [2048, 64], strides = [1, 1]} : vector<2072x64xf32> to vector<2048x64xf32>
    %add3A_489 = arith.addf %slice3A_487, %slice3A_488 : vector<2048x64xf32>
    %mul3A_490 = arith.constant 4.000000e-02 : f32
    %mul3A_491 = vector.broadcast %mul3A_490 : f32 to vector<2048x64xf32>
    %mul3A_492 = arith.mulf %add3A_489, %mul3A_491 : vector<2048x64xf32>
    %get3A_493 = arith.constant 0 : index
    %get3A_494 = arith.constant 0 : index
    %get3A_495 = arith.constant 0 : index
    %get3A_496 = vector.load %arg20[%get3A_493, %get3A_494, %get3A_495] : memref<3x64x64xf32, #tpu.memory_space<vmem>>, vector<1x64x64xf32>
    %get3A_497 = vector.shape_cast %get3A_496 : vector<1x64x64xf32> to vector<64x64xf32>
    %dot_general3A_498 = arith.constant dense<0.000000e+00> : vector<2048x64xf32>
    %dot_general3A_499 = tpu.matmul %get3A_6, %get3A_497, %dot_general3A_498 {dimension_numbers = #tpu.dot_dimension_numbers<[1], [0], [0], [1], [0, 0, 1, 1], [], []>, transpose_lhs_hint = false} : vector<2048x64xf32>, vector<64x64xf32>, vector<2048x64xf32> -> vector<2048x64xf32>
    %sub3A_500 = arith.subf %add3A_464, %mul3A_492 : vector<2048x64xf32>
    %get3A_501 = arith.constant 1 : index
    %get3A_502 = arith.constant 0 : index
    %get3A_503 = arith.constant 0 : index
    %get3A_504 = vector.load %arg20[%get3A_501, %get3A_502, %get3A_503] : memref<3x64x64xf32, #tpu.memory_space<vmem>>, vector<1x64x64xf32>
    %get3A_505 = vector.shape_cast %get3A_504 : vector<1x64x64xf32> to vector<64x64xf32>
    %dot_general3A_506 = arith.constant dense<0.000000e+00> : vector<2048x64xf32>
    %dot_general3A_507 = tpu.matmul %sub3A_500, %get3A_505, %dot_general3A_506 {dimension_numbers = #tpu.dot_dimension_numbers<[1], [0], [0], [1], [0, 0, 1, 1], [], []>, transpose_lhs_hint = false} : vector<2048x64xf32>, vector<64x64xf32>, vector<2048x64xf32> -> vector<2048x64xf32>
    %add3A_508 = arith.addf %dot_general3A_499, %dot_general3A_507 : vector<2048x64xf32>
    %add3A_509 = arith.addf %mul3A_418, %mul3A_492 : vector<2048x64xf32>
    %get3A_510 = arith.constant 2 : index
    %get3A_511 = arith.constant 0 : index
    %get3A_512 = arith.constant 0 : index
    %get3A_513 = vector.load %arg20[%get3A_510, %get3A_511, %get3A_512] : memref<3x64x64xf32, #tpu.memory_space<vmem>>, vector<1x64x64xf32>
    %get3A_514 = vector.shape_cast %get3A_513 : vector<1x64x64xf32> to vector<64x64xf32>
    %dot_general3A_515 = arith.constant dense<0.000000e+00> : vector<2048x64xf32>
    %dot_general3A_516 = tpu.matmul %add3A_509, %get3A_514, %dot_general3A_515 {dimension_numbers = #tpu.dot_dimension_numbers<[1], [0], [0], [1], [0, 0, 1, 1], [], []>, transpose_lhs_hint = false} : vector<2048x64xf32>, vector<64x64xf32>, vector<2048x64xf32> -> vector<2048x64xf32>
    %add3A_517 = arith.addf %add3A_508, %dot_general3A_516 : vector<2048x64xf32>
    %logistic3A = arith.negf %add3A_517 : vector<2048x64xf32>
    %logistic3A_518 = math.exp %logistic3A : vector<2048x64xf32>
    %logistic3A_519 = arith.constant 1.000000e+00 : f32
    %logistic3A_520 = vector.broadcast %logistic3A_519 : f32 to vector<2048x64xf32>
    %logistic3A_521 = arith.addf %logistic3A_520, %logistic3A_518 : vector<2048x64xf32>
    %logistic3A_522 = arith.divf %logistic3A_520, %logistic3A_521 : vector<2048x64xf32>
    %swap3A = arith.constant 0 : index
    %swap3A_523 = arith.constant 0 : index
    %swap3A_524 = arith.constant 0 : index
    %swap3A_525 = vector.load %arg21[%swap3A, %swap3A_523, %swap3A_524] : memref<4x2048x64xf32, #tpu.memory_space<vmem>>, vector<1x2048x64xf32>
    %swap3A_526 = vector.shape_cast %swap3A_525 : vector<1x2048x64xf32> to vector<2048x64xf32>
    %swap3A_527 = vector.shape_cast %logistic3A_522 : vector<2048x64xf32> to vector<1x2048x64xf32>
    tpu.vector_store %arg21[%swap3A, %swap3A_523, %swap3A_524], %swap3A_527 {strides = array<i32>} : memref<4x2048x64xf32, #tpu.memory_space<vmem>>, vector<1x2048x64xf32>,
    %get3A_528 = arith.constant 1 : index
    %get3A_529 = arith.constant 0 : index
    %get3A_530 = arith.constant 0 : index
    %get3A_531 = vector.load %arg1[%get3A_528, %get3A_529, %get3A_530] : memref<4x2048x64xf32, #tpu.memory_space<vmem>>, vector<1x2048x64xf32>
    %get3A_532 = vector.shape_cast %get3A_531 : vector<1x2048x64xf32> to vector<2048x64xf32>
    %get3A_533 = arith.constant 0 : index
    %get3A_534 = arith.constant 0 : index
    %get3A_535 = arith.constant 0 : index
    %get3A_536 = vector.load %arg13[%get3A_533, %get3A_534, %get3A_535] : memref<3x64x64xf32, #tpu.memory_space<vmem>>, vector<1x64x64xf32>
    %get3A_537 = vector.shape_cast %get3A_536 : vector<1x64x64xf32> to vector<64x64xf32>
    %dot_general3A_538 = arith.constant dense<0.000000e+00> : vector<2048x64xf32>
    %dot_general3A_539 = tpu.matmul %get3A_532, %get3A_537, %dot_general3A_538 {dimension_numbers = #tpu.dot_dimension_numbers<[1], [0], [0], [1], [0, 0, 1, 1], [], []>, transpose_lhs_hint = false} : vector<2048x64xf32>, vector<64x64xf32>, vector<2048x64xf32> -> vector<2048x64xf32>
    %get3A_540 = arith.constant 0 : index
    %get3A_541 = arith.constant 0 : index
    %get3A_542 = vector.load %arg6[%get3A_540, %get3A_541] : memref<512x2048xf32, #tpu.memory_space<vmem>>, vector<512x2048xf32>
    %dot_general3A_543 = arith.constant dense<0.000000e+00> : vector<512x64xf32>
    %dot_general3A_544 = tpu.matmul %get3A_542, %dot_general3A_539, %dot_general3A_543 {dimension_numbers = #tpu.dot_dimension_numbers<[1], [0], [0], [1], [0, 0, 1, 1], [], []>, transpose_lhs_hint = false} : vector<512x2048xf32>, vector<2048x64xf32>, vector<512x64xf32> -> vector<512x64xf32>
    %get3A_545 = arith.constant 1 : index
    %get3A_546 = arith.constant 0 : index
    %get3A_547 = arith.constant 0 : index
    %get3A_548 = vector.load %arg13[%get3A_545, %get3A_546, %get3A_547] : memref<3x64x64xf32, #tpu.memory_space<vmem>>, vector<1x64x64xf32>
    %get3A_549 = vector.shape_cast %get3A_548 : vector<1x64x64xf32> to vector<64x64xf32>
    %dot_general3A_550 = arith.constant dense<0.000000e+00> : vector<512x64xf32>
    %dot_general3A_551 = tpu.matmul %dot_general3A_544, %get3A_549, %dot_general3A_550 {dimension_numbers = #tpu.dot_dimension_numbers<[1], [0], [0], [1], [0, 0, 1, 1], [], []>, transpose_lhs_hint = false} : vector<512x64xf32>, vector<64x64xf32>, vector<512x64xf32> -> vector<512x64xf32>
    %get3A_552 = arith.constant 0 : index
    %get3A_553 = arith.constant 0 : index
    %get3A_554 = vector.load %arg7[%get3A_552, %get3A_553] : memref<128x512xf32, #tpu.memory_space<vmem>>, vector<128x512xf32>
    %dot_general3A_555 = arith.constant dense<0.000000e+00> : vector<128x64xf32>
    %dot_general3A_556 = tpu.matmul %get3A_554, %dot_general3A_551, %dot_general3A_555 {dimension_numbers = #tpu.dot_dimension_numbers<[1], [0], [0], [1], [0, 0, 1, 1], [], []>, transpose_lhs_hint = false} : vector<128x512xf32>, vector<512x64xf32>, vector<128x64xf32> -> vector<128x64xf32>
    %get3A_557 = arith.constant 2 : index
    %get3A_558 = arith.constant 0 : index
    %get3A_559 = arith.constant 0 : index
    %get3A_560 = vector.load %arg13[%get3A_557, %get3A_558, %get3A_559] : memref<3x64x64xf32, #tpu.memory_space<vmem>>, vector<1x64x64xf32>
    %get3A_561 = vector.shape_cast %get3A_560 : vector<1x64x64xf32> to vector<64x64xf32>
    %dot_general3A_562 = arith.constant dense<0.000000e+00> : vector<128x64xf32>
    %dot_general3A_563 = tpu.matmul %dot_general3A_556, %get3A_561, %dot_general3A_562 {dimension_numbers = #tpu.dot_dimension_numbers<[1], [0], [0], [1], [0, 0, 1, 1], [], []>, transpose_lhs_hint = false} : vector<128x64xf32>, vector<64x64xf32>, vector<128x64xf32> -> vector<128x64xf32>
    %get3A_564 = arith.constant 0 : index
    %get3A_565 = arith.constant 0 : index
    %get3A_566 = vector.load %arg10[%get3A_564, %get3A_565] : memref<512x2048xf32, #tpu.memory_space<vmem>>, vector<512x2048xf32>
    %dot_general3A_567 = arith.constant dense<0.000000e+00> : vector<512x64xf32>
    %dot_general3A_568 = tpu.matmul %get3A_566, %get3A_532, %dot_general3A_567 {dimension_numbers = #tpu.dot_dimension_numbers<[1], [0], [0], [1], [0, 0, 1, 1], [], []>, transpose_lhs_hint = false} : vector<512x2048xf32>, vector<2048x64xf32>, vector<512x64xf32> -> vector<512x64xf32>
    %get3A_569 = arith.constant 0 : index
    %get3A_570 = arith.constant 0 : index
    %get3A_571 = vector.load %arg11[%get3A_569, %get3A_570] : memref<128x512xf32, #tpu.memory_space<vmem>>, vector<128x512xf32>
    %dot_general3A_572 = arith.constant dense<0.000000e+00> : vector<128x64xf32>
    %dot_general3A_573 = tpu.matmul %get3A_571, %dot_general3A_568, %dot_general3A_572 {dimension_numbers = #tpu.dot_dimension_numbers<[1], [0], [0], [1], [0, 0, 1, 1], [], []>, transpose_lhs_hint = false} : vector<128x512xf32>, vector<512x64xf32>, vector<128x64xf32> -> vector<128x64xf32>
    %concatenate3A_574 = tpu.concatenate %dot_general3A_539, %get3A_532 in 1 : vector<2048x64xf32>, vector<2048x64xf32> -> vector<2048x128xf32>
    %add3A_575 = arith.addf %concatenate3A_574, %get3A_1 : vector<2048x128xf32>
    %get3A_576 = arith.constant 0 : index
    %get3A_577 = arith.constant 0 : index
    %get3A_578 = vector.load %arg2[%get3A_576, %get3A_577] : memref<2048x256xf32, #tpu.memory_space<vmem>>, vector<2048x256xf32>
    %dot_general3A_579 = arith.constant dense<0.000000e+00> : vector<256x128xf32>
    %dot_general3A_580 = tpu.matmul %get3A_578, %add3A_575, %dot_general3A_579 {dimension_numbers = #tpu.dot_dimension_numbers<[0], [0], [1], [1], [0, 1, 1, 1], [], []>, transpose_lhs_hint = false} : vector<2048x256xf32>, vector<2048x128xf32>, vector<256x128xf32> -> vector<256x128xf32>
    %get3A_581 = arith.constant 0 : index
    %get3A_582 = arith.constant 0 : index
    %get3A_583 = arith.constant 0 : index
    %get3A_584 = arith.constant 0 : index
    %get3A_585 = vector.load %arg14[%get3A_581, %get3A_582, %get3A_583, %get3A_584] : memref<3x2x128x128xf32, #tpu.memory_space<vmem>>, vector<1x1x128x128xf32>
    %get3A_586 = vector.shape_cast %get3A_585 : vector<1x1x128x128xf32> to vector<128x128xf32>
    %get3A_587 = arith.constant 0 : index
    %get3A_588 = arith.constant 1 : index
    %get3A_589 = arith.constant 0 : index
    %get3A_590 = arith.constant 0 : index
    %get3A_591 = vector.load %arg14[%get3A_587, %get3A_588, %get3A_589, %get3A_590] : memref<3x2x128x128xf32, #tpu.memory_space<vmem>>, vector<1x1x128x128xf32>
    %get3A_592 = vector.shape_cast %get3A_591 : vector<1x1x128x128xf32> to vector<128x128xf32>
    %add3A_593 = arith.addf %get3A_586, %get3A_592 : vector<128x128xf32>
    %mul3A_594 = arith.constant 5.000000e-01 : f32
    %mul3A_595 = vector.broadcast %mul3A_594 : f32 to vector<128x128xf32>
    %mul3A_596 = arith.mulf %add3A_593, %mul3A_595 : vector<128x128xf32>
    %get3A_597 = arith.constant 0 : index
    %get3A_598 = arith.constant 0 : index
    %get3A_599 = arith.constant 0 : index
    %get3A_600 = arith.constant 0 : index
    %get3A_601 = vector.load %arg15[%get3A_597, %get3A_598, %get3A_599, %get3A_600] : memref<3x2x128x128xf32, #tpu.memory_space<vmem>>, vector<1x1x128x128xf32>
    %get3A_602 = vector.shape_cast %get3A_601 : vector<1x1x128x128xf32> to vector<128x128xf32>
    %get3A_603 = arith.constant 0 : index
    %get3A_604 = arith.constant 1 : index
    %get3A_605 = arith.constant 0 : index
    %get3A_606 = arith.constant 0 : index
    %get3A_607 = vector.load %arg15[%get3A_603, %get3A_604, %get3A_605, %get3A_606] : memref<3x2x128x128xf32, #tpu.memory_space<vmem>>, vector<1x1x128x128xf32>
    %get3A_608 = vector.shape_cast %get3A_607 : vector<1x1x128x128xf32> to vector<128x128xf32>
    %add3A_609 = arith.addf %get3A_602, %get3A_608 : vector<128x128xf32>
    %mul3A_610 = arith.constant 5.000000e-01 : f32
    %mul3A_611 = vector.broadcast %mul3A_610 : f32 to vector<128x128xf32>
    %mul3A_612 = arith.mulf %add3A_609, %mul3A_611 : vector<128x128xf32>
    %reduce_sum3A_613 = arith.constant dense<0.000000e+00> : vector<2048xf32>
    %reduce_sum3A_614 = vector.multi_reduction <add>, %get3A_578, %reduce_sum3A_613 [1] : vector<2048x256xf32> to vector<2048xf32>
    %broadcast_in_dim3A_615 = vector.shape_cast %reduce_sum3A_614 : vector<2048xf32> to vector<2048x1xf32>
    %jit3A_616 = arith.constant 1.000000e+00 : f32
    %max3A_617 = vector.broadcast %jit3A_616 : f32 to vector<2048x1xf32>
    %max3A_618 = arith.maximumf %max3A_617, %broadcast_in_dim3A_615 : vector<2048x1xf32>
    %dot_general3A_619 = arith.constant dense<0.000000e+00> : vector<256x128xf32>
    %dot_general3A_620 = tpu.matmul %dot_general3A_580, %mul3A_596, %dot_general3A_619 {dimension_numbers = #tpu.dot_dimension_numbers<[1], [0], [0], [1], [0, 0, 1, 1], [], []>, transpose_lhs_hint = false} : vector<256x128xf32>, vector<128x128xf32>, vector<256x128xf32> -> vector<256x128xf32>
    %dot_general3A_621 = arith.constant dense<0.000000e+00> : vector<2048x128xf32>
    %dot_general3A_622 = tpu.matmul %get3A_578, %dot_general3A_620, %dot_general3A_621 {dimension_numbers = #tpu.dot_dimension_numbers<[1], [0], [0], [1], [0, 0, 1, 1], [], []>, transpose_lhs_hint = false} : vector<2048x256xf32>, vector<256x128xf32>, vector<2048x128xf32> -> vector<2048x128xf32>
    %div3A_623 = vector.broadcast %max3A_618 : vector<2048x1xf32> to vector<2048x128xf32>
    %div3A_624 = arith.divf %dot_general3A_622, %div3A_623 : vector<2048x128xf32>
    %dot_general3A_625 = arith.constant dense<0.000000e+00> : vector<2048x128xf32>
    %dot_general3A_626 = tpu.matmul %add3A_575, %mul3A_612, %dot_general3A_625 {dimension_numbers = #tpu.dot_dimension_numbers<[1], [0], [0], [1], [0, 0, 1, 1], [], []>, transpose_lhs_hint = false} : vector<2048x128xf32>, vector<128x128xf32>, vector<2048x128xf32> -> vector<2048x128xf32>
    %add3A_627 = arith.addf %div3A_624, %dot_general3A_626 : vector<2048x128xf32>
    %add3A_628 = arith.addf %add3A_627, %add3A_575 : vector<2048x128xf32>
    %slice3A_629 = vector.extract_strided_slice %add3A_628 {offsets = [0, 0], sizes = [1, 128], strides = [1, 1]} : vector<2048x128xf32> to vector<1x128xf32>
    %broadcast_in_dim3A_630 = vector.shape_cast %slice3A_629 : vector<1x128xf32> to vector<1x128xf32>
    %broadcast_in_dim3A_631 = vector.broadcast %broadcast_in_dim3A_630 : vector<1x128xf32> to vector<12x128xf32>
    %slice3A_632 = vector.extract_strided_slice %add3A_628 {offsets = [2047, 0], sizes = [1, 128], strides = [1, 1]} : vector<2048x128xf32> to vector<1x128xf32>
    %broadcast_in_dim3A_633 = vector.shape_cast %slice3A_632 : vector<1x128xf32> to vector<1x128xf32>
    %broadcast_in_dim3A_634 = vector.broadcast %broadcast_in_dim3A_633 : vector<1x128xf32> to vector<12x128xf32>
    %concatenate3A_635 = tpu.concatenate %broadcast_in_dim3A_631, %add3A_628, %broadcast_in_dim3A_634 in 0 : vector<12x128xf32>, vector<2048x128xf32>, vector<12x128xf32> -> vector<2072x128xf32>
    %slice3A_636 = vector.extract_strided_slice %concatenate3A_635 {offsets = [0, 0], sizes = [2071, 128], strides = [1, 1]} : vector<2072x128xf32> to vector<2071x128xf32>
    %slice3A_637 = vector.extract_strided_slice %concatenate3A_635 {offsets = [1, 0], sizes = [2071, 128], strides = [1, 1]} : vector<2072x128xf32> to vector<2071x128xf32>
    %add3A_638 = arith.addf %slice3A_636, %slice3A_637 : vector<2071x128xf32>
    %slice3A_639 = vector.extract_strided_slice %add3A_638 {offsets = [0, 0], sizes = [2069, 128], strides = [1, 1]} : vector<2071x128xf32> to vector<2069x128xf32>
    %slice3A_640 = vector.extract_strided_slice %add3A_638 {offsets = [2, 0], sizes = [2069, 128], strides = [1, 1]} : vector<2071x128xf32> to vector<2069x128xf32>
    %add3A_641 = arith.addf %slice3A_639, %slice3A_640 : vector<2069x128xf32>
    %slice3A_642 = vector.extract_strided_slice %add3A_641 {offsets = [0, 0], sizes = [2065, 128], strides = [1, 1]} : vector<2069x128xf32> to vector<2065x128xf32>
    %slice3A_643 = vector.extract_strided_slice %add3A_641 {offsets = [4, 0], sizes = [2065, 128], strides = [1, 1]} : vector<2069x128xf32> to vector<2065x128xf32>
    %add3A_644 = arith.addf %slice3A_642, %slice3A_643 : vector<2065x128xf32>
    %slice3A_645 = vector.extract_strided_slice %add3A_644 {offsets = [0, 0], sizes = [2057, 128], strides = [1, 1]} : vector<2065x128xf32> to vector<2057x128xf32>
    %slice3A_646 = vector.extract_strided_slice %add3A_644 {offsets = [8, 0], sizes = [2057, 128], strides = [1, 1]} : vector<2065x128xf32> to vector<2057x128xf32>
    %add3A_647 = arith.addf %slice3A_645, %slice3A_646 : vector<2057x128xf32>
    %slice3A_648 = vector.extract_strided_slice %add3A_647 {offsets = [0, 0], sizes = [2049, 128], strides = [1, 1]} : vector<2057x128xf32> to vector<2049x128xf32>
    %slice3A_649 = vector.extract_strided_slice %add3A_644 {offsets = [16, 0], sizes = [2049, 128], strides = [1, 1]} : vector<2065x128xf32> to vector<2049x128xf32>
    %add3A_650 = arith.addf %slice3A_648, %slice3A_649 : vector<2049x128xf32>
    %slice3A_651 = vector.extract_strided_slice %add3A_650 {offsets = [0, 0], sizes = [2048, 128], strides = [1, 1]} : vector<2049x128xf32> to vector<2048x128xf32>
    %slice3A_652 = vector.extract_strided_slice %concatenate3A_635 {offsets = [24, 0], sizes = [2048, 128], strides = [1, 1]} : vector<2072x128xf32> to vector<2048x128xf32>
    %add3A_653 = arith.addf %slice3A_651, %slice3A_652 : vector<2048x128xf32>
    %mul3A_654 = arith.constant 4.000000e-02 : f32
    %mul3A_655 = vector.broadcast %mul3A_654 : f32 to vector<2048x128xf32>
    %mul3A_656 = arith.mulf %add3A_653, %mul3A_655 : vector<2048x128xf32>
    %get3A_657 = arith.constant 0 : index
    %get3A_658 = arith.constant 0 : index
    %get3A_659 = arith.constant 0 : index
    %get3A_660 = arith.constant 0 : index
    %get3A_661 = vector.load %arg16[%get3A_657, %get3A_658, %get3A_659, %get3A_660] : memref<3x3x128x128xf32, #tpu.memory_space<vmem>>, vector<1x1x128x128xf32>
    %get3A_662 = vector.shape_cast %get3A_661 : vector<1x1x128x128xf32> to vector<128x128xf32>
    %dot_general3A_663 = arith.constant dense<0.000000e+00> : vector<2048x128xf32>
    %dot_general3A_664 = tpu.matmul %add3A_575, %get3A_662, %dot_general3A_663 {dimension_numbers = #tpu.dot_dimension_numbers<[1], [0], [0], [1], [0, 0, 1, 1], [], []>, transpose_lhs_hint = false} : vector<2048x128xf32>, vector<128x128xf32>, vector<2048x128xf32> -> vector<2048x128xf32>
    %sub3A_665 = arith.subf %add3A_628, %mul3A_656 : vector<2048x128xf32>
    %get3A_666 = arith.constant 0 : index
    %get3A_667 = arith.constant 1 : index
    %get3A_668 = arith.constant 0 : index
    %get3A_669 = arith.constant 0 : index
    %get3A_670 = vector.load %arg16[%get3A_666, %get3A_667, %get3A_668, %get3A_669] : memref<3x3x128x128xf32, #tpu.memory_space<vmem>>, vector<1x1x128x128xf32>
    %get3A_671 = vector.shape_cast %get3A_670 : vector<1x1x128x128xf32> to vector<128x128xf32>
    %dot_general3A_672 = arith.constant dense<0.000000e+00> : vector<2048x128xf32>
    %dot_general3A_673 = tpu.matmul %sub3A_665, %get3A_671, %dot_general3A_672 {dimension_numbers = #tpu.dot_dimension_numbers<[1], [0], [0], [1], [0, 0, 1, 1], [], []>, transpose_lhs_hint = false} : vector<2048x128xf32>, vector<128x128xf32>, vector<2048x128xf32> -> vector<2048x128xf32>
    %add3A_674 = arith.addf %dot_general3A_664, %dot_general3A_673 : vector<2048x128xf32>
    %get3A_675 = arith.constant 0 : index
    %get3A_676 = arith.constant 2 : index
    %get3A_677 = arith.constant 0 : index
    %get3A_678 = arith.constant 0 : index
    %get3A_679 = vector.load %arg16[%get3A_675, %get3A_676, %get3A_677, %get3A_678] : memref<3x3x128x128xf32, #tpu.memory_space<vmem>>, vector<1x1x128x128xf32>
    %get3A_680 = vector.shape_cast %get3A_679 : vector<1x1x128x128xf32> to vector<128x128xf32>
    %dot_general3A_681 = arith.constant dense<0.000000e+00> : vector<2048x128xf32>
    %dot_general3A_682 = tpu.matmul %mul3A_656, %get3A_680, %dot_general3A_681 {dimension_numbers = #tpu.dot_dimension_numbers<[1], [0], [0], [1], [0, 0, 1, 1], [], []>, transpose_lhs_hint = false} : vector<2048x128xf32>, vector<128x128xf32>, vector<2048x128xf32> -> vector<2048x128xf32>
    %add3A_683 = arith.addf %add3A_674, %dot_general3A_682 : vector<2048x128xf32>
    %concatenate3A_684 = tpu.concatenate %dot_general3A_551, %dot_general3A_568 in 1 : vector<512x64xf32>, vector<512x64xf32> -> vector<512x128xf32>
    %slice3A_685 = vector.extract_strided_slice %get3A_1 {offsets = [0, 0], sizes = [512, 128], strides = [1, 1]} : vector<2048x128xf32> to vector<512x128xf32>
    %add3A_686 = arith.addf %concatenate3A_684, %slice3A_685 : vector<512x128xf32>
    %get3A_687 = arith.constant 0 : index
    %get3A_688 = arith.constant 0 : index
    %get3A_689 = vector.load %arg3[%get3A_687, %get3A_688] : memref<512x64xf32, #tpu.memory_space<vmem>>, vector<512x64xf32>
    %dot_general3A_690 = arith.constant dense<0.000000e+00> : vector<64x128xf32>
    %dot_general3A_691 = tpu.matmul %get3A_689, %add3A_686, %dot_general3A_690 {dimension_numbers = #tpu.dot_dimension_numbers<[0], [0], [1], [1], [0, 1, 1, 1], [], []>, transpose_lhs_hint = false} : vector<512x64xf32>, vector<512x128xf32>, vector<64x128xf32> -> vector<64x128xf32>
    %get3A_692 = arith.constant 1 : index
    %get3A_693 = arith.constant 0 : index
    %get3A_694 = arith.constant 0 : index
    %get3A_695 = arith.constant 0 : index
    %get3A_696 = vector.load %arg14[%get3A_692, %get3A_693, %get3A_694, %get3A_695] : memref<3x2x128x128xf32, #tpu.memory_space<vmem>>, vector<1x1x128x128xf32>
    %get3A_697 = vector.shape_cast %get3A_696 : vector<1x1x128x128xf32> to vector<128x128xf32>
    %get3A_698 = arith.constant 1 : index
    %get3A_699 = arith.constant 1 : index
    %get3A_700 = arith.constant 0 : index
    %get3A_701 = arith.constant 0 : index
    %get3A_702 = vector.load %arg14[%get3A_698, %get3A_699, %get3A_700, %get3A_701] : memref<3x2x128x128xf32, #tpu.memory_space<vmem>>, vector<1x1x128x128xf32>
    %get3A_703 = vector.shape_cast %get3A_702 : vector<1x1x128x128xf32> to vector<128x128xf32>
    %add3A_704 = arith.addf %get3A_697, %get3A_703 : vector<128x128xf32>
    %mul3A_705 = arith.constant 5.000000e-01 : f32
    %mul3A_706 = vector.broadcast %mul3A_705 : f32 to vector<128x128xf32>
    %mul3A_707 = arith.mulf %add3A_704, %mul3A_706 : vector<128x128xf32>
    %get3A_708 = arith.constant 1 : index
    %get3A_709 = arith.constant 0 : index
    %get3A_710 = arith.constant 0 : index
    %get3A_711 = arith.constant 0 : index
    %get3A_712 = vector.load %arg15[%get3A_708, %get3A_709, %get3A_710, %get3A_711] : memref<3x2x128x128xf32, #tpu.memory_space<vmem>>, vector<1x1x128x128xf32>
    %get3A_713 = vector.shape_cast %get3A_712 : vector<1x1x128x128xf32> to vector<128x128xf32>
    %get3A_714 = arith.constant 1 : index
    %get3A_715 = arith.constant 1 : index
    %get3A_716 = arith.constant 0 : index
    %get3A_717 = arith.constant 0 : index
    %get3A_718 = vector.load %arg15[%get3A_714, %get3A_715, %get3A_716, %get3A_717] : memref<3x2x128x128xf32, #tpu.memory_space<vmem>>, vector<1x1x128x128xf32>
    %get3A_719 = vector.shape_cast %get3A_718 : vector<1x1x128x128xf32> to vector<128x128xf32>
    %add3A_720 = arith.addf %get3A_713, %get3A_719 : vector<128x128xf32>
    %mul3A_721 = arith.constant 5.000000e-01 : f32
    %mul3A_722 = vector.broadcast %mul3A_721 : f32 to vector<128x128xf32>
    %mul3A_723 = arith.mulf %add3A_720, %mul3A_722 : vector<128x128xf32>
    %reduce_sum3A_724 = arith.constant dense<0.000000e+00> : vector<512xf32>
    %reduce_sum3A_725 = vector.multi_reduction <add>, %get3A_689, %reduce_sum3A_724 [1] : vector<512x64xf32> to vector<512xf32>
    %broadcast_in_dim3A_726 = vector.shape_cast %reduce_sum3A_725 : vector<512xf32> to vector<512x1xf32>
    %jit3A_727 = arith.constant 1.000000e+00 : f32
    %max3A_728 = vector.broadcast %jit3A_727 : f32 to vector<512x1xf32>
    %max3A_729 = arith.maximumf %max3A_728, %broadcast_in_dim3A_726 : vector<512x1xf32>
    %dot_general3A_730 = arith.constant dense<0.000000e+00> : vector<64x128xf32>
    %dot_general3A_731 = tpu.matmul %dot_general3A_691, %mul3A_707, %dot_general3A_730 {dimension_numbers = #tpu.dot_dimension_numbers<[1], [0], [0], [1], [0, 0, 1, 1], [], []>, transpose_lhs_hint = false} : vector<64x128xf32>, vector<128x128xf32>, vector<64x128xf32> -> vector<64x128xf32>
    %dot_general3A_732 = arith.constant dense<0.000000e+00> : vector<512x128xf32>
    %dot_general3A_733 = tpu.matmul %get3A_689, %dot_general3A_731, %dot_general3A_732 {dimension_numbers = #tpu.dot_dimension_numbers<[1], [0], [0], [1], [0, 0, 1, 1], [], []>, transpose_lhs_hint = false} : vector<512x64xf32>, vector<64x128xf32>, vector<512x128xf32> -> vector<512x128xf32>
    %div3A_734 = vector.broadcast %max3A_729 : vector<512x1xf32> to vector<512x128xf32>
    %div3A_735 = arith.divf %dot_general3A_733, %div3A_734 : vector<512x128xf32>
    %dot_general3A_736 = arith.constant dense<0.000000e+00> : vector<512x128xf32>
    %dot_general3A_737 = tpu.matmul %add3A_686, %mul3A_723, %dot_general3A_736 {dimension_numbers = #tpu.dot_dimension_numbers<[1], [0], [0], [1], [0, 0, 1, 1], [], []>, transpose_lhs_hint = false} : vector<512x128xf32>, vector<128x128xf32>, vector<512x128xf32> -> vector<512x128xf32>
    %add3A_738 = arith.addf %div3A_735, %dot_general3A_737 : vector<512x128xf32>
    %add3A_739 = arith.addf %add3A_738, %add3A_686 : vector<512x128xf32>
    %slice3A_740 = vector.extract_strided_slice %add3A_739 {offsets = [0, 0], sizes = [1, 128], strides = [1, 1]} : vector<512x128xf32> to vector<1x128xf32>
    %broadcast_in_dim3A_741 = vector.shape_cast %slice3A_740 : vector<1x128xf32> to vector<1x128xf32>
    %broadcast_in_dim3A_742 = vector.broadcast %broadcast_in_dim3A_741 : vector<1x128xf32> to vector<12x128xf32>
    %slice3A_743 = vector.extract_strided_slice %add3A_739 {offsets = [511, 0], sizes = [1, 128], strides = [1, 1]} : vector<512x128xf32> to vector<1x128xf32>
    %broadcast_in_dim3A_744 = vector.shape_cast %slice3A_743 : vector<1x128xf32> to vector<1x128xf32>
    %broadcast_in_dim3A_745 = vector.broadcast %broadcast_in_dim3A_744 : vector<1x128xf32> to vector<12x128xf32>
    %concatenate3A_746 = tpu.concatenate %broadcast_in_dim3A_742, %add3A_739, %broadcast_in_dim3A_745 in 0 : vector<12x128xf32>, vector<512x128xf32>, vector<12x128xf32> -> vector<536x128xf32>
    %slice3A_747 = vector.extract_strided_slice %concatenate3A_746 {offsets = [0, 0], sizes = [535, 128], strides = [1, 1]} : vector<536x128xf32> to vector<535x128xf32>
    %slice3A_748 = vector.extract_strided_slice %concatenate3A_746 {offsets = [1, 0], sizes = [535, 128], strides = [1, 1]} : vector<536x128xf32> to vector<535x128xf32>
    %add3A_749 = arith.addf %slice3A_747, %slice3A_748 : vector<535x128xf32>
    %slice3A_750 = vector.extract_strided_slice %add3A_749 {offsets = [0, 0], sizes = [533, 128], strides = [1, 1]} : vector<535x128xf32> to vector<533x128xf32>
    %slice3A_751 = vector.extract_strided_slice %add3A_749 {offsets = [2, 0], sizes = [533, 128], strides = [1, 1]} : vector<535x128xf32> to vector<533x128xf32>
    %add3A_752 = arith.addf %slice3A_750, %slice3A_751 : vector<533x128xf32>
    %slice3A_753 = vector.extract_strided_slice %add3A_752 {offsets = [0, 0], sizes = [529, 128], strides = [1, 1]} : vector<533x128xf32> to vector<529x128xf32>
    %slice3A_754 = vector.extract_strided_slice %add3A_752 {offsets = [4, 0], sizes = [529, 128], strides = [1, 1]} : vector<533x128xf32> to vector<529x128xf32>
    %add3A_755 = arith.addf %slice3A_753, %slice3A_754 : vector<529x128xf32>
    %slice3A_756 = vector.extract_strided_slice %add3A_755 {offsets = [0, 0], sizes = [521, 128], strides = [1, 1]} : vector<529x128xf32> to vector<521x128xf32>
    %slice3A_757 = vector.extract_strided_slice %add3A_755 {offsets = [8, 0], sizes = [521, 128], strides = [1, 1]} : vector<529x128xf32> to vector<521x128xf32>
    %add3A_758 = arith.addf %slice3A_756, %slice3A_757 : vector<521x128xf32>
    %slice3A_759 = vector.extract_strided_slice %add3A_758 {offsets = [0, 0], sizes = [513, 128], strides = [1, 1]} : vector<521x128xf32> to vector<513x128xf32>
    %slice3A_760 = vector.extract_strided_slice %add3A_755 {offsets = [16, 0], sizes = [513, 128], strides = [1, 1]} : vector<529x128xf32> to vector<513x128xf32>
    %add3A_761 = arith.addf %slice3A_759, %slice3A_760 : vector<513x128xf32>
    %slice3A_762 = vector.extract_strided_slice %add3A_761 {offsets = [0, 0], sizes = [512, 128], strides = [1, 1]} : vector<513x128xf32> to vector<512x128xf32>
    %slice3A_763 = vector.extract_strided_slice %concatenate3A_746 {offsets = [24, 0], sizes = [512, 128], strides = [1, 1]} : vector<536x128xf32> to vector<512x128xf32>
    %add3A_764 = arith.addf %slice3A_762, %slice3A_763 : vector<512x128xf32>
    %mul3A_765 = arith.constant 4.000000e-02 : f32
    %mul3A_766 = vector.broadcast %mul3A_765 : f32 to vector<512x128xf32>
    %mul3A_767 = arith.mulf %add3A_764, %mul3A_766 : vector<512x128xf32>
    %get3A_768 = arith.constant 1 : index
    %get3A_769 = arith.constant 0 : index
    %get3A_770 = arith.constant 0 : index
    %get3A_771 = arith.constant 0 : index
    %get3A_772 = vector.load %arg16[%get3A_768, %get3A_769, %get3A_770, %get3A_771] : memref<3x3x128x128xf32, #tpu.memory_space<vmem>>, vector<1x1x128x128xf32>
    %get3A_773 = vector.shape_cast %get3A_772 : vector<1x1x128x128xf32> to vector<128x128xf32>
    %dot_general3A_774 = arith.constant dense<0.000000e+00> : vector<512x128xf32>
    %dot_general3A_775 = tpu.matmul %add3A_686, %get3A_773, %dot_general3A_774 {dimension_numbers = #tpu.dot_dimension_numbers<[1], [0], [0], [1], [0, 0, 1, 1], [], []>, transpose_lhs_hint = false} : vector<512x128xf32>, vector<128x128xf32>, vector<512x128xf32> -> vector<512x128xf32>
    %sub3A_776 = arith.subf %add3A_739, %mul3A_767 : vector<512x128xf32>
    %get3A_777 = arith.constant 1 : index
    %get3A_778 = arith.constant 1 : index
    %get3A_779 = arith.constant 0 : index
    %get3A_780 = arith.constant 0 : index
    %get3A_781 = vector.load %arg16[%get3A_777, %get3A_778, %get3A_779, %get3A_780] : memref<3x3x128x128xf32, #tpu.memory_space<vmem>>, vector<1x1x128x128xf32>
    %get3A_782 = vector.shape_cast %get3A_781 : vector<1x1x128x128xf32> to vector<128x128xf32>
    %dot_general3A_783 = arith.constant dense<0.000000e+00> : vector<512x128xf32>
    %dot_general3A_784 = tpu.matmul %sub3A_776, %get3A_782, %dot_general3A_783 {dimension_numbers = #tpu.dot_dimension_numbers<[1], [0], [0], [1], [0, 0, 1, 1], [], []>, transpose_lhs_hint = false} : vector<512x128xf32>, vector<128x128xf32>, vector<512x128xf32> -> vector<512x128xf32>
    %add3A_785 = arith.addf %dot_general3A_775, %dot_general3A_784 : vector<512x128xf32>
    %get3A_786 = arith.constant 1 : index
    %get3A_787 = arith.constant 2 : index
    %get3A_788 = arith.constant 0 : index
    %get3A_789 = arith.constant 0 : index
    %get3A_790 = vector.load %arg16[%get3A_786, %get3A_787, %get3A_788, %get3A_789] : memref<3x3x128x128xf32, #tpu.memory_space<vmem>>, vector<1x1x128x128xf32>
    %get3A_791 = vector.shape_cast %get3A_790 : vector<1x1x128x128xf32> to vector<128x128xf32>
    %dot_general3A_792 = arith.constant dense<0.000000e+00> : vector<512x128xf32>
    %dot_general3A_793 = tpu.matmul %mul3A_767, %get3A_791, %dot_general3A_792 {dimension_numbers = #tpu.dot_dimension_numbers<[1], [0], [0], [1], [0, 0, 1, 1], [], []>, transpose_lhs_hint = false} : vector<512x128xf32>, vector<128x128xf32>, vector<512x128xf32> -> vector<512x128xf32>
    %add3A_794 = arith.addf %add3A_785, %dot_general3A_793 : vector<512x128xf32>
    %get3A_795 = arith.constant 0 : index
    %get3A_796 = arith.constant 0 : index
    %get3A_797 = vector.load %arg8[%get3A_795, %get3A_796] : memref<2048x512xf32, #tpu.memory_space<vmem>>, vector<2048x512xf32>
    %dot_general3A_798 = arith.constant dense<0.000000e+00> : vector<2048x128xf32>
    %dot_general3A_799 = tpu.matmul %get3A_797, %add3A_794, %dot_general3A_798 {dimension_numbers = #tpu.dot_dimension_numbers<[1], [0], [0], [1], [0, 0, 1, 1], [], []>, transpose_lhs_hint = false} : vector<2048x512xf32>, vector<512x128xf32>, vector<2048x128xf32> -> vector<2048x128xf32>
    %add3A_800 = arith.addf %add3A_683, %dot_general3A_799 : vector<2048x128xf32>
    %concatenate3A_801 = tpu.concatenate %dot_general3A_563, %dot_general3A_573 in 1 : vector<128x64xf32>, vector<128x64xf32> -> vector<128x128xf32>
    %slice3A_802 = vector.extract_strided_slice %get3A_1 {offsets = [0, 0], sizes = [128, 128], strides = [1, 1]} : vector<2048x128xf32> to vector<128x128xf32>
    %add3A_803 = arith.addf %concatenate3A_801, %slice3A_802 : vector<128x128xf32>
    %get3A_804 = arith.constant 0 : index
    %get3A_805 = arith.constant 0 : index
    %get3A_806 = vector.load %arg4[%get3A_804, %get3A_805] : memref<128x16xf32, #tpu.memory_space<vmem>>, vector<128x16xf32>
    %dot_general3A_807 = arith.constant dense<0.000000e+00> : vector<16x128xf32>
    %dot_general3A_808 = tpu.matmul %get3A_806, %add3A_803, %dot_general3A_807 {dimension_numbers = #tpu.dot_dimension_numbers<[0], [0], [1], [1], [0, 1, 1, 1], [], []>, transpose_lhs_hint = false} : vector<128x16xf32>, vector<128x128xf32>, vector<16x128xf32> -> vector<16x128xf32>
    %get3A_809 = arith.constant 2 : index
    %get3A_810 = arith.constant 0 : index
    %get3A_811 = arith.constant 0 : index
    %get3A_812 = arith.constant 0 : index
    %get3A_813 = vector.load %arg14[%get3A_809, %get3A_810, %get3A_811, %get3A_812] : memref<3x2x128x128xf32, #tpu.memory_space<vmem>>, vector<1x1x128x128xf32>
    %get3A_814 = vector.shape_cast %get3A_813 : vector<1x1x128x128xf32> to vector<128x128xf32>
    %get3A_815 = arith.constant 2 : index
    %get3A_816 = arith.constant 1 : index
    %get3A_817 = arith.constant 0 : index
    %get3A_818 = arith.constant 0 : index
    %get3A_819 = vector.load %arg14[%get3A_815, %get3A_816, %get3A_817, %get3A_818] : memref<3x2x128x128xf32, #tpu.memory_space<vmem>>, vector<1x1x128x128xf32>
    %get3A_820 = vector.shape_cast %get3A_819 : vector<1x1x128x128xf32> to vector<128x128xf32>
    %add3A_821 = arith.addf %get3A_814, %get3A_820 : vector<128x128xf32>
    %mul3A_822 = arith.constant 5.000000e-01 : f32
    %mul3A_823 = vector.broadcast %mul3A_822 : f32 to vector<128x128xf32>
    %mul3A_824 = arith.mulf %add3A_821, %mul3A_823 : vector<128x128xf32>
    %get3A_825 = arith.constant 2 : index
    %get3A_826 = arith.constant 0 : index
    %get3A_827 = arith.constant 0 : index
    %get3A_828 = arith.constant 0 : index
    %get3A_829 = vector.load %arg15[%get3A_825, %get3A_826, %get3A_827, %get3A_828] : memref<3x2x128x128xf32, #tpu.memory_space<vmem>>, vector<1x1x128x128xf32>
    %get3A_830 = vector.shape_cast %get3A_829 : vector<1x1x128x128xf32> to vector<128x128xf32>
    %get3A_831 = arith.constant 2 : index
    %get3A_832 = arith.constant 1 : index
    %get3A_833 = arith.constant 0 : index
    %get3A_834 = arith.constant 0 : index
    %get3A_835 = vector.load %arg15[%get3A_831, %get3A_832, %get3A_833, %get3A_834] : memref<3x2x128x128xf32, #tpu.memory_space<vmem>>, vector<1x1x128x128xf32>
    %get3A_836 = vector.shape_cast %get3A_835 : vector<1x1x128x128xf32> to vector<128x128xf32>
    %add3A_837 = arith.addf %get3A_830, %get3A_836 : vector<128x128xf32>
    %mul3A_838 = arith.constant 5.000000e-01 : f32
    %mul3A_839 = vector.broadcast %mul3A_838 : f32 to vector<128x128xf32>
    %mul3A_840 = arith.mulf %add3A_837, %mul3A_839 : vector<128x128xf32>
    %reduce_sum3A_841 = arith.constant dense<0.000000e+00> : vector<128xf32>
    %reduce_sum3A_842 = vector.multi_reduction <add>, %get3A_806, %reduce_sum3A_841 [1] : vector<128x16xf32> to vector<128xf32>
    %broadcast_in_dim3A_843 = vector.shape_cast %reduce_sum3A_842 : vector<128xf32> to vector<128x1xf32>
    %jit3A_844 = arith.constant 1.000000e+00 : f32
    %max3A_845 = vector.broadcast %jit3A_844 : f32 to vector<128x1xf32>
    %max3A_846 = arith.maximumf %max3A_845, %broadcast_in_dim3A_843 : vector<128x1xf32>
    %dot_general3A_847 = arith.constant dense<0.000000e+00> : vector<16x128xf32>
    %dot_general3A_848 = tpu.matmul %dot_general3A_808, %mul3A_824, %dot_general3A_847 {dimension_numbers = #tpu.dot_dimension_numbers<[1], [0], [0], [1], [0, 0, 1, 1], [], []>, transpose_lhs_hint = false} : vector<16x128xf32>, vector<128x128xf32>, vector<16x128xf32> -> vector<16x128xf32>
    %dot_general3A_849 = arith.constant dense<0.000000e+00> : vector<128x128xf32>
    %dot_general3A_850 = tpu.matmul %get3A_806, %dot_general3A_848, %dot_general3A_849 {dimension_numbers = #tpu.dot_dimension_numbers<[1], [0], [0], [1], [0, 0, 1, 1], [], []>, transpose_lhs_hint = false} : vector<128x16xf32>, vector<16x128xf32>, vector<128x128xf32> -> vector<128x128xf32>
    %div3A_851 = vector.broadcast %max3A_846 : vector<128x1xf32> to vector<128x128xf32>
    %div3A_852 = arith.divf %dot_general3A_850, %div3A_851 : vector<128x128xf32>
    %dot_general3A_853 = arith.constant dense<0.000000e+00> : vector<128x128xf32>
    %dot_general3A_854 = tpu.matmul %add3A_803, %mul3A_840, %dot_general3A_853 {dimension_numbers = #tpu.dot_dimension_numbers<[1], [0], [0], [1], [0, 0, 1, 1], [], []>, transpose_lhs_hint = false} : vector<128x128xf32>, vector<128x128xf32>, vector<128x128xf32> -> vector<128x128xf32>
    %add3A_855 = arith.addf %div3A_852, %dot_general3A_854 : vector<128x128xf32>
    %add3A_856 = arith.addf %add3A_855, %add3A_803 : vector<128x128xf32>
    %slice3A_857 = vector.extract_strided_slice %add3A_856 {offsets = [0, 0], sizes = [1, 128], strides = [1, 1]} : vector<128x128xf32> to vector<1x128xf32>
    %broadcast_in_dim3A_858 = vector.shape_cast %slice3A_857 : vector<1x128xf32> to vector<1x128xf32>
    %broadcast_in_dim3A_859 = vector.broadcast %broadcast_in_dim3A_858 : vector<1x128xf32> to vector<12x128xf32>
    %slice3A_860 = vector.extract_strided_slice %add3A_856 {offsets = [127, 0], sizes = [1, 128], strides = [1, 1]} : vector<128x128xf32> to vector<1x128xf32>
    %broadcast_in_dim3A_861 = vector.shape_cast %slice3A_860 : vector<1x128xf32> to vector<1x128xf32>
    %broadcast_in_dim3A_862 = vector.broadcast %broadcast_in_dim3A_861 : vector<1x128xf32> to vector<12x128xf32>
    %concatenate3A_863 = tpu.concatenate %broadcast_in_dim3A_859, %add3A_856, %broadcast_in_dim3A_862 in 0 : vector<12x128xf32>, vector<128x128xf32>, vector<12x128xf32> -> vector<152x128xf32>
    %slice3A_864 = vector.extract_strided_slice %concatenate3A_863 {offsets = [0, 0], sizes = [151, 128], strides = [1, 1]} : vector<152x128xf32> to vector<151x128xf32>
    %slice3A_865 = vector.extract_strided_slice %concatenate3A_863 {offsets = [1, 0], sizes = [151, 128], strides = [1, 1]} : vector<152x128xf32> to vector<151x128xf32>
    %add3A_866 = arith.addf %slice3A_864, %slice3A_865 : vector<151x128xf32>
    %slice3A_867 = vector.extract_strided_slice %add3A_866 {offsets = [0, 0], sizes = [149, 128], strides = [1, 1]} : vector<151x128xf32> to vector<149x128xf32>
    %slice3A_868 = vector.extract_strided_slice %add3A_866 {offsets = [2, 0], sizes = [149, 128], strides = [1, 1]} : vector<151x128xf32> to vector<149x128xf32>
    %add3A_869 = arith.addf %slice3A_867, %slice3A_868 : vector<149x128xf32>
    %slice3A_870 = vector.extract_strided_slice %add3A_869 {offsets = [0, 0], sizes = [145, 128], strides = [1, 1]} : vector<149x128xf32> to vector<145x128xf32>
    %slice3A_871 = vector.extract_strided_slice %add3A_869 {offsets = [4, 0], sizes = [145, 128], strides = [1, 1]} : vector<149x128xf32> to vector<145x128xf32>
    %add3A_872 = arith.addf %slice3A_870, %slice3A_871 : vector<145x128xf32>
    %slice3A_873 = vector.extract_strided_slice %add3A_872 {offsets = [0, 0], sizes = [137, 128], strides = [1, 1]} : vector<145x128xf32> to vector<137x128xf32>
    %slice3A_874 = vector.extract_strided_slice %add3A_872 {offsets = [8, 0], sizes = [137, 128], strides = [1, 1]} : vector<145x128xf32> to vector<137x128xf32>
    %add3A_875 = arith.addf %slice3A_873, %slice3A_874 : vector<137x128xf32>
    %slice3A_876 = vector.extract_strided_slice %add3A_875 {offsets = [0, 0], sizes = [129, 128], strides = [1, 1]} : vector<137x128xf32> to vector<129x128xf32>
    %slice3A_877 = vector.extract_strided_slice %add3A_872 {offsets = [16, 0], sizes = [129, 128], strides = [1, 1]} : vector<145x128xf32> to vector<129x128xf32>
    %add3A_878 = arith.addf %slice3A_876, %slice3A_877 : vector<129x128xf32>
    %slice3A_879 = vector.extract_strided_slice %add3A_878 {offsets = [0, 0], sizes = [128, 128], strides = [1, 1]} : vector<129x128xf32> to vector<128x128xf32>
    %slice3A_880 = vector.extract_strided_slice %concatenate3A_863 {offsets = [24, 0], sizes = [128, 128], strides = [1, 1]} : vector<152x128xf32> to vector<128x128xf32>
    %add3A_881 = arith.addf %slice3A_879, %slice3A_880 : vector<128x128xf32>
    %mul3A_882 = arith.constant 4.000000e-02 : f32
    %mul3A_883 = vector.broadcast %mul3A_882 : f32 to vector<128x128xf32>
    %mul3A_884 = arith.mulf %add3A_881, %mul3A_883 : vector<128x128xf32>
    %get3A_885 = arith.constant 2 : index
    %get3A_886 = arith.constant 0 : index
    %get3A_887 = arith.constant 0 : index
    %get3A_888 = arith.constant 0 : index
    %get3A_889 = vector.load %arg16[%get3A_885, %get3A_886, %get3A_887, %get3A_888] : memref<3x3x128x128xf32, #tpu.memory_space<vmem>>, vector<1x1x128x128xf32>
    %get3A_890 = vector.shape_cast %get3A_889 : vector<1x1x128x128xf32> to vector<128x128xf32>
    %dot_general3A_891 = arith.constant dense<0.000000e+00> : vector<128x128xf32>
    %dot_general3A_892 = tpu.matmul %add3A_803, %get3A_890, %dot_general3A_891 {dimension_numbers = #tpu.dot_dimension_numbers<[1], [0], [0], [1], [0, 0, 1, 1], [], []>, transpose_lhs_hint = false} : vector<128x128xf32>, vector<128x128xf32>, vector<128x128xf32> -> vector<128x128xf32>
    %sub3A_893 = arith.subf %add3A_856, %mul3A_884 : vector<128x128xf32>
    %get3A_894 = arith.constant 2 : index
    %get3A_895 = arith.constant 1 : index
    %get3A_896 = arith.constant 0 : index
    %get3A_897 = arith.constant 0 : index
    %get3A_898 = vector.load %arg16[%get3A_894, %get3A_895, %get3A_896, %get3A_897] : memref<3x3x128x128xf32, #tpu.memory_space<vmem>>, vector<1x1x128x128xf32>
    %get3A_899 = vector.shape_cast %get3A_898 : vector<1x1x128x128xf32> to vector<128x128xf32>
    %dot_general3A_900 = arith.constant dense<0.000000e+00> : vector<128x128xf32>
    %dot_general3A_901 = tpu.matmul %sub3A_893, %get3A_899, %dot_general3A_900 {dimension_numbers = #tpu.dot_dimension_numbers<[1], [0], [0], [1], [0, 0, 1, 1], [], []>, transpose_lhs_hint = false} : vector<128x128xf32>, vector<128x128xf32>, vector<128x128xf32> -> vector<128x128xf32>
    %add3A_902 = arith.addf %dot_general3A_892, %dot_general3A_901 : vector<128x128xf32>
    %get3A_903 = arith.constant 2 : index
    %get3A_904 = arith.constant 2 : index
    %get3A_905 = arith.constant 0 : index
    %get3A_906 = arith.constant 0 : index
    %get3A_907 = vector.load %arg16[%get3A_903, %get3A_904, %get3A_905, %get3A_906] : memref<3x3x128x128xf32, #tpu.memory_space<vmem>>, vector<1x1x128x128xf32>
    %get3A_908 = vector.shape_cast %get3A_907 : vector<1x1x128x128xf32> to vector<128x128xf32>
    %dot_general3A_909 = arith.constant dense<0.000000e+00> : vector<128x128xf32>
    %dot_general3A_910 = tpu.matmul %mul3A_884, %get3A_908, %dot_general3A_909 {dimension_numbers = #tpu.dot_dimension_numbers<[1], [0], [0], [1], [0, 0, 1, 1], [], []>, transpose_lhs_hint = false} : vector<128x128xf32>, vector<128x128xf32>, vector<128x128xf32> -> vector<128x128xf32>
    %add3A_911 = arith.addf %add3A_902, %dot_general3A_910 : vector<128x128xf32>
    %get3A_912 = arith.constant 0 : index
    %get3A_913 = arith.constant 0 : index
    %get3A_914 = vector.load %arg9[%get3A_912, %get3A_913] : memref<2048x128xf32, #tpu.memory_space<vmem>>, vector<2048x128xf32>
    %dot_general3A_915 = arith.constant dense<0.000000e+00> : vector<2048x128xf32>
    %dot_general3A_916 = tpu.matmul %get3A_914, %add3A_911, %dot_general3A_915 {dimension_numbers = #tpu.dot_dimension_numbers<[1], [0], [0], [1], [0, 0, 1, 1], [], []>, transpose_lhs_hint = false} : vector<2048x128xf32>, vector<128x128xf32>, vector<2048x128xf32> -> vector<2048x128xf32>
    %add3A_917 = arith.addf %add3A_800, %dot_general3A_916 : vector<2048x128xf32>
    %get3A_918 = arith.constant 0 : index
    %get3A_919 = arith.constant 0 : index
    %get3A_920 = vector.load %arg17[%get3A_918, %get3A_919] : memref<128x64xf32, #tpu.memory_space<vmem>>, vector<128x64xf32>
    %dot_general3A_921 = arith.constant dense<0.000000e+00> : vector<2048x64xf32>
    %dot_general3A_922 = tpu.matmul %add3A_917, %get3A_920, %dot_general3A_921 {dimension_numbers = #tpu.dot_dimension_numbers<[1], [0], [0], [1], [0, 0, 1, 1], [], []>, transpose_lhs_hint = false} : vector<2048x128xf32>, vector<128x64xf32>, vector<2048x64xf32> -> vector<2048x64xf32>
    %get3A_923 = arith.constant 0 : index
    %get3A_924 = arith.constant 0 : index
    %get3A_925 = vector.load %arg5[%get3A_923, %get3A_924] : memref<2048x256xf32, #tpu.memory_space<vmem>>, vector<2048x256xf32>
    %dot_general3A_926 = arith.constant dense<0.000000e+00> : vector<256x64xf32>
    %dot_general3A_927 = tpu.matmul %get3A_925, %get3A_532, %dot_general3A_926 {dimension_numbers = #tpu.dot_dimension_numbers<[0], [0], [1], [1], [0, 1, 1, 1], [], []>, transpose_lhs_hint = false} : vector<2048x256xf32>, vector<2048x64xf32>, vector<256x64xf32> -> vector<256x64xf32>
    %slice3A_928 = vector.extract_strided_slice %get3A_532 {offsets = [0, 0], sizes = [1, 64], strides = [1, 1]} : vector<2048x64xf32> to vector<1x64xf32>
    %broadcast_in_dim3A_929 = vector.shape_cast %slice3A_928 : vector<1x64xf32> to vector<1x64xf32>
    %broadcast_in_dim3A_930 = vector.broadcast %broadcast_in_dim3A_929 : vector<1x64xf32> to vector<12x64xf32>
    %slice3A_931 = vector.extract_strided_slice %get3A_532 {offsets = [2047, 0], sizes = [1, 64], strides = [1, 1]} : vector<2048x64xf32> to vector<1x64xf32>
    %broadcast_in_dim3A_932 = vector.shape_cast %slice3A_931 : vector<1x64xf32> to vector<1x64xf32>
    %broadcast_in_dim3A_933 = vector.broadcast %broadcast_in_dim3A_932 : vector<1x64xf32> to vector<12x64xf32>
    %concatenate3A_934 = tpu.concatenate %broadcast_in_dim3A_930, %get3A_532, %broadcast_in_dim3A_933 in 0 : vector<12x64xf32>, vector<2048x64xf32>, vector<12x64xf32> -> vector<2072x64xf32>
    %slice3A_935 = vector.extract_strided_slice %concatenate3A_934 {offsets = [0, 0], sizes = [2071, 64], strides = [1, 1]} : vector<2072x64xf32> to vector<2071x64xf32>
    %slice3A_936 = vector.extract_strided_slice %concatenate3A_934 {offsets = [1, 0], sizes = [2071, 64], strides = [1, 1]} : vector<2072x64xf32> to vector<2071x64xf32>
    %add3A_937 = arith.addf %slice3A_935, %slice3A_936 : vector<2071x64xf32>
    %slice3A_938 = vector.extract_strided_slice %add3A_937 {offsets = [0, 0], sizes = [2069, 64], strides = [1, 1]} : vector<2071x64xf32> to vector<2069x64xf32>
    %slice3A_939 = vector.extract_strided_slice %add3A_937 {offsets = [2, 0], sizes = [2069, 64], strides = [1, 1]} : vector<2071x64xf32> to vector<2069x64xf32>
    %add3A_940 = arith.addf %slice3A_938, %slice3A_939 : vector<2069x64xf32>
    %slice3A_941 = vector.extract_strided_slice %add3A_940 {offsets = [0, 0], sizes = [2065, 64], strides = [1, 1]} : vector<2069x64xf32> to vector<2065x64xf32>
    %slice3A_942 = vector.extract_strided_slice %add3A_940 {offsets = [4, 0], sizes = [2065, 64], strides = [1, 1]} : vector<2069x64xf32> to vector<2065x64xf32>
    %add3A_943 = arith.addf %slice3A_941, %slice3A_942 : vector<2065x64xf32>
    %slice3A_944 = vector.extract_strided_slice %add3A_943 {offsets = [0, 0], sizes = [2057, 64], strides = [1, 1]} : vector<2065x64xf32> to vector<2057x64xf32>
    %slice3A_945 = vector.extract_strided_slice %add3A_943 {offsets = [8, 0], sizes = [2057, 64], strides = [1, 1]} : vector<2065x64xf32> to vector<2057x64xf32>
    %add3A_946 = arith.addf %slice3A_944, %slice3A_945 : vector<2057x64xf32>
    %slice3A_947 = vector.extract_strided_slice %add3A_946 {offsets = [0, 0], sizes = [2049, 64], strides = [1, 1]} : vector<2057x64xf32> to vector<2049x64xf32>
    %slice3A_948 = vector.extract_strided_slice %add3A_943 {offsets = [16, 0], sizes = [2049, 64], strides = [1, 1]} : vector<2065x64xf32> to vector<2049x64xf32>
    %add3A_949 = arith.addf %slice3A_947, %slice3A_948 : vector<2049x64xf32>
    %slice3A_950 = vector.extract_strided_slice %add3A_949 {offsets = [0, 0], sizes = [2048, 64], strides = [1, 1]} : vector<2049x64xf32> to vector<2048x64xf32>
    %slice3A_951 = vector.extract_strided_slice %concatenate3A_934 {offsets = [24, 0], sizes = [2048, 64], strides = [1, 1]} : vector<2072x64xf32> to vector<2048x64xf32>
    %add3A_952 = arith.addf %slice3A_950, %slice3A_951 : vector<2048x64xf32>
    %mul3A_953 = arith.constant 4.000000e-02 : f32
    %mul3A_954 = vector.broadcast %mul3A_953 : f32 to vector<2048x64xf32>
    %mul3A_955 = arith.mulf %add3A_952, %mul3A_954 : vector<2048x64xf32>
    %sub3A_956 = arith.subf %get3A_532, %mul3A_955 : vector<2048x64xf32>
    %concatenate3A_957 = tpu.concatenate %sub3A_956, %dot_general3A_922 in 1 : vector<2048x64xf32>, vector<2048x64xf32> -> vector<2048x128xf32>
    %add3A_958 = arith.addf %concatenate3A_957, %get3A_1 : vector<2048x128xf32>
    %get3A_959 = arith.constant 0 : index
    %get3A_960 = arith.constant 0 : index
    %get3A_961 = arith.constant 0 : index
    %get3A_962 = vector.load %arg19[%get3A_959, %get3A_960, %get3A_961] : memref<2x64x64xf32, #tpu.memory_space<vmem>>, vector<1x64x64xf32>
    %get3A_963 = vector.shape_cast %get3A_962 : vector<1x64x64xf32> to vector<64x64xf32>
    %get3A_964 = arith.constant 1 : index
    %get3A_965 = arith.constant 0 : index
    %get3A_966 = arith.constant 0 : index
    %get3A_967 = vector.load %arg19[%get3A_964, %get3A_965, %get3A_966] : memref<2x64x64xf32, #tpu.memory_space<vmem>>, vector<1x64x64xf32>
    %get3A_968 = vector.shape_cast %get3A_967 : vector<1x64x64xf32> to vector<64x64xf32>
    %add3A_969 = arith.addf %get3A_963, %get3A_968 : vector<64x64xf32>
    %mul3A_970 = arith.constant 5.000000e-01 : f32
    %mul3A_971 = vector.broadcast %mul3A_970 : f32 to vector<64x64xf32>
    %mul3A_972 = arith.mulf %add3A_969, %mul3A_971 : vector<64x64xf32>
    %get3A_973 = arith.constant 0 : index
    %get3A_974 = arith.constant 0 : index
    %get3A_975 = arith.constant 0 : index
    %get3A_976 = vector.load %arg18[%get3A_973, %get3A_974, %get3A_975] : memref<2x128x64xf32, #tpu.memory_space<vmem>>, vector<1x128x64xf32>
    %get3A_977 = vector.shape_cast %get3A_976 : vector<1x128x64xf32> to vector<128x64xf32>
    %get3A_978 = arith.constant 1 : index
    %get3A_979 = arith.constant 0 : index
    %get3A_980 = arith.constant 0 : index
    %get3A_981 = vector.load %arg18[%get3A_978, %get3A_979, %get3A_980] : memref<2x128x64xf32, #tpu.memory_space<vmem>>, vector<1x128x64xf32>
    %get3A_982 = vector.shape_cast %get3A_981 : vector<1x128x64xf32> to vector<128x64xf32>
    %add3A_983 = arith.addf %get3A_977, %get3A_982 : vector<128x64xf32>
    %mul3A_984 = arith.constant 5.000000e-01 : f32
    %mul3A_985 = vector.broadcast %mul3A_984 : f32 to vector<128x64xf32>
    %mul3A_986 = arith.mulf %add3A_983, %mul3A_985 : vector<128x64xf32>
    %reduce_sum3A_987 = arith.constant dense<0.000000e+00> : vector<2048xf32>
    %reduce_sum3A_988 = vector.multi_reduction <add>, %get3A_925, %reduce_sum3A_987 [1] : vector<2048x256xf32> to vector<2048xf32>
    %broadcast_in_dim3A_989 = vector.shape_cast %reduce_sum3A_988 : vector<2048xf32> to vector<2048x1xf32>
    %jit3A_990 = arith.constant 1.000000e+00 : f32
    %max3A_991 = vector.broadcast %jit3A_990 : f32 to vector<2048x1xf32>
    %max3A_992 = arith.maximumf %max3A_991, %broadcast_in_dim3A_989 : vector<2048x1xf32>
    %dot_general3A_993 = arith.constant dense<0.000000e+00> : vector<256x64xf32>
    %dot_general3A_994 = tpu.matmul %dot_general3A_927, %mul3A_972, %dot_general3A_993 {dimension_numbers = #tpu.dot_dimension_numbers<[1], [0], [0], [1], [0, 0, 1, 1], [], []>, transpose_lhs_hint = false} : vector<256x64xf32>, vector<64x64xf32>, vector<256x64xf32> -> vector<256x64xf32>
    %dot_general3A_995 = arith.constant dense<0.000000e+00> : vector<2048x64xf32>
    %dot_general3A_996 = tpu.matmul %get3A_925, %dot_general3A_994, %dot_general3A_995 {dimension_numbers = #tpu.dot_dimension_numbers<[1], [0], [0], [1], [0, 0, 1, 1], [], []>, transpose_lhs_hint = false} : vector<2048x256xf32>, vector<256x64xf32>, vector<2048x64xf32> -> vector<2048x64xf32>
    %div3A_997 = vector.broadcast %max3A_992 : vector<2048x1xf32> to vector<2048x64xf32>
    %div3A_998 = arith.divf %dot_general3A_996, %div3A_997 : vector<2048x64xf32>
    %dot_general3A_999 = arith.constant dense<0.000000e+00> : vector<2048x64xf32>
    %dot_general3A_1000 = tpu.matmul %add3A_958, %mul3A_986, %dot_general3A_999 {dimension_numbers = #tpu.dot_dimension_numbers<[1], [0], [0], [1], [0, 0, 1, 1], [], []>, transpose_lhs_hint = false} : vector<2048x128xf32>, vector<128x64xf32>, vector<2048x64xf32> -> vector<2048x64xf32>
    %add3A_1001 = arith.addf %div3A_998, %dot_general3A_1000 : vector<2048x64xf32>
    %slice3A_1002 = vector.extract_strided_slice %add3A_1001 {offsets = [0, 0], sizes = [1, 64], strides = [1, 1]} : vector<2048x64xf32> to vector<1x64xf32>
    %broadcast_in_dim3A_1003 = vector.shape_cast %slice3A_1002 : vector<1x64xf32> to vector<1x64xf32>
    %broadcast_in_dim3A_1004 = vector.broadcast %broadcast_in_dim3A_1003 : vector<1x64xf32> to vector<12x64xf32>
    %slice3A_1005 = vector.extract_strided_slice %add3A_1001 {offsets = [2047, 0], sizes = [1, 64], strides = [1, 1]} : vector<2048x64xf32> to vector<1x64xf32>
    %broadcast_in_dim3A_1006 = vector.shape_cast %slice3A_1005 : vector<1x64xf32> to vector<1x64xf32>
    %broadcast_in_dim3A_1007 = vector.broadcast %broadcast_in_dim3A_1006 : vector<1x64xf32> to vector<12x64xf32>
    %concatenate3A_1008 = tpu.concatenate %broadcast_in_dim3A_1004, %add3A_1001, %broadcast_in_dim3A_1007 in 0 : vector<12x64xf32>, vector<2048x64xf32>, vector<12x64xf32> -> vector<2072x64xf32>
    %slice3A_1009 = vector.extract_strided_slice %concatenate3A_1008 {offsets = [0, 0], sizes = [2071, 64], strides = [1, 1]} : vector<2072x64xf32> to vector<2071x64xf32>
    %slice3A_1010 = vector.extract_strided_slice %concatenate3A_1008 {offsets = [1, 0], sizes = [2071, 64], strides = [1, 1]} : vector<2072x64xf32> to vector<2071x64xf32>
    %add3A_1011 = arith.addf %slice3A_1009, %slice3A_1010 : vector<2071x64xf32>
    %slice3A_1012 = vector.extract_strided_slice %add3A_1011 {offsets = [0, 0], sizes = [2069, 64], strides = [1, 1]} : vector<2071x64xf32> to vector<2069x64xf32>
    %slice3A_1013 = vector.extract_strided_slice %add3A_1011 {offsets = [2, 0], sizes = [2069, 64], strides = [1, 1]} : vector<2071x64xf32> to vector<2069x64xf32>
    %add3A_1014 = arith.addf %slice3A_1012, %slice3A_1013 : vector<2069x64xf32>
    %slice3A_1015 = vector.extract_strided_slice %add3A_1014 {offsets = [0, 0], sizes = [2065, 64], strides = [1, 1]} : vector<2069x64xf32> to vector<2065x64xf32>
    %slice3A_1016 = vector.extract_strided_slice %add3A_1014 {offsets = [4, 0], sizes = [2065, 64], strides = [1, 1]} : vector<2069x64xf32> to vector<2065x64xf32>
    %add3A_1017 = arith.addf %slice3A_1015, %slice3A_1016 : vector<2065x64xf32>
    %slice3A_1018 = vector.extract_strided_slice %add3A_1017 {offsets = [0, 0], sizes = [2057, 64], strides = [1, 1]} : vector<2065x64xf32> to vector<2057x64xf32>
    %slice3A_1019 = vector.extract_strided_slice %add3A_1017 {offsets = [8, 0], sizes = [2057, 64], strides = [1, 1]} : vector<2065x64xf32> to vector<2057x64xf32>
    %add3A_1020 = arith.addf %slice3A_1018, %slice3A_1019 : vector<2057x64xf32>
    %slice3A_1021 = vector.extract_strided_slice %add3A_1020 {offsets = [0, 0], sizes = [2049, 64], strides = [1, 1]} : vector<2057x64xf32> to vector<2049x64xf32>
    %slice3A_1022 = vector.extract_strided_slice %add3A_1017 {offsets = [16, 0], sizes = [2049, 64], strides = [1, 1]} : vector<2065x64xf32> to vector<2049x64xf32>
    %add3A_1023 = arith.addf %slice3A_1021, %slice3A_1022 : vector<2049x64xf32>
    %slice3A_1024 = vector.extract_strided_slice %add3A_1023 {offsets = [0, 0], sizes = [2048, 64], strides = [1, 1]} : vector<2049x64xf32> to vector<2048x64xf32>
    %slice3A_1025 = vector.extract_strided_slice %concatenate3A_1008 {offsets = [24, 0], sizes = [2048, 64], strides = [1, 1]} : vector<2072x64xf32> to vector<2048x64xf32>
    %add3A_1026 = arith.addf %slice3A_1024, %slice3A_1025 : vector<2048x64xf32>
    %mul3A_1027 = arith.constant 4.000000e-02 : f32
    %mul3A_1028 = vector.broadcast %mul3A_1027 : f32 to vector<2048x64xf32>
    %mul3A_1029 = arith.mulf %add3A_1026, %mul3A_1028 : vector<2048x64xf32>
    %get3A_1030 = arith.constant 0 : index
    %get3A_1031 = arith.constant 0 : index
    %get3A_1032 = arith.constant 0 : index
    %get3A_1033 = vector.load %arg20[%get3A_1030, %get3A_1031, %get3A_1032] : memref<3x64x64xf32, #tpu.memory_space<vmem>>, vector<1x64x64xf32>
    %get3A_1034 = vector.shape_cast %get3A_1033 : vector<1x64x64xf32> to vector<64x64xf32>
    %dot_general3A_1035 = arith.constant dense<0.000000e+00> : vector<2048x64xf32>
    %dot_general3A_1036 = tpu.matmul %get3A_532, %get3A_1034, %dot_general3A_1035 {dimension_numbers = #tpu.dot_dimension_numbers<[1], [0], [0], [1], [0, 0, 1, 1], [], []>, transpose_lhs_hint = false} : vector<2048x64xf32>, vector<64x64xf32>, vector<2048x64xf32> -> vector<2048x64xf32>
    %sub3A_1037 = arith.subf %add3A_1001, %mul3A_1029 : vector<2048x64xf32>
    %get3A_1038 = arith.constant 1 : index
    %get3A_1039 = arith.constant 0 : index
    %get3A_1040 = arith.constant 0 : index
    %get3A_1041 = vector.load %arg20[%get3A_1038, %get3A_1039, %get3A_1040] : memref<3x64x64xf32, #tpu.memory_space<vmem>>, vector<1x64x64xf32>
    %get3A_1042 = vector.shape_cast %get3A_1041 : vector<1x64x64xf32> to vector<64x64xf32>
    %dot_general3A_1043 = arith.constant dense<0.000000e+00> : vector<2048x64xf32>
    %dot_general3A_1044 = tpu.matmul %sub3A_1037, %get3A_1042, %dot_general3A_1043 {dimension_numbers = #tpu.dot_dimension_numbers<[1], [0], [0], [1], [0, 0, 1, 1], [], []>, transpose_lhs_hint = false} : vector<2048x64xf32>, vector<64x64xf32>, vector<2048x64xf32> -> vector<2048x64xf32>
    %add3A_1045 = arith.addf %dot_general3A_1036, %dot_general3A_1044 : vector<2048x64xf32>
    %add3A_1046 = arith.addf %mul3A_955, %mul3A_1029 : vector<2048x64xf32>
    %get3A_1047 = arith.constant 2 : index
    %get3A_1048 = arith.constant 0 : index
    %get3A_1049 = arith.constant 0 : index
    %get3A_1050 = vector.load %arg20[%get3A_1047, %get3A_1048, %get3A_1049] : memref<3x64x64xf32, #tpu.memory_space<vmem>>, vector<1x64x64xf32>
    %get3A_1051 = vector.shape_cast %get3A_1050 : vector<1x64x64xf32> to vector<64x64xf32>
    %dot_general3A_1052 = arith.constant dense<0.000000e+00> : vector<2048x64xf32>
    %dot_general3A_1053 = tpu.matmul %add3A_1046, %get3A_1051, %dot_general3A_1052 {dimension_numbers = #tpu.dot_dimension_numbers<[1], [0], [0], [1], [0, 0, 1, 1], [], []>, transpose_lhs_hint = false} : vector<2048x64xf32>, vector<64x64xf32>, vector<2048x64xf32> -> vector<2048x64xf32>
    %add3A_1054 = arith.addf %add3A_1045, %dot_general3A_1053 : vector<2048x64xf32>
    %logistic3A_1055 = arith.negf %add3A_1054 : vector<2048x64xf32>
    %logistic3A_1056 = math.exp %logistic3A_1055 : vector<2048x64xf32>
    %logistic3A_1057 = arith.constant 1.000000e+00 : f32
    %logistic3A_1058 = vector.broadcast %logistic3A_1057 : f32 to vector<2048x64xf32>
    %logistic3A_1059 = arith.addf %logistic3A_1058, %logistic3A_1056 : vector<2048x64xf32>
    %logistic3A_1060 = arith.divf %logistic3A_1058, %logistic3A_1059 : vector<2048x64xf32>
    %swap3A_1061 = arith.constant 1 : index
    %swap3A_1062 = arith.constant 0 : index
    %swap3A_1063 = arith.constant 0 : index
    %swap3A_1064 = vector.load %arg21[%swap3A_1061, %swap3A_1062, %swap3A_1063] : memref<4x2048x64xf32, #tpu.memory_space<vmem>>, vector<1x2048x64xf32>
    %swap3A_1065 = vector.shape_cast %swap3A_1064 : vector<1x2048x64xf32> to vector<2048x64xf32>
    %swap3A_1066 = vector.shape_cast %logistic3A_1060 : vector<2048x64xf32> to vector<1x2048x64xf32>
    tpu.vector_store %arg21[%swap3A_1061, %swap3A_1062, %swap3A_1063], %swap3A_1066 {strides = array<i32>} : memref<4x2048x64xf32, #tpu.memory_space<vmem>>, vector<1x2048x64xf32>,
    %get3A_1067 = arith.constant 2 : index
    %get3A_1068 = arith.constant 0 : index
    %get3A_1069 = arith.constant 0 : index
    %get3A_1070 = vector.load %arg1[%get3A_1067, %get3A_1068, %get3A_1069] : memref<4x2048x64xf32, #tpu.memory_space<vmem>>, vector<1x2048x64xf32>
    %get3A_1071 = vector.shape_cast %get3A_1070 : vector<1x2048x64xf32> to vector<2048x64xf32>
    %get3A_1072 = arith.constant 0 : index
    %get3A_1073 = arith.constant 0 : index
    %get3A_1074 = arith.constant 0 : index
    %get3A_1075 = vector.load %arg13[%get3A_1072, %get3A_1073, %get3A_1074] : memref<3x64x64xf32, #tpu.memory_space<vmem>>, vector<1x64x64xf32>
    %get3A_1076 = vector.shape_cast %get3A_1075 : vector<1x64x64xf32> to vector<64x64xf32>
    %dot_general3A_1077 = arith.constant dense<0.000000e+00> : vector<2048x64xf32>
    %dot_general3A_1078 = tpu.matmul %get3A_1071, %get3A_1076, %dot_general3A_1077 {dimension_numbers = #tpu.dot_dimension_numbers<[1], [0], [0], [1], [0, 0, 1, 1], [], []>, transpose_lhs_hint = false} : vector<2048x64xf32>, vector<64x64xf32>, vector<2048x64xf32> -> vector<2048x64xf32>
    %get3A_1079 = arith.constant 0 : index
    %get3A_1080 = arith.constant 0 : index
    %get3A_1081 = vector.load %arg6[%get3A_1079, %get3A_1080] : memref<512x2048xf32, #tpu.memory_space<vmem>>, vector<512x2048xf32>
    %dot_general3A_1082 = arith.constant dense<0.000000e+00> : vector<512x64xf32>
    %dot_general3A_1083 = tpu.matmul %get3A_1081, %dot_general3A_1078, %dot_general3A_1082 {dimension_numbers = #tpu.dot_dimension_numbers<[1], [0], [0], [1], [0, 0, 1, 1], [], []>, transpose_lhs_hint = false} : vector<512x2048xf32>, vector<2048x64xf32>, vector<512x64xf32> -> vector<512x64xf32>
    %get3A_1084 = arith.constant 1 : index
    %get3A_1085 = arith.constant 0 : index
    %get3A_1086 = arith.constant 0 : index
    %get3A_1087 = vector.load %arg13[%get3A_1084, %get3A_1085, %get3A_1086] : memref<3x64x64xf32, #tpu.memory_space<vmem>>, vector<1x64x64xf32>
    %get3A_1088 = vector.shape_cast %get3A_1087 : vector<1x64x64xf32> to vector<64x64xf32>
    %dot_general3A_1089 = arith.constant dense<0.000000e+00> : vector<512x64xf32>
    %dot_general3A_1090 = tpu.matmul %dot_general3A_1083, %get3A_1088, %dot_general3A_1089 {dimension_numbers = #tpu.dot_dimension_numbers<[1], [0], [0], [1], [0, 0, 1, 1], [], []>, transpose_lhs_hint = false} : vector<512x64xf32>, vector<64x64xf32>, vector<512x64xf32> -> vector<512x64xf32>
    %get3A_1091 = arith.constant 0 : index
    %get3A_1092 = arith.constant 0 : index
    %get3A_1093 = vector.load %arg7[%get3A_1091, %get3A_1092] : memref<128x512xf32, #tpu.memory_space<vmem>>, vector<128x512xf32>
    %dot_general3A_1094 = arith.constant dense<0.000000e+00> : vector<128x64xf32>
    %dot_general3A_1095 = tpu.matmul %get3A_1093, %dot_general3A_1090, %dot_general3A_1094 {dimension_numbers = #tpu.dot_dimension_numbers<[1], [0], [0], [1], [0, 0, 1, 1], [], []>, transpose_lhs_hint = false} : vector<128x512xf32>, vector<512x64xf32>, vector<128x64xf32> -> vector<128x64xf32>
    %get3A_1096 = arith.constant 2 : index
    %get3A_1097 = arith.constant 0 : index
    %get3A_1098 = arith.constant 0 : index
    %get3A_1099 = vector.load %arg13[%get3A_1096, %get3A_1097, %get3A_1098] : memref<3x64x64xf32, #tpu.memory_space<vmem>>, vector<1x64x64xf32>
    %get3A_1100 = vector.shape_cast %get3A_1099 : vector<1x64x64xf32> to vector<64x64xf32>
    %dot_general3A_1101 = arith.constant dense<0.000000e+00> : vector<128x64xf32>
    %dot_general3A_1102 = tpu.matmul %dot_general3A_1095, %get3A_1100, %dot_general3A_1101 {dimension_numbers = #tpu.dot_dimension_numbers<[1], [0], [0], [1], [0, 0, 1, 1], [], []>, transpose_lhs_hint = false} : vector<128x64xf32>, vector<64x64xf32>, vector<128x64xf32> -> vector<128x64xf32>
    %get3A_1103 = arith.constant 0 : index
    %get3A_1104 = arith.constant 0 : index
    %get3A_1105 = vector.load %arg10[%get3A_1103, %get3A_1104] : memref<512x2048xf32, #tpu.memory_space<vmem>>, vector<512x2048xf32>
    %dot_general3A_1106 = arith.constant dense<0.000000e+00> : vector<512x64xf32>
    %dot_general3A_1107 = tpu.matmul %get3A_1105, %get3A_1071, %dot_general3A_1106 {dimension_numbers = #tpu.dot_dimension_numbers<[1], [0], [0], [1], [0, 0, 1, 1], [], []>, transpose_lhs_hint = false} : vector<512x2048xf32>, vector<2048x64xf32>, vector<512x64xf32> -> vector<512x64xf32>
    %get3A_1108 = arith.constant 0 : index
    %get3A_1109 = arith.constant 0 : index
    %get3A_1110 = vector.load %arg11[%get3A_1108, %get3A_1109] : memref<128x512xf32, #tpu.memory_space<vmem>>, vector<128x512xf32>
    %dot_general3A_1111 = arith.constant dense<0.000000e+00> : vector<128x64xf32>
    %dot_general3A_1112 = tpu.matmul %get3A_1110, %dot_general3A_1107, %dot_general3A_1111 {dimension_numbers = #tpu.dot_dimension_numbers<[1], [0], [0], [1], [0, 0, 1, 1], [], []>, transpose_lhs_hint = false} : vector<128x512xf32>, vector<512x64xf32>, vector<128x64xf32> -> vector<128x64xf32>
    %concatenate3A_1113 = tpu.concatenate %dot_general3A_1078, %get3A_1071 in 1 : vector<2048x64xf32>, vector<2048x64xf32> -> vector<2048x128xf32>
    %add3A_1114 = arith.addf %concatenate3A_1113, %get3A_1 : vector<2048x128xf32>
    %get3A_1115 = arith.constant 0 : index
    %get3A_1116 = arith.constant 0 : index
    %get3A_1117 = vector.load %arg2[%get3A_1115, %get3A_1116] : memref<2048x256xf32, #tpu.memory_space<vmem>>, vector<2048x256xf32>
    %dot_general3A_1118 = arith.constant dense<0.000000e+00> : vector<256x128xf32>
    %dot_general3A_1119 = tpu.matmul %get3A_1117, %add3A_1114, %dot_general3A_1118 {dimension_numbers = #tpu.dot_dimension_numbers<[0], [0], [1], [1], [0, 1, 1, 1], [], []>, transpose_lhs_hint = false} : vector<2048x256xf32>, vector<2048x128xf32>, vector<256x128xf32> -> vector<256x128xf32>
    %get3A_1120 = arith.constant 0 : index
    %get3A_1121 = arith.constant 0 : index
    %get3A_1122 = arith.constant 0 : index
    %get3A_1123 = arith.constant 0 : index
    %get3A_1124 = vector.load %arg14[%get3A_1120, %get3A_1121, %get3A_1122, %get3A_1123] : memref<3x2x128x128xf32, #tpu.memory_space<vmem>>, vector<1x1x128x128xf32>
    %get3A_1125 = vector.shape_cast %get3A_1124 : vector<1x1x128x128xf32> to vector<128x128xf32>
    %get3A_1126 = arith.constant 0 : index
    %get3A_1127 = arith.constant 1 : index
    %get3A_1128 = arith.constant 0 : index
    %get3A_1129 = arith.constant 0 : index
    %get3A_1130 = vector.load %arg14[%get3A_1126, %get3A_1127, %get3A_1128, %get3A_1129] : memref<3x2x128x128xf32, #tpu.memory_space<vmem>>, vector<1x1x128x128xf32>
    %get3A_1131 = vector.shape_cast %get3A_1130 : vector<1x1x128x128xf32> to vector<128x128xf32>
    %add3A_1132 = arith.addf %get3A_1125, %get3A_1131 : vector<128x128xf32>
    %mul3A_1133 = arith.constant 5.000000e-01 : f32
    %mul3A_1134 = vector.broadcast %mul3A_1133 : f32 to vector<128x128xf32>
    %mul3A_1135 = arith.mulf %add3A_1132, %mul3A_1134 : vector<128x128xf32>
    %get3A_1136 = arith.constant 0 : index
    %get3A_1137 = arith.constant 0 : index
    %get3A_1138 = arith.constant 0 : index
    %get3A_1139 = arith.constant 0 : index
    %get3A_1140 = vector.load %arg15[%get3A_1136, %get3A_1137, %get3A_1138, %get3A_1139] : memref<3x2x128x128xf32, #tpu.memory_space<vmem>>, vector<1x1x128x128xf32>
    %get3A_1141 = vector.shape_cast %get3A_1140 : vector<1x1x128x128xf32> to vector<128x128xf32>
    %get3A_1142 = arith.constant 0 : index
    %get3A_1143 = arith.constant 1 : index
    %get3A_1144 = arith.constant 0 : index
    %get3A_1145 = arith.constant 0 : index
    %get3A_1146 = vector.load %arg15[%get3A_1142, %get3A_1143, %get3A_1144, %get3A_1145] : memref<3x2x128x128xf32, #tpu.memory_space<vmem>>, vector<1x1x128x128xf32>
    %get3A_1147 = vector.shape_cast %get3A_1146 : vector<1x1x128x128xf32> to vector<128x128xf32>
    %add3A_1148 = arith.addf %get3A_1141, %get3A_1147 : vector<128x128xf32>
    %mul3A_1149 = arith.constant 5.000000e-01 : f32
    %mul3A_1150 = vector.broadcast %mul3A_1149 : f32 to vector<128x128xf32>
    %mul3A_1151 = arith.mulf %add3A_1148, %mul3A_1150 : vector<128x128xf32>
    %reduce_sum3A_1152 = arith.constant dense<0.000000e+00> : vector<2048xf32>
    %reduce_sum3A_1153 = vector.multi_reduction <add>, %get3A_1117, %reduce_sum3A_1152 [1] : vector<2048x256xf32> to vector<2048xf32>
    %broadcast_in_dim3A_1154 = vector.shape_cast %reduce_sum3A_1153 : vector<2048xf32> to vector<2048x1xf32>
    %jit3A_1155 = arith.constant 1.000000e+00 : f32
    %max3A_1156 = vector.broadcast %jit3A_1155 : f32 to vector<2048x1xf32>
    %max3A_1157 = arith.maximumf %max3A_1156, %broadcast_in_dim3A_1154 : vector<2048x1xf32>
    %dot_general3A_1158 = arith.constant dense<0.000000e+00> : vector<256x128xf32>
    %dot_general3A_1159 = tpu.matmul %dot_general3A_1119, %mul3A_1135, %dot_general3A_1158 {dimension_numbers = #tpu.dot_dimension_numbers<[1], [0], [0], [1], [0, 0, 1, 1], [], []>, transpose_lhs_hint = false} : vector<256x128xf32>, vector<128x128xf32>, vector<256x128xf32> -> vector<256x128xf32>
    %dot_general3A_1160 = arith.constant dense<0.000000e+00> : vector<2048x128xf32>
    %dot_general3A_1161 = tpu.matmul %get3A_1117, %dot_general3A_1159, %dot_general3A_1160 {dimension_numbers = #tpu.dot_dimension_numbers<[1], [0], [0], [1], [0, 0, 1, 1], [], []>, transpose_lhs_hint = false} : vector<2048x256xf32>, vector<256x128xf32>, vector<2048x128xf32> -> vector<2048x128xf32>
    %div3A_1162 = vector.broadcast %max3A_1157 : vector<2048x1xf32> to vector<2048x128xf32>
    %div3A_1163 = arith.divf %dot_general3A_1161, %div3A_1162 : vector<2048x128xf32>
    %dot_general3A_1164 = arith.constant dense<0.000000e+00> : vector<2048x128xf32>
    %dot_general3A_1165 = tpu.matmul %add3A_1114, %mul3A_1151, %dot_general3A_1164 {dimension_numbers = #tpu.dot_dimension_numbers<[1], [0], [0], [1], [0, 0, 1, 1], [], []>, transpose_lhs_hint = false} : vector<2048x128xf32>, vector<128x128xf32>, vector<2048x128xf32> -> vector<2048x128xf32>
    %add3A_1166 = arith.addf %div3A_1163, %dot_general3A_1165 : vector<2048x128xf32>
    %add3A_1167 = arith.addf %add3A_1166, %add3A_1114 : vector<2048x128xf32>
    %slice3A_1168 = vector.extract_strided_slice %add3A_1167 {offsets = [0, 0], sizes = [1, 128], strides = [1, 1]} : vector<2048x128xf32> to vector<1x128xf32>
    %broadcast_in_dim3A_1169 = vector.shape_cast %slice3A_1168 : vector<1x128xf32> to vector<1x128xf32>
    %broadcast_in_dim3A_1170 = vector.broadcast %broadcast_in_dim3A_1169 : vector<1x128xf32> to vector<12x128xf32>
    %slice3A_1171 = vector.extract_strided_slice %add3A_1167 {offsets = [2047, 0], sizes = [1, 128], strides = [1, 1]} : vector<2048x128xf32> to vector<1x128xf32>
    %broadcast_in_dim3A_1172 = vector.shape_cast %slice3A_1171 : vector<1x128xf32> to vector<1x128xf32>
    %broadcast_in_dim3A_1173 = vector.broadcast %broadcast_in_dim3A_1172 : vector<1x128xf32> to vector<12x128xf32>
    %concatenate3A_1174 = tpu.concatenate %broadcast_in_dim3A_1170, %add3A_1167, %broadcast_in_dim3A_1173 in 0 : vector<12x128xf32>, vector<2048x128xf32>, vector<12x128xf32> -> vector<2072x128xf32>
    %slice3A_1175 = vector.extract_strided_slice %concatenate3A_1174 {offsets = [0, 0], sizes = [2071, 128], strides = [1, 1]} : vector<2072x128xf32> to vector<2071x128xf32>
    %slice3A_1176 = vector.extract_strided_slice %concatenate3A_1174 {offsets = [1, 0], sizes = [2071, 128], strides = [1, 1]} : vector<2072x128xf32> to vector<2071x128xf32>
    %add3A_1177 = arith.addf %slice3A_1175, %slice3A_1176 : vector<2071x128xf32>
    %slice3A_1178 = vector.extract_strided_slice %add3A_1177 {offsets = [0, 0], sizes = [2069, 128], strides = [1, 1]} : vector<2071x128xf32> to vector<2069x128xf32>
    %slice3A_1179 = vector.extract_strided_slice %add3A_1177 {offsets = [2, 0], sizes = [2069, 128], strides = [1, 1]} : vector<2071x128xf32> to vector<2069x128xf32>
    %add3A_1180 = arith.addf %slice3A_1178, %slice3A_1179 : vector<2069x128xf32>
    %slice3A_1181 = vector.extract_strided_slice %add3A_1180 {offsets = [0, 0], sizes = [2065, 128], strides = [1, 1]} : vector<2069x128xf32> to vector<2065x128xf32>
    %slice3A_1182 = vector.extract_strided_slice %add3A_1180 {offsets = [4, 0], sizes = [2065, 128], strides = [1, 1]} : vector<2069x128xf32> to vector<2065x128xf32>
    %add3A_1183 = arith.addf %slice3A_1181, %slice3A_1182 : vector<2065x128xf32>
    %slice3A_1184 = vector.extract_strided_slice %add3A_1183 {offsets = [0, 0], sizes = [2057, 128], strides = [1, 1]} : vector<2065x128xf32> to vector<2057x128xf32>
    %slice3A_1185 = vector.extract_strided_slice %add3A_1183 {offsets = [8, 0], sizes = [2057, 128], strides = [1, 1]} : vector<2065x128xf32> to vector<2057x128xf32>
    %add3A_1186 = arith.addf %slice3A_1184, %slice3A_1185 : vector<2057x128xf32>
    %slice3A_1187 = vector.extract_strided_slice %add3A_1186 {offsets = [0, 0], sizes = [2049, 128], strides = [1, 1]} : vector<2057x128xf32> to vector<2049x128xf32>
    %slice3A_1188 = vector.extract_strided_slice %add3A_1183 {offsets = [16, 0], sizes = [2049, 128], strides = [1, 1]} : vector<2065x128xf32> to vector<2049x128xf32>
    %add3A_1189 = arith.addf %slice3A_1187, %slice3A_1188 : vector<2049x128xf32>
    %slice3A_1190 = vector.extract_strided_slice %add3A_1189 {offsets = [0, 0], sizes = [2048, 128], strides = [1, 1]} : vector<2049x128xf32> to vector<2048x128xf32>
    %slice3A_1191 = vector.extract_strided_slice %concatenate3A_1174 {offsets = [24, 0], sizes = [2048, 128], strides = [1, 1]} : vector<2072x128xf32> to vector<2048x128xf32>
    %add3A_1192 = arith.addf %slice3A_1190, %slice3A_1191 : vector<2048x128xf32>
    %mul3A_1193 = arith.constant 4.000000e-02 : f32
    %mul3A_1194 = vector.broadcast %mul3A_1193 : f32 to vector<2048x128xf32>
    %mul3A_1195 = arith.mulf %add3A_1192, %mul3A_1194 : vector<2048x128xf32>
    %get3A_1196 = arith.constant 0 : index
    %get3A_1197 = arith.constant 0 : index
    %get3A_1198 = arith.constant 0 : index
    %get3A_1199 = arith.constant 0 : index
    %get3A_1200 = vector.load %arg16[%get3A_1196, %get3A_1197, %get3A_1198, %get3A_1199] : memref<3x3x128x128xf32, #tpu.memory_space<vmem>>, vector<1x1x128x128xf32>
    %get3A_1201 = vector.shape_cast %get3A_1200 : vector<1x1x128x128xf32> to vector<128x128xf32>
    %dot_general3A_1202 = arith.constant dense<0.000000e+00> : vector<2048x128xf32>
    %dot_general3A_1203 = tpu.matmul %add3A_1114, %get3A_1201, %dot_general3A_1202 {dimension_numbers = #tpu.dot_dimension_numbers<[1], [0], [0], [1], [0, 0, 1, 1], [], []>, transpose_lhs_hint = false} : vector<2048x128xf32>, vector<128x128xf32>, vector<2048x128xf32> -> vector<2048x128xf32>
    %sub3A_1204 = arith.subf %add3A_1167, %mul3A_1195 : vector<2048x128xf32>
    %get3A_1205 = arith.constant 0 : index
    %get3A_1206 = arith.constant 1 : index
    %get3A_1207 = arith.constant 0 : index
    %get3A_1208 = arith.constant 0 : index
    %get3A_1209 = vector.load %arg16[%get3A_1205, %get3A_1206, %get3A_1207, %get3A_1208] : memref<3x3x128x128xf32, #tpu.memory_space<vmem>>, vector<1x1x128x128xf32>
    %get3A_1210 = vector.shape_cast %get3A_1209 : vector<1x1x128x128xf32> to vector<128x128xf32>
    %dot_general3A_1211 = arith.constant dense<0.000000e+00> : vector<2048x128xf32>
    %dot_general3A_1212 = tpu.matmul %sub3A_1204, %get3A_1210, %dot_general3A_1211 {dimension_numbers = #tpu.dot_dimension_numbers<[1], [0], [0], [1], [0, 0, 1, 1], [], []>, transpose_lhs_hint = false} : vector<2048x128xf32>, vector<128x128xf32>, vector<2048x128xf32> -> vector<2048x128xf32>
    %add3A_1213 = arith.addf %dot_general3A_1203, %dot_general3A_1212 : vector<2048x128xf32>
    %get3A_1214 = arith.constant 0 : index
    %get3A_1215 = arith.constant 2 : index
    %get3A_1216 = arith.constant 0 : index
    %get3A_1217 = arith.constant 0 : index
    %get3A_1218 = vector.load %arg16[%get3A_1214, %get3A_1215, %get3A_1216, %get3A_1217] : memref<3x3x128x128xf32, #tpu.memory_space<vmem>>, vector<1x1x128x128xf32>
    %get3A_1219 = vector.shape_cast %get3A_1218 : vector<1x1x128x128xf32> to vector<128x128xf32>
    %dot_general3A_1220 = arith.constant dense<0.000000e+00> : vector<2048x128xf32>
    %dot_general3A_1221 = tpu.matmul %mul3A_1195, %get3A_1219, %dot_general3A_1220 {dimension_numbers = #tpu.dot_dimension_numbers<[1], [0], [0], [1], [0, 0, 1, 1], [], []>, transpose_lhs_hint = false} : vector<2048x128xf32>, vector<128x128xf32>, vector<2048x128xf32> -> vector<2048x128xf32>
    %add3A_1222 = arith.addf %add3A_1213, %dot_general3A_1221 : vector<2048x128xf32>
    %concatenate3A_1223 = tpu.concatenate %dot_general3A_1090, %dot_general3A_1107 in 1 : vector<512x64xf32>, vector<512x64xf32> -> vector<512x128xf32>
    %slice3A_1224 = vector.extract_strided_slice %get3A_1 {offsets = [0, 0], sizes = [512, 128], strides = [1, 1]} : vector<2048x128xf32> to vector<512x128xf32>
    %add3A_1225 = arith.addf %concatenate3A_1223, %slice3A_1224 : vector<512x128xf32>
    %get3A_1226 = arith.constant 0 : index
    %get3A_1227 = arith.constant 0 : index
    %get3A_1228 = vector.load %arg3[%get3A_1226, %get3A_1227] : memref<512x64xf32, #tpu.memory_space<vmem>>, vector<512x64xf32>
    %dot_general3A_1229 = arith.constant dense<0.000000e+00> : vector<64x128xf32>
    %dot_general3A_1230 = tpu.matmul %get3A_1228, %add3A_1225, %dot_general3A_1229 {dimension_numbers = #tpu.dot_dimension_numbers<[0], [0], [1], [1], [0, 1, 1, 1], [], []>, transpose_lhs_hint = false} : vector<512x64xf32>, vector<512x128xf32>, vector<64x128xf32> -> vector<64x128xf32>
    %get3A_1231 = arith.constant 1 : index
    %get3A_1232 = arith.constant 0 : index
    %get3A_1233 = arith.constant 0 : index
    %get3A_1234 = arith.constant 0 : index
    %get3A_1235 = vector.load %arg14[%get3A_1231, %get3A_1232, %get3A_1233, %get3A_1234] : memref<3x2x128x128xf32, #tpu.memory_space<vmem>>, vector<1x1x128x128xf32>
    %get3A_1236 = vector.shape_cast %get3A_1235 : vector<1x1x128x128xf32> to vector<128x128xf32>
    %get3A_1237 = arith.constant 1 : index
    %get3A_1238 = arith.constant 1 : index
    %get3A_1239 = arith.constant 0 : index
    %get3A_1240 = arith.constant 0 : index
    %get3A_1241 = vector.load %arg14[%get3A_1237, %get3A_1238, %get3A_1239, %get3A_1240] : memref<3x2x128x128xf32, #tpu.memory_space<vmem>>, vector<1x1x128x128xf32>
    %get3A_1242 = vector.shape_cast %get3A_1241 : vector<1x1x128x128xf32> to vector<128x128xf32>
    %add3A_1243 = arith.addf %get3A_1236, %get3A_1242 : vector<128x128xf32>
    %mul3A_1244 = arith.constant 5.000000e-01 : f32
    %mul3A_1245 = vector.broadcast %mul3A_1244 : f32 to vector<128x128xf32>
    %mul3A_1246 = arith.mulf %add3A_1243, %mul3A_1245 : vector<128x128xf32>
    %get3A_1247 = arith.constant 1 : index
    %get3A_1248 = arith.constant 0 : index
    %get3A_1249 = arith.constant 0 : index
    %get3A_1250 = arith.constant 0 : index
    %get3A_1251 = vector.load %arg15[%get3A_1247, %get3A_1248, %get3A_1249, %get3A_1250] : memref<3x2x128x128xf32, #tpu.memory_space<vmem>>, vector<1x1x128x128xf32>
    %get3A_1252 = vector.shape_cast %get3A_1251 : vector<1x1x128x128xf32> to vector<128x128xf32>
    %get3A_1253 = arith.constant 1 : index
    %get3A_1254 = arith.constant 1 : index
    %get3A_1255 = arith.constant 0 : index
    %get3A_1256 = arith.constant 0 : index
    %get3A_1257 = vector.load %arg15[%get3A_1253, %get3A_1254, %get3A_1255, %get3A_1256] : memref<3x2x128x128xf32, #tpu.memory_space<vmem>>, vector<1x1x128x128xf32>
    %get3A_1258 = vector.shape_cast %get3A_1257 : vector<1x1x128x128xf32> to vector<128x128xf32>
    %add3A_1259 = arith.addf %get3A_1252, %get3A_1258 : vector<128x128xf32>
    %mul3A_1260 = arith.constant 5.000000e-01 : f32
    %mul3A_1261 = vector.broadcast %mul3A_1260 : f32 to vector<128x128xf32>
    %mul3A_1262 = arith.mulf %add3A_1259, %mul3A_1261 : vector<128x128xf32>
    %reduce_sum3A_1263 = arith.constant dense<0.000000e+00> : vector<512xf32>
    %reduce_sum3A_1264 = vector.multi_reduction <add>, %get3A_1228, %reduce_sum3A_1263 [1] : vector<512x64xf32> to vector<512xf32>
    %broadcast_in_dim3A_1265 = vector.shape_cast %reduce_sum3A_1264 : vector<512xf32> to vector<512x1xf32>
    %jit3A_1266 = arith.constant 1.000000e+00 : f32
    %max3A_1267 = vector.broadcast %jit3A_1266 : f32 to vector<512x1xf32>
    %max3A_1268 = arith.maximumf %max3A_1267, %broadcast_in_dim3A_1265 : vector<512x1xf32>
    %dot_general3A_1269 = arith.constant dense<0.000000e+00> : vector<64x128xf32>
    %dot_general3A_1270 = tpu.matmul %dot_general3A_1230, %mul3A_1246, %dot_general3A_1269 {dimension_numbers = #tpu.dot_dimension_numbers<[1], [0], [0], [1], [0, 0, 1, 1], [], []>, transpose_lhs_hint = false} : vector<64x128xf32>, vector<128x128xf32>, vector<64x128xf32> -> vector<64x128xf32>
    %dot_general3A_1271 = arith.constant dense<0.000000e+00> : vector<512x128xf32>
    %dot_general3A_1272 = tpu.matmul %get3A_1228, %dot_general3A_1270, %dot_general3A_1271 {dimension_numbers = #tpu.dot_dimension_numbers<[1], [0], [0], [1], [0, 0, 1, 1], [], []>, transpose_lhs_hint = false} : vector<512x64xf32>, vector<64x128xf32>, vector<512x128xf32> -> vector<512x128xf32>
    %div3A_1273 = vector.broadcast %max3A_1268 : vector<512x1xf32> to vector<512x128xf32>
    %div3A_1274 = arith.divf %dot_general3A_1272, %div3A_1273 : vector<512x128xf32>
    %dot_general3A_1275 = arith.constant dense<0.000000e+00> : vector<512x128xf32>
    %dot_general3A_1276 = tpu.matmul %add3A_1225, %mul3A_1262, %dot_general3A_1275 {dimension_numbers = #tpu.dot_dimension_numbers<[1], [0], [0], [1], [0, 0, 1, 1], [], []>, transpose_lhs_hint = false} : vector<512x128xf32>, vector<128x128xf32>, vector<512x128xf32> -> vector<512x128xf32>
    %add3A_1277 = arith.addf %div3A_1274, %dot_general3A_1276 : vector<512x128xf32>
    %add3A_1278 = arith.addf %add3A_1277, %add3A_1225 : vector<512x128xf32>
    %slice3A_1279 = vector.extract_strided_slice %add3A_1278 {offsets = [0, 0], sizes = [1, 128], strides = [1, 1]} : vector<512x128xf32> to vector<1x128xf32>
    %broadcast_in_dim3A_1280 = vector.shape_cast %slice3A_1279 : vector<1x128xf32> to vector<1x128xf32>
    %broadcast_in_dim3A_1281 = vector.broadcast %broadcast_in_dim3A_1280 : vector<1x128xf32> to vector<12x128xf32>
    %slice3A_1282 = vector.extract_strided_slice %add3A_1278 {offsets = [511, 0], sizes = [1, 128], strides = [1, 1]} : vector<512x128xf32> to vector<1x128xf32>
    %broadcast_in_dim3A_1283 = vector.shape_cast %slice3A_1282 : vector<1x128xf32> to vector<1x128xf32>
    %broadcast_in_dim3A_1284 = vector.broadcast %broadcast_in_dim3A_1283 : vector<1x128xf32> to vector<12x128xf32>
    %concatenate3A_1285 = tpu.concatenate %broadcast_in_dim3A_1281, %add3A_1278, %broadcast_in_dim3A_1284 in 0 : vector<12x128xf32>, vector<512x128xf32>, vector<12x128xf32> -> vector<536x128xf32>
    %slice3A_1286 = vector.extract_strided_slice %concatenate3A_1285 {offsets = [0, 0], sizes = [535, 128], strides = [1, 1]} : vector<536x128xf32> to vector<535x128xf32>
    %slice3A_1287 = vector.extract_strided_slice %concatenate3A_1285 {offsets = [1, 0], sizes = [535, 128], strides = [1, 1]} : vector<536x128xf32> to vector<535x128xf32>
    %add3A_1288 = arith.addf %slice3A_1286, %slice3A_1287 : vector<535x128xf32>
    %slice3A_1289 = vector.extract_strided_slice %add3A_1288 {offsets = [0, 0], sizes = [533, 128], strides = [1, 1]} : vector<535x128xf32> to vector<533x128xf32>
    %slice3A_1290 = vector.extract_strided_slice %add3A_1288 {offsets = [2, 0], sizes = [533, 128], strides = [1, 1]} : vector<535x128xf32> to vector<533x128xf32>
    %add3A_1291 = arith.addf %slice3A_1289, %slice3A_1290 : vector<533x128xf32>
    %slice3A_1292 = vector.extract_strided_slice %add3A_1291 {offsets = [0, 0], sizes = [529, 128], strides = [1, 1]} : vector<533x128xf32> to vector<529x128xf32>
    %slice3A_1293 = vector.extract_strided_slice %add3A_1291 {offsets = [4, 0], sizes = [529, 128], strides = [1, 1]} : vector<533x128xf32> to vector<529x128xf32>
    %add3A_1294 = arith.addf %slice3A_1292, %slice3A_1293 : vector<529x128xf32>
    %slice3A_1295 = vector.extract_strided_slice %add3A_1294 {offsets = [0, 0], sizes = [521, 128], strides = [1, 1]} : vector<529x128xf32> to vector<521x128xf32>
    %slice3A_1296 = vector.extract_strided_slice %add3A_1294 {offsets = [8, 0], sizes = [521, 128], strides = [1, 1]} : vector<529x128xf32> to vector<521x128xf32>
    %add3A_1297 = arith.addf %slice3A_1295, %slice3A_1296 : vector<521x128xf32>
    %slice3A_1298 = vector.extract_strided_slice %add3A_1297 {offsets = [0, 0], sizes = [513, 128], strides = [1, 1]} : vector<521x128xf32> to vector<513x128xf32>
    %slice3A_1299 = vector.extract_strided_slice %add3A_1294 {offsets = [16, 0], sizes = [513, 128], strides = [1, 1]} : vector<529x128xf32> to vector<513x128xf32>
    %add3A_1300 = arith.addf %slice3A_1298, %slice3A_1299 : vector<513x128xf32>
    %slice3A_1301 = vector.extract_strided_slice %add3A_1300 {offsets = [0, 0], sizes = [512, 128], strides = [1, 1]} : vector<513x128xf32> to vector<512x128xf32>
    %slice3A_1302 = vector.extract_strided_slice %concatenate3A_1285 {offsets = [24, 0], sizes = [512, 128], strides = [1, 1]} : vector<536x128xf32> to vector<512x128xf32>
    %add3A_1303 = arith.addf %slice3A_1301, %slice3A_1302 : vector<512x128xf32>
    %mul3A_1304 = arith.constant 4.000000e-02 : f32
    %mul3A_1305 = vector.broadcast %mul3A_1304 : f32 to vector<512x128xf32>
    %mul3A_1306 = arith.mulf %add3A_1303, %mul3A_1305 : vector<512x128xf32>
    %get3A_1307 = arith.constant 1 : index
    %get3A_1308 = arith.constant 0 : index
    %get3A_1309 = arith.constant 0 : index
    %get3A_1310 = arith.constant 0 : index
    %get3A_1311 = vector.load %arg16[%get3A_1307, %get3A_1308, %get3A_1309, %get3A_1310] : memref<3x3x128x128xf32, #tpu.memory_space<vmem>>, vector<1x1x128x128xf32>
    %get3A_1312 = vector.shape_cast %get3A_1311 : vector<1x1x128x128xf32> to vector<128x128xf32>
    %dot_general3A_1313 = arith.constant dense<0.000000e+00> : vector<512x128xf32>
    %dot_general3A_1314 = tpu.matmul %add3A_1225, %get3A_1312, %dot_general3A_1313 {dimension_numbers = #tpu.dot_dimension_numbers<[1], [0], [0], [1], [0, 0, 1, 1], [], []>, transpose_lhs_hint = false} : vector<512x128xf32>, vector<128x128xf32>, vector<512x128xf32> -> vector<512x128xf32>
    %sub3A_1315 = arith.subf %add3A_1278, %mul3A_1306 : vector<512x128xf32>
    %get3A_1316 = arith.constant 1 : index
    %get3A_1317 = arith.constant 1 : index
    %get3A_1318 = arith.constant 0 : index
    %get3A_1319 = arith.constant 0 : index
    %get3A_1320 = vector.load %arg16[%get3A_1316, %get3A_1317, %get3A_1318, %get3A_1319] : memref<3x3x128x128xf32, #tpu.memory_space<vmem>>, vector<1x1x128x128xf32>
    %get3A_1321 = vector.shape_cast %get3A_1320 : vector<1x1x128x128xf32> to vector<128x128xf32>
    %dot_general3A_1322 = arith.constant dense<0.000000e+00> : vector<512x128xf32>
    %dot_general3A_1323 = tpu.matmul %sub3A_1315, %get3A_1321, %dot_general3A_1322 {dimension_numbers = #tpu.dot_dimension_numbers<[1], [0], [0], [1], [0, 0, 1, 1], [], []>, transpose_lhs_hint = false} : vector<512x128xf32>, vector<128x128xf32>, vector<512x128xf32> -> vector<512x128xf32>
    %add3A_1324 = arith.addf %dot_general3A_1314, %dot_general3A_1323 : vector<512x128xf32>
    %get3A_1325 = arith.constant 1 : index
    %get3A_1326 = arith.constant 2 : index
    %get3A_1327 = arith.constant 0 : index
    %get3A_1328 = arith.constant 0 : index
    %get3A_1329 = vector.load %arg16[%get3A_1325, %get3A_1326, %get3A_1327, %get3A_1328] : memref<3x3x128x128xf32, #tpu.memory_space<vmem>>, vector<1x1x128x128xf32>
    %get3A_1330 = vector.shape_cast %get3A_1329 : vector<1x1x128x128xf32> to vector<128x128xf32>
    %dot_general3A_1331 = arith.constant dense<0.000000e+00> : vector<512x128xf32>
    %dot_general3A_1332 = tpu.matmul %mul3A_1306, %get3A_1330, %dot_general3A_1331 {dimension_numbers = #tpu.dot_dimension_numbers<[1], [0], [0], [1], [0, 0, 1, 1], [], []>, transpose_lhs_hint = false} : vector<512x128xf32>, vector<128x128xf32>, vector<512x128xf32> -> vector<512x128xf32>
    %add3A_1333 = arith.addf %add3A_1324, %dot_general3A_1332 : vector<512x128xf32>
    %get3A_1334 = arith.constant 0 : index
    %get3A_1335 = arith.constant 0 : index
    %get3A_1336 = vector.load %arg8[%get3A_1334, %get3A_1335] : memref<2048x512xf32, #tpu.memory_space<vmem>>, vector<2048x512xf32>
    %dot_general3A_1337 = arith.constant dense<0.000000e+00> : vector<2048x128xf32>
    %dot_general3A_1338 = tpu.matmul %get3A_1336, %add3A_1333, %dot_general3A_1337 {dimension_numbers = #tpu.dot_dimension_numbers<[1], [0], [0], [1], [0, 0, 1, 1], [], []>, transpose_lhs_hint = false} : vector<2048x512xf32>, vector<512x128xf32>, vector<2048x128xf32> -> vector<2048x128xf32>
    %add3A_1339 = arith.addf %add3A_1222, %dot_general3A_1338 : vector<2048x128xf32>
    %concatenate3A_1340 = tpu.concatenate %dot_general3A_1102, %dot_general3A_1112 in 1 : vector<128x64xf32>, vector<128x64xf32> -> vector<128x128xf32>
    %slice3A_1341 = vector.extract_strided_slice %get3A_1 {offsets = [0, 0], sizes = [128, 128], strides = [1, 1]} : vector<2048x128xf32> to vector<128x128xf32>
    %add3A_1342 = arith.addf %concatenate3A_1340, %slice3A_1341 : vector<128x128xf32>
    %get3A_1343 = arith.constant 0 : index
    %get3A_1344 = arith.constant 0 : index
    %get3A_1345 = vector.load %arg4[%get3A_1343, %get3A_1344] : memref<128x16xf32, #tpu.memory_space<vmem>>, vector<128x16xf32>
    %dot_general3A_1346 = arith.constant dense<0.000000e+00> : vector<16x128xf32>
    %dot_general3A_1347 = tpu.matmul %get3A_1345, %add3A_1342, %dot_general3A_1346 {dimension_numbers = #tpu.dot_dimension_numbers<[0], [0], [1], [1], [0, 1, 1, 1], [], []>, transpose_lhs_hint = false} : vector<128x16xf32>, vector<128x128xf32>, vector<16x128xf32> -> vector<16x128xf32>
    %get3A_1348 = arith.constant 2 : index
    %get3A_1349 = arith.constant 0 : index
    %get3A_1350 = arith.constant 0 : index
    %get3A_1351 = arith.constant 0 : index
    %get3A_1352 = vector.load %arg14[%get3A_1348, %get3A_1349, %get3A_1350, %get3A_1351] : memref<3x2x128x128xf32, #tpu.memory_space<vmem>>, vector<1x1x128x128xf32>
    %get3A_1353 = vector.shape_cast %get3A_1352 : vector<1x1x128x128xf32> to vector<128x128xf32>
    %get3A_1354 = arith.constant 2 : index
    %get3A_1355 = arith.constant 1 : index
    %get3A_1356 = arith.constant 0 : index
    %get3A_1357 = arith.constant 0 : index
    %get3A_1358 = vector.load %arg14[%get3A_1354, %get3A_1355, %get3A_1356, %get3A_1357] : memref<3x2x128x128xf32, #tpu.memory_space<vmem>>, vector<1x1x128x128xf32>
    %get3A_1359 = vector.shape_cast %get3A_1358 : vector<1x1x128x128xf32> to vector<128x128xf32>
    %add3A_1360 = arith.addf %get3A_1353, %get3A_1359 : vector<128x128xf32>
    %mul3A_1361 = arith.constant 5.000000e-01 : f32
    %mul3A_1362 = vector.broadcast %mul3A_1361 : f32 to vector<128x128xf32>
    %mul3A_1363 = arith.mulf %add3A_1360, %mul3A_1362 : vector<128x128xf32>
    %get3A_1364 = arith.constant 2 : index
    %get3A_1365 = arith.constant 0 : index
    %get3A_1366 = arith.constant 0 : index
    %get3A_1367 = arith.constant 0 : index
    %get3A_1368 = vector.load %arg15[%get3A_1364, %get3A_1365, %get3A_1366, %get3A_1367] : memref<3x2x128x128xf32, #tpu.memory_space<vmem>>, vector<1x1x128x128xf32>
    %get3A_1369 = vector.shape_cast %get3A_1368 : vector<1x1x128x128xf32> to vector<128x128xf32>
    %get3A_1370 = arith.constant 2 : index
    %get3A_1371 = arith.constant 1 : index
    %get3A_1372 = arith.constant 0 : index
    %get3A_1373 = arith.constant 0 : index
    %get3A_1374 = vector.load %arg15[%get3A_1370, %get3A_1371, %get3A_1372, %get3A_1373] : memref<3x2x128x128xf32, #tpu.memory_space<vmem>>, vector<1x1x128x128xf32>
    %get3A_1375 = vector.shape_cast %get3A_1374 : vector<1x1x128x128xf32> to vector<128x128xf32>
    %add3A_1376 = arith.addf %get3A_1369, %get3A_1375 : vector<128x128xf32>
    %mul3A_1377 = arith.constant 5.000000e-01 : f32
    %mul3A_1378 = vector.broadcast %mul3A_1377 : f32 to vector<128x128xf32>
    %mul3A_1379 = arith.mulf %add3A_1376, %mul3A_1378 : vector<128x128xf32>
    %reduce_sum3A_1380 = arith.constant dense<0.000000e+00> : vector<128xf32>
    %reduce_sum3A_1381 = vector.multi_reduction <add>, %get3A_1345, %reduce_sum3A_1380 [1] : vector<128x16xf32> to vector<128xf32>
    %broadcast_in_dim3A_1382 = vector.shape_cast %reduce_sum3A_1381 : vector<128xf32> to vector<128x1xf32>
    %jit3A_1383 = arith.constant 1.000000e+00 : f32
    %max3A_1384 = vector.broadcast %jit3A_1383 : f32 to vector<128x1xf32>
    %max3A_1385 = arith.maximumf %max3A_1384, %broadcast_in_dim3A_1382 : vector<128x1xf32>
    %dot_general3A_1386 = arith.constant dense<0.000000e+00> : vector<16x128xf32>
    %dot_general3A_1387 = tpu.matmul %dot_general3A_1347, %mul3A_1363, %dot_general3A_1386 {dimension_numbers = #tpu.dot_dimension_numbers<[1], [0], [0], [1], [0, 0, 1, 1], [], []>, transpose_lhs_hint = false} : vector<16x128xf32>, vector<128x128xf32>, vector<16x128xf32> -> vector<16x128xf32>
    %dot_general3A_1388 = arith.constant dense<0.000000e+00> : vector<128x128xf32>
    %dot_general3A_1389 = tpu.matmul %get3A_1345, %dot_general3A_1387, %dot_general3A_1388 {dimension_numbers = #tpu.dot_dimension_numbers<[1], [0], [0], [1], [0, 0, 1, 1], [], []>, transpose_lhs_hint = false} : vector<128x16xf32>, vector<16x128xf32>, vector<128x128xf32> -> vector<128x128xf32>
    %div3A_1390 = vector.broadcast %max3A_1385 : vector<128x1xf32> to vector<128x128xf32>
    %div3A_1391 = arith.divf %dot_general3A_1389, %div3A_1390 : vector<128x128xf32>
    %dot_general3A_1392 = arith.constant dense<0.000000e+00> : vector<128x128xf32>
    %dot_general3A_1393 = tpu.matmul %add3A_1342, %mul3A_1379, %dot_general3A_1392 {dimension_numbers = #tpu.dot_dimension_numbers<[1], [0], [0], [1], [0, 0, 1, 1], [], []>, transpose_lhs_hint = false} : vector<128x128xf32>, vector<128x128xf32>, vector<128x128xf32> -> vector<128x128xf32>
    %add3A_1394 = arith.addf %div3A_1391, %dot_general3A_1393 : vector<128x128xf32>
    %add3A_1395 = arith.addf %add3A_1394, %add3A_1342 : vector<128x128xf32>
    %slice3A_1396 = vector.extract_strided_slice %add3A_1395 {offsets = [0, 0], sizes = [1, 128], strides = [1, 1]} : vector<128x128xf32> to vector<1x128xf32>
    %broadcast_in_dim3A_1397 = vector.shape_cast %slice3A_1396 : vector<1x128xf32> to vector<1x128xf32>
    %broadcast_in_dim3A_1398 = vector.broadcast %broadcast_in_dim3A_1397 : vector<1x128xf32> to vector<12x128xf32>
    %slice3A_1399 = vector.extract_strided_slice %add3A_1395 {offsets = [127, 0], sizes = [1, 128], strides = [1, 1]} : vector<128x128xf32> to vector<1x128xf32>
    %broadcast_in_dim3A_1400 = vector.shape_cast %slice3A_1399 : vector<1x128xf32> to vector<1x128xf32>
    %broadcast_in_dim3A_1401 = vector.broadcast %broadcast_in_dim3A_1400 : vector<1x128xf32> to vector<12x128xf32>
    %concatenate3A_1402 = tpu.concatenate %broadcast_in_dim3A_1398, %add3A_1395, %broadcast_in_dim3A_1401 in 0 : vector<12x128xf32>, vector<128x128xf32>, vector<12x128xf32> -> vector<152x128xf32>
    %slice3A_1403 = vector.extract_strided_slice %concatenate3A_1402 {offsets = [0, 0], sizes = [151, 128], strides = [1, 1]} : vector<152x128xf32> to vector<151x128xf32>
    %slice3A_1404 = vector.extract_strided_slice %concatenate3A_1402 {offsets = [1, 0], sizes = [151, 128], strides = [1, 1]} : vector<152x128xf32> to vector<151x128xf32>
    %add3A_1405 = arith.addf %slice3A_1403, %slice3A_1404 : vector<151x128xf32>
    %slice3A_1406 = vector.extract_strided_slice %add3A_1405 {offsets = [0, 0], sizes = [149, 128], strides = [1, 1]} : vector<151x128xf32> to vector<149x128xf32>
    %slice3A_1407 = vector.extract_strided_slice %add3A_1405 {offsets = [2, 0], sizes = [149, 128], strides = [1, 1]} : vector<151x128xf32> to vector<149x128xf32>
    %add3A_1408 = arith.addf %slice3A_1406, %slice3A_1407 : vector<149x128xf32>
    %slice3A_1409 = vector.extract_strided_slice %add3A_1408 {offsets = [0, 0], sizes = [145, 128], strides = [1, 1]} : vector<149x128xf32> to vector<145x128xf32>
    %slice3A_1410 = vector.extract_strided_slice %add3A_1408 {offsets = [4, 0], sizes = [145, 128], strides = [1, 1]} : vector<149x128xf32> to vector<145x128xf32>
    %add3A_1411 = arith.addf %slice3A_1409, %slice3A_1410 : vector<145x128xf32>
    %slice3A_1412 = vector.extract_strided_slice %add3A_1411 {offsets = [0, 0], sizes = [137, 128], strides = [1, 1]} : vector<145x128xf32> to vector<137x128xf32>
    %slice3A_1413 = vector.extract_strided_slice %add3A_1411 {offsets = [8, 0], sizes = [137, 128], strides = [1, 1]} : vector<145x128xf32> to vector<137x128xf32>
    %add3A_1414 = arith.addf %slice3A_1412, %slice3A_1413 : vector<137x128xf32>
    %slice3A_1415 = vector.extract_strided_slice %add3A_1414 {offsets = [0, 0], sizes = [129, 128], strides = [1, 1]} : vector<137x128xf32> to vector<129x128xf32>
    %slice3A_1416 = vector.extract_strided_slice %add3A_1411 {offsets = [16, 0], sizes = [129, 128], strides = [1, 1]} : vector<145x128xf32> to vector<129x128xf32>
    %add3A_1417 = arith.addf %slice3A_1415, %slice3A_1416 : vector<129x128xf32>
    %slice3A_1418 = vector.extract_strided_slice %add3A_1417 {offsets = [0, 0], sizes = [128, 128], strides = [1, 1]} : vector<129x128xf32> to vector<128x128xf32>
    %slice3A_1419 = vector.extract_strided_slice %concatenate3A_1402 {offsets = [24, 0], sizes = [128, 128], strides = [1, 1]} : vector<152x128xf32> to vector<128x128xf32>
    %add3A_1420 = arith.addf %slice3A_1418, %slice3A_1419 : vector<128x128xf32>
    %mul3A_1421 = arith.constant 4.000000e-02 : f32
    %mul3A_1422 = vector.broadcast %mul3A_1421 : f32 to vector<128x128xf32>
    %mul3A_1423 = arith.mulf %add3A_1420, %mul3A_1422 : vector<128x128xf32>
    %get3A_1424 = arith.constant 2 : index
    %get3A_1425 = arith.constant 0 : index
    %get3A_1426 = arith.constant 0 : index
    %get3A_1427 = arith.constant 0 : index
    %get3A_1428 = vector.load %arg16[%get3A_1424, %get3A_1425, %get3A_1426, %get3A_1427] : memref<3x3x128x128xf32, #tpu.memory_space<vmem>>, vector<1x1x128x128xf32>
    %get3A_1429 = vector.shape_cast %get3A_1428 : vector<1x1x128x128xf32> to vector<128x128xf32>
    %dot_general3A_1430 = arith.constant dense<0.000000e+00> : vector<128x128xf32>
    %dot_general3A_1431 = tpu.matmul %add3A_1342, %get3A_1429, %dot_general3A_1430 {dimension_numbers = #tpu.dot_dimension_numbers<[1], [0], [0], [1], [0, 0, 1, 1], [], []>, transpose_lhs_hint = false} : vector<128x128xf32>, vector<128x128xf32>, vector<128x128xf32> -> vector<128x128xf32>
    %sub3A_1432 = arith.subf %add3A_1395, %mul3A_1423 : vector<128x128xf32>
    %get3A_1433 = arith.constant 2 : index
    %get3A_1434 = arith.constant 1 : index
    %get3A_1435 = arith.constant 0 : index
    %get3A_1436 = arith.constant 0 : index
    %get3A_1437 = vector.load %arg16[%get3A_1433, %get3A_1434, %get3A_1435, %get3A_1436] : memref<3x3x128x128xf32, #tpu.memory_space<vmem>>, vector<1x1x128x128xf32>
    %get3A_1438 = vector.shape_cast %get3A_1437 : vector<1x1x128x128xf32> to vector<128x128xf32>
    %dot_general3A_1439 = arith.constant dense<0.000000e+00> : vector<128x128xf32>
    %dot_general3A_1440 = tpu.matmul %sub3A_1432, %get3A_1438, %dot_general3A_1439 {dimension_numbers = #tpu.dot_dimension_numbers<[1], [0], [0], [1], [0, 0, 1, 1], [], []>, transpose_lhs_hint = false} : vector<128x128xf32>, vector<128x128xf32>, vector<128x128xf32> -> vector<128x128xf32>
    %add3A_1441 = arith.addf %dot_general3A_1431, %dot_general3A_1440 : vector<128x128xf32>
    %get3A_1442 = arith.constant 2 : index
    %get3A_1443 = arith.constant 2 : index
    %get3A_1444 = arith.constant 0 : index
    %get3A_1445 = arith.constant 0 : index
    %get3A_1446 = vector.load %arg16[%get3A_1442, %get3A_1443, %get3A_1444, %get3A_1445] : memref<3x3x128x128xf32, #tpu.memory_space<vmem>>, vector<1x1x128x128xf32>
    %get3A_1447 = vector.shape_cast %get3A_1446 : vector<1x1x128x128xf32> to vector<128x128xf32>
    %dot_general3A_1448 = arith.constant dense<0.000000e+00> : vector<128x128xf32>
    %dot_general3A_1449 = tpu.matmul %mul3A_1423, %get3A_1447, %dot_general3A_1448 {dimension_numbers = #tpu.dot_dimension_numbers<[1], [0], [0], [1], [0, 0, 1, 1], [], []>, transpose_lhs_hint = false} : vector<128x128xf32>, vector<128x128xf32>, vector<128x128xf32> -> vector<128x128xf32>
    %add3A_1450 = arith.addf %add3A_1441, %dot_general3A_1449 : vector<128x128xf32>
    %get3A_1451 = arith.constant 0 : index
    %get3A_1452 = arith.constant 0 : index
    %get3A_1453 = vector.load %arg9[%get3A_1451, %get3A_1452] : memref<2048x128xf32, #tpu.memory_space<vmem>>, vector<2048x128xf32>
    %dot_general3A_1454 = arith.constant dense<0.000000e+00> : vector<2048x128xf32>
    %dot_general3A_1455 = tpu.matmul %get3A_1453, %add3A_1450, %dot_general3A_1454 {dimension_numbers = #tpu.dot_dimension_numbers<[1], [0], [0], [1], [0, 0, 1, 1], [], []>, transpose_lhs_hint = false} : vector<2048x128xf32>, vector<128x128xf32>, vector<2048x128xf32> -> vector<2048x128xf32>
    %add3A_1456 = arith.addf %add3A_1339, %dot_general3A_1455 : vector<2048x128xf32>
    %get3A_1457 = arith.constant 0 : index
    %get3A_1458 = arith.constant 0 : index
    %get3A_1459 = vector.load %arg17[%get3A_1457, %get3A_1458] : memref<128x64xf32, #tpu.memory_space<vmem>>, vector<128x64xf32>
    %dot_general3A_1460 = arith.constant dense<0.000000e+00> : vector<2048x64xf32>
    %dot_general3A_1461 = tpu.matmul %add3A_1456, %get3A_1459, %dot_general3A_1460 {dimension_numbers = #tpu.dot_dimension_numbers<[1], [0], [0], [1], [0, 0, 1, 1], [], []>, transpose_lhs_hint = false} : vector<2048x128xf32>, vector<128x64xf32>, vector<2048x64xf32> -> vector<2048x64xf32>
    %get3A_1462 = arith.constant 0 : index
    %get3A_1463 = arith.constant 0 : index
    %get3A_1464 = vector.load %arg5[%get3A_1462, %get3A_1463] : memref<2048x256xf32, #tpu.memory_space<vmem>>, vector<2048x256xf32>
    %dot_general3A_1465 = arith.constant dense<0.000000e+00> : vector<256x64xf32>
    %dot_general3A_1466 = tpu.matmul %get3A_1464, %get3A_1071, %dot_general3A_1465 {dimension_numbers = #tpu.dot_dimension_numbers<[0], [0], [1], [1], [0, 1, 1, 1], [], []>, transpose_lhs_hint = false} : vector<2048x256xf32>, vector<2048x64xf32>, vector<256x64xf32> -> vector<256x64xf32>
    %slice3A_1467 = vector.extract_strided_slice %get3A_1071 {offsets = [0, 0], sizes = [1, 64], strides = [1, 1]} : vector<2048x64xf32> to vector<1x64xf32>
    %broadcast_in_dim3A_1468 = vector.shape_cast %slice3A_1467 : vector<1x64xf32> to vector<1x64xf32>
    %broadcast_in_dim3A_1469 = vector.broadcast %broadcast_in_dim3A_1468 : vector<1x64xf32> to vector<12x64xf32>
    %slice3A_1470 = vector.extract_strided_slice %get3A_1071 {offsets = [2047, 0], sizes = [1, 64], strides = [1, 1]} : vector<2048x64xf32> to vector<1x64xf32>
    %broadcast_in_dim3A_1471 = vector.shape_cast %slice3A_1470 : vector<1x64xf32> to vector<1x64xf32>
    %broadcast_in_dim3A_1472 = vector.broadcast %broadcast_in_dim3A_1471 : vector<1x64xf32> to vector<12x64xf32>
    %concatenate3A_1473 = tpu.concatenate %broadcast_in_dim3A_1469, %get3A_1071, %broadcast_in_dim3A_1472 in 0 : vector<12x64xf32>, vector<2048x64xf32>, vector<12x64xf32> -> vector<2072x64xf32>
    %slice3A_1474 = vector.extract_strided_slice %concatenate3A_1473 {offsets = [0, 0], sizes = [2071, 64], strides = [1, 1]} : vector<2072x64xf32> to vector<2071x64xf32>
    %slice3A_1475 = vector.extract_strided_slice %concatenate3A_1473 {offsets = [1, 0], sizes = [2071, 64], strides = [1, 1]} : vector<2072x64xf32> to vector<2071x64xf32>
    %add3A_1476 = arith.addf %slice3A_1474, %slice3A_1475 : vector<2071x64xf32>
    %slice3A_1477 = vector.extract_strided_slice %add3A_1476 {offsets = [0, 0], sizes = [2069, 64], strides = [1, 1]} : vector<2071x64xf32> to vector<2069x64xf32>
    %slice3A_1478 = vector.extract_strided_slice %add3A_1476 {offsets = [2, 0], sizes = [2069, 64], strides = [1, 1]} : vector<2071x64xf32> to vector<2069x64xf32>
    %add3A_1479 = arith.addf %slice3A_1477, %slice3A_1478 : vector<2069x64xf32>
    %slice3A_1480 = vector.extract_strided_slice %add3A_1479 {offsets = [0, 0], sizes = [2065, 64], strides = [1, 1]} : vector<2069x64xf32> to vector<2065x64xf32>
    %slice3A_1481 = vector.extract_strided_slice %add3A_1479 {offsets = [4, 0], sizes = [2065, 64], strides = [1, 1]} : vector<2069x64xf32> to vector<2065x64xf32>
    %add3A_1482 = arith.addf %slice3A_1480, %slice3A_1481 : vector<2065x64xf32>
    %slice3A_1483 = vector.extract_strided_slice %add3A_1482 {offsets = [0, 0], sizes = [2057, 64], strides = [1, 1]} : vector<2065x64xf32> to vector<2057x64xf32>
    %slice3A_1484 = vector.extract_strided_slice %add3A_1482 {offsets = [8, 0], sizes = [2057, 64], strides = [1, 1]} : vector<2065x64xf32> to vector<2057x64xf32>
    %add3A_1485 = arith.addf %slice3A_1483, %slice3A_1484 : vector<2057x64xf32>
    %slice3A_1486 = vector.extract_strided_slice %add3A_1485 {offsets = [0, 0], sizes = [2049, 64], strides = [1, 1]} : vector<2057x64xf32> to vector<2049x64xf32>
    %slice3A_1487 = vector.extract_strided_slice %add3A_1482 {offsets = [16, 0], sizes = [2049, 64], strides = [1, 1]} : vector<2065x64xf32> to vector<2049x64xf32>
    %add3A_1488 = arith.addf %slice3A_1486, %slice3A_1487 : vector<2049x64xf32>
    %slice3A_1489 = vector.extract_strided_slice %add3A_1488 {offsets = [0, 0], sizes = [2048, 64], strides = [1, 1]} : vector<2049x64xf32> to vector<2048x64xf32>
    %slice3A_1490 = vector.extract_strided_slice %concatenate3A_1473 {offsets = [24, 0], sizes = [2048, 64], strides = [1, 1]} : vector<2072x64xf32> to vector<2048x64xf32>
    %add3A_1491 = arith.addf %slice3A_1489, %slice3A_1490 : vector<2048x64xf32>
    %mul3A_1492 = arith.constant 4.000000e-02 : f32
    %mul3A_1493 = vector.broadcast %mul3A_1492 : f32 to vector<2048x64xf32>
    %mul3A_1494 = arith.mulf %add3A_1491, %mul3A_1493 : vector<2048x64xf32>
    %sub3A_1495 = arith.subf %get3A_1071, %mul3A_1494 : vector<2048x64xf32>
    %concatenate3A_1496 = tpu.concatenate %sub3A_1495, %dot_general3A_1461 in 1 : vector<2048x64xf32>, vector<2048x64xf32> -> vector<2048x128xf32>
    %add3A_1497 = arith.addf %concatenate3A_1496, %get3A_1 : vector<2048x128xf32>
    %get3A_1498 = arith.constant 0 : index
    %get3A_1499 = arith.constant 0 : index
    %get3A_1500 = arith.constant 0 : index
    %get3A_1501 = vector.load %arg19[%get3A_1498, %get3A_1499, %get3A_1500] : memref<2x64x64xf32, #tpu.memory_space<vmem>>, vector<1x64x64xf32>
    %get3A_1502 = vector.shape_cast %get3A_1501 : vector<1x64x64xf32> to vector<64x64xf32>
    %get3A_1503 = arith.constant 1 : index
    %get3A_1504 = arith.constant 0 : index
    %get3A_1505 = arith.constant 0 : index
    %get3A_1506 = vector.load %arg19[%get3A_1503, %get3A_1504, %get3A_1505] : memref<2x64x64xf32, #tpu.memory_space<vmem>>, vector<1x64x64xf32>
    %get3A_1507 = vector.shape_cast %get3A_1506 : vector<1x64x64xf32> to vector<64x64xf32>
    %add3A_1508 = arith.addf %get3A_1502, %get3A_1507 : vector<64x64xf32>
    %mul3A_1509 = arith.constant 5.000000e-01 : f32
    %mul3A_1510 = vector.broadcast %mul3A_1509 : f32 to vector<64x64xf32>
    %mul3A_1511 = arith.mulf %add3A_1508, %mul3A_1510 : vector<64x64xf32>
    %get3A_1512 = arith.constant 0 : index
    %get3A_1513 = arith.constant 0 : index
    %get3A_1514 = arith.constant 0 : index
    %get3A_1515 = vector.load %arg18[%get3A_1512, %get3A_1513, %get3A_1514] : memref<2x128x64xf32, #tpu.memory_space<vmem>>, vector<1x128x64xf32>
    %get3A_1516 = vector.shape_cast %get3A_1515 : vector<1x128x64xf32> to vector<128x64xf32>
    %get3A_1517 = arith.constant 1 : index
    %get3A_1518 = arith.constant 0 : index
    %get3A_1519 = arith.constant 0 : index
    %get3A_1520 = vector.load %arg18[%get3A_1517, %get3A_1518, %get3A_1519] : memref<2x128x64xf32, #tpu.memory_space<vmem>>, vector<1x128x64xf32>
    %get3A_1521 = vector.shape_cast %get3A_1520 : vector<1x128x64xf32> to vector<128x64xf32>
    %add3A_1522 = arith.addf %get3A_1516, %get3A_1521 : vector<128x64xf32>
    %mul3A_1523 = arith.constant 5.000000e-01 : f32
    %mul3A_1524 = vector.broadcast %mul3A_1523 : f32 to vector<128x64xf32>
    %mul3A_1525 = arith.mulf %add3A_1522, %mul3A_1524 : vector<128x64xf32>
    %reduce_sum3A_1526 = arith.constant dense<0.000000e+00> : vector<2048xf32>
    %reduce_sum3A_1527 = vector.multi_reduction <add>, %get3A_1464, %reduce_sum3A_1526 [1] : vector<2048x256xf32> to vector<2048xf32>
    %broadcast_in_dim3A_1528 = vector.shape_cast %reduce_sum3A_1527 : vector<2048xf32> to vector<2048x1xf32>
    %jit3A_1529 = arith.constant 1.000000e+00 : f32
    %max3A_1530 = vector.broadcast %jit3A_1529 : f32 to vector<2048x1xf32>
    %max3A_1531 = arith.maximumf %max3A_1530, %broadcast_in_dim3A_1528 : vector<2048x1xf32>
    %dot_general3A_1532 = arith.constant dense<0.000000e+00> : vector<256x64xf32>
    %dot_general3A_1533 = tpu.matmul %dot_general3A_1466, %mul3A_1511, %dot_general3A_1532 {dimension_numbers = #tpu.dot_dimension_numbers<[1], [0], [0], [1], [0, 0, 1, 1], [], []>, transpose_lhs_hint = false} : vector<256x64xf32>, vector<64x64xf32>, vector<256x64xf32> -> vector<256x64xf32>
    %dot_general3A_1534 = arith.constant dense<0.000000e+00> : vector<2048x64xf32>
    %dot_general3A_1535 = tpu.matmul %get3A_1464, %dot_general3A_1533, %dot_general3A_1534 {dimension_numbers = #tpu.dot_dimension_numbers<[1], [0], [0], [1], [0, 0, 1, 1], [], []>, transpose_lhs_hint = false} : vector<2048x256xf32>, vector<256x64xf32>, vector<2048x64xf32> -> vector<2048x64xf32>
    %div3A_1536 = vector.broadcast %max3A_1531 : vector<2048x1xf32> to vector<2048x64xf32>
    %div3A_1537 = arith.divf %dot_general3A_1535, %div3A_1536 : vector<2048x64xf32>
    %dot_general3A_1538 = arith.constant dense<0.000000e+00> : vector<2048x64xf32>
    %dot_general3A_1539 = tpu.matmul %add3A_1497, %mul3A_1525, %dot_general3A_1538 {dimension_numbers = #tpu.dot_dimension_numbers<[1], [0], [0], [1], [0, 0, 1, 1], [], []>, transpose_lhs_hint = false} : vector<2048x128xf32>, vector<128x64xf32>, vector<2048x64xf32> -> vector<2048x64xf32>
    %add3A_1540 = arith.addf %div3A_1537, %dot_general3A_1539 : vector<2048x64xf32>
    %slice3A_1541 = vector.extract_strided_slice %add3A_1540 {offsets = [0, 0], sizes = [1, 64], strides = [1, 1]} : vector<2048x64xf32> to vector<1x64xf32>
    %broadcast_in_dim3A_1542 = vector.shape_cast %slice3A_1541 : vector<1x64xf32> to vector<1x64xf32>
    %broadcast_in_dim3A_1543 = vector.broadcast %broadcast_in_dim3A_1542 : vector<1x64xf32> to vector<12x64xf32>
    %slice3A_1544 = vector.extract_strided_slice %add3A_1540 {offsets = [2047, 0], sizes = [1, 64], strides = [1, 1]} : vector<2048x64xf32> to vector<1x64xf32>
    %broadcast_in_dim3A_1545 = vector.shape_cast %slice3A_1544 : vector<1x64xf32> to vector<1x64xf32>
    %broadcast_in_dim3A_1546 = vector.broadcast %broadcast_in_dim3A_1545 : vector<1x64xf32> to vector<12x64xf32>
    %concatenate3A_1547 = tpu.concatenate %broadcast_in_dim3A_1543, %add3A_1540, %broadcast_in_dim3A_1546 in 0 : vector<12x64xf32>, vector<2048x64xf32>, vector<12x64xf32> -> vector<2072x64xf32>
    %slice3A_1548 = vector.extract_strided_slice %concatenate3A_1547 {offsets = [0, 0], sizes = [2071, 64], strides = [1, 1]} : vector<2072x64xf32> to vector<2071x64xf32>
    %slice3A_1549 = vector.extract_strided_slice %concatenate3A_1547 {offsets = [1, 0], sizes = [2071, 64], strides = [1, 1]} : vector<2072x64xf32> to vector<2071x64xf32>
    %add3A_1550 = arith.addf %slice3A_1548, %slice3A_1549 : vector<2071x64xf32>
    %slice3A_1551 = vector.extract_strided_slice %add3A_1550 {offsets = [0, 0], sizes = [2069, 64], strides = [1, 1]} : vector<2071x64xf32> to vector<2069x64xf32>
    %slice3A_1552 = vector.extract_strided_slice %add3A_1550 {offsets = [2, 0], sizes = [2069, 64], strides = [1, 1]} : vector<2071x64xf32> to vector<2069x64xf32>
    %add3A_1553 = arith.addf %slice3A_1551, %slice3A_1552 : vector<2069x64xf32>
    %slice3A_1554 = vector.extract_strided_slice %add3A_1553 {offsets = [0, 0], sizes = [2065, 64], strides = [1, 1]} : vector<2069x64xf32> to vector<2065x64xf32>
    %slice3A_1555 = vector.extract_strided_slice %add3A_1553 {offsets = [4, 0], sizes = [2065, 64], strides = [1, 1]} : vector<2069x64xf32> to vector<2065x64xf32>
    %add3A_1556 = arith.addf %slice3A_1554, %slice3A_1555 : vector<2065x64xf32>
    %slice3A_1557 = vector.extract_strided_slice %add3A_1556 {offsets = [0, 0], sizes = [2057, 64], strides = [1, 1]} : vector<2065x64xf32> to vector<2057x64xf32>
    %slice3A_1558 = vector.extract_strided_slice %add3A_1556 {offsets = [8, 0], sizes = [2057, 64], strides = [1, 1]} : vector<2065x64xf32> to vector<2057x64xf32>
    %add3A_1559 = arith.addf %slice3A_1557, %slice3A_1558 : vector<2057x64xf32>
    %slice3A_1560 = vector.extract_strided_slice %add3A_1559 {offsets = [0, 0], sizes = [2049, 64], strides = [1, 1]} : vector<2057x64xf32> to vector<2049x64xf32>
    %slice3A_1561 = vector.extract_strided_slice %add3A_1556 {offsets = [16, 0], sizes = [2049, 64], strides = [1, 1]} : vector<2065x64xf32> to vector<2049x64xf32>
    %add3A_1562 = arith.addf %slice3A_1560, %slice3A_1561 : vector<2049x64xf32>
    %slice3A_1563 = vector.extract_strided_slice %add3A_1562 {offsets = [0, 0], sizes = [2048, 64], strides = [1, 1]} : vector<2049x64xf32> to vector<2048x64xf32>
    %slice3A_1564 = vector.extract_strided_slice %concatenate3A_1547 {offsets = [24, 0], sizes = [2048, 64], strides = [1, 1]} : vector<2072x64xf32> to vector<2048x64xf32>
    %add3A_1565 = arith.addf %slice3A_1563, %slice3A_1564 : vector<2048x64xf32>
    %mul3A_1566 = arith.constant 4.000000e-02 : f32
    %mul3A_1567 = vector.broadcast %mul3A_1566 : f32 to vector<2048x64xf32>
    %mul3A_1568 = arith.mulf %add3A_1565, %mul3A_1567 : vector<2048x64xf32>
    %get3A_1569 = arith.constant 0 : index
    %get3A_1570 = arith.constant 0 : index
    %get3A_1571 = arith.constant 0 : index
    %get3A_1572 = vector.load %arg20[%get3A_1569, %get3A_1570, %get3A_1571] : memref<3x64x64xf32, #tpu.memory_space<vmem>>, vector<1x64x64xf32>
    %get3A_1573 = vector.shape_cast %get3A_1572 : vector<1x64x64xf32> to vector<64x64xf32>
    %dot_general3A_1574 = arith.constant dense<0.000000e+00> : vector<2048x64xf32>
    %dot_general3A_1575 = tpu.matmul %get3A_1071, %get3A_1573, %dot_general3A_1574 {dimension_numbers = #tpu.dot_dimension_numbers<[1], [0], [0], [1], [0, 0, 1, 1], [], []>, transpose_lhs_hint = false} : vector<2048x64xf32>, vector<64x64xf32>, vector<2048x64xf32> -> vector<2048x64xf32>
    %sub3A_1576 = arith.subf %add3A_1540, %mul3A_1568 : vector<2048x64xf32>
    %get3A_1577 = arith.constant 1 : index
    %get3A_1578 = arith.constant 0 : index
    %get3A_1579 = arith.constant 0 : index
    %get3A_1580 = vector.load %arg20[%get3A_1577, %get3A_1578, %get3A_1579] : memref<3x64x64xf32, #tpu.memory_space<vmem>>, vector<1x64x64xf32>
    %get3A_1581 = vector.shape_cast %get3A_1580 : vector<1x64x64xf32> to vector<64x64xf32>
    %dot_general3A_1582 = arith.constant dense<0.000000e+00> : vector<2048x64xf32>
    %dot_general3A_1583 = tpu.matmul %sub3A_1576, %get3A_1581, %dot_general3A_1582 {dimension_numbers = #tpu.dot_dimension_numbers<[1], [0], [0], [1], [0, 0, 1, 1], [], []>, transpose_lhs_hint = false} : vector<2048x64xf32>, vector<64x64xf32>, vector<2048x64xf32> -> vector<2048x64xf32>
    %add3A_1584 = arith.addf %dot_general3A_1575, %dot_general3A_1583 : vector<2048x64xf32>
    %add3A_1585 = arith.addf %mul3A_1494, %mul3A_1568 : vector<2048x64xf32>
    %get3A_1586 = arith.constant 2 : index
    %get3A_1587 = arith.constant 0 : index
    %get3A_1588 = arith.constant 0 : index
    %get3A_1589 = vector.load %arg20[%get3A_1586, %get3A_1587, %get3A_1588] : memref<3x64x64xf32, #tpu.memory_space<vmem>>, vector<1x64x64xf32>
    %get3A_1590 = vector.shape_cast %get3A_1589 : vector<1x64x64xf32> to vector<64x64xf32>
    %dot_general3A_1591 = arith.constant dense<0.000000e+00> : vector<2048x64xf32>
    %dot_general3A_1592 = tpu.matmul %add3A_1585, %get3A_1590, %dot_general3A_1591 {dimension_numbers = #tpu.dot_dimension_numbers<[1], [0], [0], [1], [0, 0, 1, 1], [], []>, transpose_lhs_hint = false} : vector<2048x64xf32>, vector<64x64xf32>, vector<2048x64xf32> -> vector<2048x64xf32>
    %add3A_1593 = arith.addf %add3A_1584, %dot_general3A_1592 : vector<2048x64xf32>
    %logistic3A_1594 = arith.negf %add3A_1593 : vector<2048x64xf32>
    %logistic3A_1595 = math.exp %logistic3A_1594 : vector<2048x64xf32>
    %logistic3A_1596 = arith.constant 1.000000e+00 : f32
    %logistic3A_1597 = vector.broadcast %logistic3A_1596 : f32 to vector<2048x64xf32>
    %logistic3A_1598 = arith.addf %logistic3A_1597, %logistic3A_1595 : vector<2048x64xf32>
    %logistic3A_1599 = arith.divf %logistic3A_1597, %logistic3A_1598 : vector<2048x64xf32>
    %swap3A_1600 = arith.constant 2 : index
    %swap3A_1601 = arith.constant 0 : index
    %swap3A_1602 = arith.constant 0 : index
    %swap3A_1603 = vector.load %arg21[%swap3A_1600, %swap3A_1601, %swap3A_1602] : memref<4x2048x64xf32, #tpu.memory_space<vmem>>, vector<1x2048x64xf32>
    %swap3A_1604 = vector.shape_cast %swap3A_1603 : vector<1x2048x64xf32> to vector<2048x64xf32>
    %swap3A_1605 = vector.shape_cast %logistic3A_1599 : vector<2048x64xf32> to vector<1x2048x64xf32>
    tpu.vector_store %arg21[%swap3A_1600, %swap3A_1601, %swap3A_1602], %swap3A_1605 {strides = array<i32>} : memref<4x2048x64xf32, #tpu.memory_space<vmem>>, vector<1x2048x64xf32>,
    %get3A_1606 = arith.constant 3 : index
    %get3A_1607 = arith.constant 0 : index
    %get3A_1608 = arith.constant 0 : index
    %get3A_1609 = vector.load %arg1[%get3A_1606, %get3A_1607, %get3A_1608] : memref<4x2048x64xf32, #tpu.memory_space<vmem>>, vector<1x2048x64xf32>
    %get3A_1610 = vector.shape_cast %get3A_1609 : vector<1x2048x64xf32> to vector<2048x64xf32>
    %get3A_1611 = arith.constant 0 : index
    %get3A_1612 = arith.constant 0 : index
    %get3A_1613 = arith.constant 0 : index
    %get3A_1614 = vector.load %arg13[%get3A_1611, %get3A_1612, %get3A_1613] : memref<3x64x64xf32, #tpu.memory_space<vmem>>, vector<1x64x64xf32>
    %get3A_1615 = vector.shape_cast %get3A_1614 : vector<1x64x64xf32> to vector<64x64xf32>
    %dot_general3A_1616 = arith.constant dense<0.000000e+00> : vector<2048x64xf32>
    %dot_general3A_1617 = tpu.matmul %get3A_1610, %get3A_1615, %dot_general3A_1616 {dimension_numbers = #tpu.dot_dimension_numbers<[1], [0], [0], [1], [0, 0, 1, 1], [], []>, transpose_lhs_hint = false} : vector<2048x64xf32>, vector<64x64xf32>, vector<2048x64xf32> -> vector<2048x64xf32>
    %get3A_1618 = arith.constant 0 : index
    %get3A_1619 = arith.constant 0 : index
    %get3A_1620 = vector.load %arg6[%get3A_1618, %get3A_1619] : memref<512x2048xf32, #tpu.memory_space<vmem>>, vector<512x2048xf32>
    %dot_general3A_1621 = arith.constant dense<0.000000e+00> : vector<512x64xf32>
    %dot_general3A_1622 = tpu.matmul %get3A_1620, %dot_general3A_1617, %dot_general3A_1621 {dimension_numbers = #tpu.dot_dimension_numbers<[1], [0], [0], [1], [0, 0, 1, 1], [], []>, transpose_lhs_hint = false} : vector<512x2048xf32>, vector<2048x64xf32>, vector<512x64xf32> -> vector<512x64xf32>
    %get3A_1623 = arith.constant 1 : index
    %get3A_1624 = arith.constant 0 : index
    %get3A_1625 = arith.constant 0 : index
    %get3A_1626 = vector.load %arg13[%get3A_1623, %get3A_1624, %get3A_1625] : memref<3x64x64xf32, #tpu.memory_space<vmem>>, vector<1x64x64xf32>
    %get3A_1627 = vector.shape_cast %get3A_1626 : vector<1x64x64xf32> to vector<64x64xf32>
    %dot_general3A_1628 = arith.constant dense<0.000000e+00> : vector<512x64xf32>
    %dot_general3A_1629 = tpu.matmul %dot_general3A_1622, %get3A_1627, %dot_general3A_1628 {dimension_numbers = #tpu.dot_dimension_numbers<[1], [0], [0], [1], [0, 0, 1, 1], [], []>, transpose_lhs_hint = false} : vector<512x64xf32>, vector<64x64xf32>, vector<512x64xf32> -> vector<512x64xf32>
    %get3A_1630 = arith.constant 0 : index
    %get3A_1631 = arith.constant 0 : index
    %get3A_1632 = vector.load %arg7[%get3A_1630, %get3A_1631] : memref<128x512xf32, #tpu.memory_space<vmem>>, vector<128x512xf32>
    %dot_general3A_1633 = arith.constant dense<0.000000e+00> : vector<128x64xf32>
    %dot_general3A_1634 = tpu.matmul %get3A_1632, %dot_general3A_1629, %dot_general3A_1633 {dimension_numbers = #tpu.dot_dimension_numbers<[1], [0], [0], [1], [0, 0, 1, 1], [], []>, transpose_lhs_hint = false} : vector<128x512xf32>, vector<512x64xf32>, vector<128x64xf32> -> vector<128x64xf32>
    %get3A_1635 = arith.constant 2 : index
    %get3A_1636 = arith.constant 0 : index
    %get3A_1637 = arith.constant 0 : index
    %get3A_1638 = vector.load %arg13[%get3A_1635, %get3A_1636, %get3A_1637] : memref<3x64x64xf32, #tpu.memory_space<vmem>>, vector<1x64x64xf32>
    %get3A_1639 = vector.shape_cast %get3A_1638 : vector<1x64x64xf32> to vector<64x64xf32>
    %dot_general3A_1640 = arith.constant dense<0.000000e+00> : vector<128x64xf32>
    %dot_general3A_1641 = tpu.matmul %dot_general3A_1634, %get3A_1639, %dot_general3A_1640 {dimension_numbers = #tpu.dot_dimension_numbers<[1], [0], [0], [1], [0, 0, 1, 1], [], []>, transpose_lhs_hint = false} : vector<128x64xf32>, vector<64x64xf32>, vector<128x64xf32> -> vector<128x64xf32>
    %get3A_1642 = arith.constant 0 : index
    %get3A_1643 = arith.constant 0 : index
    %get3A_1644 = vector.load %arg10[%get3A_1642, %get3A_1643] : memref<512x2048xf32, #tpu.memory_space<vmem>>, vector<512x2048xf32>
    %dot_general3A_1645 = arith.constant dense<0.000000e+00> : vector<512x64xf32>
    %dot_general3A_1646 = tpu.matmul %get3A_1644, %get3A_1610, %dot_general3A_1645 {dimension_numbers = #tpu.dot_dimension_numbers<[1], [0], [0], [1], [0, 0, 1, 1], [], []>, transpose_lhs_hint = false} : vector<512x2048xf32>, vector<2048x64xf32>, vector<512x64xf32> -> vector<512x64xf32>
    %get3A_1647 = arith.constant 0 : index
    %get3A_1648 = arith.constant 0 : index
    %get3A_1649 = vector.load %arg11[%get3A_1647, %get3A_1648] : memref<128x512xf32, #tpu.memory_space<vmem>>, vector<128x512xf32>
    %dot_general3A_1650 = arith.constant dense<0.000000e+00> : vector<128x64xf32>
    %dot_general3A_1651 = tpu.matmul %get3A_1649, %dot_general3A_1646, %dot_general3A_1650 {dimension_numbers = #tpu.dot_dimension_numbers<[1], [0], [0], [1], [0, 0, 1, 1], [], []>, transpose_lhs_hint = false} : vector<128x512xf32>, vector<512x64xf32>, vector<128x64xf32> -> vector<128x64xf32>
    %concatenate3A_1652 = tpu.concatenate %dot_general3A_1617, %get3A_1610 in 1 : vector<2048x64xf32>, vector<2048x64xf32> -> vector<2048x128xf32>
    %add3A_1653 = arith.addf %concatenate3A_1652, %get3A_1 : vector<2048x128xf32>
    %get3A_1654 = arith.constant 0 : index
    %get3A_1655 = arith.constant 0 : index
    %get3A_1656 = vector.load %arg2[%get3A_1654, %get3A_1655] : memref<2048x256xf32, #tpu.memory_space<vmem>>, vector<2048x256xf32>
    %dot_general3A_1657 = arith.constant dense<0.000000e+00> : vector<256x128xf32>
    %dot_general3A_1658 = tpu.matmul %get3A_1656, %add3A_1653, %dot_general3A_1657 {dimension_numbers = #tpu.dot_dimension_numbers<[0], [0], [1], [1], [0, 1, 1, 1], [], []>, transpose_lhs_hint = false} : vector<2048x256xf32>, vector<2048x128xf32>, vector<256x128xf32> -> vector<256x128xf32>
    %get3A_1659 = arith.constant 0 : index
    %get3A_1660 = arith.constant 0 : index
    %get3A_1661 = arith.constant 0 : index
    %get3A_1662 = arith.constant 0 : index
    %get3A_1663 = vector.load %arg14[%get3A_1659, %get3A_1660, %get3A_1661, %get3A_1662] : memref<3x2x128x128xf32, #tpu.memory_space<vmem>>, vector<1x1x128x128xf32>
    %get3A_1664 = vector.shape_cast %get3A_1663 : vector<1x1x128x128xf32> to vector<128x128xf32>
    %get3A_1665 = arith.constant 0 : index
    %get3A_1666 = arith.constant 1 : index
    %get3A_1667 = arith.constant 0 : index
    %get3A_1668 = arith.constant 0 : index
    %get3A_1669 = vector.load %arg14[%get3A_1665, %get3A_1666, %get3A_1667, %get3A_1668] : memref<3x2x128x128xf32, #tpu.memory_space<vmem>>, vector<1x1x128x128xf32>
    %get3A_1670 = vector.shape_cast %get3A_1669 : vector<1x1x128x128xf32> to vector<128x128xf32>
    %add3A_1671 = arith.addf %get3A_1664, %get3A_1670 : vector<128x128xf32>
    %mul3A_1672 = arith.constant 5.000000e-01 : f32
    %mul3A_1673 = vector.broadcast %mul3A_1672 : f32 to vector<128x128xf32>
    %mul3A_1674 = arith.mulf %add3A_1671, %mul3A_1673 : vector<128x128xf32>
    %get3A_1675 = arith.constant 0 : index
    %get3A_1676 = arith.constant 0 : index
    %get3A_1677 = arith.constant 0 : index
    %get3A_1678 = arith.constant 0 : index
    %get3A_1679 = vector.load %arg15[%get3A_1675, %get3A_1676, %get3A_1677, %get3A_1678] : memref<3x2x128x128xf32, #tpu.memory_space<vmem>>, vector<1x1x128x128xf32>
    %get3A_1680 = vector.shape_cast %get3A_1679 : vector<1x1x128x128xf32> to vector<128x128xf32>
    %get3A_1681 = arith.constant 0 : index
    %get3A_1682 = arith.constant 1 : index
    %get3A_1683 = arith.constant 0 : index
    %get3A_1684 = arith.constant 0 : index
    %get3A_1685 = vector.load %arg15[%get3A_1681, %get3A_1682, %get3A_1683, %get3A_1684] : memref<3x2x128x128xf32, #tpu.memory_space<vmem>>, vector<1x1x128x128xf32>
    %get3A_1686 = vector.shape_cast %get3A_1685 : vector<1x1x128x128xf32> to vector<128x128xf32>
    %add3A_1687 = arith.addf %get3A_1680, %get3A_1686 : vector<128x128xf32>
    %mul3A_1688 = arith.constant 5.000000e-01 : f32
    %mul3A_1689 = vector.broadcast %mul3A_1688 : f32 to vector<128x128xf32>
    %mul3A_1690 = arith.mulf %add3A_1687, %mul3A_1689 : vector<128x128xf32>
    %reduce_sum3A_1691 = arith.constant dense<0.000000e+00> : vector<2048xf32>
    %reduce_sum3A_1692 = vector.multi_reduction <add>, %get3A_1656, %reduce_sum3A_1691 [1] : vector<2048x256xf32> to vector<2048xf32>
    %broadcast_in_dim3A_1693 = vector.shape_cast %reduce_sum3A_1692 : vector<2048xf32> to vector<2048x1xf32>
    %jit3A_1694 = arith.constant 1.000000e+00 : f32
    %max3A_1695 = vector.broadcast %jit3A_1694 : f32 to vector<2048x1xf32>
    %max3A_1696 = arith.maximumf %max3A_1695, %broadcast_in_dim3A_1693 : vector<2048x1xf32>
    %dot_general3A_1697 = arith.constant dense<0.000000e+00> : vector<256x128xf32>
    %dot_general3A_1698 = tpu.matmul %dot_general3A_1658, %mul3A_1674, %dot_general3A_1697 {dimension_numbers = #tpu.dot_dimension_numbers<[1], [0], [0], [1], [0, 0, 1, 1], [], []>, transpose_lhs_hint = false} : vector<256x128xf32>, vector<128x128xf32>, vector<256x128xf32> -> vector<256x128xf32>
    %dot_general3A_1699 = arith.constant dense<0.000000e+00> : vector<2048x128xf32>
    %dot_general3A_1700 = tpu.matmul %get3A_1656, %dot_general3A_1698, %dot_general3A_1699 {dimension_numbers = #tpu.dot_dimension_numbers<[1], [0], [0], [1], [0, 0, 1, 1], [], []>, transpose_lhs_hint = false} : vector<2048x256xf32>, vector<256x128xf32>, vector<2048x128xf32> -> vector<2048x128xf32>
    %div3A_1701 = vector.broadcast %max3A_1696 : vector<2048x1xf32> to vector<2048x128xf32>
    %div3A_1702 = arith.divf %dot_general3A_1700, %div3A_1701 : vector<2048x128xf32>
    %dot_general3A_1703 = arith.constant dense<0.000000e+00> : vector<2048x128xf32>
    %dot_general3A_1704 = tpu.matmul %add3A_1653, %mul3A_1690, %dot_general3A_1703 {dimension_numbers = #tpu.dot_dimension_numbers<[1], [0], [0], [1], [0, 0, 1, 1], [], []>, transpose_lhs_hint = false} : vector<2048x128xf32>, vector<128x128xf32>, vector<2048x128xf32> -> vector<2048x128xf32>
    %add3A_1705 = arith.addf %div3A_1702, %dot_general3A_1704 : vector<2048x128xf32>
    %add3A_1706 = arith.addf %add3A_1705, %add3A_1653 : vector<2048x128xf32>
    %slice3A_1707 = vector.extract_strided_slice %add3A_1706 {offsets = [0, 0], sizes = [1, 128], strides = [1, 1]} : vector<2048x128xf32> to vector<1x128xf32>
    %broadcast_in_dim3A_1708 = vector.shape_cast %slice3A_1707 : vector<1x128xf32> to vector<1x128xf32>
    %broadcast_in_dim3A_1709 = vector.broadcast %broadcast_in_dim3A_1708 : vector<1x128xf32> to vector<12x128xf32>
    %slice3A_1710 = vector.extract_strided_slice %add3A_1706 {offsets = [2047, 0], sizes = [1, 128], strides = [1, 1]} : vector<2048x128xf32> to vector<1x128xf32>
    %broadcast_in_dim3A_1711 = vector.shape_cast %slice3A_1710 : vector<1x128xf32> to vector<1x128xf32>
    %broadcast_in_dim3A_1712 = vector.broadcast %broadcast_in_dim3A_1711 : vector<1x128xf32> to vector<12x128xf32>
    %concatenate3A_1713 = tpu.concatenate %broadcast_in_dim3A_1709, %add3A_1706, %broadcast_in_dim3A_1712 in 0 : vector<12x128xf32>, vector<2048x128xf32>, vector<12x128xf32> -> vector<2072x128xf32>
    %slice3A_1714 = vector.extract_strided_slice %concatenate3A_1713 {offsets = [0, 0], sizes = [2071, 128], strides = [1, 1]} : vector<2072x128xf32> to vector<2071x128xf32>
    %slice3A_1715 = vector.extract_strided_slice %concatenate3A_1713 {offsets = [1, 0], sizes = [2071, 128], strides = [1, 1]} : vector<2072x128xf32> to vector<2071x128xf32>
    %add3A_1716 = arith.addf %slice3A_1714, %slice3A_1715 : vector<2071x128xf32>
    %slice3A_1717 = vector.extract_strided_slice %add3A_1716 {offsets = [0, 0], sizes = [2069, 128], strides = [1, 1]} : vector<2071x128xf32> to vector<2069x128xf32>
    %slice3A_1718 = vector.extract_strided_slice %add3A_1716 {offsets = [2, 0], sizes = [2069, 128], strides = [1, 1]} : vector<2071x128xf32> to vector<2069x128xf32>
    %add3A_1719 = arith.addf %slice3A_1717, %slice3A_1718 : vector<2069x128xf32>
    %slice3A_1720 = vector.extract_strided_slice %add3A_1719 {offsets = [0, 0], sizes = [2065, 128], strides = [1, 1]} : vector<2069x128xf32> to vector<2065x128xf32>
    %slice3A_1721 = vector.extract_strided_slice %add3A_1719 {offsets = [4, 0], sizes = [2065, 128], strides = [1, 1]} : vector<2069x128xf32> to vector<2065x128xf32>
    %add3A_1722 = arith.addf %slice3A_1720, %slice3A_1721 : vector<2065x128xf32>
    %slice3A_1723 = vector.extract_strided_slice %add3A_1722 {offsets = [0, 0], sizes = [2057, 128], strides = [1, 1]} : vector<2065x128xf32> to vector<2057x128xf32>
    %slice3A_1724 = vector.extract_strided_slice %add3A_1722 {offsets = [8, 0], sizes = [2057, 128], strides = [1, 1]} : vector<2065x128xf32> to vector<2057x128xf32>
    %add3A_1725 = arith.addf %slice3A_1723, %slice3A_1724 : vector<2057x128xf32>
    %slice3A_1726 = vector.extract_strided_slice %add3A_1725 {offsets = [0, 0], sizes = [2049, 128], strides = [1, 1]} : vector<2057x128xf32> to vector<2049x128xf32>
    %slice3A_1727 = vector.extract_strided_slice %add3A_1722 {offsets = [16, 0], sizes = [2049, 128], strides = [1, 1]} : vector<2065x128xf32> to vector<2049x128xf32>
    %add3A_1728 = arith.addf %slice3A_1726, %slice3A_1727 : vector<2049x128xf32>
    %slice3A_1729 = vector.extract_strided_slice %add3A_1728 {offsets = [0, 0], sizes = [2048, 128], strides = [1, 1]} : vector<2049x128xf32> to vector<2048x128xf32>
    %slice3A_1730 = vector.extract_strided_slice %concatenate3A_1713 {offsets = [24, 0], sizes = [2048, 128], strides = [1, 1]} : vector<2072x128xf32> to vector<2048x128xf32>
    %add3A_1731 = arith.addf %slice3A_1729, %slice3A_1730 : vector<2048x128xf32>
    %mul3A_1732 = arith.constant 4.000000e-02 : f32
    %mul3A_1733 = vector.broadcast %mul3A_1732 : f32 to vector<2048x128xf32>
    %mul3A_1734 = arith.mulf %add3A_1731, %mul3A_1733 : vector<2048x128xf32>
    %get3A_1735 = arith.constant 0 : index
    %get3A_1736 = arith.constant 0 : index
    %get3A_1737 = arith.constant 0 : index
    %get3A_1738 = arith.constant 0 : index
    %get3A_1739 = vector.load %arg16[%get3A_1735, %get3A_1736, %get3A_1737, %get3A_1738] : memref<3x3x128x128xf32, #tpu.memory_space<vmem>>, vector<1x1x128x128xf32>
    %get3A_1740 = vector.shape_cast %get3A_1739 : vector<1x1x128x128xf32> to vector<128x128xf32>
    %dot_general3A_1741 = arith.constant dense<0.000000e+00> : vector<2048x128xf32>
    %dot_general3A_1742 = tpu.matmul %add3A_1653, %get3A_1740, %dot_general3A_1741 {dimension_numbers = #tpu.dot_dimension_numbers<[1], [0], [0], [1], [0, 0, 1, 1], [], []>, transpose_lhs_hint = false} : vector<2048x128xf32>, vector<128x128xf32>, vector<2048x128xf32> -> vector<2048x128xf32>
    %sub3A_1743 = arith.subf %add3A_1706, %mul3A_1734 : vector<2048x128xf32>
    %get3A_1744 = arith.constant 0 : index
    %get3A_1745 = arith.constant 1 : index
    %get3A_1746 = arith.constant 0 : index
    %get3A_1747 = arith.constant 0 : index
    %get3A_1748 = vector.load %arg16[%get3A_1744, %get3A_1745, %get3A_1746, %get3A_1747] : memref<3x3x128x128xf32, #tpu.memory_space<vmem>>, vector<1x1x128x128xf32>
    %get3A_1749 = vector.shape_cast %get3A_1748 : vector<1x1x128x128xf32> to vector<128x128xf32>
    %dot_general3A_1750 = arith.constant dense<0.000000e+00> : vector<2048x128xf32>
    %dot_general3A_1751 = tpu.matmul %sub3A_1743, %get3A_1749, %dot_general3A_1750 {dimension_numbers = #tpu.dot_dimension_numbers<[1], [0], [0], [1], [0, 0, 1, 1], [], []>, transpose_lhs_hint = false} : vector<2048x128xf32>, vector<128x128xf32>, vector<2048x128xf32> -> vector<2048x128xf32>
    %add3A_1752 = arith.addf %dot_general3A_1742, %dot_general3A_1751 : vector<2048x128xf32>
    %get3A_1753 = arith.constant 0 : index
    %get3A_1754 = arith.constant 2 : index
    %get3A_1755 = arith.constant 0 : index
    %get3A_1756 = arith.constant 0 : index
    %get3A_1757 = vector.load %arg16[%get3A_1753, %get3A_1754, %get3A_1755, %get3A_1756] : memref<3x3x128x128xf32, #tpu.memory_space<vmem>>, vector<1x1x128x128xf32>
    %get3A_1758 = vector.shape_cast %get3A_1757 : vector<1x1x128x128xf32> to vector<128x128xf32>
    %dot_general3A_1759 = arith.constant dense<0.000000e+00> : vector<2048x128xf32>
    %dot_general3A_1760 = tpu.matmul %mul3A_1734, %get3A_1758, %dot_general3A_1759 {dimension_numbers = #tpu.dot_dimension_numbers<[1], [0], [0], [1], [0, 0, 1, 1], [], []>, transpose_lhs_hint = false} : vector<2048x128xf32>, vector<128x128xf32>, vector<2048x128xf32> -> vector<2048x128xf32>
    %add3A_1761 = arith.addf %add3A_1752, %dot_general3A_1760 : vector<2048x128xf32>
    %concatenate3A_1762 = tpu.concatenate %dot_general3A_1629, %dot_general3A_1646 in 1 : vector<512x64xf32>, vector<512x64xf32> -> vector<512x128xf32>
    %slice3A_1763 = vector.extract_strided_slice %get3A_1 {offsets = [0, 0], sizes = [512, 128], strides = [1, 1]} : vector<2048x128xf32> to vector<512x128xf32>
    %add3A_1764 = arith.addf %concatenate3A_1762, %slice3A_1763 : vector<512x128xf32>
    %get3A_1765 = arith.constant 0 : index
    %get3A_1766 = arith.constant 0 : index
    %get3A_1767 = vector.load %arg3[%get3A_1765, %get3A_1766] : memref<512x64xf32, #tpu.memory_space<vmem>>, vector<512x64xf32>
    %dot_general3A_1768 = arith.constant dense<0.000000e+00> : vector<64x128xf32>
    %dot_general3A_1769 = tpu.matmul %get3A_1767, %add3A_1764, %dot_general3A_1768 {dimension_numbers = #tpu.dot_dimension_numbers<[0], [0], [1], [1], [0, 1, 1, 1], [], []>, transpose_lhs_hint = false} : vector<512x64xf32>, vector<512x128xf32>, vector<64x128xf32> -> vector<64x128xf32>
    %get3A_1770 = arith.constant 1 : index
    %get3A_1771 = arith.constant 0 : index
    %get3A_1772 = arith.constant 0 : index
    %get3A_1773 = arith.constant 0 : index
    %get3A_1774 = vector.load %arg14[%get3A_1770, %get3A_1771, %get3A_1772, %get3A_1773] : memref<3x2x128x128xf32, #tpu.memory_space<vmem>>, vector<1x1x128x128xf32>
    %get3A_1775 = vector.shape_cast %get3A_1774 : vector<1x1x128x128xf32> to vector<128x128xf32>
    %get3A_1776 = arith.constant 1 : index
    %get3A_1777 = arith.constant 1 : index
    %get3A_1778 = arith.constant 0 : index
    %get3A_1779 = arith.constant 0 : index
    %get3A_1780 = vector.load %arg14[%get3A_1776, %get3A_1777, %get3A_1778, %get3A_1779] : memref<3x2x128x128xf32, #tpu.memory_space<vmem>>, vector<1x1x128x128xf32>
    %get3A_1781 = vector.shape_cast %get3A_1780 : vector<1x1x128x128xf32> to vector<128x128xf32>
    %add3A_1782 = arith.addf %get3A_1775, %get3A_1781 : vector<128x128xf32>
    %mul3A_1783 = arith.constant 5.000000e-01 : f32
    %mul3A_1784 = vector.broadcast %mul3A_1783 : f32 to vector<128x128xf32>
    %mul3A_1785 = arith.mulf %add3A_1782, %mul3A_1784 : vector<128x128xf32>
    %get3A_1786 = arith.constant 1 : index
    %get3A_1787 = arith.constant 0 : index
    %get3A_1788 = arith.constant 0 : index
    %get3A_1789 = arith.constant 0 : index
    %get3A_1790 = vector.load %arg15[%get3A_1786, %get3A_1787, %get3A_1788, %get3A_1789] : memref<3x2x128x128xf32, #tpu.memory_space<vmem>>, vector<1x1x128x128xf32>
    %get3A_1791 = vector.shape_cast %get3A_1790 : vector<1x1x128x128xf32> to vector<128x128xf32>
    %get3A_1792 = arith.constant 1 : index
    %get3A_1793 = arith.constant 1 : index
    %get3A_1794 = arith.constant 0 : index
    %get3A_1795 = arith.constant 0 : index
    %get3A_1796 = vector.load %arg15[%get3A_1792, %get3A_1793, %get3A_1794, %get3A_1795] : memref<3x2x128x128xf32, #tpu.memory_space<vmem>>, vector<1x1x128x128xf32>
    %get3A_1797 = vector.shape_cast %get3A_1796 : vector<1x1x128x128xf32> to vector<128x128xf32>
    %add3A_1798 = arith.addf %get3A_1791, %get3A_1797 : vector<128x128xf32>
    %mul3A_1799 = arith.constant 5.000000e-01 : f32
    %mul3A_1800 = vector.broadcast %mul3A_1799 : f32 to vector<128x128xf32>
    %mul3A_1801 = arith.mulf %add3A_1798, %mul3A_1800 : vector<128x128xf32>
    %reduce_sum3A_1802 = arith.constant dense<0.000000e+00> : vector<512xf32>
    %reduce_sum3A_1803 = vector.multi_reduction <add>, %get3A_1767, %reduce_sum3A_1802 [1] : vector<512x64xf32> to vector<512xf32>
    %broadcast_in_dim3A_1804 = vector.shape_cast %reduce_sum3A_1803 : vector<512xf32> to vector<512x1xf32>
    %jit3A_1805 = arith.constant 1.000000e+00 : f32
    %max3A_1806 = vector.broadcast %jit3A_1805 : f32 to vector<512x1xf32>
    %max3A_1807 = arith.maximumf %max3A_1806, %broadcast_in_dim3A_1804 : vector<512x1xf32>
    %dot_general3A_1808 = arith.constant dense<0.000000e+00> : vector<64x128xf32>
    %dot_general3A_1809 = tpu.matmul %dot_general3A_1769, %mul3A_1785, %dot_general3A_1808 {dimension_numbers = #tpu.dot_dimension_numbers<[1], [0], [0], [1], [0, 0, 1, 1], [], []>, transpose_lhs_hint = false} : vector<64x128xf32>, vector<128x128xf32>, vector<64x128xf32> -> vector<64x128xf32>
    %dot_general3A_1810 = arith.constant dense<0.000000e+00> : vector<512x128xf32>
    %dot_general3A_1811 = tpu.matmul %get3A_1767, %dot_general3A_1809, %dot_general3A_1810 {dimension_numbers = #tpu.dot_dimension_numbers<[1], [0], [0], [1], [0, 0, 1, 1], [], []>, transpose_lhs_hint = false} : vector<512x64xf32>, vector<64x128xf32>, vector<512x128xf32> -> vector<512x128xf32>
    %div3A_1812 = vector.broadcast %max3A_1807 : vector<512x1xf32> to vector<512x128xf32>
    %div3A_1813 = arith.divf %dot_general3A_1811, %div3A_1812 : vector<512x128xf32>
    %dot_general3A_1814 = arith.constant dense<0.000000e+00> : vector<512x128xf32>
    %dot_general3A_1815 = tpu.matmul %add3A_1764, %mul3A_1801, %dot_general3A_1814 {dimension_numbers = #tpu.dot_dimension_numbers<[1], [0], [0], [1], [0, 0, 1, 1], [], []>, transpose_lhs_hint = false} : vector<512x128xf32>, vector<128x128xf32>, vector<512x128xf32> -> vector<512x128xf32>
    %add3A_1816 = arith.addf %div3A_1813, %dot_general3A_1815 : vector<512x128xf32>
    %add3A_1817 = arith.addf %add3A_1816, %add3A_1764 : vector<512x128xf32>
    %slice3A_1818 = vector.extract_strided_slice %add3A_1817 {offsets = [0, 0], sizes = [1, 128], strides = [1, 1]} : vector<512x128xf32> to vector<1x128xf32>
    %broadcast_in_dim3A_1819 = vector.shape_cast %slice3A_1818 : vector<1x128xf32> to vector<1x128xf32>
    %broadcast_in_dim3A_1820 = vector.broadcast %broadcast_in_dim3A_1819 : vector<1x128xf32> to vector<12x128xf32>
    %slice3A_1821 = vector.extract_strided_slice %add3A_1817 {offsets = [511, 0], sizes = [1, 128], strides = [1, 1]} : vector<512x128xf32> to vector<1x128xf32>
    %broadcast_in_dim3A_1822 = vector.shape_cast %slice3A_1821 : vector<1x128xf32> to vector<1x128xf32>
    %broadcast_in_dim3A_1823 = vector.broadcast %broadcast_in_dim3A_1822 : vector<1x128xf32> to vector<12x128xf32>
    %concatenate3A_1824 = tpu.concatenate %broadcast_in_dim3A_1820, %add3A_1817, %broadcast_in_dim3A_1823 in 0 : vector<12x128xf32>, vector<512x128xf32>, vector<12x128xf32> -> vector<536x128xf32>
    %slice3A_1825 = vector.extract_strided_slice %concatenate3A_1824 {offsets = [0, 0], sizes = [535, 128], strides = [1, 1]} : vector<536x128xf32> to vector<535x128xf32>
    %slice3A_1826 = vector.extract_strided_slice %concatenate3A_1824 {offsets = [1, 0], sizes = [535, 128], strides = [1, 1]} : vector<536x128xf32> to vector<535x128xf32>
    %add3A_1827 = arith.addf %slice3A_1825, %slice3A_1826 : vector<535x128xf32>
    %slice3A_1828 = vector.extract_strided_slice %add3A_1827 {offsets = [0, 0], sizes = [533, 128], strides = [1, 1]} : vector<535x128xf32> to vector<533x128xf32>
    %slice3A_1829 = vector.extract_strided_slice %add3A_1827 {offsets = [2, 0], sizes = [533, 128], strides = [1, 1]} : vector<535x128xf32> to vector<533x128xf32>
    %add3A_1830 = arith.addf %slice3A_1828, %slice3A_1829 : vector<533x128xf32>
    %slice3A_1831 = vector.extract_strided_slice %add3A_1830 {offsets = [0, 0], sizes = [529, 128], strides = [1, 1]} : vector<533x128xf32> to vector<529x128xf32>
    %slice3A_1832 = vector.extract_strided_slice %add3A_1830 {offsets = [4, 0], sizes = [529, 128], strides = [1, 1]} : vector<533x128xf32> to vector<529x128xf32>
    %add3A_1833 = arith.addf %slice3A_1831, %slice3A_1832 : vector<529x128xf32>
    %slice3A_1834 = vector.extract_strided_slice %add3A_1833 {offsets = [0, 0], sizes = [521, 128], strides = [1, 1]} : vector<529x128xf32> to vector<521x128xf32>
    %slice3A_1835 = vector.extract_strided_slice %add3A_1833 {offsets = [8, 0], sizes = [521, 128], strides = [1, 1]} : vector<529x128xf32> to vector<521x128xf32>
    %add3A_1836 = arith.addf %slice3A_1834, %slice3A_1835 : vector<521x128xf32>
    %slice3A_1837 = vector.extract_strided_slice %add3A_1836 {offsets = [0, 0], sizes = [513, 128], strides = [1, 1]} : vector<521x128xf32> to vector<513x128xf32>
    %slice3A_1838 = vector.extract_strided_slice %add3A_1833 {offsets = [16, 0], sizes = [513, 128], strides = [1, 1]} : vector<529x128xf32> to vector<513x128xf32>
    %add3A_1839 = arith.addf %slice3A_1837, %slice3A_1838 : vector<513x128xf32>
    %slice3A_1840 = vector.extract_strided_slice %add3A_1839 {offsets = [0, 0], sizes = [512, 128], strides = [1, 1]} : vector<513x128xf32> to vector<512x128xf32>
    %slice3A_1841 = vector.extract_strided_slice %concatenate3A_1824 {offsets = [24, 0], sizes = [512, 128], strides = [1, 1]} : vector<536x128xf32> to vector<512x128xf32>
    %add3A_1842 = arith.addf %slice3A_1840, %slice3A_1841 : vector<512x128xf32>
    %mul3A_1843 = arith.constant 4.000000e-02 : f32
    %mul3A_1844 = vector.broadcast %mul3A_1843 : f32 to vector<512x128xf32>
    %mul3A_1845 = arith.mulf %add3A_1842, %mul3A_1844 : vector<512x128xf32>
    %get3A_1846 = arith.constant 1 : index
    %get3A_1847 = arith.constant 0 : index
    %get3A_1848 = arith.constant 0 : index
    %get3A_1849 = arith.constant 0 : index
    %get3A_1850 = vector.load %arg16[%get3A_1846, %get3A_1847, %get3A_1848, %get3A_1849] : memref<3x3x128x128xf32, #tpu.memory_space<vmem>>, vector<1x1x128x128xf32>
    %get3A_1851 = vector.shape_cast %get3A_1850 : vector<1x1x128x128xf32> to vector<128x128xf32>
    %dot_general3A_1852 = arith.constant dense<0.000000e+00> : vector<512x128xf32>
    %dot_general3A_1853 = tpu.matmul %add3A_1764, %get3A_1851, %dot_general3A_1852 {dimension_numbers = #tpu.dot_dimension_numbers<[1], [0], [0], [1], [0, 0, 1, 1], [], []>, transpose_lhs_hint = false} : vector<512x128xf32>, vector<128x128xf32>, vector<512x128xf32> -> vector<512x128xf32>
    %sub3A_1854 = arith.subf %add3A_1817, %mul3A_1845 : vector<512x128xf32>
    %get3A_1855 = arith.constant 1 : index
    %get3A_1856 = arith.constant 1 : index
    %get3A_1857 = arith.constant 0 : index
    %get3A_1858 = arith.constant 0 : index
    %get3A_1859 = vector.load %arg16[%get3A_1855, %get3A_1856, %get3A_1857, %get3A_1858] : memref<3x3x128x128xf32, #tpu.memory_space<vmem>>, vector<1x1x128x128xf32>
    %get3A_1860 = vector.shape_cast %get3A_1859 : vector<1x1x128x128xf32> to vector<128x128xf32>
    %dot_general3A_1861 = arith.constant dense<0.000000e+00> : vector<512x128xf32>
    %dot_general3A_1862 = tpu.matmul %sub3A_1854, %get3A_1860, %dot_general3A_1861 {dimension_numbers = #tpu.dot_dimension_numbers<[1], [0], [0], [1], [0, 0, 1, 1], [], []>, transpose_lhs_hint = false} : vector<512x128xf32>, vector<128x128xf32>, vector<512x128xf32> -> vector<512x128xf32>
    %add3A_1863 = arith.addf %dot_general3A_1853, %dot_general3A_1862 : vector<512x128xf32>
    %get3A_1864 = arith.constant 1 : index
    %get3A_1865 = arith.constant 2 : index
    %get3A_1866 = arith.constant 0 : index
    %get3A_1867 = arith.constant 0 : index
    %get3A_1868 = vector.load %arg16[%get3A_1864, %get3A_1865, %get3A_1866, %get3A_1867] : memref<3x3x128x128xf32, #tpu.memory_space<vmem>>, vector<1x1x128x128xf32>
    %get3A_1869 = vector.shape_cast %get3A_1868 : vector<1x1x128x128xf32> to vector<128x128xf32>
    %dot_general3A_1870 = arith.constant dense<0.000000e+00> : vector<512x128xf32>
    %dot_general3A_1871 = tpu.matmul %mul3A_1845, %get3A_1869, %dot_general3A_1870 {dimension_numbers = #tpu.dot_dimension_numbers<[1], [0], [0], [1], [0, 0, 1, 1], [], []>, transpose_lhs_hint = false} : vector<512x128xf32>, vector<128x128xf32>, vector<512x128xf32> -> vector<512x128xf32>
    %add3A_1872 = arith.addf %add3A_1863, %dot_general3A_1871 : vector<512x128xf32>
    %get3A_1873 = arith.constant 0 : index
    %get3A_1874 = arith.constant 0 : index
    %get3A_1875 = vector.load %arg8[%get3A_1873, %get3A_1874] : memref<2048x512xf32, #tpu.memory_space<vmem>>, vector<2048x512xf32>
    %dot_general3A_1876 = arith.constant dense<0.000000e+00> : vector<2048x128xf32>
    %dot_general3A_1877 = tpu.matmul %get3A_1875, %add3A_1872, %dot_general3A_1876 {dimension_numbers = #tpu.dot_dimension_numbers<[1], [0], [0], [1], [0, 0, 1, 1], [], []>, transpose_lhs_hint = false} : vector<2048x512xf32>, vector<512x128xf32>, vector<2048x128xf32> -> vector<2048x128xf32>
    %add3A_1878 = arith.addf %add3A_1761, %dot_general3A_1877 : vector<2048x128xf32>
    %concatenate3A_1879 = tpu.concatenate %dot_general3A_1641, %dot_general3A_1651 in 1 : vector<128x64xf32>, vector<128x64xf32> -> vector<128x128xf32>
    %slice3A_1880 = vector.extract_strided_slice %get3A_1 {offsets = [0, 0], sizes = [128, 128], strides = [1, 1]} : vector<2048x128xf32> to vector<128x128xf32>
    %add3A_1881 = arith.addf %concatenate3A_1879, %slice3A_1880 : vector<128x128xf32>
    %get3A_1882 = arith.constant 0 : index
    %get3A_1883 = arith.constant 0 : index
    %get3A_1884 = vector.load %arg4[%get3A_1882, %get3A_1883] : memref<128x16xf32, #tpu.memory_space<vmem>>, vector<128x16xf32>
    %dot_general3A_1885 = arith.constant dense<0.000000e+00> : vector<16x128xf32>
    %dot_general3A_1886 = tpu.matmul %get3A_1884, %add3A_1881, %dot_general3A_1885 {dimension_numbers = #tpu.dot_dimension_numbers<[0], [0], [1], [1], [0, 1, 1, 1], [], []>, transpose_lhs_hint = false} : vector<128x16xf32>, vector<128x128xf32>, vector<16x128xf32> -> vector<16x128xf32>
    %get3A_1887 = arith.constant 2 : index
    %get3A_1888 = arith.constant 0 : index
    %get3A_1889 = arith.constant 0 : index
    %get3A_1890 = arith.constant 0 : index
    %get3A_1891 = vector.load %arg14[%get3A_1887, %get3A_1888, %get3A_1889, %get3A_1890] : memref<3x2x128x128xf32, #tpu.memory_space<vmem>>, vector<1x1x128x128xf32>
    %get3A_1892 = vector.shape_cast %get3A_1891 : vector<1x1x128x128xf32> to vector<128x128xf32>
    %get3A_1893 = arith.constant 2 : index
    %get3A_1894 = arith.constant 1 : index
    %get3A_1895 = arith.constant 0 : index
    %get3A_1896 = arith.constant 0 : index
    %get3A_1897 = vector.load %arg14[%get3A_1893, %get3A_1894, %get3A_1895, %get3A_1896] : memref<3x2x128x128xf32, #tpu.memory_space<vmem>>, vector<1x1x128x128xf32>
    %get3A_1898 = vector.shape_cast %get3A_1897 : vector<1x1x128x128xf32> to vector<128x128xf32>
    %add3A_1899 = arith.addf %get3A_1892, %get3A_1898 : vector<128x128xf32>
    %mul3A_1900 = arith.constant 5.000000e-01 : f32
    %mul3A_1901 = vector.broadcast %mul3A_1900 : f32 to vector<128x128xf32>
    %mul3A_1902 = arith.mulf %add3A_1899, %mul3A_1901 : vector<128x128xf32>
    %get3A_1903 = arith.constant 2 : index
    %get3A_1904 = arith.constant 0 : index
    %get3A_1905 = arith.constant 0 : index
    %get3A_1906 = arith.constant 0 : index
    %get3A_1907 = vector.load %arg15[%get3A_1903, %get3A_1904, %get3A_1905, %get3A_1906] : memref<3x2x128x128xf32, #tpu.memory_space<vmem>>, vector<1x1x128x128xf32>
    %get3A_1908 = vector.shape_cast %get3A_1907 : vector<1x1x128x128xf32> to vector<128x128xf32>
    %get3A_1909 = arith.constant 2 : index
    %get3A_1910 = arith.constant 1 : index
    %get3A_1911 = arith.constant 0 : index
    %get3A_1912 = arith.constant 0 : index
    %get3A_1913 = vector.load %arg15[%get3A_1909, %get3A_1910, %get3A_1911, %get3A_1912] : memref<3x2x128x128xf32, #tpu.memory_space<vmem>>, vector<1x1x128x128xf32>
    %get3A_1914 = vector.shape_cast %get3A_1913 : vector<1x1x128x128xf32> to vector<128x128xf32>
    %add3A_1915 = arith.addf %get3A_1908, %get3A_1914 : vector<128x128xf32>
    %mul3A_1916 = arith.constant 5.000000e-01 : f32
    %mul3A_1917 = vector.broadcast %mul3A_1916 : f32 to vector<128x128xf32>
    %mul3A_1918 = arith.mulf %add3A_1915, %mul3A_1917 : vector<128x128xf32>
    %reduce_sum3A_1919 = arith.constant dense<0.000000e+00> : vector<128xf32>
    %reduce_sum3A_1920 = vector.multi_reduction <add>, %get3A_1884, %reduce_sum3A_1919 [1] : vector<128x16xf32> to vector<128xf32>
    %broadcast_in_dim3A_1921 = vector.shape_cast %reduce_sum3A_1920 : vector<128xf32> to vector<128x1xf32>
    %jit3A_1922 = arith.constant 1.000000e+00 : f32
    %max3A_1923 = vector.broadcast %jit3A_1922 : f32 to vector<128x1xf32>
    %max3A_1924 = arith.maximumf %max3A_1923, %broadcast_in_dim3A_1921 : vector<128x1xf32>
    %dot_general3A_1925 = arith.constant dense<0.000000e+00> : vector<16x128xf32>
    %dot_general3A_1926 = tpu.matmul %dot_general3A_1886, %mul3A_1902, %dot_general3A_1925 {dimension_numbers = #tpu.dot_dimension_numbers<[1], [0], [0], [1], [0, 0, 1, 1], [], []>, transpose_lhs_hint = false} : vector<16x128xf32>, vector<128x128xf32>, vector<16x128xf32> -> vector<16x128xf32>
    %dot_general3A_1927 = arith.constant dense<0.000000e+00> : vector<128x128xf32>
    %dot_general3A_1928 = tpu.matmul %get3A_1884, %dot_general3A_1926, %dot_general3A_1927 {dimension_numbers = #tpu.dot_dimension_numbers<[1], [0], [0], [1], [0, 0, 1, 1], [], []>, transpose_lhs_hint = false} : vector<128x16xf32>, vector<16x128xf32>, vector<128x128xf32> -> vector<128x128xf32>
    %div3A_1929 = vector.broadcast %max3A_1924 : vector<128x1xf32> to vector<128x128xf32>
    %div3A_1930 = arith.divf %dot_general3A_1928, %div3A_1929 : vector<128x128xf32>
    %dot_general3A_1931 = arith.constant dense<0.000000e+00> : vector<128x128xf32>
    %dot_general3A_1932 = tpu.matmul %add3A_1881, %mul3A_1918, %dot_general3A_1931 {dimension_numbers = #tpu.dot_dimension_numbers<[1], [0], [0], [1], [0, 0, 1, 1], [], []>, transpose_lhs_hint = false} : vector<128x128xf32>, vector<128x128xf32>, vector<128x128xf32> -> vector<128x128xf32>
    %add3A_1933 = arith.addf %div3A_1930, %dot_general3A_1932 : vector<128x128xf32>
    %add3A_1934 = arith.addf %add3A_1933, %add3A_1881 : vector<128x128xf32>
    %slice3A_1935 = vector.extract_strided_slice %add3A_1934 {offsets = [0, 0], sizes = [1, 128], strides = [1, 1]} : vector<128x128xf32> to vector<1x128xf32>
    %broadcast_in_dim3A_1936 = vector.shape_cast %slice3A_1935 : vector<1x128xf32> to vector<1x128xf32>
    %broadcast_in_dim3A_1937 = vector.broadcast %broadcast_in_dim3A_1936 : vector<1x128xf32> to vector<12x128xf32>
    %slice3A_1938 = vector.extract_strided_slice %add3A_1934 {offsets = [127, 0], sizes = [1, 128], strides = [1, 1]} : vector<128x128xf32> to vector<1x128xf32>
    %broadcast_in_dim3A_1939 = vector.shape_cast %slice3A_1938 : vector<1x128xf32> to vector<1x128xf32>
    %broadcast_in_dim3A_1940 = vector.broadcast %broadcast_in_dim3A_1939 : vector<1x128xf32> to vector<12x128xf32>
    %concatenate3A_1941 = tpu.concatenate %broadcast_in_dim3A_1937, %add3A_1934, %broadcast_in_dim3A_1940 in 0 : vector<12x128xf32>, vector<128x128xf32>, vector<12x128xf32> -> vector<152x128xf32>
    %slice3A_1942 = vector.extract_strided_slice %concatenate3A_1941 {offsets = [0, 0], sizes = [151, 128], strides = [1, 1]} : vector<152x128xf32> to vector<151x128xf32>
    %slice3A_1943 = vector.extract_strided_slice %concatenate3A_1941 {offsets = [1, 0], sizes = [151, 128], strides = [1, 1]} : vector<152x128xf32> to vector<151x128xf32>
    %add3A_1944 = arith.addf %slice3A_1942, %slice3A_1943 : vector<151x128xf32>
    %slice3A_1945 = vector.extract_strided_slice %add3A_1944 {offsets = [0, 0], sizes = [149, 128], strides = [1, 1]} : vector<151x128xf32> to vector<149x128xf32>
    %slice3A_1946 = vector.extract_strided_slice %add3A_1944 {offsets = [2, 0], sizes = [149, 128], strides = [1, 1]} : vector<151x128xf32> to vector<149x128xf32>
    %add3A_1947 = arith.addf %slice3A_1945, %slice3A_1946 : vector<149x128xf32>
    %slice3A_1948 = vector.extract_strided_slice %add3A_1947 {offsets = [0, 0], sizes = [145, 128], strides = [1, 1]} : vector<149x128xf32> to vector<145x128xf32>
    %slice3A_1949 = vector.extract_strided_slice %add3A_1947 {offsets = [4, 0], sizes = [145, 128], strides = [1, 1]} : vector<149x128xf32> to vector<145x128xf32>
    %add3A_1950 = arith.addf %slice3A_1948, %slice3A_1949 : vector<145x128xf32>
    %slice3A_1951 = vector.extract_strided_slice %add3A_1950 {offsets = [0, 0], sizes = [137, 128], strides = [1, 1]} : vector<145x128xf32> to vector<137x128xf32>
    %slice3A_1952 = vector.extract_strided_slice %add3A_1950 {offsets = [8, 0], sizes = [137, 128], strides = [1, 1]} : vector<145x128xf32> to vector<137x128xf32>
    %add3A_1953 = arith.addf %slice3A_1951, %slice3A_1952 : vector<137x128xf32>
    %slice3A_1954 = vector.extract_strided_slice %add3A_1953 {offsets = [0, 0], sizes = [129, 128], strides = [1, 1]} : vector<137x128xf32> to vector<129x128xf32>
    %slice3A_1955 = vector.extract_strided_slice %add3A_1950 {offsets = [16, 0], sizes = [129, 128], strides = [1, 1]} : vector<145x128xf32> to vector<129x128xf32>
    %add3A_1956 = arith.addf %slice3A_1954, %slice3A_1955 : vector<129x128xf32>
    %slice3A_1957 = vector.extract_strided_slice %add3A_1956 {offsets = [0, 0], sizes = [128, 128], strides = [1, 1]} : vector<129x128xf32> to vector<128x128xf32>
    %slice3A_1958 = vector.extract_strided_slice %concatenate3A_1941 {offsets = [24, 0], sizes = [128, 128], strides = [1, 1]} : vector<152x128xf32> to vector<128x128xf32>
    %add3A_1959 = arith.addf %slice3A_1957, %slice3A_1958 : vector<128x128xf32>
    %mul3A_1960 = arith.constant 4.000000e-02 : f32
    %mul3A_1961 = vector.broadcast %mul3A_1960 : f32 to vector<128x128xf32>
    %mul3A_1962 = arith.mulf %add3A_1959, %mul3A_1961 : vector<128x128xf32>
    %get3A_1963 = arith.constant 2 : index
    %get3A_1964 = arith.constant 0 : index
    %get3A_1965 = arith.constant 0 : index
    %get3A_1966 = arith.constant 0 : index
    %get3A_1967 = vector.load %arg16[%get3A_1963, %get3A_1964, %get3A_1965, %get3A_1966] : memref<3x3x128x128xf32, #tpu.memory_space<vmem>>, vector<1x1x128x128xf32>
    %get3A_1968 = vector.shape_cast %get3A_1967 : vector<1x1x128x128xf32> to vector<128x128xf32>
    %dot_general3A_1969 = arith.constant dense<0.000000e+00> : vector<128x128xf32>
    %dot_general3A_1970 = tpu.matmul %add3A_1881, %get3A_1968, %dot_general3A_1969 {dimension_numbers = #tpu.dot_dimension_numbers<[1], [0], [0], [1], [0, 0, 1, 1], [], []>, transpose_lhs_hint = false} : vector<128x128xf32>, vector<128x128xf32>, vector<128x128xf32> -> vector<128x128xf32>
    %sub3A_1971 = arith.subf %add3A_1934, %mul3A_1962 : vector<128x128xf32>
    %get3A_1972 = arith.constant 2 : index
    %get3A_1973 = arith.constant 1 : index
    %get3A_1974 = arith.constant 0 : index
    %get3A_1975 = arith.constant 0 : index
    %get3A_1976 = vector.load %arg16[%get3A_1972, %get3A_1973, %get3A_1974, %get3A_1975] : memref<3x3x128x128xf32, #tpu.memory_space<vmem>>, vector<1x1x128x128xf32>
    %get3A_1977 = vector.shape_cast %get3A_1976 : vector<1x1x128x128xf32> to vector<128x128xf32>
    %dot_general3A_1978 = arith.constant dense<0.000000e+00> : vector<128x128xf32>
    %dot_general3A_1979 = tpu.matmul %sub3A_1971, %get3A_1977, %dot_general3A_1978 {dimension_numbers = #tpu.dot_dimension_numbers<[1], [0], [0], [1], [0, 0, 1, 1], [], []>, transpose_lhs_hint = false} : vector<128x128xf32>, vector<128x128xf32>, vector<128x128xf32> -> vector<128x128xf32>
    %add3A_1980 = arith.addf %dot_general3A_1970, %dot_general3A_1979 : vector<128x128xf32>
    %get3A_1981 = arith.constant 2 : index
    %get3A_1982 = arith.constant 2 : index
    %get3A_1983 = arith.constant 0 : index
    %get3A_1984 = arith.constant 0 : index
    %get3A_1985 = vector.load %arg16[%get3A_1981, %get3A_1982, %get3A_1983, %get3A_1984] : memref<3x3x128x128xf32, #tpu.memory_space<vmem>>, vector<1x1x128x128xf32>
    %get3A_1986 = vector.shape_cast %get3A_1985 : vector<1x1x128x128xf32> to vector<128x128xf32>
    %dot_general3A_1987 = arith.constant dense<0.000000e+00> : vector<128x128xf32>
    %dot_general3A_1988 = tpu.matmul %mul3A_1962, %get3A_1986, %dot_general3A_1987 {dimension_numbers = #tpu.dot_dimension_numbers<[1], [0], [0], [1], [0, 0, 1, 1], [], []>, transpose_lhs_hint = false} : vector<128x128xf32>, vector<128x128xf32>, vector<128x128xf32> -> vector<128x128xf32>
    %add3A_1989 = arith.addf %add3A_1980, %dot_general3A_1988 : vector<128x128xf32>
    %get3A_1990 = arith.constant 0 : index
    %get3A_1991 = arith.constant 0 : index
    %get3A_1992 = vector.load %arg9[%get3A_1990, %get3A_1991] : memref<2048x128xf32, #tpu.memory_space<vmem>>, vector<2048x128xf32>
    %dot_general3A_1993 = arith.constant dense<0.000000e+00> : vector<2048x128xf32>
    %dot_general3A_1994 = tpu.matmul %get3A_1992, %add3A_1989, %dot_general3A_1993 {dimension_numbers = #tpu.dot_dimension_numbers<[1], [0], [0], [1], [0, 0, 1, 1], [], []>, transpose_lhs_hint = false} : vector<2048x128xf32>, vector<128x128xf32>, vector<2048x128xf32> -> vector<2048x128xf32>
    %add3A_1995 = arith.addf %add3A_1878, %dot_general3A_1994 : vector<2048x128xf32>
    %get3A_1996 = arith.constant 0 : index
    %get3A_1997 = arith.constant 0 : index
    %get3A_1998 = vector.load %arg17[%get3A_1996, %get3A_1997] : memref<128x64xf32, #tpu.memory_space<vmem>>, vector<128x64xf32>
    %dot_general3A_1999 = arith.constant dense<0.000000e+00> : vector<2048x64xf32>
    %dot_general3A_2000 = tpu.matmul %add3A_1995, %get3A_1998, %dot_general3A_1999 {dimension_numbers = #tpu.dot_dimension_numbers<[1], [0], [0], [1], [0, 0, 1, 1], [], []>, transpose_lhs_hint = false} : vector<2048x128xf32>, vector<128x64xf32>, vector<2048x64xf32> -> vector<2048x64xf32>
    %get3A_2001 = arith.constant 0 : index
    %get3A_2002 = arith.constant 0 : index
    %get3A_2003 = vector.load %arg5[%get3A_2001, %get3A_2002] : memref<2048x256xf32, #tpu.memory_space<vmem>>, vector<2048x256xf32>
    %dot_general3A_2004 = arith.constant dense<0.000000e+00> : vector<256x64xf32>
    %dot_general3A_2005 = tpu.matmul %get3A_2003, %get3A_1610, %dot_general3A_2004 {dimension_numbers = #tpu.dot_dimension_numbers<[0], [0], [1], [1], [0, 1, 1, 1], [], []>, transpose_lhs_hint = false} : vector<2048x256xf32>, vector<2048x64xf32>, vector<256x64xf32> -> vector<256x64xf32>
    %slice3A_2006 = vector.extract_strided_slice %get3A_1610 {offsets = [0, 0], sizes = [1, 64], strides = [1, 1]} : vector<2048x64xf32> to vector<1x64xf32>
    %broadcast_in_dim3A_2007 = vector.shape_cast %slice3A_2006 : vector<1x64xf32> to vector<1x64xf32>
    %broadcast_in_dim3A_2008 = vector.broadcast %broadcast_in_dim3A_2007 : vector<1x64xf32> to vector<12x64xf32>
    %slice3A_2009 = vector.extract_strided_slice %get3A_1610 {offsets = [2047, 0], sizes = [1, 64], strides = [1, 1]} : vector<2048x64xf32> to vector<1x64xf32>
    %broadcast_in_dim3A_2010 = vector.shape_cast %slice3A_2009 : vector<1x64xf32> to vector<1x64xf32>
    %broadcast_in_dim3A_2011 = vector.broadcast %broadcast_in_dim3A_2010 : vector<1x64xf32> to vector<12x64xf32>
    %concatenate3A_2012 = tpu.concatenate %broadcast_in_dim3A_2008, %get3A_1610, %broadcast_in_dim3A_2011 in 0 : vector<12x64xf32>, vector<2048x64xf32>, vector<12x64xf32> -> vector<2072x64xf32>
    %slice3A_2013 = vector.extract_strided_slice %concatenate3A_2012 {offsets = [0, 0], sizes = [2071, 64], strides = [1, 1]} : vector<2072x64xf32> to vector<2071x64xf32>
    %slice3A_2014 = vector.extract_strided_slice %concatenate3A_2012 {offsets = [1, 0], sizes = [2071, 64], strides = [1, 1]} : vector<2072x64xf32> to vector<2071x64xf32>
    %add3A_2015 = arith.addf %slice3A_2013, %slice3A_2014 : vector<2071x64xf32>
    %slice3A_2016 = vector.extract_strided_slice %add3A_2015 {offsets = [0, 0], sizes = [2069, 64], strides = [1, 1]} : vector<2071x64xf32> to vector<2069x64xf32>
    %slice3A_2017 = vector.extract_strided_slice %add3A_2015 {offsets = [2, 0], sizes = [2069, 64], strides = [1, 1]} : vector<2071x64xf32> to vector<2069x64xf32>
    %add3A_2018 = arith.addf %slice3A_2016, %slice3A_2017 : vector<2069x64xf32>
    %slice3A_2019 = vector.extract_strided_slice %add3A_2018 {offsets = [0, 0], sizes = [2065, 64], strides = [1, 1]} : vector<2069x64xf32> to vector<2065x64xf32>
    %slice3A_2020 = vector.extract_strided_slice %add3A_2018 {offsets = [4, 0], sizes = [2065, 64], strides = [1, 1]} : vector<2069x64xf32> to vector<2065x64xf32>
    %add3A_2021 = arith.addf %slice3A_2019, %slice3A_2020 : vector<2065x64xf32>
    %slice3A_2022 = vector.extract_strided_slice %add3A_2021 {offsets = [0, 0], sizes = [2057, 64], strides = [1, 1]} : vector<2065x64xf32> to vector<2057x64xf32>
    %slice3A_2023 = vector.extract_strided_slice %add3A_2021 {offsets = [8, 0], sizes = [2057, 64], strides = [1, 1]} : vector<2065x64xf32> to vector<2057x64xf32>
    %add3A_2024 = arith.addf %slice3A_2022, %slice3A_2023 : vector<2057x64xf32>
    %slice3A_2025 = vector.extract_strided_slice %add3A_2024 {offsets = [0, 0], sizes = [2049, 64], strides = [1, 1]} : vector<2057x64xf32> to vector<2049x64xf32>
    %slice3A_2026 = vector.extract_strided_slice %add3A_2021 {offsets = [16, 0], sizes = [2049, 64], strides = [1, 1]} : vector<2065x64xf32> to vector<2049x64xf32>
    %add3A_2027 = arith.addf %slice3A_2025, %slice3A_2026 : vector<2049x64xf32>
    %slice3A_2028 = vector.extract_strided_slice %add3A_2027 {offsets = [0, 0], sizes = [2048, 64], strides = [1, 1]} : vector<2049x64xf32> to vector<2048x64xf32>
    %slice3A_2029 = vector.extract_strided_slice %concatenate3A_2012 {offsets = [24, 0], sizes = [2048, 64], strides = [1, 1]} : vector<2072x64xf32> to vector<2048x64xf32>
    %add3A_2030 = arith.addf %slice3A_2028, %slice3A_2029 : vector<2048x64xf32>
    %mul3A_2031 = arith.constant 4.000000e-02 : f32
    %mul3A_2032 = vector.broadcast %mul3A_2031 : f32 to vector<2048x64xf32>
    %mul3A_2033 = arith.mulf %add3A_2030, %mul3A_2032 : vector<2048x64xf32>
    %sub3A_2034 = arith.subf %get3A_1610, %mul3A_2033 : vector<2048x64xf32>
    %concatenate3A_2035 = tpu.concatenate %sub3A_2034, %dot_general3A_2000 in 1 : vector<2048x64xf32>, vector<2048x64xf32> -> vector<2048x128xf32>
    %add3A_2036 = arith.addf %concatenate3A_2035, %get3A_1 : vector<2048x128xf32>
    %get3A_2037 = arith.constant 0 : index
    %get3A_2038 = arith.constant 0 : index
    %get3A_2039 = arith.constant 0 : index
    %get3A_2040 = vector.load %arg19[%get3A_2037, %get3A_2038, %get3A_2039] : memref<2x64x64xf32, #tpu.memory_space<vmem>>, vector<1x64x64xf32>
    %get3A_2041 = vector.shape_cast %get3A_2040 : vector<1x64x64xf32> to vector<64x64xf32>
    %get3A_2042 = arith.constant 1 : index
    %get3A_2043 = arith.constant 0 : index
    %get3A_2044 = arith.constant 0 : index
    %get3A_2045 = vector.load %arg19[%get3A_2042, %get3A_2043, %get3A_2044] : memref<2x64x64xf32, #tpu.memory_space<vmem>>, vector<1x64x64xf32>
    %get3A_2046 = vector.shape_cast %get3A_2045 : vector<1x64x64xf32> to vector<64x64xf32>
    %add3A_2047 = arith.addf %get3A_2041, %get3A_2046 : vector<64x64xf32>
    %mul3A_2048 = arith.constant 5.000000e-01 : f32
    %mul3A_2049 = vector.broadcast %mul3A_2048 : f32 to vector<64x64xf32>
    %mul3A_2050 = arith.mulf %add3A_2047, %mul3A_2049 : vector<64x64xf32>
    %get3A_2051 = arith.constant 0 : index
    %get3A_2052 = arith.constant 0 : index
    %get3A_2053 = arith.constant 0 : index
    %get3A_2054 = vector.load %arg18[%get3A_2051, %get3A_2052, %get3A_2053] : memref<2x128x64xf32, #tpu.memory_space<vmem>>, vector<1x128x64xf32>
    %get3A_2055 = vector.shape_cast %get3A_2054 : vector<1x128x64xf32> to vector<128x64xf32>
    %get3A_2056 = arith.constant 1 : index
    %get3A_2057 = arith.constant 0 : index
    %get3A_2058 = arith.constant 0 : index
    %get3A_2059 = vector.load %arg18[%get3A_2056, %get3A_2057, %get3A_2058] : memref<2x128x64xf32, #tpu.memory_space<vmem>>, vector<1x128x64xf32>
    %get3A_2060 = vector.shape_cast %get3A_2059 : vector<1x128x64xf32> to vector<128x64xf32>
    %add3A_2061 = arith.addf %get3A_2055, %get3A_2060 : vector<128x64xf32>
    %mul3A_2062 = arith.constant 5.000000e-01 : f32
    %mul3A_2063 = vector.broadcast %mul3A_2062 : f32 to vector<128x64xf32>
    %mul3A_2064 = arith.mulf %add3A_2061, %mul3A_2063 : vector<128x64xf32>
    %reduce_sum3A_2065 = arith.constant dense<0.000000e+00> : vector<2048xf32>
    %reduce_sum3A_2066 = vector.multi_reduction <add>, %get3A_2003, %reduce_sum3A_2065 [1] : vector<2048x256xf32> to vector<2048xf32>
    %broadcast_in_dim3A_2067 = vector.shape_cast %reduce_sum3A_2066 : vector<2048xf32> to vector<2048x1xf32>
    %jit3A_2068 = arith.constant 1.000000e+00 : f32
    %max3A_2069 = vector.broadcast %jit3A_2068 : f32 to vector<2048x1xf32>
    %max3A_2070 = arith.maximumf %max3A_2069, %broadcast_in_dim3A_2067 : vector<2048x1xf32>
    %dot_general3A_2071 = arith.constant dense<0.000000e+00> : vector<256x64xf32>
    %dot_general3A_2072 = tpu.matmul %dot_general3A_2005, %mul3A_2050, %dot_general3A_2071 {dimension_numbers = #tpu.dot_dimension_numbers<[1], [0], [0], [1], [0, 0, 1, 1], [], []>, transpose_lhs_hint = false} : vector<256x64xf32>, vector<64x64xf32>, vector<256x64xf32> -> vector<256x64xf32>
    %dot_general3A_2073 = arith.constant dense<0.000000e+00> : vector<2048x64xf32>
    %dot_general3A_2074 = tpu.matmul %get3A_2003, %dot_general3A_2072, %dot_general3A_2073 {dimension_numbers = #tpu.dot_dimension_numbers<[1], [0], [0], [1], [0, 0, 1, 1], [], []>, transpose_lhs_hint = false} : vector<2048x256xf32>, vector<256x64xf32>, vector<2048x64xf32> -> vector<2048x64xf32>
    %div3A_2075 = vector.broadcast %max3A_2070 : vector<2048x1xf32> to vector<2048x64xf32>
    %div3A_2076 = arith.divf %dot_general3A_2074, %div3A_2075 : vector<2048x64xf32>
    %dot_general3A_2077 = arith.constant dense<0.000000e+00> : vector<2048x64xf32>
    %dot_general3A_2078 = tpu.matmul %add3A_2036, %mul3A_2064, %dot_general3A_2077 {dimension_numbers = #tpu.dot_dimension_numbers<[1], [0], [0], [1], [0, 0, 1, 1], [], []>, transpose_lhs_hint = false} : vector<2048x128xf32>, vector<128x64xf32>, vector<2048x64xf32> -> vector<2048x64xf32>
    %add3A_2079 = arith.addf %div3A_2076, %dot_general3A_2078 : vector<2048x64xf32>
    %slice3A_2080 = vector.extract_strided_slice %add3A_2079 {offsets = [0, 0], sizes = [1, 64], strides = [1, 1]} : vector<2048x64xf32> to vector<1x64xf32>
    %broadcast_in_dim3A_2081 = vector.shape_cast %slice3A_2080 : vector<1x64xf32> to vector<1x64xf32>
    %broadcast_in_dim3A_2082 = vector.broadcast %broadcast_in_dim3A_2081 : vector<1x64xf32> to vector<12x64xf32>
    %slice3A_2083 = vector.extract_strided_slice %add3A_2079 {offsets = [2047, 0], sizes = [1, 64], strides = [1, 1]} : vector<2048x64xf32> to vector<1x64xf32>
    %broadcast_in_dim3A_2084 = vector.shape_cast %slice3A_2083 : vector<1x64xf32> to vector<1x64xf32>
    %broadcast_in_dim3A_2085 = vector.broadcast %broadcast_in_dim3A_2084 : vector<1x64xf32> to vector<12x64xf32>
    %concatenate3A_2086 = tpu.concatenate %broadcast_in_dim3A_2082, %add3A_2079, %broadcast_in_dim3A_2085 in 0 : vector<12x64xf32>, vector<2048x64xf32>, vector<12x64xf32> -> vector<2072x64xf32>
    %slice3A_2087 = vector.extract_strided_slice %concatenate3A_2086 {offsets = [0, 0], sizes = [2071, 64], strides = [1, 1]} : vector<2072x64xf32> to vector<2071x64xf32>
    %slice3A_2088 = vector.extract_strided_slice %concatenate3A_2086 {offsets = [1, 0], sizes = [2071, 64], strides = [1, 1]} : vector<2072x64xf32> to vector<2071x64xf32>
    %add3A_2089 = arith.addf %slice3A_2087, %slice3A_2088 : vector<2071x64xf32>
    %slice3A_2090 = vector.extract_strided_slice %add3A_2089 {offsets = [0, 0], sizes = [2069, 64], strides = [1, 1]} : vector<2071x64xf32> to vector<2069x64xf32>
    %slice3A_2091 = vector.extract_strided_slice %add3A_2089 {offsets = [2, 0], sizes = [2069, 64], strides = [1, 1]} : vector<2071x64xf32> to vector<2069x64xf32>
    %add3A_2092 = arith.addf %slice3A_2090, %slice3A_2091 : vector<2069x64xf32>
    %slice3A_2093 = vector.extract_strided_slice %add3A_2092 {offsets = [0, 0], sizes = [2065, 64], strides = [1, 1]} : vector<2069x64xf32> to vector<2065x64xf32>
    %slice3A_2094 = vector.extract_strided_slice %add3A_2092 {offsets = [4, 0], sizes = [2065, 64], strides = [1, 1]} : vector<2069x64xf32> to vector<2065x64xf32>
    %add3A_2095 = arith.addf %slice3A_2093, %slice3A_2094 : vector<2065x64xf32>
    %slice3A_2096 = vector.extract_strided_slice %add3A_2095 {offsets = [0, 0], sizes = [2057, 64], strides = [1, 1]} : vector<2065x64xf32> to vector<2057x64xf32>
    %slice3A_2097 = vector.extract_strided_slice %add3A_2095 {offsets = [8, 0], sizes = [2057, 64], strides = [1, 1]} : vector<2065x64xf32> to vector<2057x64xf32>
    %add3A_2098 = arith.addf %slice3A_2096, %slice3A_2097 : vector<2057x64xf32>
    %slice3A_2099 = vector.extract_strided_slice %add3A_2098 {offsets = [0, 0], sizes = [2049, 64], strides = [1, 1]} : vector<2057x64xf32> to vector<2049x64xf32>
    %slice3A_2100 = vector.extract_strided_slice %add3A_2095 {offsets = [16, 0], sizes = [2049, 64], strides = [1, 1]} : vector<2065x64xf32> to vector<2049x64xf32>
    %add3A_2101 = arith.addf %slice3A_2099, %slice3A_2100 : vector<2049x64xf32>
    %slice3A_2102 = vector.extract_strided_slice %add3A_2101 {offsets = [0, 0], sizes = [2048, 64], strides = [1, 1]} : vector<2049x64xf32> to vector<2048x64xf32>
    %slice3A_2103 = vector.extract_strided_slice %concatenate3A_2086 {offsets = [24, 0], sizes = [2048, 64], strides = [1, 1]} : vector<2072x64xf32> to vector<2048x64xf32>
    %add3A_2104 = arith.addf %slice3A_2102, %slice3A_2103 : vector<2048x64xf32>
    %mul3A_2105 = arith.constant 4.000000e-02 : f32
    %mul3A_2106 = vector.broadcast %mul3A_2105 : f32 to vector<2048x64xf32>
    %mul3A_2107 = arith.mulf %add3A_2104, %mul3A_2106 : vector<2048x64xf32>
    %get3A_2108 = arith.constant 0 : index
    %get3A_2109 = arith.constant 0 : index
    %get3A_2110 = arith.constant 0 : index
    %get3A_2111 = vector.load %arg20[%get3A_2108, %get3A_2109, %get3A_2110] : memref<3x64x64xf32, #tpu.memory_space<vmem>>, vector<1x64x64xf32>
    %get3A_2112 = vector.shape_cast %get3A_2111 : vector<1x64x64xf32> to vector<64x64xf32>
    %dot_general3A_2113 = arith.constant dense<0.000000e+00> : vector<2048x64xf32>
    %dot_general3A_2114 = tpu.matmul %get3A_1610, %get3A_2112, %dot_general3A_2113 {dimension_numbers = #tpu.dot_dimension_numbers<[1], [0], [0], [1], [0, 0, 1, 1], [], []>, transpose_lhs_hint = false} : vector<2048x64xf32>, vector<64x64xf32>, vector<2048x64xf32> -> vector<2048x64xf32>
    %sub3A_2115 = arith.subf %add3A_2079, %mul3A_2107 : vector<2048x64xf32>
    %get3A_2116 = arith.constant 1 : index
    %get3A_2117 = arith.constant 0 : index
    %get3A_2118 = arith.constant 0 : index
    %get3A_2119 = vector.load %arg20[%get3A_2116, %get3A_2117, %get3A_2118] : memref<3x64x64xf32, #tpu.memory_space<vmem>>, vector<1x64x64xf32>
    %get3A_2120 = vector.shape_cast %get3A_2119 : vector<1x64x64xf32> to vector<64x64xf32>
    %dot_general3A_2121 = arith.constant dense<0.000000e+00> : vector<2048x64xf32>
    %dot_general3A_2122 = tpu.matmul %sub3A_2115, %get3A_2120, %dot_general3A_2121 {dimension_numbers = #tpu.dot_dimension_numbers<[1], [0], [0], [1], [0, 0, 1, 1], [], []>, transpose_lhs_hint = false} : vector<2048x64xf32>, vector<64x64xf32>, vector<2048x64xf32> -> vector<2048x64xf32>
    %add3A_2123 = arith.addf %dot_general3A_2114, %dot_general3A_2122 : vector<2048x64xf32>
    %add3A_2124 = arith.addf %mul3A_2033, %mul3A_2107 : vector<2048x64xf32>
    %get3A_2125 = arith.constant 2 : index
    %get3A_2126 = arith.constant 0 : index
    %get3A_2127 = arith.constant 0 : index
    %get3A_2128 = vector.load %arg20[%get3A_2125, %get3A_2126, %get3A_2127] : memref<3x64x64xf32, #tpu.memory_space<vmem>>, vector<1x64x64xf32>
    %get3A_2129 = vector.shape_cast %get3A_2128 : vector<1x64x64xf32> to vector<64x64xf32>
    %dot_general3A_2130 = arith.constant dense<0.000000e+00> : vector<2048x64xf32>
    %dot_general3A_2131 = tpu.matmul %add3A_2124, %get3A_2129, %dot_general3A_2130 {dimension_numbers = #tpu.dot_dimension_numbers<[1], [0], [0], [1], [0, 0, 1, 1], [], []>, transpose_lhs_hint = false} : vector<2048x64xf32>, vector<64x64xf32>, vector<2048x64xf32> -> vector<2048x64xf32>
    %add3A_2132 = arith.addf %add3A_2123, %dot_general3A_2131 : vector<2048x64xf32>
    %logistic3A_2133 = arith.negf %add3A_2132 : vector<2048x64xf32>
    %logistic3A_2134 = math.exp %logistic3A_2133 : vector<2048x64xf32>
    %logistic3A_2135 = arith.constant 1.000000e+00 : f32
    %logistic3A_2136 = vector.broadcast %logistic3A_2135 : f32 to vector<2048x64xf32>
    %logistic3A_2137 = arith.addf %logistic3A_2136, %logistic3A_2134 : vector<2048x64xf32>
    %logistic3A_2138 = arith.divf %logistic3A_2136, %logistic3A_2137 : vector<2048x64xf32>
    %swap3A_2139 = arith.constant 3 : index
    %swap3A_2140 = arith.constant 0 : index
    %swap3A_2141 = arith.constant 0 : index
    %swap3A_2142 = vector.load %arg21[%swap3A_2139, %swap3A_2140, %swap3A_2141] : memref<4x2048x64xf32, #tpu.memory_space<vmem>>, vector<1x2048x64xf32>
    %swap3A_2143 = vector.shape_cast %swap3A_2142 : vector<1x2048x64xf32> to vector<2048x64xf32>
    %swap3A_2144 = vector.shape_cast %logistic3A_2138 : vector<2048x64xf32> to vector<1x2048x64xf32>
    tpu.vector_store %arg21[%swap3A_2139, %swap3A_2140, %swap3A_2141], %swap3A_2144 {strides = array<i32>} : memref<4x2048x64xf32, #tpu.memory_space<vmem>>, vector<1x2048x64xf32>,
    return
  }
  func.func @transform_0(%arg0: i32) -> (i32, i32, i32) {
    %c0_i32 = arith.constant 0 : i32
    %c0_i32_0 = arith.constant 0 : i32
    %c0_i32_1 = arith.constant 0 : i32
    return %arg0, %c0_i32, %c0_i32_0 : i32, i32, i32
  }
  func.func @transform_1(%arg0: i32) -> (i32, i32) {
    %c0_i32 = arith.constant 0 : i32
    %c0_i32_0 = arith.constant 0 : i32
    %c0_i32_1 = arith.constant 0 : i32
    return %c0_i32, %c0_i32_0 : i32, i32
  }
  func.func @transform_2(%arg0: i32) -> (i32, i32) {
    %c0_i32 = arith.constant 0 : i32
    %c0_i32_0 = arith.constant 0 : i32
    %c0_i32_1 = arith.constant 0 : i32
    return %c0_i32, %c0_i32_0 : i32, i32
  }
  func.func @transform_3(%arg0: i32) -> (i32, i32) {
    %c0_i32 = arith.constant 0 : i32
    %c0_i32_0 = arith.constant 0 : i32
    %c0_i32_1 = arith.constant 0 : i32
    return %c0_i32, %c0_i32_0 : i32, i32
  }
  func.func @transform_4(%arg0: i32) -> (i32, i32) {
    %c0_i32 = arith.constant 0 : i32
    %c0_i32_0 = arith.constant 0 : i32
    %c0_i32_1 = arith.constant 0 : i32
    return %c0_i32, %c0_i32_0 : i32, i32
  }
  func.func @transform_5(%arg0: i32) -> (i32, i32) {
    %c0_i32 = arith.constant 0 : i32
    %c0_i32_0 = arith.constant 0 : i32
    %c0_i32_1 = arith.constant 0 : i32
    return %c0_i32, %c0_i32_0 : i32, i32
  }
  func.func @transform_6(%arg0: i32) -> (i32, i32) {
    %c0_i32 = arith.constant 0 : i32
    %c0_i32_0 = arith.constant 0 : i32
    %c0_i32_1 = arith.constant 0 : i32
    return %c0_i32, %c0_i32_0 : i32, i32
  }
  func.func @transform_7(%arg0: i32) -> (i32, i32) {
    %c0_i32 = arith.constant 0 : i32
    %c0_i32_0 = arith.constant 0 : i32
    %c0_i32_1 = arith.constant 0 : i32
    return %c0_i32, %c0_i32_0 : i32, i32
  }
  func.func @transform_8(%arg0: i32) -> (i32, i32) {
    %c0_i32 = arith.constant 0 : i32
    %c0_i32_0 = arith.constant 0 : i32
    %c0_i32_1 = arith.constant 0 : i32
    return %c0_i32, %c0_i32_0 : i32, i32
  }
  func.func @transform_9(%arg0: i32) -> (i32, i32) {
    %c0_i32 = arith.constant 0 : i32
    %c0_i32_0 = arith.constant 0 : i32
    %c0_i32_1 = arith.constant 0 : i32
    return %c0_i32, %c0_i32_0 : i32, i32
  }
  func.func @transform_10(%arg0: i32) -> (i32, i32) {
    %c0_i32 = arith.constant 0 : i32
    %c0_i32_0 = arith.constant 0 : i32
    %c0_i32_1 = arith.constant 0 : i32
    return %c0_i32, %c0_i32_0 : i32, i32
  }
  func.func @transform_11(%arg0: i32) -> (i32, i32) {
    %c0_i32 = arith.constant 0 : i32
    %c0_i32_0 = arith.constant 0 : i32
    %c0_i32_1 = arith.constant 0 : i32
    return %c0_i32, %c0_i32_0 : i32, i32
  }
  func.func @transform_12(%arg0: i32) -> (i32, i32, i32) {
    %c0_i32 = arith.constant 0 : i32
    %c0_i32_0 = arith.constant 0 : i32
    %c0_i32_1 = arith.constant 0 : i32
    %c0_i32_2 = arith.constant 0 : i32
    return %c0_i32, %c0_i32_0, %c0_i32_1 : i32, i32, i32
  }
  func.func @transform_13(%arg0: i32) -> (i32, i32, i32, i32) {
    %c0_i32 = arith.constant 0 : i32
    %c0_i32_0 = arith.constant 0 : i32
    %c0_i32_1 = arith.constant 0 : i32
    %c0_i32_2 = arith.constant 0 : i32
    %c0_i32_3 = arith.constant 0 : i32
    return %c0_i32, %c0_i32_0, %c0_i32_1, %c0_i32_2 : i32, i32, i32, i32
  }
  func.func @transform_14(%arg0: i32) -> (i32, i32, i32, i32) {
    %c0_i32 = arith.constant 0 : i32
    %c0_i32_0 = arith.constant 0 : i32
    %c0_i32_1 = arith.constant 0 : i32
    %c0_i32_2 = arith.constant 0 : i32
    %c0_i32_3 = arith.constant 0 : i32
    return %c0_i32, %c0_i32_0, %c0_i32_1, %c0_i32_2 : i32, i32, i32, i32
  }
  func.func @transform_15(%arg0: i32) -> (i32, i32, i32, i32) {
    %c0_i32 = arith.constant 0 : i32
    %c0_i32_0 = arith.constant 0 : i32
    %c0_i32_1 = arith.constant 0 : i32
    %c0_i32_2 = arith.constant 0 : i32
    %c0_i32_3 = arith.constant 0 : i32
    return %c0_i32, %c0_i32_0, %c0_i32_1, %c0_i32_2 : i32, i32, i32, i32
  }
  func.func @transform_16(%arg0: i32) -> (i32, i32) {
    %c0_i32 = arith.constant 0 : i32
    %c0_i32_0 = arith.constant 0 : i32
    %c0_i32_1 = arith.constant 0 : i32
    return %c0_i32, %c0_i32_0 : i32, i32
  }
  func.func @transform_17(%arg0: i32) -> (i32, i32, i32) {
    %c0_i32 = arith.constant 0 : i32
    %c0_i32_0 = arith.constant 0 : i32
    %c0_i32_1 = arith.constant 0 : i32
    %c0_i32_2 = arith.constant 0 : i32
    return %c0_i32, %c0_i32_0, %c0_i32_1 : i32, i32, i32
  }
  func.func @transform_18(%arg0: i32) -> (i32, i32, i32) {
    %c0_i32 = arith.constant 0 : i32
    %c0_i32_0 = arith.constant 0 : i32
    %c0_i32_1 = arith.constant 0 : i32
    %c0_i32_2 = arith.constant 0 : i32
    return %c0_i32, %c0_i32_0, %c0_i32_1 : i32, i32, i32
  }
  func.func @transform_19(%arg0: i32) -> (i32, i32, i32) {
    %c0_i32 = arith.constant 0 : i32
    %c0_i32_0 = arith.constant 0 : i32
    %c0_i32_1 = arith.constant 0 : i32
    %c0_i32_2 = arith.constant 0 : i32
    return %c0_i32, %c0_i32_0, %c0_i32_1 : i32, i32, i32
  }
  func.func @transform_20(%arg0: i32) -> (i32, i32, i32) {
    %c0_i32 = arith.constant 0 : i32
    %c0_i32_0 = arith.constant 0 : i32
    %c0_i32_1 = arith.constant 0 : i32
    return %arg0, %c0_i32, %c0_i32_0 : i32, i32, i32
  }
}

</mosaic_0001>

<sc_bundles>
// kernel: kernel.4.cloned.1.call-start
scs
__scs_entry_jumppad:
0x0: {  	(pc) =	sbr.rel $0x88, $3  }
0x1: {  	(tag) =	ssettag $0x0;
	lr =	simm.s32 $0x1  }
0x2: {  	[smem:$0x3F94] =	sst lr;
	_ =	strace $0xD0000000  }
0x3: {  	_ = 	snop  }
0x4: {  	_ = 	snop  }
0x5: {  	_ = 	snop  }
0x6: {  	_ = 	snop  }
0x7: {  	_ = 	snop  }
__scs_overlays_trampoline_lowered:
0x8: {  	[smem:$0x3FA3] =	sst s0  }
0x9: {  	[smem:$0x3FA4] =	sst s1  }
0xa: {  	[smem:$0x3FA5] =	sst s2  }
0xb: {  	[smem:$0x3FA6] =	sst s3  }
0xc: {  	[smem:$0x3FA7] =	sst s4  }
0xd: {  	[smem:$0x3FA8] =	sst s5  }
0xe: {  	[smem:$0x3FA9] =	sst s6  }
0xf: {  	[smem:$0x3FAA] =	sst s7  }
0x10: {  	[smem:$0x3FAB] =	sst s8  }
0x11: {  	[smem:$0x3FAC] =	sst s9;
	s0 =	simm.s32 @!p0 $0x0  }
0x12: {  	s1 =	sld [smem:$0x3F92];
	s0 =	simm.s32 @p0 $0x1  }
0x13: {  	[smem:$0x3FAD] =	sst s0;
	s0 =	simm.s32 @!p1 $0x0  }
0x14: {  	s2 =	sld [smem:$0x3F91];
	s0 =	simm.s32 @p1 $0x1  }
0x15: {  	[smem:$0x3FAE] =	sst s0;
	s0 =	simm.s32 @!p2 $0x0  }
0x16: {  	s3 =	sld [smem:$0x3FDB];
	s0 =	simm.s32 @p2 $0x1  }
0x17: {  	s4 =	simm.s32 $0x1BF5;
	[smem:$0x3FB0] =	sst s0  }
0x18: {  	s0 =	sld [smem:$0x3F93];
	_ =	swait.ge [sflag:s4], $0x0  }
0x19: {  	s7 =	sld [smem:$0x3F94]  }
0x1a: {  	s8 =	sadd.s32 $0xFFFFE003, lr  }
0x1b: {  	s9 =	sadd.s32 $0xFFFFFEF7, lr;
	s5 =	simm.s32 $0xFFFFFFFF;
	p2 =	slt.u32 s8, $0xFFFFF086  }
0x1c: {  	p1 =	slt.u32 s9, $0xF7A;
	s5 =	simm.s32 @!p2 $0x0  }
0x1d: {  	s5 =	simm.s32 @p1 $0x1;
	p0 =	seq.s32 s7, s2  }
0x1e: {  	s7 =	smul.u32 @!p0 $0xF7A, s2;
	p2 =	seq.s32 @!p0 s5, $0x0  }
0x1f: {  	s9 =	smul.u32 $0xF7A, s1;
	s8 =	simm.s32 @!p0 $0x1BF5;
	p2 =	por !p2, p0  }
0x20: {  	[sflag:s8] =	ssyncset.s32 @!p0 $0xFFFFF086;
	s6 =	sadd.s32 @!p0 s3, s7;
	s7 =	simm.s32 @!p0 $0x108  }
0x21: {  	s3 =	sadd.s32 s3, s9;
	s6 =	sadd.s32 @!p0 $0x88, s6;
	s7 =	simm.s32 @p2 $0x1082  }
0x22: {  	[simem:s7], [sflag:s8] =	dma.local @!p0 [hbm:s6], $0xF7A  }
0x23: {  	s9 =	sor.u32 $0xD0000000, s2;
	s6 =	simm.s32 $0x108;
	_ =	swait.ge @!p0 [sflag:s8], $0x0  }
0x24: {  	s3 =	sadd.s32 $0x88, s3;
	s6 =	simm.s32 @!p1 $0x1082;
	[sflag:s4] =	ssyncset.s32 $0xFFFFF086  }
0x25: {  	[simem:s6], [sflag:s4] =	dma.local [hbm:s3], $0xF7A  }
0x26: {  	[smem:$0x3F94] =	sst s1;
	(tag) =	ssettag s2;
	_ =	strace s9  }
0x27: {  	s1 =	sld [smem:$0x3FA4]  }
0x28: {  	s2 =	sld [smem:$0x3FA5]  }
0x29: {  	s4 =	sld [smem:$0x3FA7]  }
0x2a: {  	p0 =	seq.s32 s5, $0x0;
	s5 =	sld [smem:$0x3FA8]  }
0x2b: {  	s6 =	sld [smem:$0x3FA9]  }
0x2c: {  	s7 =	sld [smem:$0x3FAA]  }
0x2d: {  	s3 =	simm.s32 $0x108;
	s8 =	sld [smem:$0x3FAB]  }
0x2e: {  	s3 =	simm.s32 @!p0 $0x1082;
	s9 =	sld [smem:$0x3FAC]  }
0x2f: {  	lr =	sadd.s32 s0, s3;
	s0 =	sld [smem:$0x3FA3]  }
0x30: {  	s3 =	sld [smem:$0x3FA6]  }
0x31: {  	[smem:$0x3FAF] =	sst s10  }
0x32: {  	s10 =	sld [smem:$0x3FAD];
	_ =	sdelay $0x3  }
0x33: {  	p0 =	seq.s32 s10, $0x1;
	s10 =	sld [smem:$0x3FAF];
	_ =	sdelay $0x3  }
0x34: {  	[smem:$0x3FAF] =	sst s10  }
0x35: {  	s10 =	sld [smem:$0x3FAE];
	_ =	sdelay $0x3  }
0x36: {  	p1 =	seq.s32 s10, $0x1;
	s10 =	sld [smem:$0x3FAF];
	_ =	sdelay $0x3  }
0x37: {  	[smem:$0x3FAF] =	sst s10  }
0x38: {  	s10 =	sld [smem:$0x3FB0]  }
0x39: {  	_ = 	snop;
	(pc) =	sbr.ind lr, $3  }
0x3a: {  	_ = 	snop  }
0x3b: {  	_ = 	snop  }
0x3c: {  	p2 =	seq.s32 s10, $0x1;
	s10 =	sld [smem:$0x3FAF]  }
0x3d: {  	_ =	shalt  }
0x3e: {  	_ =	shalt  }
0x3f: {  	_ =	shalt  }
0x40: {  	_ =	shalt  }
0x41: {  	_ =	shalt  }
0x42: {  	_ =	shalt  }
0x43: {  	_ =	shalt  }
0x44: {  	_ =	shalt  }
0x45: {  	_ =	shalt  }
0x46: {  	_ =	shalt  }
0x47: {  	_ =	shalt  }
0x48: {  	_ =	shalt  }
0x49: {  	_ =	shalt  }
0x4a: {  	_ =	shalt  }
0x4b: {  	_ =	shalt  }
0x4c: {  	_ =	shalt  }
0x4d: {  	_ =	shalt  }
0x4e: {  	_ =	shalt  }
0x4f: {  	_ =	shalt  }
0x50: {  	_ =	shalt  }
0x51: {  	_ =	shalt  }
0x52: {  	_ =	shalt  }
0x53: {  	_ =	shalt  }
0x54: {  	_ =	shalt  }
0x55: {  	_ =	shalt  }
0x56: {  	_ =	shalt  }
0x57: {  	_ =	shalt  }
0x58: {  	_ =	shalt  }
0x59: {  	_ =	shalt  }
0x5a: {  	_ =	shalt  }
0x5b: {  	_ =	shalt  }
0x5c: {  	_ =	shalt  }
0x5d: {  	_ =	shalt  }
0x5e: {  	_ =	shalt  }
0x5f: {  	_ =	shalt  }
0x60: {  	_ =	shalt  }
0x61: {  	_ =	shalt  }
0x62: {  	_ =	shalt  }
0x63: {  	_ =	shalt  }
0x64: {  	_ =	shalt  }
0x65: {  	_ =	shalt  }
0x66: {  	_ =	shalt  }
0x67: {  	_ =	shalt  }
0x68: {  	_ =	shalt  }
0x69: {  	_ =	shalt  }
0x6a: {  	_ =	shalt  }
0x6b: {  	_ =	shalt  }
0x6c: {  	_ =	shalt  }
0x6d: {  	_ =	shalt  }
0x6e: {  	_ =	shalt  }
0x6f: {  	_ =	shalt  }
0x70: {  	_ =	shalt  }
0x71: {  	_ =	shalt  }
0x72: {  	_ =	shalt  }
0x73: {  	_ =	shalt  }
0x74: {  	_ =	shalt  }
0x75: {  	_ =	shalt  }
0x76: {  	_ =	shalt  }
0x77: {  	_ =	shalt  }
0x78: {  	_ =	shalt  }
0x79: {  	_ =	shalt  }
0x7a: {  	_ =	shalt  }
0x7b: {  	_ =	shalt  }
0x7c: {  	_ =	shalt  }
0x7d: {  	_ =	shalt  }
0x7e: {  	_ =	shalt  }
0x7f: {  	_ =	shalt  }
0x80: {  	_ =	shalt  }
0x81: {  	_ =	shalt  }
0x82: {  	_ =	shalt  }
0x83: {  	_ =	shalt  }
0x84: {  	_ =	shalt  }
0x85: {  	_ =	shalt  }
0x86: {  	_ =	shalt  }
0x87: {  	_ =	shalt  }
.Lfunc_end0:
.L_simem_size_0:
called_computation_lowered:
.L_overlay_start_0:
0x88: {  	s2 =	sld [smem:$0x3FD9]  }
0x89: {  	s3 =	sld [smem:$0x3FFE];
	_ =	sdelay $0x1  }
0x8a: {  	s1 =	srdreg.scid  }
0x8b: {  	s0 =	sand.u32 $0x1, s1  }
0x8c: {  	s17 =	sshll.u32 s0, $0xA;
	s2 =	sadd.s32 s3, s2  }
0x8d: {  	s2 =	sadd.s32 s2, s17  }
0x8e: {  	[smem:$0x3FBB] =	sst s2  }
0x8f: {  	_ = 	snop  }
0x90: {  	s2 =	sld [smem:$0x3FC8]  }
0x91: {  	s18 =	sld [smem:$0x3FC7]  }
0x92: {  	s4 =	sld [smem:$0x3FC6]  }
0x93: {  	s5 =	sld [smem:$0x3FC5]  }
0x94: {  	s6 =	sld [smem:$0x3FD0];
	(tm) =	ssettm $0x1  }
0x95: {  	s7 =	sld [smem:$0x3FFB];
	_ =	sdelay $0x3  }
0x96: {  	_ =	strace s7  }
0x97: {  	s7 =	sld [smem:$0x3FFC];
	_ =	sdelay $0x3  }
0x98: {  	_ =	strace s7  }
0x99: {  	s7 =	sld [smem:$0x3FFD];
	_ =	sdelay $0x3  }
0x9a: {  	_ =	strace s7  }
0x9b: {  	_ =	strace $0x8FFFFFFF  }
0x9c: {  	s19 =	sld [smem:$0x3FDB];
	_ =	sdelay $0x1  }
0x9d: {  	s8 =	simm.s32 $_scs_section_size  }
0x9e: {  	s9 =	simm.s32 $_size__tile_overlayer_lowered;
	s10 =	simm.s32 $_tile_overlayer_lowered  }
0x9f: {  	s22 =	simm.s32 $0x1BFF;
	s21 =	sshll.u32 s10, $0x1;
	s7 =	sadd.s32 s8, s19  }
0xa0: {  	s11 =	simm.s32 $0x0;
	s20 =	sshll.u32 s9, $0x1;
	s9 =	sadd.s32 s21, s7  }
0xa1: {  	[timem:s11], [sflag:s22] =	dma.local [hbm:s9], s20  }
0xa2: {  	_ =	swait.ge [sflag:s22], s20  }
0xa3: {  	s8 =	ssub.s32 $0x0, s20;
	[sflag:s22] =	ssyncset.done $0x0  }
0xa4: {  	[sflag:s22] =	ssyncadd.s32 s8;
	_ =	sdelay $0x1  }
0xa5: {  	s23 =	simm.s32 $0x1B8B  }
0xa6: {  	_ =	swait.ge [sflag:s23], $0x1  }
0xa7: {  	[sflag:s23] =	ssyncset.done $0x0  }
0xa8: {  	s25 =	simm.s32 $0x1B8E;
	s24 =	sld [smem:$0x3FFE];
	[sflag:s23] =	ssyncadd.s32 $0xFFFFFFFF  }
0xa9: {  	s26 =	simm.s32 $execute0_lowered;
	[smem:$0x3FD2] =	sst s25  }
0xaa: {  	s9 =	sshll.u32 s26, $0x1;
	_ =	strace $0x80000046;
	[dreg:$0x1] =	wrdreg $0xFFFFFFFF  }
0xab: {  	s28 =	simm.s32 $_size_execute0_lowered;
	s7 =	sadd.s32 s7, s9;
	[dreg:$0x0] =	wrdreg $0x0  }
0xac: {  	s9 =	sshll.u32 s28, $0x1;
	[dreg:$0x2] =	wrdreg s7  }
0xad: {  	[dreg:$0x3] =	wrdreg s9  }
0xae: {  	[dreg:$0x4] =	wrdreg $0xC0  }
0xaf: {  	_ =	task [dreg:s11], $0x5FFFF  }
0xb0: {  	[dreg:$0x1] =	wrdreg $0xFFFFFFFF  }
0xb1: {  	[dreg:$0x0] =	wrdreg $0x60  }
0xb2: {  	[dreg:$0x2] =	wrdreg s2  }
0xb3: {  	[dreg:$0x3] =	wrdreg s18  }
0xb4: {  	[dreg:$0x4] =	wrdreg s4  }
0xb5: {  	[dreg:$0x5] =	wrdreg s5  }
0xb6: {  	[dreg:$0x6] =	wrdreg s6  }
0xb7: {  	[dreg:$0x7] =	wrdreg s24  }
0xb8: {  	[dreg:$0x8] =	wrdreg $0x9  }
0xb9: {  	_ =	task.clear_ibuf [dreg:s11], $0x9FFFF;
	_ =	strace $0x90000046  }
0xba: {  	s29 =	simm.s32 $0x9;
	_ =	strace $0x80000048  }
0xbb: {  	_ =	swait.ge [sflag:s29], $0x1  }
0xbc: {  	[sflag:s29] =	ssyncadd.s32 $0xFFFFFFFF  }
0xbd: {  	_ =	strace $0x90000048  }
0xbe: {  	_ =	sfence  }
0xbf: {  	s30 =	sld [smem:$0x0];
	_ =	sdelay $0x2  }
0xc0: {  	s31 =	sshll.u32 s1, $0xD;
	s1 =	sshrl.u32 s1, $0x2  }
0xc1: {  	s3 =	sand.u32 $0x4000, s31;
	s1 =	sadd.s32 s1, s30  }
0xc2: {  	s0 =	sor.u32 s3, s0;
	s1 =	sshll.u32 s1, $0x11  }
0xc3: {  	s0 =	sor.u32 s1, s0  }
0xc4: {  	s0 =	sadd.s32 $0x8F2B, s0  }
0xc5: {  	[sflag:s0] =	ssyncadd.remote.s32 $0x1  }
0xc6: {  	_ =	sfence.sel $0xFFFF  }
0xc7: {  	[dreg:$0x0] =	wrdreg $0xFFFFFFFF;
	(pc) =	sbr.abs _section_cstart, $3  }
0xc8: {  	[dreg:$0x1] =	wrdreg $0xFFFFFFFF  }
0xc9: {  	_ =	task.clear_ibuf [dreg:s11], $0x2FFFF;
	_ =	strace $0x9FFFFFFF  }
0xca: {  	(tm) =	ssettm $0x7FFFFFFF  }
0xcb: {  	_ =	shalt  }
tec
execute0_lowered:
.L_overlay_start_1:
0x0: {  	(tag) =	ssettag $0x1  }
0x1: {  	s1 =	rddreg [dreg:$0x0]  }
0x2: {  	s2 =	rddreg [dreg:$0x1]  }
0x3: {  	s3 =	rddreg [dreg:$0x2]  }
0x4: {  	s4 =	rddreg [dreg:$0x3]  }
0x5: {  	s8 =	rddreg [dreg:$0x4]  }
0x6: {  	s7 =	rddreg [dreg:$0x5]  }
0x7: {  	s0 =	rddreg [dreg:$0x6];
	s6 =	simm.s32 $0x0;
	s5 =	stileid.u32  }
0x8: {  	s10 =	srdreg.scid;
	s18 =	simm.s32 $0x1;
	s19 =	simm.s32 $0x2000  }
0x9: {  	s20 =	simm.s32 $0xC000;
	s21 =	simm.s32 $0x4000;
	s22 =	simm.s32 $0x0  }
0xa: {  	v3 =	vimm.s32 $0xFFEDCBA9;
	[smem:$0x7FF] =	sst s6;
	s9 =	sshll.u32 s5, $0x8;
	s11 =	sshll.u32 s5, $0x7  }
0xb: {  	v4 =	vimm.s32 $0x87654321;
	v5 =	vimm.s32 $0xEDCBA987;
	s23 =	sand.u32 $0x1, s10;
	s12 =	sshll.u32 s5, $0x4;
	s25 =	sshll.u32 s5, $0xF  }
0xc: {  	v7 =	vimm.s32 $0x65432100;
	vm0 =	vcmask $0x3F3C;
	s28 =	sshll.u32 s5, $0xC;
	s29 =	sshll.u32 s5, $0x3;
	s30 =	sshll.u32 s5, $0x5  }
0xd: {  	v6 =	vunpack.c.l.s4.s8 v3;
	v4 =	vunpack.c.l.s4.s8 v4;
	v8 =	vunpack.c.l.s4.s8 v5;
	s31 =	sshll.u32 s5, $0xB;
	_ =	strace $0x80000047;
	s14 =	sadd.s32 s9, s7  }
0xe: {  	v7 =	vunpack.c.l.s4.s8 v7;
	s24 =	sadd.s32 $0x80, s11;
	s13 =	ssub.s32 $0x2, s23;
	v0 =	vmov s11;
	s26 =	sadd.s32 s12, s7;
	v2 =	vmov s25  }
0xf: {  	s16 =	sadd.s32 s28, s7;
	p0 =	seq.s32 s23, $0x1;
	s7 =	sadd.s32 $0x10, s1;
	v3 =	vmov s29;
	v5 =	vmov s30;
	v1 =	vmov s24  }
.Ltmp0:
0x10: {  	s10 =	sadd.s32 $0x8, s29;
	s17 =	sadd.s32 $0x20, s30;
	v9 =	vunpack.c.0.s8.s32 v6;
	v10 =	vunpack.c.0.s8.s32 v4;
	v11 =	vunpack.c.0.s8.s32 v8;
	(pc) =	sbr.rel .LBB2_1-.Ltmp0, $4  }
0x11: {  	s8 =	sadd.s32 s8, s28;
	s9 =	sadd.s32 $0x10, s3;
	s11 =	sadd.s32 $0x10, s4;
	v4 =	vmov s10;
	v6 =	vmov s17;
	v12 =	vunpack.c.0.s8.s32 v7  }
0x12: {  	s15 =	sshrl.u32 s13, $0x1;
	s10 =	sadd.s32 $0x2400, s26;
	s12 =	sadd.s32 $0x3600, s16;
	v7 =	vmov s31;
	v10 =	vcombine.low v10, v9;
	v9 =	vand.u32 $0xF, v11  }
0x13: {  	s14 =	sadd.s32 $0x2600, s14;
	v8 =	vimm.f32 $0.0e+00;
	s16 =	simm.s32 $0x80;
	s15 =	ssub.s32 s13, s15;
	v9 =	vcombine.low v12, v9;
	v12 =	vlaneseq.u32  }
0x14: {  	s17 =	simm.s32 $0x100;
	s13 =	sadd.s32 $0x10, s2;
	s15 =	smax.u32 s15, $0x1;
	v10 =	vand.u32 $0xF, v10;
	v11 =	vor.u32 $0x80000000, v12;
	v12 =	vadd.s32 $0x1, v12  }
.LBB2_15:
0x15: {  	_ =	sdelay $0x4  }
0x16: {  	s23 =	sshra.s32 s23, $0x2;
	[tilespmem:v13+s21+$0x0] =	vst.idx.add.f32.msk vm1, v14  }
0x17: {  	v13 =	vld [tilespmem:s23+$0x0]  }
0x18: {  	v14 =	vld [tilespmem:s23+$0x2000];
	_ =	sdelay $0x3  }
0x19: {  	v13 =	vshll.u32 v13, $0x6  }
0x1a: {  	v13 =	vadd.s32 v14, v13  }
0x1b: {  	(xrf1) =	vsort.ascd.msk.u32 $0xffff, v13, v13;
	_ =	sdelay $0xd  }
0x1c: {  	v13, _, _ =	vpop (xrf1)  }
0x1d: {  	[tilespmem:$0xC000] =	vst v13  }
0x1e: {  	v14 =	vld.idx.msk [tilespmem:v9+s20+$0x0], $0xffff;
	_ =	sdelay $0x4  }
0x1f: {  	v15 =	vld.idx.msk [tilespmem:v10+s20+$0x0], $0xffff;
	vm1 =	veq.s32 v13, v14  }
0x20: {  	v14 =	vsel vm1, $0x80000000, v11  }
0x21: {  	(xrf0) =	vmax.scan.msk.u32 $0xffff, v14;
	_ =	sdelay $0x1  }
0x22: {  	v14 =	vshrl.u32 v13, $0x6  }
0x23: {  	vm3 =	vne.s32 v13, v15;
	vm1 =	vge.u32 v14, v5;
	vm2 =	vlt.u32 v14, v6  }
0x24: {  	vm1 =	vmand vm1, vm2;
	vm2 =	vmor vm3, vm0  }
0x25: {  	v13 =	vsub.s32 v13, v7;
	vm1 =	vmand vm2, vm1  }
0x26: {  	v13 =	vnsel vm1, $0x0, v13;
	v14, _, _ =	vpop (xrf0)  }
0x27: {  	v14 =	vxor.u32 $0x80000000, v14  }
0x28: {  	v14 =	vsub.s32 v12, v14  }
0x29: {  	v14 =	vcvt.s32.f32 v14;
	_ =	sdelay $0x1  }
0x2a: {  	[tilespmem:v13+s21+$0x0] =	vst.idx.add.f32.msk vm1, v14  }
0x2b: {  	[hbm4b:s14+s6] =	stream.linear.scatter [tilespmem:s21], [sflag:$0x1], $0x800, $0x38;
	[tilespmem:$0xC080] =	vst v63  }
0x2c: {  	_ =	swait.ge [sflag:s18], $0x800  }
0x2d: {  	[sflag:s18] =	ssyncset.done $0x0  }
0x2e: {  	[sflag:s18] =	ssyncadd.s32 $0xFFFFF800  }
.LBB2_16:
0x2f: {  	s22 =	sadd.s32 $0x1, s22  }
0x30: {  	p1 =	sne.s32 s22, s15  }
.Ltmp1:
0x31: {  	_ = 	snop;
	(pc) =	sbr.rel @!p1 .LBB2_17-.Ltmp1, $1  }
0x32: {  	_ =	sdelay $0x3  }
.LBB2_1:
.Ltmp2:
0x33: {  	(pc) =	sbr.rel @!p0 .LBB2_2-.Ltmp2, $2  }
0x34: {  	_ =	sdelay $0x2  }
0x35: {  	s23 =	simm.s32 $0x40;
	s24 =	simm.s32 $0x0  }
.LBB2_8:
0x36: {  	p1 =	sne.s32 s23, $0x1FFC0;
	[tilespmem:s24+$0x4000] =	vst v8;
	s24 =	smov.u32 s23;
	s23 =	sadd.s32 $0x40, s23  }
.Ltmp3:
0x37: {  	(pc) =	sbr.rel @p1 .LBB2_8-.Ltmp3, $2  }
0x38: {  	_ =	sdelay $0x2  }
0x39: {  	s24 =	sshra.s32 s24, $0x2  }
0x3a: {  	[tilespmem:s24+$0x4000] =	vst v8;
	s23 =	simm.s32 $0x0  }
0x3b: {  	[tilespmem:s23], [sflag:$0x1] =	stream.strided.gather [hbm4b:s4+s16], $0x2000, s17, s16, $0x38;
	[tilespmem:$0xC080] =	vst v63  }
0x3c: {  	_ =	swait.ge [sflag:s18], $0x2000  }
0x3d: {  	[sflag:s18] =	ssyncset.done $0x0  }
0x3e: {  	[sflag:s18] =	ssyncadd.s32 $0xFFFFE000  }
0x3f: {  	[tilespmem:s19], [sflag:$0x1] =	stream.strided.gather [hbm4b:s11+s16], $0x2000, s17, s16, $0x38;
	[tilespmem:$0xC080] =	vst v63  }
0x40: {  	_ =	swait.ge [sflag:s18], $0x2000  }
0x41: {  	[sflag:s18] =	ssyncset.done $0x0  }
0x42: {  	s31 =	simm.s32 $0x0;
	[sflag:s18] =	ssyncadd.s32 $0xFFFFE000  }
0x43: {  	v13 =	vld [tilespmem:s31+$0x0]  }
0x44: {  	v14 =	vld [tilespmem:s31+$0x2000];
	_ =	sdelay $0x3  }
0x45: {  	v13 =	vshll.u32 v13, $0x8  }
0x46: {  	v13 =	vadd.s32 v14, v13  }
0x47: {  	(xrf1) =	vsort.ascd.msk.u32 $0xffff, v13, v13;
	_ =	sdelay $0xd  }
0x48: {  	v13, _, _ =	vpop (xrf1)  }
0x49: {  	[tilespmem:$0xC000] =	vst v13  }
0x4a: {  	v14 =	vld.idx.msk [tilespmem:v9+s20+$0x0], $0xffff;
	_ =	sdelay $0x4  }
0x4b: {  	vm1 =	veq.s32 v13, v14  }
0x4c: {  	v14 =	vsel vm1, $0x80000000, v11  }
0x4d: {  	(xrf0) =	vmax.scan.msk.u32 $0xffff, v14;
	v14 =	vld.idx.msk [tilespmem:v10+s20+$0x0], $0xffff;
	_ =	sdelay $0x3  }
0x4e: {  	v15 =	vshrl.u32 v13, $0x8  }
0x4f: {  	vm2 =	vlt.u32 v15, v1;
	vm1 =	vge.u32 v15, v0;
	vm3 =	vne.s32 v13, v14  }
0x50: {  	vm1 =	vmand vm1, vm2;
	vm2 =	vmor vm3, vm0  }
0x51: {  	v13 =	vsub.s32 v13, v2;
	vm1 =	vmand vm2, vm1  }
0x52: {  	v14, _, _ =	vpop (xrf0);
	v13 =	vnsel vm1, $0x0, v13  }
0x53: {  	v14 =	vxor.u32 $0x80000000, v14  }
0x54: {  	v14 =	vsub.s32 v12, v14  }
0x55: {  	s24 =	simm.s32 $0x80;
	s23 =	simm.s32 $0x40;
	v14 =	vcvt.s32.f32 v14  }
.LBB2_10:
0x56: {  	p1 =	sne.s32 s24, $0x7FC0  }
0x57: {  	s25 =	sshra.s32 s23, $0x2;
	s23 =	smov.u32 s24;
	s24 =	sadd.s32 $0x40, s24;
	[tilespmem:v13+s21+$0x0] =	vst.idx.add.f32.msk vm1, v14  }
0x58: {  	v13 =	vld [tilespmem:s25+$0x0]  }
0x59: {  	v14 =	vld [tilespmem:s25+$0x2000];
	_ =	sdelay $0x3  }
0x5a: {  	v13 =	vshll.u32 v13, $0x8  }
0x5b: {  	v13 =	vadd.s32 v14, v13  }
0x5c: {  	(xrf1) =	vsort.ascd.msk.u32 $0xffff, v13, v13;
	_ =	sdelay $0xd  }
0x5d: {  	v13, _, _ =	vpop (xrf1)  }
0x5e: {  	[tilespmem:$0xC000] =	vst v13;
	v14 =	vshrl.u32 v13, $0x8  }
0x5f: {  	v15 =	vld.idx.msk [tilespmem:v9+s20+$0x0], $0xffff;
	vm1 =	vge.u32 v14, v0;
	vm2 =	vlt.u32 v14, v1  }
0x60: {  	vm1 =	vmand vm1, vm2;
	_ =	sdelay $0x3  }
0x61: {  	v14 =	vld.idx.msk [tilespmem:v10+s20+$0x0], $0xffff  }
0x62: {  	vm2 =	veq.s32 v13, v15  }
0x63: {  	v15 =	vsel vm2, $0x80000000, v11  }
0x64: {  	(xrf0) =	vmax.scan.msk.u32 $0xffff, v15;
	_ =	sdelay $0x2  }
0x65: {  	vm2 =	vne.s32 v13, v14  }
0x66: {  	vm2 =	vmor vm2, vm0  }
.Ltmp4:
0x67: {  	v13 =	vsub.s32 v13, v2;
	vm1 =	vmand vm2, vm1;
	(pc) =	sbr.rel @p1 .LBB2_10-.Ltmp4, $4  }
0x68: {  	v13 =	vnsel vm1, $0x0, v13;
	v14, _, _ =	vpop (xrf0)  }
0x69: {  	v14 =	vxor.u32 $0x80000000, v14  }
0x6a: {  	v14 =	vsub.s32 v12, v14  }
0x6b: {  	v14 =	vcvt.s32.f32 v14  }
0x6c: {  	_ =	sdelay $0x4  }
0x6d: {  	s23 =	sshra.s32 s23, $0x2;
	[tilespmem:v13+s21+$0x0] =	vst.idx.add.f32.msk vm1, v14  }
0x6e: {  	v13 =	vld [tilespmem:s23+$0x0]  }
0x6f: {  	v14 =	vld [tilespmem:s23+$0x2000];
	_ =	sdelay $0x3  }
0x70: {  	v13 =	vshll.u32 v13, $0x8  }
0x71: {  	v13 =	vadd.s32 v14, v13  }
0x72: {  	(xrf1) =	vsort.ascd.msk.u32 $0xffff, v13, v13;
	_ =	sdelay $0xd  }
0x73: {  	v13, _, _ =	vpop (xrf1)  }
0x74: {  	[tilespmem:$0xC000] =	vst v13  }
0x75: {  	v14 =	vld.idx.msk [tilespmem:v9+s20+$0x0], $0xffff;
	_ =	sdelay $0x4  }
0x76: {  	v15 =	vld.idx.msk [tilespmem:v10+s20+$0x0], $0xffff;
	vm1 =	veq.s32 v13, v14  }
0x77: {  	v14 =	vsel vm1, $0x80000000, v11  }
0x78: {  	(xrf0) =	vmax.scan.msk.u32 $0xffff, v14;
	_ =	sdelay $0x1  }
0x79: {  	v14 =	vshrl.u32 v13, $0x8  }
0x7a: {  	vm3 =	vne.s32 v13, v15;
	vm1 =	vge.u32 v14, v0;
	vm2 =	vlt.u32 v14, v1  }
0x7b: {  	vm1 =	vmand vm1, vm2;
	vm2 =	vmor vm3, vm0  }
0x7c: {  	v13 =	vsub.s32 v13, v2;
	vm1 =	vmand vm2, vm1  }
0x7d: {  	v13 =	vnsel vm1, $0x0, v13;
	v14, _, _ =	vpop (xrf0)  }
0x7e: {  	v14 =	vxor.u32 $0x80000000, v14  }
0x7f: {  	v14 =	vsub.s32 v12, v14  }
0x80: {  	v14 =	vcvt.s32.f32 v14;
	_ =	sdelay $0x1  }
0x81: {  	s31 =	simm.s32 $0x0;
	[tilespmem:v13+s21+$0x0] =	vst.idx.add.f32.msk vm1, v14  }
0x82: {  	[hbm4b:s12+s31] =	stream.linear.scatter [tilespmem:s21], [sflag:$0x1], $0x8000, $0x38;
	[tilespmem:$0xC080] =	vst v63  }
0x83: {  	_ =	swait.ge [sflag:s18], $0x8000  }
0x84: {  	[sflag:s18] =	ssyncset.done $0x0  }
0x85: {  	s24 =	simm.s32 $0x0;
	s23 =	simm.s32 $0x40;
	[sflag:s18] =	ssyncadd.s32 $0xFFFF8000  }
.LBB2_12:
0x86: {  	p1 =	sne.s32 s23, $0x1FC0;
	[tilespmem:s24+$0x4000] =	vst v8;
	s24 =	smov.u32 s23;
	s23 =	sadd.s32 $0x40, s23  }
.Ltmp5:
0x87: {  	(pc) =	sbr.rel @p1 .LBB2_12-.Ltmp5, $2  }
0x88: {  	_ =	sdelay $0x2  }
0x89: {  	s24 =	sshra.s32 s24, $0x2  }
0x8a: {  	[tilespmem:s24+$0x4000] =	vst v8;
	s23 =	simm.s32 $0x0  }
0x8b: {  	[tilespmem:s23], [sflag:$0x1] =	stream.strided.gather [hbm4b:s2+s16], $0x800, s17, s16, $0x38;
	[tilespmem:$0xC080] =	vst v63  }
0x8c: {  	_ =	swait.ge [sflag:s18], $0x800  }
0x8d: {  	[sflag:s18] =	ssyncset.done $0x0  }
0x8e: {  	[sflag:s18] =	ssyncadd.s32 $0xFFFFF800  }
0x8f: {  	[tilespmem:s19], [sflag:$0x1] =	stream.strided.gather [hbm4b:s13+s16], $0x800, s17, s16, $0x38;
	[tilespmem:$0xC080] =	vst v63  }
0x90: {  	_ =	swait.ge [sflag:s18], $0x800  }
0x91: {  	[sflag:s18] =	ssyncset.done $0x0  }
0x92: {  	s31 =	simm.s32 $0x0;
	[sflag:s18] =	ssyncadd.s32 $0xFFFFF800  }
0x93: {  	v13 =	vld [tilespmem:s31+$0x0]  }
0x94: {  	v14 =	vld [tilespmem:s31+$0x2000];
	_ =	sdelay $0x3  }
0x95: {  	v13 =	vshll.u32 v13, $0x6  }
0x96: {  	v13 =	vadd.s32 v14, v13  }
0x97: {  	(xrf1) =	vsort.ascd.msk.u32 $0xffff, v13, v13;
	_ =	sdelay $0xd  }
0x98: {  	v13, _, _ =	vpop (xrf1)  }
0x99: {  	[tilespmem:$0xC000] =	vst v13  }
0x9a: {  	v14 =	vld.idx.msk [tilespmem:v9+s20+$0x0], $0xffff;
	_ =	sdelay $0x4  }
0x9b: {  	vm1 =	veq.s32 v13, v14  }
0x9c: {  	v14 =	vsel vm1, $0x80000000, v11  }
0x9d: {  	(xrf0) =	vmax.scan.msk.u32 $0xffff, v14;
	v14 =	vld.idx.msk [tilespmem:v10+s20+$0x0], $0xffff;
	_ =	sdelay $0x3  }
0x9e: {  	v15 =	vshrl.u32 v13, $0x6  }
0x9f: {  	vm2 =	vlt.u32 v15, v6;
	vm1 =	vge.u32 v15, v5;
	vm3 =	vne.s32 v13, v14  }
0xa0: {  	vm1 =	vmand vm1, vm2;
	vm2 =	vmor vm3, vm0  }
0xa1: {  	v13 =	vsub.s32 v13, v7;
	vm1 =	vmand vm2, vm1  }
0xa2: {  	v14, _, _ =	vpop (xrf0);
	v13 =	vnsel vm1, $0x0, v13  }
0xa3: {  	v14 =	vxor.u32 $0x80000000, v14  }
0xa4: {  	v14 =	vsub.s32 v12, v14  }
0xa5: {  	s24 =	simm.s32 $0x80;
	s23 =	simm.s32 $0x40;
	v14 =	vcvt.s32.f32 v14  }
.LBB2_14:
0xa6: {  	p1 =	sne.s32 s24, $0x1FC0  }
0xa7: {  	s25 =	sshra.s32 s23, $0x2;
	[tilespmem:v13+s21+$0x0] =	vst.idx.add.f32.msk vm1, v14;
	s23 =	smov.u32 s24;
	s24 =	sadd.s32 $0x40, s24  }
0xa8: {  	v13 =	vld [tilespmem:s25+$0x0]  }
0xa9: {  	v14 =	vld [tilespmem:s25+$0x2000];
	_ =	sdelay $0x3  }
0xaa: {  	v13 =	vshll.u32 v13, $0x6  }
0xab: {  	v13 =	vadd.s32 v14, v13  }
0xac: {  	(xrf1) =	vsort.ascd.msk.u32 $0xffff, v13, v13;
	_ =	sdelay $0xd  }
0xad: {  	v13, _, _ =	vpop (xrf1)  }
0xae: {  	[tilespmem:$0xC000] =	vst v13;
	v14 =	vshrl.u32 v13, $0x6  }
0xaf: {  	v15 =	vld.idx.msk [tilespmem:v9+s20+$0x0], $0xffff;
	vm1 =	vge.u32 v14, v5;
	vm2 =	vlt.u32 v14, v6  }
0xb0: {  	vm1 =	vmand vm1, vm2;
	_ =	sdelay $0x3  }
0xb1: {  	v14 =	vld.idx.msk [tilespmem:v10+s20+$0x0], $0xffff  }
0xb2: {  	vm2 =	veq.s32 v13, v15  }
0xb3: {  	v15 =	vsel vm2, $0x80000000, v11  }
0xb4: {  	(xrf0) =	vmax.scan.msk.u32 $0xffff, v15;
	_ =	sdelay $0x2  }
0xb5: {  	vm2 =	vne.s32 v13, v14  }
0xb6: {  	vm2 =	vmor vm2, vm0  }
.Ltmp6:
0xb7: {  	v13 =	vsub.s32 v13, v7;
	vm1 =	vmand vm2, vm1;
	(pc) =	sbr.rel @p1 .LBB2_14-.Ltmp6, $4  }
0xb8: {  	v13 =	vnsel vm1, $0x0, v13;
	v14, _, _ =	vpop (xrf0)  }
0xb9: {  	v14 =	vxor.u32 $0x80000000, v14  }
0xba: {  	v14 =	vsub.s32 v12, v14  }
0xbb: {  	v14 =	vcvt.s32.f32 v14  }
.Ltmp7:
0xbc: {  	_ = 	snop;
	(pc) =	sbr.rel .LBB2_15-.Ltmp7, $1  }
0xbd: {  	_ =	sdelay $0x3  }
.LBB2_2:
0xbe: {  	p1 =	sne.s32 s23, $0x1FFC0;
	[tilespmem:s24+$0x4000] =	vst v8;
	s24 =	smov.u32 s23;
	s23 =	sadd.s32 $0x40, s23  }
.Ltmp8:
0xbf: {  	(pc) =	sbr.rel @p1 .LBB2_2-.Ltmp8, $2  }
0xc0: {  	_ =	sdelay $0x2  }
0xc1: {  	s24 =	sshra.s32 s24, $0x2  }
0xc2: {  	[tilespmem:s24+$0x4000] =	vst v8;
	s23 =	simm.s32 $0x0  }
0xc3: {  	[tilespmem:s23], [sflag:$0x1] =	stream.strided.gather [hbm4b:s1+s16], $0x2000, s17, s16, $0x38;
	[tilespmem:$0xC080] =	vst v63  }
0xc4: {  	_ =	swait.ge [sflag:s18], $0x2000  }
0xc5: {  	[sflag:s18] =	ssyncset.done $0x0  }
0xc6: {  	[sflag:s18] =	ssyncadd.s32 $0xFFFFE000  }
0xc7: {  	[tilespmem:s19], [sflag:$0x1] =	stream.strided.gather [hbm4b:s7+s16], $0x2000, s17, s16, $0x38;
	[tilespmem:$0xC080] =	vst v63  }
0xc8: {  	_ =	swait.ge [sflag:s18], $0x2000  }
0xc9: {  	[sflag:s18] =	ssyncset.done $0x0  }
0xca: {  	s31 =	simm.s32 $0x0;
	[sflag:s18] =	ssyncadd.s32 $0xFFFFE000  }
0xcb: {  	v13 =	vld [tilespmem:s31+$0x0]  }
0xcc: {  	v14 =	vld [tilespmem:s31+$0x2000];
	_ =	sdelay $0x3  }
0xcd: {  	v13 =	vshll.u32 v13, $0x8  }
0xce: {  	v13 =	vadd.s32 v14, v13  }
0xcf: {  	(xrf1) =	vsort.ascd.msk.u32 $0xffff, v13, v13;
	_ =	sdelay $0xd  }
0xd0: {  	v13, _, _ =	vpop (xrf1)  }
0xd1: {  	[tilespmem:$0xC000] =	vst v13  }
0xd2: {  	v14 =	vld.idx.msk [tilespmem:v9+s20+$0x0], $0xffff;
	_ =	sdelay $0x4  }
0xd3: {  	vm1 =	veq.s32 v13, v14  }
0xd4: {  	v14 =	vsel vm1, $0x80000000, v11  }
0xd5: {  	(xrf0) =	vmax.scan.msk.u32 $0xffff, v14;
	v14 =	vld.idx.msk [tilespmem:v10+s20+$0x0], $0xffff;
	_ =	sdelay $0x3  }
0xd6: {  	v15 =	vshrl.u32 v13, $0x8  }
0xd7: {  	vm2 =	vlt.u32 v15, v1;
	vm1 =	vge.u32 v15, v0;
	vm3 =	vne.s32 v13, v14  }
0xd8: {  	vm1 =	vmand vm1, vm2;
	vm2 =	vmor vm3, vm0  }
0xd9: {  	v13 =	vsub.s32 v13, v2;
	vm1 =	vmand vm2, vm1  }
0xda: {  	v14, _, _ =	vpop (xrf0);
	v13 =	vnsel vm1, $0x0, v13  }
0xdb: {  	v14 =	vxor.u32 $0x80000000, v14  }
0xdc: {  	v14 =	vsub.s32 v12, v14  }
0xdd: {  	s24 =	simm.s32 $0x80;
	s23 =	simm.s32 $0x40;
	v14 =	vcvt.s32.f32 v14  }
.LBB2_4:
0xde: {  	p1 =	sne.s32 s24, $0x7FC0  }
0xdf: {  	s25 =	sshra.s32 s23, $0x2;
	s23 =	smov.u32 s24;
	s24 =	sadd.s32 $0x40, s24;
	[tilespmem:v13+s21+$0x0] =	vst.idx.add.f32.msk vm1, v14  }
0xe0: {  	v13 =	vld [tilespmem:s25+$0x0]  }
0xe1: {  	v14 =	vld [tilespmem:s25+$0x2000];
	_ =	sdelay $0x3  }
0xe2: {  	v13 =	vshll.u32 v13, $0x8  }
0xe3: {  	v13 =	vadd.s32 v14, v13  }
0xe4: {  	(xrf1) =	vsort.ascd.msk.u32 $0xffff, v13, v13;
	_ =	sdelay $0xd  }
0xe5: {  	v13, _, _ =	vpop (xrf1)  }
0xe6: {  	[tilespmem:$0xC000] =	vst v13;
	v14 =	vshrl.u32 v13, $0x8  }
0xe7: {  	v15 =	vld.idx.msk [tilespmem:v9+s20+$0x0], $0xffff;
	vm1 =	vge.u32 v14, v0;
	vm2 =	vlt.u32 v14, v1  }
0xe8: {  	vm1 =	vmand vm1, vm2;
	_ =	sdelay $0x3  }
0xe9: {  	v14 =	vld.idx.msk [tilespmem:v10+s20+$0x0], $0xffff  }
0xea: {  	vm2 =	veq.s32 v13, v15  }
0xeb: {  	v15 =	vsel vm2, $0x80000000, v11  }
0xec: {  	(xrf0) =	vmax.scan.msk.u32 $0xffff, v15;
	_ =	sdelay $0x2  }
0xed: {  	vm2 =	vne.s32 v13, v14  }
0xee: {  	vm2 =	vmor vm2, vm0  }
.Ltmp9:
0xef: {  	v13 =	vsub.s32 v13, v2;
	vm1 =	vmand vm2, vm1;
	(pc) =	sbr.rel @p1 .LBB2_4-.Ltmp9, $4  }
0xf0: {  	v13 =	vnsel vm1, $0x0, v13;
	v14, _, _ =	vpop (xrf0)  }
0xf1: {  	v14 =	vxor.u32 $0x80000000, v14  }
0xf2: {  	v14 =	vsub.s32 v12, v14  }
0xf3: {  	v14 =	vcvt.s32.f32 v14  }
0xf4: {  	_ =	sdelay $0x4  }
0xf5: {  	s23 =	sshra.s32 s23, $0x2;
	[tilespmem:v13+s21+$0x0] =	vst.idx.add.f32.msk vm1, v14  }
0xf6: {  	v13 =	vld [tilespmem:s23+$0x0]  }
0xf7: {  	v14 =	vld [tilespmem:s23+$0x2000];
	_ =	sdelay $0x3  }
0xf8: {  	v13 =	vshll.u32 v13, $0x8  }
0xf9: {  	v13 =	vadd.s32 v14, v13  }
0xfa: {  	(xrf1) =	vsort.ascd.msk.u32 $0xffff, v13, v13;
	_ =	sdelay $0xd  }
0xfb: {  	v13, _, _ =	vpop (xrf1)  }
0xfc: {  	[tilespmem:$0xC000] =	vst v13  }
0xfd: {  	v14 =	vld.idx.msk [tilespmem:v9+s20+$0x0], $0xffff;
	_ =	sdelay $0x4  }
0xfe: {  	v15 =	vld.idx.msk [tilespmem:v10+s20+$0x0], $0xffff;
	vm1 =	veq.s32 v13, v14  }
0xff: {  	v14 =	vsel vm1, $0x80000000, v11  }
0x100: {  	(xrf0) =	vmax.scan.msk.u32 $0xffff, v14;
	_ =	sdelay $0x1  }
0x101: {  	v14 =	vshrl.u32 v13, $0x8  }
0x102: {  	vm3 =	vne.s32 v13, v15;
	vm1 =	vge.u32 v14, v0;
	vm2 =	vlt.u32 v14, v1  }
0x103: {  	vm1 =	vmand vm1, vm2;
	vm2 =	vmor vm3, vm0  }
0x104: {  	v13 =	vsub.s32 v13, v2;
	vm1 =	vmand vm2, vm1  }
0x105: {  	v13 =	vnsel vm1, $0x0, v13;
	v14, _, _ =	vpop (xrf0)  }
0x106: {  	v14 =	vxor.u32 $0x80000000, v14  }
0x107: {  	v14 =	vsub.s32 v12, v14  }
0x108: {  	v14 =	vcvt.s32.f32 v14;
	_ =	sdelay $0x1  }
0x109: {  	s30 =	simm.s32 $0x0;
	[tilespmem:v13+s21+$0x0] =	vst.idx.add.f32.msk vm1, v14  }
0x10a: {  	[hbm4b:s8+s30] =	stream.linear.scatter [tilespmem:s21], [sflag:$0x1], $0x8000, $0x38;
	[tilespmem:$0xC080] =	vst v63  }
0x10b: {  	_ =	swait.ge [sflag:s18], $0x8000  }
0x10c: {  	[sflag:s18] =	ssyncset.done $0x0  }
0x10d: {  	[sflag:s18] =	ssyncadd.s32 $0xFFFF8000  }
0x10e: {  	[tilespmem:$0x4000] =	vst v8  }
0x10f: {  	[tilespmem:$0x4010] =	vst v8  }
0x110: {  	[tilespmem:$0x4020] =	vst v8  }
0x111: {  	[tilespmem:$0x4030] =	vst v8  }
0x112: {  	[tilespmem:$0x4040] =	vst v8  }
0x113: {  	[tilespmem:$0x4050] =	vst v8  }
0x114: {  	[tilespmem:$0x4060] =	vst v8  }
0x115: {  	[tilespmem:$0x4070] =	vst v8  }
0x116: {  	[tilespmem:s30], [sflag:$0x1] =	stream.strided.gather [hbm4b:s3+s16], $0x200, s17, s16, $0x38;
	[tilespmem:$0xC080] =	vst v63  }
0x117: {  	_ =	swait.ge [sflag:s18], $0x200  }
0x118: {  	[sflag:s18] =	ssyncset.done $0x0  }
0x119: {  	[sflag:s18] =	ssyncadd.s32 $0xFFFFFE00  }
0x11a: {  	[tilespmem:s19], [sflag:$0x1] =	stream.strided.gather [hbm4b:s9+s16], $0x200, s17, s16, $0x38;
	[tilespmem:$0xC080] =	vst v63  }
0x11b: {  	_ =	swait.ge [sflag:s18], $0x200  }
0x11c: {  	[sflag:s18] =	ssyncset.done $0x0  }
0x11d: {  	s31 =	simm.s32 $0x0;
	[sflag:s18] =	ssyncadd.s32 $0xFFFFFE00  }
0x11e: {  	v13 =	vld [tilespmem:s31+$0x0]  }
0x11f: {  	v14 =	vld [tilespmem:s31+$0x2000];
	_ =	sdelay $0x3  }
0x120: {  	v13 =	vshll.u32 v13, $0x4  }
0x121: {  	v13 =	vadd.s32 v14, v13  }
0x122: {  	(xrf1) =	vsort.ascd.msk.u32 $0xffff, v13, v13;
	_ =	sdelay $0xd  }
0x123: {  	v13, _, _ =	vpop (xrf1)  }
0x124: {  	[tilespmem:$0xC000] =	vst v13  }
0x125: {  	v14 =	vld.idx.msk [tilespmem:v9+s20+$0x0], $0xffff;
	_ =	sdelay $0x4  }
0x126: {  	vm1 =	veq.s32 v13, v14  }
0x127: {  	v14 =	vsel vm1, $0x80000000, v11  }
0x128: {  	(xrf0) =	vmax.scan.msk.u32 $0xffff, v14;
	v14 =	vld.idx.msk [tilespmem:v10+s20+$0x0], $0xffff;
	_ =	sdelay $0x3  }
0x129: {  	v15 =	vshrl.u32 v13, $0x4  }
0x12a: {  	vm2 =	vlt.u32 v15, v4;
	vm1 =	vge.u32 v15, v3;
	vm3 =	vne.s32 v13, v14  }
0x12b: {  	vm1 =	vmand vm1, vm2;
	vm2 =	vmor vm3, vm0  }
0x12c: {  	v13 =	vsub.s32 v13, v0;
	vm1 =	vmand vm2, vm1  }
0x12d: {  	v14, _, _ =	vpop (xrf0);
	v13 =	vnsel vm1, $0x0, v13  }
0x12e: {  	v14 =	vxor.u32 $0x80000000, v14  }
0x12f: {  	v14 =	vsub.s32 v12, v14  }
0x130: {  	s24 =	simm.s32 $0x80;
	s23 =	simm.s32 $0x40;
	v14 =	vcvt.s32.f32 v14  }
.LBB2_6:
0x131: {  	p1 =	sne.s32 s24, $0x7C0  }
0x132: {  	s25 =	sshra.s32 s23, $0x2;
	s23 =	smov.u32 s24;
	s24 =	sadd.s32 $0x40, s24;
	[tilespmem:v13+s21+$0x0] =	vst.idx.add.f32.msk vm1, v14  }
0x133: {  	v13 =	vld [tilespmem:s25+$0x0]  }
0x134: {  	v14 =	vld [tilespmem:s25+$0x2000];
	_ =	sdelay $0x3  }
0x135: {  	v13 =	vshll.u32 v13, $0x4  }
0x136: {  	v13 =	vadd.s32 v14, v13  }
0x137: {  	(xrf1) =	vsort.ascd.msk.u32 $0xffff, v13, v13;
	_ =	sdelay $0xd  }
0x138: {  	v13, _, _ =	vpop (xrf1)  }
0x139: {  	[tilespmem:$0xC000] =	vst v13;
	v14 =	vshrl.u32 v13, $0x4  }
0x13a: {  	v15 =	vld.idx.msk [tilespmem:v9+s20+$0x0], $0xffff;
	vm1 =	vge.u32 v14, v3;
	vm2 =	vlt.u32 v14, v4  }
0x13b: {  	vm1 =	vmand vm1, vm2;
	_ =	sdelay $0x3  }
0x13c: {  	v14 =	vld.idx.msk [tilespmem:v10+s20+$0x0], $0xffff  }
0x13d: {  	vm2 =	veq.s32 v13, v15  }
0x13e: {  	v15 =	vsel vm2, $0x80000000, v11  }
0x13f: {  	(xrf0) =	vmax.scan.msk.u32 $0xffff, v15;
	_ =	sdelay $0x2  }
0x140: {  	vm2 =	vne.s32 v13, v14  }
0x141: {  	vm2 =	vmor vm2, vm0  }
.Ltmp10:
0x142: {  	v13 =	vsub.s32 v13, v0;
	vm1 =	vmand vm2, vm1;
	(pc) =	sbr.rel @p1 .LBB2_6-.Ltmp10, $4  }
0x143: {  	v13 =	vnsel vm1, $0x0, v13;
	v14, _, _ =	vpop (xrf0)  }
0x144: {  	v14 =	vxor.u32 $0x80000000, v14  }
0x145: {  	v14 =	vsub.s32 v12, v14  }
0x146: {  	v14 =	vcvt.s32.f32 v14  }
0x147: {  	_ =	sdelay $0x4  }
0x148: {  	s23 =	sshra.s32 s23, $0x2;
	[tilespmem:v13+s21+$0x0] =	vst.idx.add.f32.msk vm1, v14  }
0x149: {  	v13 =	vld [tilespmem:s23+$0x0]  }
0x14a: {  	v14 =	vld [tilespmem:s23+$0x2000];
	_ =	sdelay $0x3  }
0x14b: {  	v13 =	vshll.u32 v13, $0x4  }
0x14c: {  	v13 =	vadd.s32 v14, v13  }
0x14d: {  	(xrf1) =	vsort.ascd.msk.u32 $0xffff, v13, v13;
	_ =	sdelay $0xd  }
0x14e: {  	v13, _, _ =	vpop (xrf1)  }
0x14f: {  	[tilespmem:$0xC000] =	vst v13  }
0x150: {  	v14 =	vld.idx.msk [tilespmem:v9+s20+$0x0], $0xffff;
	_ =	sdelay $0x4  }
0x151: {  	v15 =	vld.idx.msk [tilespmem:v10+s20+$0x0], $0xffff;
	vm1 =	veq.s32 v13, v14  }
0x152: {  	v14 =	vsel vm1, $0x80000000, v11  }
0x153: {  	(xrf0) =	vmax.scan.msk.u32 $0xffff, v14;
	_ =	sdelay $0x1  }
0x154: {  	v14 =	vshrl.u32 v13, $0x4  }
0x155: {  	vm3 =	vne.s32 v13, v15;
	vm1 =	vge.u32 v14, v3;
	vm2 =	vlt.u32 v14, v4  }
0x156: {  	vm1 =	vmand vm1, vm2;
	vm2 =	vmor vm3, vm0  }
0x157: {  	v13 =	vsub.s32 v13, v0;
	vm1 =	vmand vm2, vm1  }
0x158: {  	v13 =	vnsel vm1, $0x0, v13;
	v14, _, _ =	vpop (xrf0)  }
0x159: {  	v14 =	vxor.u32 $0x80000000, v14  }
0x15a: {  	v14 =	vsub.s32 v12, v14  }
0x15b: {  	v14 =	vcvt.s32.f32 v14;
	_ =	sdelay $0x1  }
.Ltmp11:
0x15c: {  	[tilespmem:v13+s21+$0x0] =	vst.idx.add.f32.msk vm1, v14;
	(pc) =	sbr.rel .LBB2_16-.Ltmp11, $4  }
0x15d: {  	[hbm4b:s10+s6] =	stream.linear.scatter [tilespmem:s21], [sflag:$0x1], $0x80, $0x38;
	[tilespmem:$0xC080] =	vst v63  }
0x15e: {  	_ =	swait.ge [sflag:s18], $0x80  }
0x15f: {  	[sflag:s18] =	ssyncset.done $0x0  }
0x160: {  	[sflag:s18] =	ssyncadd.s32 $0xFFFFFF80  }
.LBB2_17:
0x161: {  	_ =	sfence.sel $0x180000  }
0x162: {  	[bflag:$0x0] =	sbarrier.arrive $0xFFFF  }
0x163: {  	p0 =	sne.s32 s5, $0x0;
	_ =	strace $0x90000047  }
0x164: {  	s0 =	sadd.s32 @!p0 $0x100000, s0;
	[bflag:$0x2] =	sbarrier.arrive $0xFFFF  }
0x165: {  	[sflag:s0] =	ssyncadd.tile.s32 @!p0 $0x1;
	_ =	shalt  }
.Lfunc_end2:
_tile_overlayer_lowered:
.L_overlay_start_2:
0x166: {  	(tag) =	ssettag $0x2  }
0x167: {  	s0 =	rddreg [dreg:$0x0];
	s2 =	stileid.u32  }
0x168: {  	s1 =	rddreg [dreg:$0x1];
	p0 =	sne.s32 s2, $0x0  }
0x169: {  	s3 =	rddreg [dreg:$0x2];
	[bflag:$0x3] =	sbarrier.arrive $0xFFFF;
	s2 =	simm.s32 @!p0 $0x1C01  }
0x16a: {  	[timem:s3], [sflag:s2] =	dma.local @!p0 [hbm:s0], s1  }
0x16b: {  	s0 =	simm.s32 @!p0 $0x1  }
0x16c: {  	_ =	swait.ge @!p0 [sflag:s0], s1  }
0x16d: {  	s1 =	ssub.s32 @!p0 $0x0, s1;
	[sflag:s0] =	ssyncset.done @!p0 $0x0  }
0x16e: {  	[sflag:s0] =	ssyncadd.s32 @!p0 s1  }
0x16f: {  	[bflag:$0x3] =	sbarrier.arrive $0xFFFF  }
0x170: {  	_ =	shalt  }

</sc_bundles>
